<compile_context>
chip_gen: v7x
topology: tpu7x:2x2x1
jax: 0.10.2.dev20260603
libtpu: 0.0.44.dev20260713+nightly
codegen_flags: <defaults>
</compile_context>

<pallas_src>
import functools

import jax
import jax.numpy as jnp
from jax import lax
from jax.experimental import pallas as pl
from jax.experimental.pallas import tpu as pltpu
from jax.experimental.pallas import tpu_sc as plsc

NX, NY, C = 432, 496, 64
B = 4
P = 40000
NYNX = NY * NX
G = B * NYNX

NCORE, NSUB, L = 2, 16, 16
NTILE = NCORE * NSUB

PA = 1280
PB = 2560
RC = G // NTILE
KROWS = 8
KCH = KROWS * NX


def _iota():
    return lax.iota(jnp.int32, L)


def _k1_body(feats_hbm, coords_hbm, feat_t_hbm, inv_hbm, gidx_sh):
    cid = lax.axis_index("c")
    sid = lax.axis_index("s")
    wid = sid * NCORE + cid
    iota = _iota()

    def phase_a(featbuf, cb0, cb1, sa0, sa1):
        start = pl.multiple_of(jnp.where(wid < NTILE - 1, wid * PA, P - PA), 64)
        pltpu.sync_copy(feats_hbm.at[pl.ds(start * C, PA * C)], featbuf)

        def col_gather(c, cb):
            for j0 in range(0, PA // L, 8):
                vals = [
                    plsc.load_gather(featbuf, [((j0 + j) * L + iota) * C + c])
                    for j in range(8)
                ]
                for j in range(8):
                    cb[pl.ds((j0 + j) * L, L)] = vals[j]

        def emit_col(c, cb, sa):
            pltpu.async_copy(cb, feat_t_hbm.at[pl.ds(c * P + start, PA)], sa)

        def wait_col(cb, sa):
            pltpu.make_async_copy(
                cb, feat_t_hbm.at[pl.ds(0, PA)], sa).wait()

        def col_loop(c2, _):
            c0 = 2 * c2

            @pl.when(c2 > 0)
            def _():
                wait_col(cb0, sa0)

            col_gather(c0, cb0)
            emit_col(c0, cb0, sa0)

            @pl.when(c2 > 0)
            def _():
                wait_col(cb1, sa1)

            col_gather(c0 + 1, cb1)
            emit_col(c0 + 1, cb1, sa1)
            return 0

        lax.fori_loop(0, C // 2, col_loop, 0)
        wait_col(cb0, sa0)
        wait_col(cb1, sa1)

    pl.run_scoped(
        phase_a,
        pltpu.VMEM((PA * C,), jnp.float32),
        pltpu.VMEM((PA,), jnp.float32),
        pltpu.VMEM((PA,), jnp.float32),
        pltpu.SemaphoreType.DMA,
        pltpu.SemaphoreType.DMA,
    )

    def phase_b(coordbuf, gidxbuf):
        start = pl.multiple_of(jnp.where(sid < NSUB - 1, sid * PB, P - PB), 64)
        pltpu.sync_copy(coords_hbm.at[pl.ds(start * 4, PB * 4)], coordbuf)

        def j_loop(j, _):
            row4 = (j * L + iota) * 4
            xi = plsc.load_gather(coordbuf, [row4])
            yi = plsc.load_gather(coordbuf, [row4 + 1])
            bi = plsc.load_gather(coordbuf, [row4 + 3])
            g = bi * NYNX + yi * NX + xi
            gidxbuf[pl.ds(j * L, L)] = g
            return 0

        lax.fori_loop(0, PB // L, j_loop, 0)
        pltpu.sync_copy(gidxbuf, gidx_sh.at[pl.ds(start, PB)])

    pl.run_scoped(
        phase_b,
        pltpu.VMEM((PB * 4,), jnp.int32),
        pltpu.VMEM((PB,), jnp.int32),
    )
    plsc.subcore_barrier()

    def phase_c(invbuf, gbuf):
        base = wid * RC

        def z_loop(z, _):
            invbuf[pl.ds(z * L, L)] = jnp.zeros((L,), jnp.int32)
            return 0

        lax.fori_loop(0, RC // L, z_loop, 0)
        pltpu.sync_copy(gidx_sh, gbuf)

        def j_loop(j, _):
            g = gbuf[pl.ds(j * L, L)]
            pv = j * L + iota + 8
            local = g - base
            inb = (local >= 0) & (local < RC)
            lc = jnp.clip(local, 0, RC - 1)
            _, last = plsc.scan_count(lc, mask=inb)
            plsc.store_scatter(invbuf, [lc], pv, mask=inb & last)
            return 0

        lax.fori_loop(0, P // L, j_loop, 0)
        pltpu.sync_copy(invbuf, inv_hbm.at[pl.ds(base, RC)])

    pl.run_scoped(
        phase_c,
        pltpu.VMEM((RC,), jnp.int32),
        pltpu.VMEM((P,), jnp.int32),
    )


def _k2_body(feat_t_hbm, inv_hbm, out_hbm,
             col0, col1, ib0, ib1, ob00, ob01, ob10, ob11,
             si0, si1, so00, so01, so10, so11):
    cid = lax.axis_index("c")
    sid = lax.axis_index("s")
    wid = sid * NCORE + cid

    nkc = NY // KROWS
    nchk = B * nkc

    ch0 = wid * 2
    ch1 = ch0 + 1
    col0[pl.ds(0, L)] = jnp.zeros((L,), jnp.float32)
    col1[pl.ds(0, L)] = jnp.zeros((L,), jnp.float32)
    pltpu.sync_copy(feat_t_hbm.at[pl.ds(ch0 * P, P)], col0.at[pl.ds(8, P)])
    pltpu.sync_copy(feat_t_hbm.at[pl.ds(ch1 * P, P)], col1.at[pl.ds(8, P)])

    def wait_ib(ib, si):
        pltpu.make_async_copy(inv_hbm.at[pl.ds(0, KCH)], ib, si).wait()

    def wait_ob(ob, so):
        pltpu.make_async_copy(
            ob, out_hbm.at[0, 0, pl.ds(0, KROWS), :], so).wait()

    def fetch_inv(c, ib, si):
        pltpu.async_copy(inv_hbm.at[pl.ds(c * KCH, KCH)], ib, si)

    def gather_chunk(ib, oba, obb):
        grp = 9

        def row(g, _):
            base = g * NX
            for t0 in range(0, NX // L, grp):
                ivs = [ib[pl.ds(base + (t0 + t) * L, L)] for t in range(grp)]
                va = [plsc.load_gather(col0, [iv]) for iv in ivs]
                vb = [plsc.load_gather(col1, [iv]) for iv in ivs]
                for t in range(grp):
                    oba[g, pl.ds((t0 + t) * L, L)] = va[t]
                    obb[g, pl.ds((t0 + t) * L, L)] = vb[t]
            return 0

        lax.fori_loop(0, KROWS, row, 0)

    def emit(c, ch, ob, so):
        dst = out_hbm.at[c // nkc, ch, pl.ds((c % nkc) * KROWS, KROWS), :]
        pltpu.async_copy(ob, dst, so)

    fetch_inv(0, ib0, si0)

    def pair_loop(p, _):
        c0 = 2 * p
        c1 = 2 * p + 1
        wait_ib(ib0, si0)
        fetch_inv(c1, ib1, si1)

        @pl.when(p > 0)
        def _():
            wait_ob(ob00, so00)
            wait_ob(ob01, so01)

        gather_chunk(ib0, ob00, ob01)
        emit(c0, ch0, ob00, so00)
        emit(c0, ch1, ob01, so01)

        wait_ib(ib1, si1)

        @pl.when(p < nchk // 2 - 1)
        def _():
            fetch_inv(c1 + 1, ib0, si0)

        @pl.when(p > 0)
        def _():
            wait_ob(ob10, so10)
            wait_ob(ob11, so11)

        gather_chunk(ib1, ob10, ob11)
        emit(c1, ch0, ob10, so10)
        emit(c1, ch1, ob11, so11)
        return 0

    lax.fori_loop(0, nchk // 2, pair_loop, 0)
    wait_ob(ob00, so00)
    wait_ob(ob01, so01)
    wait_ob(ob10, so10)
    wait_ob(ob11, so11)


def kernel(pillar_features, voxel_coords):
    coords_flat = voxel_coords.astype(jnp.int32).reshape(-1)
    feats_flat = pillar_features.reshape(-1)
    mesh = plsc.VectorSubcoreMesh(core_axis_name="c", subcore_axis_name="s")

    k1 = pl.kernel(
        _k1_body,
        out_type=(
            jax.ShapeDtypeStruct((C * P,), jnp.float32),
            jax.ShapeDtypeStruct((G,), jnp.int32),
        ),
        mesh=mesh,
        compiler_params=pltpu.CompilerParams(needs_layout_passes=False),
        scratch_types=[pltpu.VMEM_SHARED((P,), jnp.int32)],
    )
    feat_t, inv = k1(feats_flat, coords_flat)

    k2 = pl.kernel(
        _k2_body,
        out_type=jax.ShapeDtypeStruct((B, C, NY, NX), jnp.float32),
        mesh=mesh,
        compiler_params=pltpu.CompilerParams(needs_layout_passes=False),
        scratch_types=[
            pltpu.VMEM((P + 8,), jnp.float32),
            pltpu.VMEM((P + 8,), jnp.float32),
            pltpu.VMEM((KCH,), jnp.int32),
            pltpu.VMEM((KCH,), jnp.int32),
            pltpu.VMEM((KROWS, NX), jnp.float32),
            pltpu.VMEM((KROWS, NX), jnp.float32),
            pltpu.VMEM((KROWS, NX), jnp.float32),
            pltpu.VMEM((KROWS, NX), jnp.float32),
            pltpu.SemaphoreType.DMA,
            pltpu.SemaphoreType.DMA,
            pltpu.SemaphoreType.DMA,
            pltpu.SemaphoreType.DMA,
            pltpu.SemaphoreType.DMA,
            pltpu.SemaphoreType.DMA,
        ],
    )
    return k2(feat_t, inv)

# --- scband reference (transcript-rebuilt; emitter-appended) ---
"""Pipeline reference for scband-point-pillar-scatter-17051020165835 (READ-ONLY COPY).

The authoritative reference and input builder live on the scoring server;
editing this copy changes nothing except your own understanding.
"""

import jax, jax.numpy as jnp
import numpy as np

NX, NY, C = 432, 496, 64  # KITTI PointPillars grid: (69.12-0)/0.16=432, (39.68-(-39.68))/0.16=496
BATCH = 4
PILLARS_PER_SAMPLE = 10000


def setup_inputs(seed: int = 0) -> dict:
    key = jax.random.key(seed)
    k1, k2, k3 = jax.random.split(key, 3)
    P = BATCH * PILLARS_PER_SAMPLE
    pillar_features = jax.random.normal(k1, (P, C), dtype=jnp.float32)
    xs = jax.random.randint(k2, (P,), 0, NX, dtype=jnp.int64)
    ys = jax.random.randint(k3, (P,), 0, NY, dtype=jnp.int64)
    zs = jnp.zeros((P,), dtype=jnp.int64)
    bs = jnp.repeat(jnp.arange(BATCH, dtype=jnp.int64), PILLARS_PER_SAMPLE)
    # column layout matches torch module: [:,0]=x, [:,1]=y, [:,2]=z, [:,-1]=batch_idx
    voxel_coords = jnp.stack([xs, ys, zs, bs], axis=1)
    return {"pillar_features": pillar_features, "voxel_coords": voxel_coords}


def reference(pillar_features, voxel_coords):
    batch_size = pillar_features.shape[0] // PILLARS_PER_SAMPLE
    # global flattened destination: batch * (ny*nx) + y*nx + x
    gidx = voxel_coords[:, -1] * (NY * NX) + voxel_coords[:, 1] * NX + voxel_coords[:, 0]
    canvas = jnp.zeros((batch_size * NY * NX, C), dtype=pillar_features.dtype)
    canvas = canvas.at[gidx].set(pillar_features)  # scatter-overwrite, like spatial_feature[:, indices] = pillars.t()
    spatial_features = canvas.reshape(batch_size, NY, NX, C).transpose(0, 3, 1, 2)
    return spatial_features

if __name__ == "__main__":
    import jax
    _d = setup_inputs()
    print(jax.jit(kernel)(*tuple(_d.values())))

</pallas_src>

<mosaic_0001>
#map = affine_map<(d0, d1) -> (0)>
#map1 = affine_map<(d0, d1) -> (0, 0, 0, 0)>
module attributes {stable_mosaic.version = 14 : i64} {
  func.func @_k2_body(%arg0: i32, %arg1: i32, %arg2: memref<2560000xf32, #tpu.memory_space<hbm>>, %arg3: memref<857088xi32, #tpu.memory_space<hbm>>, %arg4: memref<4x64x496x432xf32, #tpu.memory_space<hbm>>, %arg5: memref<40008xf32, #tpu.memory_space<vmem>>, %arg6: memref<40008xf32, #tpu.memory_space<vmem>>, %arg7: memref<3456xi32, #tpu.memory_space<vmem>>, %arg8: memref<3456xi32, #tpu.memory_space<vmem>>, %arg9: memref<8x432xf32, #tpu.memory_space<vmem>>, %arg10: memref<8x432xf32, #tpu.memory_space<vmem>>, %arg11: memref<8x432xf32, #tpu.memory_space<vmem>>, %arg12: memref<8x432xf32, #tpu.memory_space<vmem>>, %arg13: memref<!tpu.dma_semaphore, #tpu.memory_space<semaphore_mem>>, %arg14: memref<!tpu.dma_semaphore, #tpu.memory_space<semaphore_mem>>, %arg15: memref<!tpu.dma_semaphore, #tpu.memory_space<semaphore_mem>>, %arg16: memref<!tpu.dma_semaphore, #tpu.memory_space<semaphore_mem>>, %arg17: memref<!tpu.dma_semaphore, #tpu.memory_space<semaphore_mem>>, %arg18: memref<!tpu.dma_semaphore, #tpu.memory_space<semaphore_mem>>) attributes {dimension_semantics = [#tpu.dimension_semantics<core_parallel>, #tpu.dimension_semantics<subcore_parallel>], iteration_bounds = array<i64: 2, 16>, scalar_prefetch = 0 : i64, scratch_operands = 14 : i64, tpu.core_type = #tpu.core_type<sc_vector_subcore>, window_params = [{transform_indices = #map}, {transform_indices = #map}, {transform_indices = #map1}]} {
    %mul3A = arith.constant 2 : i32
    %mul3A_0 = arith.muli %arg1, %mul3A : i32
    %add3A = arith.addi %mul3A_0, %arg0 : i32
    %mul3A_1 = arith.constant 2 : i32
    %mul3A_2 = arith.muli %add3A, %mul3A_1 : i32
    %add3A_3 = arith.constant 1 : i32
    %add3A_4 = arith.addi %mul3A_2, %add3A_3 : i32
    %broadcast_in_dim3A = arith.constant 0.000000e+00 : f32
    %broadcast_in_dim3A_5 = vector.broadcast %broadcast_in_dim3A : f32 to vector<16xf32>
    %swap3A = arith.constant 0 : index
    %swap3A_6 = tpu.vector_load %arg5[%swap3A] {strides = array<i32>} : memref<40008xf32, #tpu.memory_space<vmem>>, vector<16xf32>,
    tpu.vector_store %arg5[%swap3A], %broadcast_in_dim3A_5 {strides = array<i32>} : memref<40008xf32, #tpu.memory_space<vmem>>, vector<16xf32>,
    %broadcast_in_dim3A_7 = arith.constant 0.000000e+00 : f32
    %broadcast_in_dim3A_8 = vector.broadcast %broadcast_in_dim3A_7 : f32 to vector<16xf32>
    %swap3A_9 = arith.constant 0 : index
    %swap3A_10 = tpu.vector_load %arg6[%swap3A_9] {strides = array<i32>} : memref<40008xf32, #tpu.memory_space<vmem>>, vector<16xf32>,
    tpu.vector_store %arg6[%swap3A_9], %broadcast_in_dim3A_8 {strides = array<i32>} : memref<40008xf32, #tpu.memory_space<vmem>>, vector<16xf32>,
    %mul3A_11 = arith.constant 40000 : i32
    %mul3A_12 = arith.muli %mul3A_2, %mul3A_11 : i32
    "tpu.region"() ({
      %run_scoped3A = tpu.sem_alloc : memref<!tpu.dma_semaphore, #tpu.memory_space<semaphore_mem>>
      %dma_start3A_63 = arith.constant 8 : i32
      %dma_start3A_64 = tpu.memref_slice %arg5[%dma_start3A_63] : memref<40008xf32, #tpu.memory_space<vmem>> -> memref<40000xf32, #tpu.memory_space<vmem>>
      %dma_start3A_65 = tpu.memref_slice %arg2[%mul3A_12] : memref<2560000xf32, #tpu.memory_space<hbm>> -> memref<40000xf32, #tpu.memory_space<hbm>>
      %dma_start3A_66 = arith.constant 8 : i32
      %dma_start3A_67 = tpu.memref_slice %arg5[%dma_start3A_66] : memref<40008xf32, #tpu.memory_space<vmem>> -> memref<40000xf32, #tpu.memory_space<vmem>>
      %dma_start3A_68 = tpu.memref_slice %arg2[%mul3A_12] : memref<2560000xf32, #tpu.memory_space<hbm>> -> memref<40000xf32, #tpu.memory_space<hbm>>
      tpu.enqueue_dma source(%dma_start3A_68 : memref<40000xf32, #tpu.memory_space<hbm>>) target(%dma_start3A_67 : memref<40000xf32, #tpu.memory_space<vmem>>) target_semaphore(%run_scoped3A : memref<!tpu.dma_semaphore, #tpu.memory_space<semaphore_mem>>)
      %dma_wait3A_69 = arith.constant 8 : i32
      %dma_wait3A_70 = tpu.memref_slice %arg5[%dma_wait3A_69] : memref<40008xf32, #tpu.memory_space<vmem>> -> memref<40000xf32, #tpu.memory_space<vmem>>
      %dma_wait3A_71 = tpu.memref_slice %arg2[%mul3A_12] : memref<2560000xf32, #tpu.memory_space<hbm>> -> memref<40000xf32, #tpu.memory_space<hbm>>
      %dma_wait3A_72 = arith.constant 8 : i32
      %dma_wait3A_73 = tpu.memref_slice %arg5[%dma_wait3A_72] : memref<40008xf32, #tpu.memory_space<vmem>> -> memref<40000xf32, #tpu.memory_space<vmem>>
      %dma_wait3A_74 = tpu.memref_slice %arg2[%mul3A_12] : memref<2560000xf32, #tpu.memory_space<hbm>> -> memref<40000xf32, #tpu.memory_space<hbm>>
      tpu.wait_dma2 semaphore(%run_scoped3A : memref<!tpu.dma_semaphore, #tpu.memory_space<semaphore_mem>>) src(%dma_wait3A_74 : memref<40000xf32, #tpu.memory_space<hbm>>) dst(%dma_wait3A_73 : memref<40000xf32, #tpu.memory_space<vmem>>)
      tpu.yield
    }) : () -> ()
    %mul3A_13 = arith.constant 40000 : i32
    %mul3A_14 = arith.muli %add3A_4, %mul3A_13 : i32
    "tpu.region"() ({
      %run_scoped3A = tpu.sem_alloc : memref<!tpu.dma_semaphore, #tpu.memory_space<semaphore_mem>>
      %dma_start3A_63 = arith.constant 8 : i32
      %dma_start3A_64 = tpu.memref_slice %arg6[%dma_start3A_63] : memref<40008xf32, #tpu.memory_space<vmem>> -> memref<40000xf32, #tpu.memory_space<vmem>>
      %dma_start3A_65 = tpu.memref_slice %arg2[%mul3A_14] : memref<2560000xf32, #tpu.memory_space<hbm>> -> memref<40000xf32, #tpu.memory_space<hbm>>
      %dma_start3A_66 = arith.constant 8 : i32
      %dma_start3A_67 = tpu.memref_slice %arg6[%dma_start3A_66] : memref<40008xf32, #tpu.memory_space<vmem>> -> memref<40000xf32, #tpu.memory_space<vmem>>
      %dma_start3A_68 = tpu.memref_slice %arg2[%mul3A_14] : memref<2560000xf32, #tpu.memory_space<hbm>> -> memref<40000xf32, #tpu.memory_space<hbm>>
      tpu.enqueue_dma source(%dma_start3A_68 : memref<40000xf32, #tpu.memory_space<hbm>>) target(%dma_start3A_67 : memref<40000xf32, #tpu.memory_space<vmem>>) target_semaphore(%run_scoped3A : memref<!tpu.dma_semaphore, #tpu.memory_space<semaphore_mem>>)
      %dma_wait3A_69 = arith.constant 8 : i32
      %dma_wait3A_70 = tpu.memref_slice %arg6[%dma_wait3A_69] : memref<40008xf32, #tpu.memory_space<vmem>> -> memref<40000xf32, #tpu.memory_space<vmem>>
      %dma_wait3A_71 = tpu.memref_slice %arg2[%mul3A_14] : memref<2560000xf32, #tpu.memory_space<hbm>> -> memref<40000xf32, #tpu.memory_space<hbm>>
      %dma_wait3A_72 = arith.constant 8 : i32
      %dma_wait3A_73 = tpu.memref_slice %arg6[%dma_wait3A_72] : memref<40008xf32, #tpu.memory_space<vmem>> -> memref<40000xf32, #tpu.memory_space<vmem>>
      %dma_wait3A_74 = tpu.memref_slice %arg2[%mul3A_14] : memref<2560000xf32, #tpu.memory_space<hbm>> -> memref<40000xf32, #tpu.memory_space<hbm>>
      tpu.wait_dma2 semaphore(%run_scoped3A : memref<!tpu.dma_semaphore, #tpu.memory_space<semaphore_mem>>) src(%dma_wait3A_74 : memref<40000xf32, #tpu.memory_space<hbm>>) dst(%dma_wait3A_73 : memref<40000xf32, #tpu.memory_space<vmem>>)
      tpu.yield
    }) : () -> ()
    %dma_start3A = arith.constant 0 : i32
    %dma_start3A_15 = tpu.memref_slice %arg3[%dma_start3A] : memref<857088xi32, #tpu.memory_space<hbm>> -> memref<3456xi32, #tpu.memory_space<hbm>>
    %dma_start3A_16 = arith.constant 0 : i32
    %dma_start3A_17 = tpu.memref_slice %arg3[%dma_start3A_16] : memref<857088xi32, #tpu.memory_space<hbm>> -> memref<3456xi32, #tpu.memory_space<hbm>>
    tpu.enqueue_dma source(%dma_start3A_17 : memref<3456xi32, #tpu.memory_space<hbm>>) target(%arg7 : memref<3456xi32, #tpu.memory_space<vmem>>) target_semaphore(%arg13 : memref<!tpu.dma_semaphore, #tpu.memory_space<semaphore_mem>>)
    %scan3A = arith.constant 0 : i32
    %scan3A_18 = arith.constant 0 : i32
    %scan3A_19 = arith.constant 124 : i32
    %scan3A_20 = arith.addi %scan3A_18, %scan3A_19 : i32
    %scan3A_21 = arith.constant 1 : i32
    %scan3A_22 = scf.for %scan3A_63 = %scan3A_18 to %scan3A_20 step %scan3A_21 iter_args(%scan3A_64 = %scan3A) -> (i32)  : i32 {
      %mul3A_65 = arith.constant 2 : i32
      %mul3A_66 = arith.muli %mul3A_65, %scan3A_63 : i32
      %mul3A_67 = arith.constant 2 : i32
      %mul3A_68 = arith.muli %mul3A_67, %scan3A_63 : i32
      %add3A_69 = arith.constant 1 : i32
      %add3A_70 = arith.addi %mul3A_68, %add3A_69 : i32
      %dma_wait3A_71 = arith.constant 0 : i32
      %dma_wait3A_72 = tpu.memref_slice %arg3[%dma_wait3A_71] : memref<857088xi32, #tpu.memory_space<hbm>> -> memref<3456xi32, #tpu.memory_space<hbm>>
      %dma_wait3A_73 = arith.constant 0 : i32
      %dma_wait3A_74 = tpu.memref_slice %arg3[%dma_wait3A_73] : memref<857088xi32, #tpu.memory_space<hbm>> -> memref<3456xi32, #tpu.memory_space<hbm>>
      tpu.wait_dma2 semaphore(%arg13 : memref<!tpu.dma_semaphore, #tpu.memory_space<semaphore_mem>>) src(%dma_wait3A_74 : memref<3456xi32, #tpu.memory_space<hbm>>) dst(%arg7 : memref<3456xi32, #tpu.memory_space<vmem>>)
      %mul3A_75 = arith.constant 3456 : i32
      %mul3A_76 = arith.muli %add3A_70, %mul3A_75 : i32
      %dma_start3A_77 = tpu.memref_slice %arg3[%mul3A_76] : memref<857088xi32, #tpu.memory_space<hbm>> -> memref<3456xi32, #tpu.memory_space<hbm>>
      %dma_start3A_78 = tpu.memref_slice %arg3[%mul3A_76] : memref<857088xi32, #tpu.memory_space<hbm>> -> memref<3456xi32, #tpu.memory_space<hbm>>
      tpu.enqueue_dma source(%dma_start3A_78 : memref<3456xi32, #tpu.memory_space<hbm>>) target(%arg8 : memref<3456xi32, #tpu.memory_space<vmem>>) target_semaphore(%arg14 : memref<!tpu.dma_semaphore, #tpu.memory_space<semaphore_mem>>)
      %gt3A = arith.constant 0 : i32
      %gt3A_79 = arith.cmpi sgt, %scan3A_63, %gt3A : i32
      %convert_element_type3A = arith.extui %gt3A_79 : i1 to i32
      %cond3A = arith.constant 0 : i32
      %cond3A_80 = arith.cmpi ne, %convert_element_type3A, %cond3A : i32
      scf.if %cond3A_80 {
        %dma_wait3A_292 = arith.constant 0 : i32
        %dma_wait3A_293 = arith.constant 0 : i32
        %dma_wait3A_294 = arith.constant 0 : i32
        %dma_wait3A_295 = arith.constant 0 : i32
        %dma_wait3A_296 = tpu.memref_slice %arg4[%dma_wait3A_292, %dma_wait3A_293, %dma_wait3A_294, %dma_wait3A_295] : memref<4x64x496x432xf32, #tpu.memory_space<hbm>> -> memref<1x1x8x432xf32, #tpu.memory_space<hbm>>
        %dma_wait3A_297 = tpu.memref_squeeze %dma_wait3A_296 : memref<1x1x8x432xf32, #tpu.memory_space<hbm>> -> memref<8x432xf32, #tpu.memory_space<hbm>>
        %dma_wait3A_298 = arith.constant 0 : i32
        %dma_wait3A_299 = arith.constant 0 : i32
        %dma_wait3A_300 = tpu.memref_slice %arg4[%dma_wait3A_292, %dma_wait3A_293, %dma_wait3A_298, %dma_wait3A_299] : memref<4x64x496x432xf32, #tpu.memory_space<hbm>> -> memref<1x1x8x432xf32, #tpu.memory_space<hbm>>
        %dma_wait3A_301 = tpu.memref_squeeze %dma_wait3A_300 : memref<1x1x8x432xf32, #tpu.memory_space<hbm>> -> memref<8x432xf32, #tpu.memory_space<hbm>>
        tpu.wait_dma2 semaphore(%arg15 : memref<!tpu.dma_semaphore, #tpu.memory_space<semaphore_mem>>) src(%arg9 : memref<8x432xf32, #tpu.memory_space<vmem>>) dst(%dma_wait3A_301 : memref<8x432xf32, #tpu.memory_space<hbm>>)
        %dma_wait3A_302 = arith.constant 0 : i32
        %dma_wait3A_303 = arith.constant 0 : i32
        %dma_wait3A_304 = arith.constant 0 : i32
        %dma_wait3A_305 = arith.constant 0 : i32
        %dma_wait3A_306 = tpu.memref_slice %arg4[%dma_wait3A_302, %dma_wait3A_303, %dma_wait3A_304, %dma_wait3A_305] : memref<4x64x496x432xf32, #tpu.memory_space<hbm>> -> memref<1x1x8x432xf32, #tpu.memory_space<hbm>>
        %dma_wait3A_307 = tpu.memref_squeeze %dma_wait3A_306 : memref<1x1x8x432xf32, #tpu.memory_space<hbm>> -> memref<8x432xf32, #tpu.memory_space<hbm>>
        %dma_wait3A_308 = arith.constant 0 : i32
        %dma_wait3A_309 = arith.constant 0 : i32
        %dma_wait3A_310 = tpu.memref_slice %arg4[%dma_wait3A_302, %dma_wait3A_303, %dma_wait3A_308, %dma_wait3A_309] : memref<4x64x496x432xf32, #tpu.memory_space<hbm>> -> memref<1x1x8x432xf32, #tpu.memory_space<hbm>>
        %dma_wait3A_311 = tpu.memref_squeeze %dma_wait3A_310 : memref<1x1x8x432xf32, #tpu.memory_space<hbm>> -> memref<8x432xf32, #tpu.memory_space<hbm>>
        tpu.wait_dma2 semaphore(%arg16 : memref<!tpu.dma_semaphore, #tpu.memory_space<semaphore_mem>>) src(%arg10 : memref<8x432xf32, #tpu.memory_space<vmem>>) dst(%dma_wait3A_311 : memref<8x432xf32, #tpu.memory_space<hbm>>)
      } else {
      }
      %scan3A_81 = arith.constant 0 : i32
      %scan3A_82 = arith.constant 0 : i32
      %scan3A_83 = arith.constant 8 : i32
      %scan3A_84 = arith.addi %scan3A_82, %scan3A_83 : i32
      %scan3A_85 = arith.constant 1 : i32
      %scan3A_86 = scf.for %scan3A_292 = %scan3A_82 to %scan3A_84 step %scan3A_85 iter_args(%scan3A_293 = %scan3A_81) -> (i32)  : i32 {
        %mul3A_294 = arith.constant 432 : i32
        %mul3A_295 = arith.muli %scan3A_292, %mul3A_294 : i32
        %add3A_296 = arith.constant 0 : i32
        %add3A_297 = arith.addi %mul3A_295, %add3A_296 : i32
        %get3A = arith.index_cast %add3A_297 : i32 to index
        %get3A_298 = tpu.vector_load %arg7[%get3A] {strides = array<i32>} : memref<3456xi32, #tpu.memory_space<vmem>>, vector<16xi32>,
        %add3A_299 = arith.constant 16 : i32
        %add3A_300 = arith.addi %mul3A_295, %add3A_299 : i32
        %get3A_301 = arith.index_cast %add3A_300 : i32 to index
        %get3A_302 = tpu.vector_load %arg7[%get3A_301] {strides = array<i32>} : memref<3456xi32, #tpu.memory_space<vmem>>, vector<16xi32>,
        %add3A_303 = arith.constant 32 : i32
        %add3A_304 = arith.addi %mul3A_295, %add3A_303 : i32
        %get3A_305 = arith.index_cast %add3A_304 : i32 to index
        %get3A_306 = tpu.vector_load %arg7[%get3A_305] {strides = array<i32>} : memref<3456xi32, #tpu.memory_space<vmem>>, vector<16xi32>,
        %add3A_307 = arith.constant 48 : i32
        %add3A_308 = arith.addi %mul3A_295, %add3A_307 : i32
        %get3A_309 = arith.index_cast %add3A_308 : i32 to index
        %get3A_310 = tpu.vector_load %arg7[%get3A_309] {strides = array<i32>} : memref<3456xi32, #tpu.memory_space<vmem>>, vector<16xi32>,
        %add3A_311 = arith.constant 64 : i32
        %add3A_312 = arith.addi %mul3A_295, %add3A_311 : i32
        %get3A_313 = arith.index_cast %add3A_312 : i32 to index
        %get3A_314 = tpu.vector_load %arg7[%get3A_313] {strides = array<i32>} : memref<3456xi32, #tpu.memory_space<vmem>>, vector<16xi32>,
        %add3A_315 = arith.constant 80 : i32
        %add3A_316 = arith.addi %mul3A_295, %add3A_315 : i32
        %get3A_317 = arith.index_cast %add3A_316 : i32 to index
        %get3A_318 = tpu.vector_load %arg7[%get3A_317] {strides = array<i32>} : memref<3456xi32, #tpu.memory_space<vmem>>, vector<16xi32>,
        %add3A_319 = arith.constant 96 : i32
        %add3A_320 = arith.addi %mul3A_295, %add3A_319 : i32
        %get3A_321 = arith.index_cast %add3A_320 : i32 to index
        %get3A_322 = tpu.vector_load %arg7[%get3A_321] {strides = array<i32>} : memref<3456xi32, #tpu.memory_space<vmem>>, vector<16xi32>,
        %add3A_323 = arith.constant 112 : i32
        %add3A_324 = arith.addi %mul3A_295, %add3A_323 : i32
        %get3A_325 = arith.index_cast %add3A_324 : i32 to index
        %get3A_326 = tpu.vector_load %arg7[%get3A_325] {strides = array<i32>} : memref<3456xi32, #tpu.memory_space<vmem>>, vector<16xi32>,
        %add3A_327 = arith.constant 128 : i32
        %add3A_328 = arith.addi %mul3A_295, %add3A_327 : i32
        %get3A_329 = arith.index_cast %add3A_328 : i32 to index
        %get3A_330 = tpu.vector_load %arg7[%get3A_329] {strides = array<i32>} : memref<3456xi32, #tpu.memory_space<vmem>>, vector<16xi32>,
        %gather3A = tpu.vector_load_idx %arg5[%get3A_298] : memref<40008xf32, #tpu.memory_space<vmem>>[vector<16xi32>], vector<16xf32>,
        %gather3A_331 = tpu.vector_load_idx %arg5[%get3A_302] : memref<40008xf32, #tpu.memory_space<vmem>>[vector<16xi32>], vector<16xf32>,
        %gather3A_332 = tpu.vector_load_idx %arg5[%get3A_306] : memref<40008xf32, #tpu.memory_space<vmem>>[vector<16xi32>], vector<16xf32>,
        %gather3A_333 = tpu.vector_load_idx %arg5[%get3A_310] : memref<40008xf32, #tpu.memory_space<vmem>>[vector<16xi32>], vector<16xf32>,
        %gather3A_334 = tpu.vector_load_idx %arg5[%get3A_314] : memref<40008xf32, #tpu.memory_space<vmem>>[vector<16xi32>], vector<16xf32>,
        %gather3A_335 = tpu.vector_load_idx %arg5[%get3A_318] : memref<40008xf32, #tpu.memory_space<vmem>>[vector<16xi32>], vector<16xf32>,
        %gather3A_336 = tpu.vector_load_idx %arg5[%get3A_322] : memref<40008xf32, #tpu.memory_space<vmem>>[vector<16xi32>], vector<16xf32>,
        %gather3A_337 = tpu.vector_load_idx %arg5[%get3A_326] : memref<40008xf32, #tpu.memory_space<vmem>>[vector<16xi32>], vector<16xf32>,
        %gather3A_338 = tpu.vector_load_idx %arg5[%get3A_330] : memref<40008xf32, #tpu.memory_space<vmem>>[vector<16xi32>], vector<16xf32>,
        %gather3A_339 = tpu.vector_load_idx %arg6[%get3A_298] : memref<40008xf32, #tpu.memory_space<vmem>>[vector<16xi32>], vector<16xf32>,
        %gather3A_340 = tpu.vector_load_idx %arg6[%get3A_302] : memref<40008xf32, #tpu.memory_space<vmem>>[vector<16xi32>], vector<16xf32>,
        %gather3A_341 = tpu.vector_load_idx %arg6[%get3A_306] : memref<40008xf32, #tpu.memory_space<vmem>>[vector<16xi32>], vector<16xf32>,
        %gather3A_342 = tpu.vector_load_idx %arg6[%get3A_310] : memref<40008xf32, #tpu.memory_space<vmem>>[vector<16xi32>], vector<16xf32>,
        %gather3A_343 = tpu.vector_load_idx %arg6[%get3A_314] : memref<40008xf32, #tpu.memory_space<vmem>>[vector<16xi32>], vector<16xf32>,
        %gather3A_344 = tpu.vector_load_idx %arg6[%get3A_318] : memref<40008xf32, #tpu.memory_space<vmem>>[vector<16xi32>], vector<16xf32>,
        %gather3A_345 = tpu.vector_load_idx %arg6[%get3A_322] : memref<40008xf32, #tpu.memory_space<vmem>>[vector<16xi32>], vector<16xf32>,
        %gather3A_346 = tpu.vector_load_idx %arg6[%get3A_326] : memref<40008xf32, #tpu.memory_space<vmem>>[vector<16xi32>], vector<16xf32>,
        %gather3A_347 = tpu.vector_load_idx %arg6[%get3A_330] : memref<40008xf32, #tpu.memory_space<vmem>>[vector<16xi32>], vector<16xf32>,
        %swap3A_348 = arith.index_cast %scan3A_292 : i32 to index
        %swap3A_349 = arith.constant 0 : index
        %swap3A_350 = tpu.vector_load %arg9[%swap3A_348, %swap3A_349] {strides = array<i32>} : memref<8x432xf32, #tpu.memory_space<vmem>>, vector<16xf32>,
        tpu.vector_store %arg9[%swap3A_348, %swap3A_349], %gather3A {strides = array<i32>} : memref<8x432xf32, #tpu.memory_space<vmem>>, vector<16xf32>,
        %swap3A_351 = arith.index_cast %scan3A_292 : i32 to index
        %swap3A_352 = arith.constant 0 : index
        %swap3A_353 = tpu.vector_load %arg10[%swap3A_351, %swap3A_352] {strides = array<i32>} : memref<8x432xf32, #tpu.memory_space<vmem>>, vector<16xf32>,
        tpu.vector_store %arg10[%swap3A_351, %swap3A_352], %gather3A_339 {strides = array<i32>} : memref<8x432xf32, #tpu.memory_space<vmem>>, vector<16xf32>,
        %swap3A_354 = arith.index_cast %scan3A_292 : i32 to index
        %swap3A_355 = arith.constant 16 : index
        %swap3A_356 = tpu.vector_load %arg9[%swap3A_354, %swap3A_355] {strides = array<i32>} : memref<8x432xf32, #tpu.memory_space<vmem>>, vector<16xf32>,
        tpu.vector_store %arg9[%swap3A_354, %swap3A_355], %gather3A_331 {strides = array<i32>} : memref<8x432xf32, #tpu.memory_space<vmem>>, vector<16xf32>,
        %swap3A_357 = arith.index_cast %scan3A_292 : i32 to index
        %swap3A_358 = arith.constant 16 : index
        %swap3A_359 = tpu.vector_load %arg10[%swap3A_357, %swap3A_358] {strides = array<i32>} : memref<8x432xf32, #tpu.memory_space<vmem>>, vector<16xf32>,
        tpu.vector_store %arg10[%swap3A_357, %swap3A_358], %gather3A_340 {strides = array<i32>} : memref<8x432xf32, #tpu.memory_space<vmem>>, vector<16xf32>,
        %swap3A_360 = arith.index_cast %scan3A_292 : i32 to index
        %swap3A_361 = arith.constant 32 : index
        %swap3A_362 = tpu.vector_load %arg9[%swap3A_360, %swap3A_361] {strides = array<i32>} : memref<8x432xf32, #tpu.memory_space<vmem>>, vector<16xf32>,
        tpu.vector_store %arg9[%swap3A_360, %swap3A_361], %gather3A_332 {strides = array<i32>} : memref<8x432xf32, #tpu.memory_space<vmem>>, vector<16xf32>,
        %swap3A_363 = arith.index_cast %scan3A_292 : i32 to index
        %swap3A_364 = arith.constant 32 : index
        %swap3A_365 = tpu.vector_load %arg10[%swap3A_363, %swap3A_364] {strides = array<i32>} : memref<8x432xf32, #tpu.memory_space<vmem>>, vector<16xf32>,
        tpu.vector_store %arg10[%swap3A_363, %swap3A_364], %gather3A_341 {strides = array<i32>} : memref<8x432xf32, #tpu.memory_space<vmem>>, vector<16xf32>,
        %swap3A_366 = arith.index_cast %scan3A_292 : i32 to index
        %swap3A_367 = arith.constant 48 : index
        %swap3A_368 = tpu.vector_load %arg9[%swap3A_366, %swap3A_367] {strides = array<i32>} : memref<8x432xf32, #tpu.memory_space<vmem>>, vector<16xf32>,
        tpu.vector_store %arg9[%swap3A_366, %swap3A_367], %gather3A_333 {strides = array<i32>} : memref<8x432xf32, #tpu.memory_space<vmem>>, vector<16xf32>,
        %swap3A_369 = arith.index_cast %scan3A_292 : i32 to index
        %swap3A_370 = arith.constant 48 : index
        %swap3A_371 = tpu.vector_load %arg10[%swap3A_369, %swap3A_370] {strides = array<i32>} : memref<8x432xf32, #tpu.memory_space<vmem>>, vector<16xf32>,
        tpu.vector_store %arg10[%swap3A_369, %swap3A_370], %gather3A_342 {strides = array<i32>} : memref<8x432xf32, #tpu.memory_space<vmem>>, vector<16xf32>,
        %swap3A_372 = arith.index_cast %scan3A_292 : i32 to index
        %swap3A_373 = arith.constant 64 : index
        %swap3A_374 = tpu.vector_load %arg9[%swap3A_372, %swap3A_373] {strides = array<i32>} : memref<8x432xf32, #tpu.memory_space<vmem>>, vector<16xf32>,
        tpu.vector_store %arg9[%swap3A_372, %swap3A_373], %gather3A_334 {strides = array<i32>} : memref<8x432xf32, #tpu.memory_space<vmem>>, vector<16xf32>,
        %swap3A_375 = arith.index_cast %scan3A_292 : i32 to index
        %swap3A_376 = arith.constant 64 : index
        %swap3A_377 = tpu.vector_load %arg10[%swap3A_375, %swap3A_376] {strides = array<i32>} : memref<8x432xf32, #tpu.memory_space<vmem>>, vector<16xf32>,
        tpu.vector_store %arg10[%swap3A_375, %swap3A_376], %gather3A_343 {strides = array<i32>} : memref<8x432xf32, #tpu.memory_space<vmem>>, vector<16xf32>,
        %swap3A_378 = arith.index_cast %scan3A_292 : i32 to index
        %swap3A_379 = arith.constant 80 : index
        %swap3A_380 = tpu.vector_load %arg9[%swap3A_378, %swap3A_379] {strides = array<i32>} : memref<8x432xf32, #tpu.memory_space<vmem>>, vector<16xf32>,
        tpu.vector_store %arg9[%swap3A_378, %swap3A_379], %gather3A_335 {strides = array<i32>} : memref<8x432xf32, #tpu.memory_space<vmem>>, vector<16xf32>,
        %swap3A_381 = arith.index_cast %scan3A_292 : i32 to index
        %swap3A_382 = arith.constant 80 : index
        %swap3A_383 = tpu.vector_load %arg10[%swap3A_381, %swap3A_382] {strides = array<i32>} : memref<8x432xf32, #tpu.memory_space<vmem>>, vector<16xf32>,
        tpu.vector_store %arg10[%swap3A_381, %swap3A_382], %gather3A_344 {strides = array<i32>} : memref<8x432xf32, #tpu.memory_space<vmem>>, vector<16xf32>,
        %swap3A_384 = arith.index_cast %scan3A_292 : i32 to index
        %swap3A_385 = arith.constant 96 : index
        %swap3A_386 = tpu.vector_load %arg9[%swap3A_384, %swap3A_385] {strides = array<i32>} : memref<8x432xf32, #tpu.memory_space<vmem>>, vector<16xf32>,
        tpu.vector_store %arg9[%swap3A_384, %swap3A_385], %gather3A_336 {strides = array<i32>} : memref<8x432xf32, #tpu.memory_space<vmem>>, vector<16xf32>,
        %swap3A_387 = arith.index_cast %scan3A_292 : i32 to index
        %swap3A_388 = arith.constant 96 : index
        %swap3A_389 = tpu.vector_load %arg10[%swap3A_387, %swap3A_388] {strides = array<i32>} : memref<8x432xf32, #tpu.memory_space<vmem>>, vector<16xf32>,
        tpu.vector_store %arg10[%swap3A_387, %swap3A_388], %gather3A_345 {strides = array<i32>} : memref<8x432xf32, #tpu.memory_space<vmem>>, vector<16xf32>,
        %swap3A_390 = arith.index_cast %scan3A_292 : i32 to index
        %swap3A_391 = arith.constant 112 : index
        %swap3A_392 = tpu.vector_load %arg9[%swap3A_390, %swap3A_391] {strides = array<i32>} : memref<8x432xf32, #tpu.memory_space<vmem>>, vector<16xf32>,
        tpu.vector_store %arg9[%swap3A_390, %swap3A_391], %gather3A_337 {strides = array<i32>} : memref<8x432xf32, #tpu.memory_space<vmem>>, vector<16xf32>,
        %swap3A_393 = arith.index_cast %scan3A_292 : i32 to index
        %swap3A_394 = arith.constant 112 : index
        %swap3A_395 = tpu.vector_load %arg10[%swap3A_393, %swap3A_394] {strides = array<i32>} : memref<8x432xf32, #tpu.memory_space<vmem>>, vector<16xf32>,
        tpu.vector_store %arg10[%swap3A_393, %swap3A_394], %gather3A_346 {strides = array<i32>} : memref<8x432xf32, #tpu.memory_space<vmem>>, vector<16xf32>,
        %swap3A_396 = arith.index_cast %scan3A_292 : i32 to index
        %swap3A_397 = arith.constant 128 : index
        %swap3A_398 = tpu.vector_load %arg9[%swap3A_396, %swap3A_397] {strides = array<i32>} : memref<8x432xf32, #tpu.memory_space<vmem>>, vector<16xf32>,
        tpu.vector_store %arg9[%swap3A_396, %swap3A_397], %gather3A_338 {strides = array<i32>} : memref<8x432xf32, #tpu.memory_space<vmem>>, vector<16xf32>,
        %swap3A_399 = arith.index_cast %scan3A_292 : i32 to index
        %swap3A_400 = arith.constant 128 : index
        %swap3A_401 = tpu.vector_load %arg10[%swap3A_399, %swap3A_400] {strides = array<i32>} : memref<8x432xf32, #tpu.memory_space<vmem>>, vector<16xf32>,
        tpu.vector_store %arg10[%swap3A_399, %swap3A_400], %gather3A_347 {strides = array<i32>} : memref<8x432xf32, #tpu.memory_space<vmem>>, vector<16xf32>,
        %add3A_402 = arith.constant 144 : i32
        %add3A_403 = arith.addi %mul3A_295, %add3A_402 : i32
        %get3A_404 = arith.index_cast %add3A_403 : i32 to index
        %get3A_405 = tpu.vector_load %arg7[%get3A_404] {strides = array<i32>} : memref<3456xi32, #tpu.memory_space<vmem>>, vector<16xi32>,
        %add3A_406 = arith.constant 160 : i32
        %add3A_407 = arith.addi %mul3A_295, %add3A_406 : i32
        %get3A_408 = arith.index_cast %add3A_407 : i32 to index
        %get3A_409 = tpu.vector_load %arg7[%get3A_408] {strides = array<i32>} : memref<3456xi32, #tpu.memory_space<vmem>>, vector<16xi32>,
        %add3A_410 = arith.constant 176 : i32
        %add3A_411 = arith.addi %mul3A_295, %add3A_410 : i32
        %get3A_412 = arith.index_cast %add3A_411 : i32 to index
        %get3A_413 = tpu.vector_load %arg7[%get3A_412] {strides = array<i32>} : memref<3456xi32, #tpu.memory_space<vmem>>, vector<16xi32>,
        %add3A_414 = arith.constant 192 : i32
        %add3A_415 = arith.addi %mul3A_295, %add3A_414 : i32
        %get3A_416 = arith.index_cast %add3A_415 : i32 to index
        %get3A_417 = tpu.vector_load %arg7[%get3A_416] {strides = array<i32>} : memref<3456xi32, #tpu.memory_space<vmem>>, vector<16xi32>,
        %add3A_418 = arith.constant 208 : i32
        %add3A_419 = arith.addi %mul3A_295, %add3A_418 : i32
        %get3A_420 = arith.index_cast %add3A_419 : i32 to index
        %get3A_421 = tpu.vector_load %arg7[%get3A_420] {strides = array<i32>} : memref<3456xi32, #tpu.memory_space<vmem>>, vector<16xi32>,
        %add3A_422 = arith.constant 224 : i32
        %add3A_423 = arith.addi %mul3A_295, %add3A_422 : i32
        %get3A_424 = arith.index_cast %add3A_423 : i32 to index
        %get3A_425 = tpu.vector_load %arg7[%get3A_424] {strides = array<i32>} : memref<3456xi32, #tpu.memory_space<vmem>>, vector<16xi32>,
        %add3A_426 = arith.constant 240 : i32
        %add3A_427 = arith.addi %mul3A_295, %add3A_426 : i32
        %get3A_428 = arith.index_cast %add3A_427 : i32 to index
        %get3A_429 = tpu.vector_load %arg7[%get3A_428] {strides = array<i32>} : memref<3456xi32, #tpu.memory_space<vmem>>, vector<16xi32>,
        %add3A_430 = arith.constant 256 : i32
        %add3A_431 = arith.addi %mul3A_295, %add3A_430 : i32
        %get3A_432 = arith.index_cast %add3A_431 : i32 to index
        %get3A_433 = tpu.vector_load %arg7[%get3A_432] {strides = array<i32>} : memref<3456xi32, #tpu.memory_space<vmem>>, vector<16xi32>,
        %add3A_434 = arith.constant 272 : i32
        %add3A_435 = arith.addi %mul3A_295, %add3A_434 : i32
        %get3A_436 = arith.index_cast %add3A_435 : i32 to index
        %get3A_437 = tpu.vector_load %arg7[%get3A_436] {strides = array<i32>} : memref<3456xi32, #tpu.memory_space<vmem>>, vector<16xi32>,
        %gather3A_438 = tpu.vector_load_idx %arg5[%get3A_405] : memref<40008xf32, #tpu.memory_space<vmem>>[vector<16xi32>], vector<16xf32>,
        %gather3A_439 = tpu.vector_load_idx %arg5[%get3A_409] : memref<40008xf32, #tpu.memory_space<vmem>>[vector<16xi32>], vector<16xf32>,
        %gather3A_440 = tpu.vector_load_idx %arg5[%get3A_413] : memref<40008xf32, #tpu.memory_space<vmem>>[vector<16xi32>], vector<16xf32>,
        %gather3A_441 = tpu.vector_load_idx %arg5[%get3A_417] : memref<40008xf32, #tpu.memory_space<vmem>>[vector<16xi32>], vector<16xf32>,
        %gather3A_442 = tpu.vector_load_idx %arg5[%get3A_421] : memref<40008xf32, #tpu.memory_space<vmem>>[vector<16xi32>], vector<16xf32>,
        %gather3A_443 = tpu.vector_load_idx %arg5[%get3A_425] : memref<40008xf32, #tpu.memory_space<vmem>>[vector<16xi32>], vector<16xf32>,
        %gather3A_444 = tpu.vector_load_idx %arg5[%get3A_429] : memref<40008xf32, #tpu.memory_space<vmem>>[vector<16xi32>], vector<16xf32>,
        %gather3A_445 = tpu.vector_load_idx %arg5[%get3A_433] : memref<40008xf32, #tpu.memory_space<vmem>>[vector<16xi32>], vector<16xf32>,
        %gather3A_446 = tpu.vector_load_idx %arg5[%get3A_437] : memref<40008xf32, #tpu.memory_space<vmem>>[vector<16xi32>], vector<16xf32>,
        %gather3A_447 = tpu.vector_load_idx %arg6[%get3A_405] : memref<40008xf32, #tpu.memory_space<vmem>>[vector<16xi32>], vector<16xf32>,
        %gather3A_448 = tpu.vector_load_idx %arg6[%get3A_409] : memref<40008xf32, #tpu.memory_space<vmem>>[vector<16xi32>], vector<16xf32>,
        %gather3A_449 = tpu.vector_load_idx %arg6[%get3A_413] : memref<40008xf32, #tpu.memory_space<vmem>>[vector<16xi32>], vector<16xf32>,
        %gather3A_450 = tpu.vector_load_idx %arg6[%get3A_417] : memref<40008xf32, #tpu.memory_space<vmem>>[vector<16xi32>], vector<16xf32>,
        %gather3A_451 = tpu.vector_load_idx %arg6[%get3A_421] : memref<40008xf32, #tpu.memory_space<vmem>>[vector<16xi32>], vector<16xf32>,
        %gather3A_452 = tpu.vector_load_idx %arg6[%get3A_425] : memref<40008xf32, #tpu.memory_space<vmem>>[vector<16xi32>], vector<16xf32>,
        %gather3A_453 = tpu.vector_load_idx %arg6[%get3A_429] : memref<40008xf32, #tpu.memory_space<vmem>>[vector<16xi32>], vector<16xf32>,
        %gather3A_454 = tpu.vector_load_idx %arg6[%get3A_433] : memref<40008xf32, #tpu.memory_space<vmem>>[vector<16xi32>], vector<16xf32>,
        %gather3A_455 = tpu.vector_load_idx %arg6[%get3A_437] : memref<40008xf32, #tpu.memory_space<vmem>>[vector<16xi32>], vector<16xf32>,
        %swap3A_456 = arith.index_cast %scan3A_292 : i32 to index
        %swap3A_457 = arith.constant 144 : index
        %swap3A_458 = tpu.vector_load %arg9[%swap3A_456, %swap3A_457] {strides = array<i32>} : memref<8x432xf32, #tpu.memory_space<vmem>>, vector<16xf32>,
        tpu.vector_store %arg9[%swap3A_456, %swap3A_457], %gather3A_438 {strides = array<i32>} : memref<8x432xf32, #tpu.memory_space<vmem>>, vector<16xf32>,
        %swap3A_459 = arith.index_cast %scan3A_292 : i32 to index
        %swap3A_460 = arith.constant 144 : index
        %swap3A_461 = tpu.vector_load %arg10[%swap3A_459, %swap3A_460] {strides = array<i32>} : memref<8x432xf32, #tpu.memory_space<vmem>>, vector<16xf32>,
        tpu.vector_store %arg10[%swap3A_459, %swap3A_460], %gather3A_447 {strides = array<i32>} : memref<8x432xf32, #tpu.memory_space<vmem>>, vector<16xf32>,
        %swap3A_462 = arith.index_cast %scan3A_292 : i32 to index
        %swap3A_463 = arith.constant 160 : index
        %swap3A_464 = tpu.vector_load %arg9[%swap3A_462, %swap3A_463] {strides = array<i32>} : memref<8x432xf32, #tpu.memory_space<vmem>>, vector<16xf32>,
        tpu.vector_store %arg9[%swap3A_462, %swap3A_463], %gather3A_439 {strides = array<i32>} : memref<8x432xf32, #tpu.memory_space<vmem>>, vector<16xf32>,
        %swap3A_465 = arith.index_cast %scan3A_292 : i32 to index
        %swap3A_466 = arith.constant 160 : index
        %swap3A_467 = tpu.vector_load %arg10[%swap3A_465, %swap3A_466] {strides = array<i32>} : memref<8x432xf32, #tpu.memory_space<vmem>>, vector<16xf32>,
        tpu.vector_store %arg10[%swap3A_465, %swap3A_466], %gather3A_448 {strides = array<i32>} : memref<8x432xf32, #tpu.memory_space<vmem>>, vector<16xf32>,
        %swap3A_468 = arith.index_cast %scan3A_292 : i32 to index
        %swap3A_469 = arith.constant 176 : index
        %swap3A_470 = tpu.vector_load %arg9[%swap3A_468, %swap3A_469] {strides = array<i32>} : memref<8x432xf32, #tpu.memory_space<vmem>>, vector<16xf32>,
        tpu.vector_store %arg9[%swap3A_468, %swap3A_469], %gather3A_440 {strides = array<i32>} : memref<8x432xf32, #tpu.memory_space<vmem>>, vector<16xf32>,
        %swap3A_471 = arith.index_cast %scan3A_292 : i32 to index
        %swap3A_472 = arith.constant 176 : index
        %swap3A_473 = tpu.vector_load %arg10[%swap3A_471, %swap3A_472] {strides = array<i32>} : memref<8x432xf32, #tpu.memory_space<vmem>>, vector<16xf32>,
        tpu.vector_store %arg10[%swap3A_471, %swap3A_472], %gather3A_449 {strides = array<i32>} : memref<8x432xf32, #tpu.memory_space<vmem>>, vector<16xf32>,
        %swap3A_474 = arith.index_cast %scan3A_292 : i32 to index
        %swap3A_475 = arith.constant 192 : index
        %swap3A_476 = tpu.vector_load %arg9[%swap3A_474, %swap3A_475] {strides = array<i32>} : memref<8x432xf32, #tpu.memory_space<vmem>>, vector<16xf32>,
        tpu.vector_store %arg9[%swap3A_474, %swap3A_475], %gather3A_441 {strides = array<i32>} : memref<8x432xf32, #tpu.memory_space<vmem>>, vector<16xf32>,
        %swap3A_477 = arith.index_cast %scan3A_292 : i32 to index
        %swap3A_478 = arith.constant 192 : index
        %swap3A_479 = tpu.vector_load %arg10[%swap3A_477, %swap3A_478] {strides = array<i32>} : memref<8x432xf32, #tpu.memory_space<vmem>>, vector<16xf32>,
        tpu.vector_store %arg10[%swap3A_477, %swap3A_478], %gather3A_450 {strides = array<i32>} : memref<8x432xf32, #tpu.memory_space<vmem>>, vector<16xf32>,
        %swap3A_480 = arith.index_cast %scan3A_292 : i32 to index
        %swap3A_481 = arith.constant 208 : index
        %swap3A_482 = tpu.vector_load %arg9[%swap3A_480, %swap3A_481] {strides = array<i32>} : memref<8x432xf32, #tpu.memory_space<vmem>>, vector<16xf32>,
        tpu.vector_store %arg9[%swap3A_480, %swap3A_481], %gather3A_442 {strides = array<i32>} : memref<8x432xf32, #tpu.memory_space<vmem>>, vector<16xf32>,
        %swap3A_483 = arith.index_cast %scan3A_292 : i32 to index
        %swap3A_484 = arith.constant 208 : index
        %swap3A_485 = tpu.vector_load %arg10[%swap3A_483, %swap3A_484] {strides = array<i32>} : memref<8x432xf32, #tpu.memory_space<vmem>>, vector<16xf32>,
        tpu.vector_store %arg10[%swap3A_483, %swap3A_484], %gather3A_451 {strides = array<i32>} : memref<8x432xf32, #tpu.memory_space<vmem>>, vector<16xf32>,
        %swap3A_486 = arith.index_cast %scan3A_292 : i32 to index
        %swap3A_487 = arith.constant 224 : index
        %swap3A_488 = tpu.vector_load %arg9[%swap3A_486, %swap3A_487] {strides = array<i32>} : memref<8x432xf32, #tpu.memory_space<vmem>>, vector<16xf32>,
        tpu.vector_store %arg9[%swap3A_486, %swap3A_487], %gather3A_443 {strides = array<i32>} : memref<8x432xf32, #tpu.memory_space<vmem>>, vector<16xf32>,
        %swap3A_489 = arith.index_cast %scan3A_292 : i32 to index
        %swap3A_490 = arith.constant 224 : index
        %swap3A_491 = tpu.vector_load %arg10[%swap3A_489, %swap3A_490] {strides = array<i32>} : memref<8x432xf32, #tpu.memory_space<vmem>>, vector<16xf32>,
        tpu.vector_store %arg10[%swap3A_489, %swap3A_490], %gather3A_452 {strides = array<i32>} : memref<8x432xf32, #tpu.memory_space<vmem>>, vector<16xf32>,
        %swap3A_492 = arith.index_cast %scan3A_292 : i32 to index
        %swap3A_493 = arith.constant 240 : index
        %swap3A_494 = tpu.vector_load %arg9[%swap3A_492, %swap3A_493] {strides = array<i32>} : memref<8x432xf32, #tpu.memory_space<vmem>>, vector<16xf32>,
        tpu.vector_store %arg9[%swap3A_492, %swap3A_493], %gather3A_444 {strides = array<i32>} : memref<8x432xf32, #tpu.memory_space<vmem>>, vector<16xf32>,
        %swap3A_495 = arith.index_cast %scan3A_292 : i32 to index
        %swap3A_496 = arith.constant 240 : index
        %swap3A_497 = tpu.vector_load %arg10[%swap3A_495, %swap3A_496] {strides = array<i32>} : memref<8x432xf32, #tpu.memory_space<vmem>>, vector<16xf32>,
        tpu.vector_store %arg10[%swap3A_495, %swap3A_496], %gather3A_453 {strides = array<i32>} : memref<8x432xf32, #tpu.memory_space<vmem>>, vector<16xf32>,
        %swap3A_498 = arith.index_cast %scan3A_292 : i32 to index
        %swap3A_499 = arith.constant 256 : index
        %swap3A_500 = tpu.vector_load %arg9[%swap3A_498, %swap3A_499] {strides = array<i32>} : memref<8x432xf32, #tpu.memory_space<vmem>>, vector<16xf32>,
        tpu.vector_store %arg9[%swap3A_498, %swap3A_499], %gather3A_445 {strides = array<i32>} : memref<8x432xf32, #tpu.memory_space<vmem>>, vector<16xf32>,
        %swap3A_501 = arith.index_cast %scan3A_292 : i32 to index
        %swap3A_502 = arith.constant 256 : index
        %swap3A_503 = tpu.vector_load %arg10[%swap3A_501, %swap3A_502] {strides = array<i32>} : memref<8x432xf32, #tpu.memory_space<vmem>>, vector<16xf32>,
        tpu.vector_store %arg10[%swap3A_501, %swap3A_502], %gather3A_454 {strides = array<i32>} : memref<8x432xf32, #tpu.memory_space<vmem>>, vector<16xf32>,
        %swap3A_504 = arith.index_cast %scan3A_292 : i32 to index
        %swap3A_505 = arith.constant 272 : index
        %swap3A_506 = tpu.vector_load %arg9[%swap3A_504, %swap3A_505] {strides = array<i32>} : memref<8x432xf32, #tpu.memory_space<vmem>>, vector<16xf32>,
        tpu.vector_store %arg9[%swap3A_504, %swap3A_505], %gather3A_446 {strides = array<i32>} : memref<8x432xf32, #tpu.memory_space<vmem>>, vector<16xf32>,
        %swap3A_507 = arith.index_cast %scan3A_292 : i32 to index
        %swap3A_508 = arith.constant 272 : index
        %swap3A_509 = tpu.vector_load %arg10[%swap3A_507, %swap3A_508] {strides = array<i32>} : memref<8x432xf32, #tpu.memory_space<vmem>>, vector<16xf32>,
        tpu.vector_store %arg10[%swap3A_507, %swap3A_508], %gather3A_455 {strides = array<i32>} : memref<8x432xf32, #tpu.memory_space<vmem>>, vector<16xf32>,
        %add3A_510 = arith.constant 288 : i32
        %add3A_511 = arith.addi %mul3A_295, %add3A_510 : i32
        %get3A_512 = arith.index_cast %add3A_511 : i32 to index
        %get3A_513 = tpu.vector_load %arg7[%get3A_512] {strides = array<i32>} : memref<3456xi32, #tpu.memory_space<vmem>>, vector<16xi32>,
        %add3A_514 = arith.constant 304 : i32
        %add3A_515 = arith.addi %mul3A_295, %add3A_514 : i32
        %get3A_516 = arith.index_cast %add3A_515 : i32 to index
        %get3A_517 = tpu.vector_load %arg7[%get3A_516] {strides = array<i32>} : memref<3456xi32, #tpu.memory_space<vmem>>, vector<16xi32>,
        %add3A_518 = arith.constant 320 : i32
        %add3A_519 = arith.addi %mul3A_295, %add3A_518 : i32
        %get3A_520 = arith.index_cast %add3A_519 : i32 to index
        %get3A_521 = tpu.vector_load %arg7[%get3A_520] {strides = array<i32>} : memref<3456xi32, #tpu.memory_space<vmem>>, vector<16xi32>,
        %add3A_522 = arith.constant 336 : i32
        %add3A_523 = arith.addi %mul3A_295, %add3A_522 : i32
        %get3A_524 = arith.index_cast %add3A_523 : i32 to index
        %get3A_525 = tpu.vector_load %arg7[%get3A_524] {strides = array<i32>} : memref<3456xi32, #tpu.memory_space<vmem>>, vector<16xi32>,
        %add3A_526 = arith.constant 352 : i32
        %add3A_527 = arith.addi %mul3A_295, %add3A_526 : i32
        %get3A_528 = arith.index_cast %add3A_527 : i32 to index
        %get3A_529 = tpu.vector_load %arg7[%get3A_528] {strides = array<i32>} : memref<3456xi32, #tpu.memory_space<vmem>>, vector<16xi32>,
        %add3A_530 = arith.constant 368 : i32
        %add3A_531 = arith.addi %mul3A_295, %add3A_530 : i32
        %get3A_532 = arith.index_cast %add3A_531 : i32 to index
        %get3A_533 = tpu.vector_load %arg7[%get3A_532] {strides = array<i32>} : memref<3456xi32, #tpu.memory_space<vmem>>, vector<16xi32>,
        %add3A_534 = arith.constant 384 : i32
        %add3A_535 = arith.addi %mul3A_295, %add3A_534 : i32
        %get3A_536 = arith.index_cast %add3A_535 : i32 to index
        %get3A_537 = tpu.vector_load %arg7[%get3A_536] {strides = array<i32>} : memref<3456xi32, #tpu.memory_space<vmem>>, vector<16xi32>,
        %add3A_538 = arith.constant 400 : i32
        %add3A_539 = arith.addi %mul3A_295, %add3A_538 : i32
        %get3A_540 = arith.index_cast %add3A_539 : i32 to index
        %get3A_541 = tpu.vector_load %arg7[%get3A_540] {strides = array<i32>} : memref<3456xi32, #tpu.memory_space<vmem>>, vector<16xi32>,
        %add3A_542 = arith.constant 416 : i32
        %add3A_543 = arith.addi %mul3A_295, %add3A_542 : i32
        %get3A_544 = arith.index_cast %add3A_543 : i32 to index
        %get3A_545 = tpu.vector_load %arg7[%get3A_544] {strides = array<i32>} : memref<3456xi32, #tpu.memory_space<vmem>>, vector<16xi32>,
        %gather3A_546 = tpu.vector_load_idx %arg5[%get3A_513] : memref<40008xf32, #tpu.memory_space<vmem>>[vector<16xi32>], vector<16xf32>,
        %gather3A_547 = tpu.vector_load_idx %arg5[%get3A_517] : memref<40008xf32, #tpu.memory_space<vmem>>[vector<16xi32>], vector<16xf32>,
        %gather3A_548 = tpu.vector_load_idx %arg5[%get3A_521] : memref<40008xf32, #tpu.memory_space<vmem>>[vector<16xi32>], vector<16xf32>,
        %gather3A_549 = tpu.vector_load_idx %arg5[%get3A_525] : memref<40008xf32, #tpu.memory_space<vmem>>[vector<16xi32>], vector<16xf32>,
        %gather3A_550 = tpu.vector_load_idx %arg5[%get3A_529] : memref<40008xf32, #tpu.memory_space<vmem>>[vector<16xi32>], vector<16xf32>,
        %gather3A_551 = tpu.vector_load_idx %arg5[%get3A_533] : memref<40008xf32, #tpu.memory_space<vmem>>[vector<16xi32>], vector<16xf32>,
        %gather3A_552 = tpu.vector_load_idx %arg5[%get3A_537] : memref<40008xf32, #tpu.memory_space<vmem>>[vector<16xi32>], vector<16xf32>,
        %gather3A_553 = tpu.vector_load_idx %arg5[%get3A_541] : memref<40008xf32, #tpu.memory_space<vmem>>[vector<16xi32>], vector<16xf32>,
        %gather3A_554 = tpu.vector_load_idx %arg5[%get3A_545] : memref<40008xf32, #tpu.memory_space<vmem>>[vector<16xi32>], vector<16xf32>,
        %gather3A_555 = tpu.vector_load_idx %arg6[%get3A_513] : memref<40008xf32, #tpu.memory_space<vmem>>[vector<16xi32>], vector<16xf32>,
        %gather3A_556 = tpu.vector_load_idx %arg6[%get3A_517] : memref<40008xf32, #tpu.memory_space<vmem>>[vector<16xi32>], vector<16xf32>,
        %gather3A_557 = tpu.vector_load_idx %arg6[%get3A_521] : memref<40008xf32, #tpu.memory_space<vmem>>[vector<16xi32>], vector<16xf32>,
        %gather3A_558 = tpu.vector_load_idx %arg6[%get3A_525] : memref<40008xf32, #tpu.memory_space<vmem>>[vector<16xi32>], vector<16xf32>,
        %gather3A_559 = tpu.vector_load_idx %arg6[%get3A_529] : memref<40008xf32, #tpu.memory_space<vmem>>[vector<16xi32>], vector<16xf32>,
        %gather3A_560 = tpu.vector_load_idx %arg6[%get3A_533] : memref<40008xf32, #tpu.memory_space<vmem>>[vector<16xi32>], vector<16xf32>,
        %gather3A_561 = tpu.vector_load_idx %arg6[%get3A_537] : memref<40008xf32, #tpu.memory_space<vmem>>[vector<16xi32>], vector<16xf32>,
        %gather3A_562 = tpu.vector_load_idx %arg6[%get3A_541] : memref<40008xf32, #tpu.memory_space<vmem>>[vector<16xi32>], vector<16xf32>,
        %gather3A_563 = tpu.vector_load_idx %arg6[%get3A_545] : memref<40008xf32, #tpu.memory_space<vmem>>[vector<16xi32>], vector<16xf32>,
        %swap3A_564 = arith.index_cast %scan3A_292 : i32 to index
        %swap3A_565 = arith.constant 288 : index
        %swap3A_566 = tpu.vector_load %arg9[%swap3A_564, %swap3A_565] {strides = array<i32>} : memref<8x432xf32, #tpu.memory_space<vmem>>, vector<16xf32>,
        tpu.vector_store %arg9[%swap3A_564, %swap3A_565], %gather3A_546 {strides = array<i32>} : memref<8x432xf32, #tpu.memory_space<vmem>>, vector<16xf32>,
        %swap3A_567 = arith.index_cast %scan3A_292 : i32 to index
        %swap3A_568 = arith.constant 288 : index
        %swap3A_569 = tpu.vector_load %arg10[%swap3A_567, %swap3A_568] {strides = array<i32>} : memref<8x432xf32, #tpu.memory_space<vmem>>, vector<16xf32>,
        tpu.vector_store %arg10[%swap3A_567, %swap3A_568], %gather3A_555 {strides = array<i32>} : memref<8x432xf32, #tpu.memory_space<vmem>>, vector<16xf32>,
        %swap3A_570 = arith.index_cast %scan3A_292 : i32 to index
        %swap3A_571 = arith.constant 304 : index
        %swap3A_572 = tpu.vector_load %arg9[%swap3A_570, %swap3A_571] {strides = array<i32>} : memref<8x432xf32, #tpu.memory_space<vmem>>, vector<16xf32>,
        tpu.vector_store %arg9[%swap3A_570, %swap3A_571], %gather3A_547 {strides = array<i32>} : memref<8x432xf32, #tpu.memory_space<vmem>>, vector<16xf32>,
        %swap3A_573 = arith.index_cast %scan3A_292 : i32 to index
        %swap3A_574 = arith.constant 304 : index
        %swap3A_575 = tpu.vector_load %arg10[%swap3A_573, %swap3A_574] {strides = array<i32>} : memref<8x432xf32, #tpu.memory_space<vmem>>, vector<16xf32>,
        tpu.vector_store %arg10[%swap3A_573, %swap3A_574], %gather3A_556 {strides = array<i32>} : memref<8x432xf32, #tpu.memory_space<vmem>>, vector<16xf32>,
        %swap3A_576 = arith.index_cast %scan3A_292 : i32 to index
        %swap3A_577 = arith.constant 320 : index
        %swap3A_578 = tpu.vector_load %arg9[%swap3A_576, %swap3A_577] {strides = array<i32>} : memref<8x432xf32, #tpu.memory_space<vmem>>, vector<16xf32>,
        tpu.vector_store %arg9[%swap3A_576, %swap3A_577], %gather3A_548 {strides = array<i32>} : memref<8x432xf32, #tpu.memory_space<vmem>>, vector<16xf32>,
        %swap3A_579 = arith.index_cast %scan3A_292 : i32 to index
        %swap3A_580 = arith.constant 320 : index
        %swap3A_581 = tpu.vector_load %arg10[%swap3A_579, %swap3A_580] {strides = array<i32>} : memref<8x432xf32, #tpu.memory_space<vmem>>, vector<16xf32>,
        tpu.vector_store %arg10[%swap3A_579, %swap3A_580], %gather3A_557 {strides = array<i32>} : memref<8x432xf32, #tpu.memory_space<vmem>>, vector<16xf32>,
        %swap3A_582 = arith.index_cast %scan3A_292 : i32 to index
        %swap3A_583 = arith.constant 336 : index
        %swap3A_584 = tpu.vector_load %arg9[%swap3A_582, %swap3A_583] {strides = array<i32>} : memref<8x432xf32, #tpu.memory_space<vmem>>, vector<16xf32>,
        tpu.vector_store %arg9[%swap3A_582, %swap3A_583], %gather3A_549 {strides = array<i32>} : memref<8x432xf32, #tpu.memory_space<vmem>>, vector<16xf32>,
        %swap3A_585 = arith.index_cast %scan3A_292 : i32 to index
        %swap3A_586 = arith.constant 336 : index
        %swap3A_587 = tpu.vector_load %arg10[%swap3A_585, %swap3A_586] {strides = array<i32>} : memref<8x432xf32, #tpu.memory_space<vmem>>, vector<16xf32>,
        tpu.vector_store %arg10[%swap3A_585, %swap3A_586], %gather3A_558 {strides = array<i32>} : memref<8x432xf32, #tpu.memory_space<vmem>>, vector<16xf32>,
        %swap3A_588 = arith.index_cast %scan3A_292 : i32 to index
        %swap3A_589 = arith.constant 352 : index
        %swap3A_590 = tpu.vector_load %arg9[%swap3A_588, %swap3A_589] {strides = array<i32>} : memref<8x432xf32, #tpu.memory_space<vmem>>, vector<16xf32>,
        tpu.vector_store %arg9[%swap3A_588, %swap3A_589], %gather3A_550 {strides = array<i32>} : memref<8x432xf32, #tpu.memory_space<vmem>>, vector<16xf32>,
        %swap3A_591 = arith.index_cast %scan3A_292 : i32 to index
        %swap3A_592 = arith.constant 352 : index
        %swap3A_593 = tpu.vector_load %arg10[%swap3A_591, %swap3A_592] {strides = array<i32>} : memref<8x432xf32, #tpu.memory_space<vmem>>, vector<16xf32>,
        tpu.vector_store %arg10[%swap3A_591, %swap3A_592], %gather3A_559 {strides = array<i32>} : memref<8x432xf32, #tpu.memory_space<vmem>>, vector<16xf32>,
        %swap3A_594 = arith.index_cast %scan3A_292 : i32 to index
        %swap3A_595 = arith.constant 368 : index
        %swap3A_596 = tpu.vector_load %arg9[%swap3A_594, %swap3A_595] {strides = array<i32>} : memref<8x432xf32, #tpu.memory_space<vmem>>, vector<16xf32>,
        tpu.vector_store %arg9[%swap3A_594, %swap3A_595], %gather3A_551 {strides = array<i32>} : memref<8x432xf32, #tpu.memory_space<vmem>>, vector<16xf32>,
        %swap3A_597 = arith.index_cast %scan3A_292 : i32 to index
        %swap3A_598 = arith.constant 368 : index
        %swap3A_599 = tpu.vector_load %arg10[%swap3A_597, %swap3A_598] {strides = array<i32>} : memref<8x432xf32, #tpu.memory_space<vmem>>, vector<16xf32>,
        tpu.vector_store %arg10[%swap3A_597, %swap3A_598], %gather3A_560 {strides = array<i32>} : memref<8x432xf32, #tpu.memory_space<vmem>>, vector<16xf32>,
        %swap3A_600 = arith.index_cast %scan3A_292 : i32 to index
        %swap3A_601 = arith.constant 384 : index
        %swap3A_602 = tpu.vector_load %arg9[%swap3A_600, %swap3A_601] {strides = array<i32>} : memref<8x432xf32, #tpu.memory_space<vmem>>, vector<16xf32>,
        tpu.vector_store %arg9[%swap3A_600, %swap3A_601], %gather3A_552 {strides = array<i32>} : memref<8x432xf32, #tpu.memory_space<vmem>>, vector<16xf32>,
        %swap3A_603 = arith.index_cast %scan3A_292 : i32 to index
        %swap3A_604 = arith.constant 384 : index
        %swap3A_605 = tpu.vector_load %arg10[%swap3A_603, %swap3A_604] {strides = array<i32>} : memref<8x432xf32, #tpu.memory_space<vmem>>, vector<16xf32>,
        tpu.vector_store %arg10[%swap3A_603, %swap3A_604], %gather3A_561 {strides = array<i32>} : memref<8x432xf32, #tpu.memory_space<vmem>>, vector<16xf32>,
        %swap3A_606 = arith.index_cast %scan3A_292 : i32 to index
        %swap3A_607 = arith.constant 400 : index
        %swap3A_608 = tpu.vector_load %arg9[%swap3A_606, %swap3A_607] {strides = array<i32>} : memref<8x432xf32, #tpu.memory_space<vmem>>, vector<16xf32>,
        tpu.vector_store %arg9[%swap3A_606, %swap3A_607], %gather3A_553 {strides = array<i32>} : memref<8x432xf32, #tpu.memory_space<vmem>>, vector<16xf32>,
        %swap3A_609 = arith.index_cast %scan3A_292 : i32 to index
        %swap3A_610 = arith.constant 400 : index
        %swap3A_611 = tpu.vector_load %arg10[%swap3A_609, %swap3A_610] {strides = array<i32>} : memref<8x432xf32, #tpu.memory_space<vmem>>, vector<16xf32>,
        tpu.vector_store %arg10[%swap3A_609, %swap3A_610], %gather3A_562 {strides = array<i32>} : memref<8x432xf32, #tpu.memory_space<vmem>>, vector<16xf32>,
        %swap3A_612 = arith.index_cast %scan3A_292 : i32 to index
        %swap3A_613 = arith.constant 416 : index
        %swap3A_614 = tpu.vector_load %arg9[%swap3A_612, %swap3A_613] {strides = array<i32>} : memref<8x432xf32, #tpu.memory_space<vmem>>, vector<16xf32>,
        tpu.vector_store %arg9[%swap3A_612, %swap3A_613], %gather3A_554 {strides = array<i32>} : memref<8x432xf32, #tpu.memory_space<vmem>>, vector<16xf32>,
        %swap3A_615 = arith.index_cast %scan3A_292 : i32 to index
        %swap3A_616 = arith.constant 416 : index
        %swap3A_617 = tpu.vector_load %arg10[%swap3A_615, %swap3A_616] {strides = array<i32>} : memref<8x432xf32, #tpu.memory_space<vmem>>, vector<16xf32>,
        tpu.vector_store %arg10[%swap3A_615, %swap3A_616], %gather3A_563 {strides = array<i32>} : memref<8x432xf32, #tpu.memory_space<vmem>>, vector<16xf32>,
        %scan3A_618 = arith.constant 0 : i32
        scf.yield %scan3A_618 : i32
      }
      %scan3A_87 = arith.constant 8 : i32
      %jit3A = arith.constant 62 : i32
      %div3A = arith.divsi %mul3A_66, %jit3A : i32
      %sign3A = arith.constant 0 : i32
      %sign3A_88 = arith.cmpi sgt, %mul3A_66, %sign3A : i32
      %sign3A_89 = arith.extui %sign3A_88 : i1 to i32
      %sign3A_90 = arith.constant 0 : i32
      %sign3A_91 = arith.cmpi slt, %mul3A_66, %sign3A_90 : i32
      %sign3A_92 = arith.extui %sign3A_91 : i1 to i32
      %sign3A_93 = arith.subi %sign3A_89, %sign3A_92 : i32
      %sign3A_94 = arith.constant 0 : i32
      %sign3A_95 = arith.cmpi sgt, %jit3A, %sign3A_94 : i32
      %sign3A_96 = arith.extui %sign3A_95 : i1 to i32
      %sign3A_97 = arith.constant 0 : i32
      %sign3A_98 = arith.cmpi slt, %jit3A, %sign3A_97 : i32
      %sign3A_99 = arith.extui %sign3A_98 : i1 to i32
      %sign3A_100 = arith.subi %sign3A_96, %sign3A_99 : i32
      %ne3A = arith.cmpi ne, %sign3A_93, %sign3A_100 : i32
      %rem3A = arith.remsi %mul3A_66, %jit3A : i32
      %ne3A_101 = arith.constant 0 : i32
      %ne3A_102 = arith.cmpi ne, %rem3A, %ne3A_101 : i32
      %and3A = arith.andi %ne3A, %ne3A_102 : i1
      %sub3A = arith.constant 1 : i32
      %sub3A_103 = arith.subi %div3A, %sub3A : i32
      %select_n3A = arith.select %and3A, %sub3A_103, %div3A : i32
      %jit3A_104 = arith.constant 62 : i32
      %eq3A = arith.constant 0 : i32
      %eq3A_105 = arith.cmpi eq, %jit3A_104, %eq3A : i32
      %jit3A_106 = arith.constant 1 : i32
      %select_n3A_107 = arith.select %eq3A_105, %jit3A_106, %jit3A_104 : i32
      %rem3A_108 = arith.remsi %mul3A_66, %select_n3A_107 : i32
      %ne3A_109 = arith.constant 0 : i32
      %ne3A_110 = arith.cmpi ne, %rem3A_108, %ne3A_109 : i32
      %lt3A = arith.constant 0 : i32
      %lt3A_111 = arith.cmpi slt, %rem3A_108, %lt3A : i32
      %lt3A_112 = arith.constant 0 : i32
      %lt3A_113 = arith.cmpi slt, %select_n3A_107, %lt3A_112 : i32
      %ne3A_114 = arith.xori %lt3A_111, %lt3A_113 : i1
      %and3A_115 = arith.andi %ne3A_114, %ne3A_110 : i1
      %add3A_116 = arith.addi %rem3A_108, %select_n3A_107 : i32
      %select_n3A_117 = arith.select %and3A_115, %add3A_116, %rem3A_108 : i32
      %mul3A_118 = arith.constant 8 : i32
      %mul3A_119 = arith.muli %select_n3A_117, %mul3A_118 : i32
      %dma_start3A_120 = arith.constant 0 : i32
      %dma_start3A_121 = tpu.memref_slice %arg4[%select_n3A, %mul3A_2, %mul3A_119, %dma_start3A_120] : memref<4x64x496x432xf32, #tpu.memory_space<hbm>> -> memref<1x1x8x432xf32, #tpu.memory_space<hbm>>
      %dma_start3A_122 = tpu.memref_squeeze %dma_start3A_121 : memref<1x1x8x432xf32, #tpu.memory_space<hbm>> -> memref<8x432xf32, #tpu.memory_space<hbm>>
      %dma_start3A_123 = arith.constant 0 : i32
      %dma_start3A_124 = tpu.memref_slice %arg4[%select_n3A, %mul3A_2, %mul3A_119, %dma_start3A_123] : memref<4x64x496x432xf32, #tpu.memory_space<hbm>> -> memref<1x1x8x432xf32, #tpu.memory_space<hbm>>
      %dma_start3A_125 = tpu.memref_squeeze %dma_start3A_124 : memref<1x1x8x432xf32, #tpu.memory_space<hbm>> -> memref<8x432xf32, #tpu.memory_space<hbm>>
      tpu.enqueue_dma source(%arg9 : memref<8x432xf32, #tpu.memory_space<vmem>>) target(%dma_start3A_125 : memref<8x432xf32, #tpu.memory_space<hbm>>) target_semaphore(%arg15 : memref<!tpu.dma_semaphore, #tpu.memory_space<semaphore_mem>>)
      %jit3A_126 = arith.constant 62 : i32
      %div3A_127 = arith.divsi %mul3A_66, %jit3A_126 : i32
      %sign3A_128 = arith.constant 0 : i32
      %sign3A_129 = arith.cmpi sgt, %mul3A_66, %sign3A_128 : i32
      %sign3A_130 = arith.extui %sign3A_129 : i1 to i32
      %sign3A_131 = arith.constant 0 : i32
      %sign3A_132 = arith.cmpi slt, %mul3A_66, %sign3A_131 : i32
      %sign3A_133 = arith.extui %sign3A_132 : i1 to i32
      %sign3A_134 = arith.subi %sign3A_130, %sign3A_133 : i32
      %sign3A_135 = arith.constant 0 : i32
      %sign3A_136 = arith.cmpi sgt, %jit3A_126, %sign3A_135 : i32
      %sign3A_137 = arith.extui %sign3A_136 : i1 to i32
      %sign3A_138 = arith.constant 0 : i32
      %sign3A_139 = arith.cmpi slt, %jit3A_126, %sign3A_138 : i32
      %sign3A_140 = arith.extui %sign3A_139 : i1 to i32
      %sign3A_141 = arith.subi %sign3A_137, %sign3A_140 : i32
      %ne3A_142 = arith.cmpi ne, %sign3A_134, %sign3A_141 : i32
      %rem3A_143 = arith.remsi %mul3A_66, %jit3A_126 : i32
      %ne3A_144 = arith.constant 0 : i32
      %ne3A_145 = arith.cmpi ne, %rem3A_143, %ne3A_144 : i32
      %and3A_146 = arith.andi %ne3A_142, %ne3A_145 : i1
      %sub3A_147 = arith.constant 1 : i32
      %sub3A_148 = arith.subi %div3A_127, %sub3A_147 : i32
      %select_n3A_149 = arith.select %and3A_146, %sub3A_148, %div3A_127 : i32
      %jit3A_150 = arith.constant 62 : i32
      %eq3A_151 = arith.constant 0 : i32
      %eq3A_152 = arith.cmpi eq, %jit3A_150, %eq3A_151 : i32
      %jit3A_153 = arith.constant 1 : i32
      %select_n3A_154 = arith.select %eq3A_152, %jit3A_153, %jit3A_150 : i32
      %rem3A_155 = arith.remsi %mul3A_66, %select_n3A_154 : i32
      %ne3A_156 = arith.constant 0 : i32
      %ne3A_157 = arith.cmpi ne, %rem3A_155, %ne3A_156 : i32
      %lt3A_158 = arith.constant 0 : i32
      %lt3A_159 = arith.cmpi slt, %rem3A_155, %lt3A_158 : i32
      %lt3A_160 = arith.constant 0 : i32
      %lt3A_161 = arith.cmpi slt, %select_n3A_154, %lt3A_160 : i32
      %ne3A_162 = arith.xori %lt3A_159, %lt3A_161 : i1
      %and3A_163 = arith.andi %ne3A_162, %ne3A_157 : i1
      %add3A_164 = arith.addi %rem3A_155, %select_n3A_154 : i32
      %select_n3A_165 = arith.select %and3A_163, %add3A_164, %rem3A_155 : i32
      %mul3A_166 = arith.constant 8 : i32
      %mul3A_167 = arith.muli %select_n3A_165, %mul3A_166 : i32
      %dma_start3A_168 = arith.constant 0 : i32
      %dma_start3A_169 = tpu.memref_slice %arg4[%select_n3A_149, %add3A_4, %mul3A_167, %dma_start3A_168] : memref<4x64x496x432xf32, #tpu.memory_space<hbm>> -> memref<1x1x8x432xf32, #tpu.memory_space<hbm>>
      %dma_start3A_170 = tpu.memref_squeeze %dma_start3A_169 : memref<1x1x8x432xf32, #tpu.memory_space<hbm>> -> memref<8x432xf32, #tpu.memory_space<hbm>>
      %dma_start3A_171 = arith.constant 0 : i32
      %dma_start3A_172 = tpu.memref_slice %arg4[%select_n3A_149, %add3A_4, %mul3A_167, %dma_start3A_171] : memref<4x64x496x432xf32, #tpu.memory_space<hbm>> -> memref<1x1x8x432xf32, #tpu.memory_space<hbm>>
      %dma_start3A_173 = tpu.memref_squeeze %dma_start3A_172 : memref<1x1x8x432xf32, #tpu.memory_space<hbm>> -> memref<8x432xf32, #tpu.memory_space<hbm>>
      tpu.enqueue_dma source(%arg10 : memref<8x432xf32, #tpu.memory_space<vmem>>) target(%dma_start3A_173 : memref<8x432xf32, #tpu.memory_space<hbm>>) target_semaphore(%arg16 : memref<!tpu.dma_semaphore, #tpu.memory_space<semaphore_mem>>)
      %dma_wait3A_174 = arith.constant 0 : i32
      %dma_wait3A_175 = tpu.memref_slice %arg3[%dma_wait3A_174] : memref<857088xi32, #tpu.memory_space<hbm>> -> memref<3456xi32, #tpu.memory_space<hbm>>
      %dma_wait3A_176 = arith.constant 0 : i32
      %dma_wait3A_177 = tpu.memref_slice %arg3[%dma_wait3A_176] : memref<857088xi32, #tpu.memory_space<hbm>> -> memref<3456xi32, #tpu.memory_space<hbm>>
      tpu.wait_dma2 semaphore(%arg14 : memref<!tpu.dma_semaphore, #tpu.memory_space<semaphore_mem>>) src(%dma_wait3A_177 : memref<3456xi32, #tpu.memory_space<hbm>>) dst(%arg8 : memref<3456xi32, #tpu.memory_space<vmem>>)
      %lt3A_178 = arith.constant 123 : i32
      %lt3A_179 = arith.cmpi slt, %scan3A_63, %lt3A_178 : i32
      %convert_element_type3A_180 = arith.extui %lt3A_179 : i1 to i32
      %cond3A_181 = arith.constant 0 : i32
      %cond3A_182 = arith.cmpi ne, %convert_element_type3A_180, %cond3A_181 : i32
      scf.if %cond3A_182 {
        %add3A_292 = arith.constant 1 : i32
        %add3A_293 = arith.addi %add3A_70, %add3A_292 : i32
        %mul3A_294 = arith.constant 3456 : i32
        %mul3A_295 = arith.muli %add3A_293, %mul3A_294 : i32
        %dma_start3A_296 = tpu.memref_slice %arg3[%mul3A_295] : memref<857088xi32, #tpu.memory_space<hbm>> -> memref<3456xi32, #tpu.memory_space<hbm>>
        %dma_start3A_297 = tpu.memref_slice %arg3[%mul3A_295] : memref<857088xi32, #tpu.memory_space<hbm>> -> memref<3456xi32, #tpu.memory_space<hbm>>
        tpu.enqueue_dma source(%dma_start3A_297 : memref<3456xi32, #tpu.memory_space<hbm>>) target(%arg7 : memref<3456xi32, #tpu.memory_space<vmem>>) target_semaphore(%arg13 : memref<!tpu.dma_semaphore, #tpu.memory_space<semaphore_mem>>)
      } else {
      }
      %gt3A_183 = arith.constant 0 : i32
      %gt3A_184 = arith.cmpi sgt, %scan3A_63, %gt3A_183 : i32
      %convert_element_type3A_185 = arith.extui %gt3A_184 : i1 to i32
      %cond3A_186 = arith.constant 0 : i32
      %cond3A_187 = arith.cmpi ne, %convert_element_type3A_185, %cond3A_186 : i32
      scf.if %cond3A_187 {
        %dma_wait3A_292 = arith.constant 0 : i32
        %dma_wait3A_293 = arith.constant 0 : i32
        %dma_wait3A_294 = arith.constant 0 : i32
        %dma_wait3A_295 = arith.constant 0 : i32
        %dma_wait3A_296 = tpu.memref_slice %arg4[%dma_wait3A_292, %dma_wait3A_293, %dma_wait3A_294, %dma_wait3A_295] : memref<4x64x496x432xf32, #tpu.memory_space<hbm>> -> memref<1x1x8x432xf32, #tpu.memory_space<hbm>>
        %dma_wait3A_297 = tpu.memref_squeeze %dma_wait3A_296 : memref<1x1x8x432xf32, #tpu.memory_space<hbm>> -> memref<8x432xf32, #tpu.memory_space<hbm>>
        %dma_wait3A_298 = arith.constant 0 : i32
        %dma_wait3A_299 = arith.constant 0 : i32
        %dma_wait3A_300 = tpu.memref_slice %arg4[%dma_wait3A_292, %dma_wait3A_293, %dma_wait3A_298, %dma_wait3A_299] : memref<4x64x496x432xf32, #tpu.memory_space<hbm>> -> memref<1x1x8x432xf32, #tpu.memory_space<hbm>>
        %dma_wait3A_301 = tpu.memref_squeeze %dma_wait3A_300 : memref<1x1x8x432xf32, #tpu.memory_space<hbm>> -> memref<8x432xf32, #tpu.memory_space<hbm>>
        tpu.wait_dma2 semaphore(%arg17 : memref<!tpu.dma_semaphore, #tpu.memory_space<semaphore_mem>>) src(%arg11 : memref<8x432xf32, #tpu.memory_space<vmem>>) dst(%dma_wait3A_301 : memref<8x432xf32, #tpu.memory_space<hbm>>)
        %dma_wait3A_302 = arith.constant 0 : i32
        %dma_wait3A_303 = arith.constant 0 : i32
        %dma_wait3A_304 = arith.constant 0 : i32
        %dma_wait3A_305 = arith.constant 0 : i32
        %dma_wait3A_306 = tpu.memref_slice %arg4[%dma_wait3A_302, %dma_wait3A_303, %dma_wait3A_304, %dma_wait3A_305] : memref<4x64x496x432xf32, #tpu.memory_space<hbm>> -> memref<1x1x8x432xf32, #tpu.memory_space<hbm>>
        %dma_wait3A_307 = tpu.memref_squeeze %dma_wait3A_306 : memref<1x1x8x432xf32, #tpu.memory_space<hbm>> -> memref<8x432xf32, #tpu.memory_space<hbm>>
        %dma_wait3A_308 = arith.constant 0 : i32
        %dma_wait3A_309 = arith.constant 0 : i32
        %dma_wait3A_310 = tpu.memref_slice %arg4[%dma_wait3A_302, %dma_wait3A_303, %dma_wait3A_308, %dma_wait3A_309] : memref<4x64x496x432xf32, #tpu.memory_space<hbm>> -> memref<1x1x8x432xf32, #tpu.memory_space<hbm>>
        %dma_wait3A_311 = tpu.memref_squeeze %dma_wait3A_310 : memref<1x1x8x432xf32, #tpu.memory_space<hbm>> -> memref<8x432xf32, #tpu.memory_space<hbm>>
        tpu.wait_dma2 semaphore(%arg18 : memref<!tpu.dma_semaphore, #tpu.memory_space<semaphore_mem>>) src(%arg12 : memref<8x432xf32, #tpu.memory_space<vmem>>) dst(%dma_wait3A_311 : memref<8x432xf32, #tpu.memory_space<hbm>>)
      } else {
      }
      %scan3A_188 = arith.constant 0 : i32
      %scan3A_189 = arith.constant 0 : i32
      %scan3A_190 = arith.constant 8 : i32
      %scan3A_191 = arith.addi %scan3A_189, %scan3A_190 : i32
      %scan3A_192 = arith.constant 1 : i32
      %scan3A_193 = scf.for %scan3A_292 = %scan3A_189 to %scan3A_191 step %scan3A_192 iter_args(%scan3A_293 = %scan3A_188) -> (i32)  : i32 {
        %mul3A_294 = arith.constant 432 : i32
        %mul3A_295 = arith.muli %scan3A_292, %mul3A_294 : i32
        %add3A_296 = arith.constant 0 : i32
        %add3A_297 = arith.addi %mul3A_295, %add3A_296 : i32
        %get3A = arith.index_cast %add3A_297 : i32 to index
        %get3A_298 = tpu.vector_load %arg8[%get3A] {strides = array<i32>} : memref<3456xi32, #tpu.memory_space<vmem>>, vector<16xi32>,
        %add3A_299 = arith.constant 16 : i32
        %add3A_300 = arith.addi %mul3A_295, %add3A_299 : i32
        %get3A_301 = arith.index_cast %add3A_300 : i32 to index
        %get3A_302 = tpu.vector_load %arg8[%get3A_301] {strides = array<i32>} : memref<3456xi32, #tpu.memory_space<vmem>>, vector<16xi32>,
        %add3A_303 = arith.constant 32 : i32
        %add3A_304 = arith.addi %mul3A_295, %add3A_303 : i32
        %get3A_305 = arith.index_cast %add3A_304 : i32 to index
        %get3A_306 = tpu.vector_load %arg8[%get3A_305] {strides = array<i32>} : memref<3456xi32, #tpu.memory_space<vmem>>, vector<16xi32>,
        %add3A_307 = arith.constant 48 : i32
        %add3A_308 = arith.addi %mul3A_295, %add3A_307 : i32
        %get3A_309 = arith.index_cast %add3A_308 : i32 to index
        %get3A_310 = tpu.vector_load %arg8[%get3A_309] {strides = array<i32>} : memref<3456xi32, #tpu.memory_space<vmem>>, vector<16xi32>,
        %add3A_311 = arith.constant 64 : i32
        %add3A_312 = arith.addi %mul3A_295, %add3A_311 : i32
        %get3A_313 = arith.index_cast %add3A_312 : i32 to index
        %get3A_314 = tpu.vector_load %arg8[%get3A_313] {strides = array<i32>} : memref<3456xi32, #tpu.memory_space<vmem>>, vector<16xi32>,
        %add3A_315 = arith.constant 80 : i32
        %add3A_316 = arith.addi %mul3A_295, %add3A_315 : i32
        %get3A_317 = arith.index_cast %add3A_316 : i32 to index
        %get3A_318 = tpu.vector_load %arg8[%get3A_317] {strides = array<i32>} : memref<3456xi32, #tpu.memory_space<vmem>>, vector<16xi32>,
        %add3A_319 = arith.constant 96 : i32
        %add3A_320 = arith.addi %mul3A_295, %add3A_319 : i32
        %get3A_321 = arith.index_cast %add3A_320 : i32 to index
        %get3A_322 = tpu.vector_load %arg8[%get3A_321] {strides = array<i32>} : memref<3456xi32, #tpu.memory_space<vmem>>, vector<16xi32>,
        %add3A_323 = arith.constant 112 : i32
        %add3A_324 = arith.addi %mul3A_295, %add3A_323 : i32
        %get3A_325 = arith.index_cast %add3A_324 : i32 to index
        %get3A_326 = tpu.vector_load %arg8[%get3A_325] {strides = array<i32>} : memref<3456xi32, #tpu.memory_space<vmem>>, vector<16xi32>,
        %add3A_327 = arith.constant 128 : i32
        %add3A_328 = arith.addi %mul3A_295, %add3A_327 : i32
        %get3A_329 = arith.index_cast %add3A_328 : i32 to index
        %get3A_330 = tpu.vector_load %arg8[%get3A_329] {strides = array<i32>} : memref<3456xi32, #tpu.memory_space<vmem>>, vector<16xi32>,
        %gather3A = tpu.vector_load_idx %arg5[%get3A_298] : memref<40008xf32, #tpu.memory_space<vmem>>[vector<16xi32>], vector<16xf32>,
        %gather3A_331 = tpu.vector_load_idx %arg5[%get3A_302] : memref<40008xf32, #tpu.memory_space<vmem>>[vector<16xi32>], vector<16xf32>,
        %gather3A_332 = tpu.vector_load_idx %arg5[%get3A_306] : memref<40008xf32, #tpu.memory_space<vmem>>[vector<16xi32>], vector<16xf32>,
        %gather3A_333 = tpu.vector_load_idx %arg5[%get3A_310] : memref<40008xf32, #tpu.memory_space<vmem>>[vector<16xi32>], vector<16xf32>,
        %gather3A_334 = tpu.vector_load_idx %arg5[%get3A_314] : memref<40008xf32, #tpu.memory_space<vmem>>[vector<16xi32>], vector<16xf32>,
        %gather3A_335 = tpu.vector_load_idx %arg5[%get3A_318] : memref<40008xf32, #tpu.memory_space<vmem>>[vector<16xi32>], vector<16xf32>,
        %gather3A_336 = tpu.vector_load_idx %arg5[%get3A_322] : memref<40008xf32, #tpu.memory_space<vmem>>[vector<16xi32>], vector<16xf32>,
        %gather3A_337 = tpu.vector_load_idx %arg5[%get3A_326] : memref<40008xf32, #tpu.memory_space<vmem>>[vector<16xi32>], vector<16xf32>,
        %gather3A_338 = tpu.vector_load_idx %arg5[%get3A_330] : memref<40008xf32, #tpu.memory_space<vmem>>[vector<16xi32>], vector<16xf32>,
        %gather3A_339 = tpu.vector_load_idx %arg6[%get3A_298] : memref<40008xf32, #tpu.memory_space<vmem>>[vector<16xi32>], vector<16xf32>,
        %gather3A_340 = tpu.vector_load_idx %arg6[%get3A_302] : memref<40008xf32, #tpu.memory_space<vmem>>[vector<16xi32>], vector<16xf32>,
        %gather3A_341 = tpu.vector_load_idx %arg6[%get3A_306] : memref<40008xf32, #tpu.memory_space<vmem>>[vector<16xi32>], vector<16xf32>,
        %gather3A_342 = tpu.vector_load_idx %arg6[%get3A_310] : memref<40008xf32, #tpu.memory_space<vmem>>[vector<16xi32>], vector<16xf32>,
        %gather3A_343 = tpu.vector_load_idx %arg6[%get3A_314] : memref<40008xf32, #tpu.memory_space<vmem>>[vector<16xi32>], vector<16xf32>,
        %gather3A_344 = tpu.vector_load_idx %arg6[%get3A_318] : memref<40008xf32, #tpu.memory_space<vmem>>[vector<16xi32>], vector<16xf32>,
        %gather3A_345 = tpu.vector_load_idx %arg6[%get3A_322] : memref<40008xf32, #tpu.memory_space<vmem>>[vector<16xi32>], vector<16xf32>,
        %gather3A_346 = tpu.vector_load_idx %arg6[%get3A_326] : memref<40008xf32, #tpu.memory_space<vmem>>[vector<16xi32>], vector<16xf32>,
        %gather3A_347 = tpu.vector_load_idx %arg6[%get3A_330] : memref<40008xf32, #tpu.memory_space<vmem>>[vector<16xi32>], vector<16xf32>,
        %swap3A_348 = arith.index_cast %scan3A_292 : i32 to index
        %swap3A_349 = arith.constant 0 : index
        %swap3A_350 = tpu.vector_load %arg11[%swap3A_348, %swap3A_349] {strides = array<i32>} : memref<8x432xf32, #tpu.memory_space<vmem>>, vector<16xf32>,
        tpu.vector_store %arg11[%swap3A_348, %swap3A_349], %gather3A {strides = array<i32>} : memref<8x432xf32, #tpu.memory_space<vmem>>, vector<16xf32>,
        %swap3A_351 = arith.index_cast %scan3A_292 : i32 to index
        %swap3A_352 = arith.constant 0 : index
        %swap3A_353 = tpu.vector_load %arg12[%swap3A_351, %swap3A_352] {strides = array<i32>} : memref<8x432xf32, #tpu.memory_space<vmem>>, vector<16xf32>,
        tpu.vector_store %arg12[%swap3A_351, %swap3A_352], %gather3A_339 {strides = array<i32>} : memref<8x432xf32, #tpu.memory_space<vmem>>, vector<16xf32>,
        %swap3A_354 = arith.index_cast %scan3A_292 : i32 to index
        %swap3A_355 = arith.constant 16 : index
        %swap3A_356 = tpu.vector_load %arg11[%swap3A_354, %swap3A_355] {strides = array<i32>} : memref<8x432xf32, #tpu.memory_space<vmem>>, vector<16xf32>,
        tpu.vector_store %arg11[%swap3A_354, %swap3A_355], %gather3A_331 {strides = array<i32>} : memref<8x432xf32, #tpu.memory_space<vmem>>, vector<16xf32>,
        %swap3A_357 = arith.index_cast %scan3A_292 : i32 to index
        %swap3A_358 = arith.constant 16 : index
        %swap3A_359 = tpu.vector_load %arg12[%swap3A_357, %swap3A_358] {strides = array<i32>} : memref<8x432xf32, #tpu.memory_space<vmem>>, vector<16xf32>,
        tpu.vector_store %arg12[%swap3A_357, %swap3A_358], %gather3A_340 {strides = array<i32>} : memref<8x432xf32, #tpu.memory_space<vmem>>, vector<16xf32>,
        %swap3A_360 = arith.index_cast %scan3A_292 : i32 to index
        %swap3A_361 = arith.constant 32 : index
        %swap3A_362 = tpu.vector_load %arg11[%swap3A_360, %swap3A_361] {strides = array<i32>} : memref<8x432xf32, #tpu.memory_space<vmem>>, vector<16xf32>,
        tpu.vector_store %arg11[%swap3A_360, %swap3A_361], %gather3A_332 {strides = array<i32>} : memref<8x432xf32, #tpu.memory_space<vmem>>, vector<16xf32>,
        %swap3A_363 = arith.index_cast %scan3A_292 : i32 to index
        %swap3A_364 = arith.constant 32 : index
        %swap3A_365 = tpu.vector_load %arg12[%swap3A_363, %swap3A_364] {strides = array<i32>} : memref<8x432xf32, #tpu.memory_space<vmem>>, vector<16xf32>,
        tpu.vector_store %arg12[%swap3A_363, %swap3A_364], %gather3A_341 {strides = array<i32>} : memref<8x432xf32, #tpu.memory_space<vmem>>, vector<16xf32>,
        %swap3A_366 = arith.index_cast %scan3A_292 : i32 to index
        %swap3A_367 = arith.constant 48 : index
        %swap3A_368 = tpu.vector_load %arg11[%swap3A_366, %swap3A_367] {strides = array<i32>} : memref<8x432xf32, #tpu.memory_space<vmem>>, vector<16xf32>,
        tpu.vector_store %arg11[%swap3A_366, %swap3A_367], %gather3A_333 {strides = array<i32>} : memref<8x432xf32, #tpu.memory_space<vmem>>, vector<16xf32>,
        %swap3A_369 = arith.index_cast %scan3A_292 : i32 to index
        %swap3A_370 = arith.constant 48 : index
        %swap3A_371 = tpu.vector_load %arg12[%swap3A_369, %swap3A_370] {strides = array<i32>} : memref<8x432xf32, #tpu.memory_space<vmem>>, vector<16xf32>,
        tpu.vector_store %arg12[%swap3A_369, %swap3A_370], %gather3A_342 {strides = array<i32>} : memref<8x432xf32, #tpu.memory_space<vmem>>, vector<16xf32>,
        %swap3A_372 = arith.index_cast %scan3A_292 : i32 to index
        %swap3A_373 = arith.constant 64 : index
        %swap3A_374 = tpu.vector_load %arg11[%swap3A_372, %swap3A_373] {strides = array<i32>} : memref<8x432xf32, #tpu.memory_space<vmem>>, vector<16xf32>,
        tpu.vector_store %arg11[%swap3A_372, %swap3A_373], %gather3A_334 {strides = array<i32>} : memref<8x432xf32, #tpu.memory_space<vmem>>, vector<16xf32>,
        %swap3A_375 = arith.index_cast %scan3A_292 : i32 to index
        %swap3A_376 = arith.constant 64 : index
        %swap3A_377 = tpu.vector_load %arg12[%swap3A_375, %swap3A_376] {strides = array<i32>} : memref<8x432xf32, #tpu.memory_space<vmem>>, vector<16xf32>,
        tpu.vector_store %arg12[%swap3A_375, %swap3A_376], %gather3A_343 {strides = array<i32>} : memref<8x432xf32, #tpu.memory_space<vmem>>, vector<16xf32>,
        %swap3A_378 = arith.index_cast %scan3A_292 : i32 to index
        %swap3A_379 = arith.constant 80 : index
        %swap3A_380 = tpu.vector_load %arg11[%swap3A_378, %swap3A_379] {strides = array<i32>} : memref<8x432xf32, #tpu.memory_space<vmem>>, vector<16xf32>,
        tpu.vector_store %arg11[%swap3A_378, %swap3A_379], %gather3A_335 {strides = array<i32>} : memref<8x432xf32, #tpu.memory_space<vmem>>, vector<16xf32>,
        %swap3A_381 = arith.index_cast %scan3A_292 : i32 to index
        %swap3A_382 = arith.constant 80 : index
        %swap3A_383 = tpu.vector_load %arg12[%swap3A_381, %swap3A_382] {strides = array<i32>} : memref<8x432xf32, #tpu.memory_space<vmem>>, vector<16xf32>,
        tpu.vector_store %arg12[%swap3A_381, %swap3A_382], %gather3A_344 {strides = array<i32>} : memref<8x432xf32, #tpu.memory_space<vmem>>, vector<16xf32>,
        %swap3A_384 = arith.index_cast %scan3A_292 : i32 to index
        %swap3A_385 = arith.constant 96 : index
        %swap3A_386 = tpu.vector_load %arg11[%swap3A_384, %swap3A_385] {strides = array<i32>} : memref<8x432xf32, #tpu.memory_space<vmem>>, vector<16xf32>,
        tpu.vector_store %arg11[%swap3A_384, %swap3A_385], %gather3A_336 {strides = array<i32>} : memref<8x432xf32, #tpu.memory_space<vmem>>, vector<16xf32>,
        %swap3A_387 = arith.index_cast %scan3A_292 : i32 to index
        %swap3A_388 = arith.constant 96 : index
        %swap3A_389 = tpu.vector_load %arg12[%swap3A_387, %swap3A_388] {strides = array<i32>} : memref<8x432xf32, #tpu.memory_space<vmem>>, vector<16xf32>,
        tpu.vector_store %arg12[%swap3A_387, %swap3A_388], %gather3A_345 {strides = array<i32>} : memref<8x432xf32, #tpu.memory_space<vmem>>, vector<16xf32>,
        %swap3A_390 = arith.index_cast %scan3A_292 : i32 to index
        %swap3A_391 = arith.constant 112 : index
        %swap3A_392 = tpu.vector_load %arg11[%swap3A_390, %swap3A_391] {strides = array<i32>} : memref<8x432xf32, #tpu.memory_space<vmem>>, vector<16xf32>,
        tpu.vector_store %arg11[%swap3A_390, %swap3A_391], %gather3A_337 {strides = array<i32>} : memref<8x432xf32, #tpu.memory_space<vmem>>, vector<16xf32>,
        %swap3A_393 = arith.index_cast %scan3A_292 : i32 to index
        %swap3A_394 = arith.constant 112 : index
        %swap3A_395 = tpu.vector_load %arg12[%swap3A_393, %swap3A_394] {strides = array<i32>} : memref<8x432xf32, #tpu.memory_space<vmem>>, vector<16xf32>,
        tpu.vector_store %arg12[%swap3A_393, %swap3A_394], %gather3A_346 {strides = array<i32>} : memref<8x432xf32, #tpu.memory_space<vmem>>, vector<16xf32>,
        %swap3A_396 = arith.index_cast %scan3A_292 : i32 to index
        %swap3A_397 = arith.constant 128 : index
        %swap3A_398 = tpu.vector_load %arg11[%swap3A_396, %swap3A_397] {strides = array<i32>} : memref<8x432xf32, #tpu.memory_space<vmem>>, vector<16xf32>,
        tpu.vector_store %arg11[%swap3A_396, %swap3A_397], %gather3A_338 {strides = array<i32>} : memref<8x432xf32, #tpu.memory_space<vmem>>, vector<16xf32>,
        %swap3A_399 = arith.index_cast %scan3A_292 : i32 to index
        %swap3A_400 = arith.constant 128 : index
        %swap3A_401 = tpu.vector_load %arg12[%swap3A_399, %swap3A_400] {strides = array<i32>} : memref<8x432xf32, #tpu.memory_space<vmem>>, vector<16xf32>,
        tpu.vector_store %arg12[%swap3A_399, %swap3A_400], %gather3A_347 {strides = array<i32>} : memref<8x432xf32, #tpu.memory_space<vmem>>, vector<16xf32>,
        %add3A_402 = arith.constant 144 : i32
        %add3A_403 = arith.addi %mul3A_295, %add3A_402 : i32
        %get3A_404 = arith.index_cast %add3A_403 : i32 to index
        %get3A_405 = tpu.vector_load %arg8[%get3A_404] {strides = array<i32>} : memref<3456xi32, #tpu.memory_space<vmem>>, vector<16xi32>,
        %add3A_406 = arith.constant 160 : i32
        %add3A_407 = arith.addi %mul3A_295, %add3A_406 : i32
        %get3A_408 = arith.index_cast %add3A_407 : i32 to index
        %get3A_409 = tpu.vector_load %arg8[%get3A_408] {strides = array<i32>} : memref<3456xi32, #tpu.memory_space<vmem>>, vector<16xi32>,
        %add3A_410 = arith.constant 176 : i32
        %add3A_411 = arith.addi %mul3A_295, %add3A_410 : i32
        %get3A_412 = arith.index_cast %add3A_411 : i32 to index
        %get3A_413 = tpu.vector_load %arg8[%get3A_412] {strides = array<i32>} : memref<3456xi32, #tpu.memory_space<vmem>>, vector<16xi32>,
        %add3A_414 = arith.constant 192 : i32
        %add3A_415 = arith.addi %mul3A_295, %add3A_414 : i32
        %get3A_416 = arith.index_cast %add3A_415 : i32 to index
        %get3A_417 = tpu.vector_load %arg8[%get3A_416] {strides = array<i32>} : memref<3456xi32, #tpu.memory_space<vmem>>, vector<16xi32>,
        %add3A_418 = arith.constant 208 : i32
        %add3A_419 = arith.addi %mul3A_295, %add3A_418 : i32
        %get3A_420 = arith.index_cast %add3A_419 : i32 to index
        %get3A_421 = tpu.vector_load %arg8[%get3A_420] {strides = array<i32>} : memref<3456xi32, #tpu.memory_space<vmem>>, vector<16xi32>,
        %add3A_422 = arith.constant 224 : i32
        %add3A_423 = arith.addi %mul3A_295, %add3A_422 : i32
        %get3A_424 = arith.index_cast %add3A_423 : i32 to index
        %get3A_425 = tpu.vector_load %arg8[%get3A_424] {strides = array<i32>} : memref<3456xi32, #tpu.memory_space<vmem>>, vector<16xi32>,
        %add3A_426 = arith.constant 240 : i32
        %add3A_427 = arith.addi %mul3A_295, %add3A_426 : i32
        %get3A_428 = arith.index_cast %add3A_427 : i32 to index
        %get3A_429 = tpu.vector_load %arg8[%get3A_428] {strides = array<i32>} : memref<3456xi32, #tpu.memory_space<vmem>>, vector<16xi32>,
        %add3A_430 = arith.constant 256 : i32
        %add3A_431 = arith.addi %mul3A_295, %add3A_430 : i32
        %get3A_432 = arith.index_cast %add3A_431 : i32 to index
        %get3A_433 = tpu.vector_load %arg8[%get3A_432] {strides = array<i32>} : memref<3456xi32, #tpu.memory_space<vmem>>, vector<16xi32>,
        %add3A_434 = arith.constant 272 : i32
        %add3A_435 = arith.addi %mul3A_295, %add3A_434 : i32
        %get3A_436 = arith.index_cast %add3A_435 : i32 to index
        %get3A_437 = tpu.vector_load %arg8[%get3A_436] {strides = array<i32>} : memref<3456xi32, #tpu.memory_space<vmem>>, vector<16xi32>,
        %gather3A_438 = tpu.vector_load_idx %arg5[%get3A_405] : memref<40008xf32, #tpu.memory_space<vmem>>[vector<16xi32>], vector<16xf32>,
        %gather3A_439 = tpu.vector_load_idx %arg5[%get3A_409] : memref<40008xf32, #tpu.memory_space<vmem>>[vector<16xi32>], vector<16xf32>,
        %gather3A_440 = tpu.vector_load_idx %arg5[%get3A_413] : memref<40008xf32, #tpu.memory_space<vmem>>[vector<16xi32>], vector<16xf32>,
        %gather3A_441 = tpu.vector_load_idx %arg5[%get3A_417] : memref<40008xf32, #tpu.memory_space<vmem>>[vector<16xi32>], vector<16xf32>,
        %gather3A_442 = tpu.vector_load_idx %arg5[%get3A_421] : memref<40008xf32, #tpu.memory_space<vmem>>[vector<16xi32>], vector<16xf32>,
        %gather3A_443 = tpu.vector_load_idx %arg5[%get3A_425] : memref<40008xf32, #tpu.memory_space<vmem>>[vector<16xi32>], vector<16xf32>,
        %gather3A_444 = tpu.vector_load_idx %arg5[%get3A_429] : memref<40008xf32, #tpu.memory_space<vmem>>[vector<16xi32>], vector<16xf32>,
        %gather3A_445 = tpu.vector_load_idx %arg5[%get3A_433] : memref<40008xf32, #tpu.memory_space<vmem>>[vector<16xi32>], vector<16xf32>,
        %gather3A_446 = tpu.vector_load_idx %arg5[%get3A_437] : memref<40008xf32, #tpu.memory_space<vmem>>[vector<16xi32>], vector<16xf32>,
        %gather3A_447 = tpu.vector_load_idx %arg6[%get3A_405] : memref<40008xf32, #tpu.memory_space<vmem>>[vector<16xi32>], vector<16xf32>,
        %gather3A_448 = tpu.vector_load_idx %arg6[%get3A_409] : memref<40008xf32, #tpu.memory_space<vmem>>[vector<16xi32>], vector<16xf32>,
        %gather3A_449 = tpu.vector_load_idx %arg6[%get3A_413] : memref<40008xf32, #tpu.memory_space<vmem>>[vector<16xi32>], vector<16xf32>,
        %gather3A_450 = tpu.vector_load_idx %arg6[%get3A_417] : memref<40008xf32, #tpu.memory_space<vmem>>[vector<16xi32>], vector<16xf32>,
        %gather3A_451 = tpu.vector_load_idx %arg6[%get3A_421] : memref<40008xf32, #tpu.memory_space<vmem>>[vector<16xi32>], vector<16xf32>,
        %gather3A_452 = tpu.vector_load_idx %arg6[%get3A_425] : memref<40008xf32, #tpu.memory_space<vmem>>[vector<16xi32>], vector<16xf32>,
        %gather3A_453 = tpu.vector_load_idx %arg6[%get3A_429] : memref<40008xf32, #tpu.memory_space<vmem>>[vector<16xi32>], vector<16xf32>,
        %gather3A_454 = tpu.vector_load_idx %arg6[%get3A_433] : memref<40008xf32, #tpu.memory_space<vmem>>[vector<16xi32>], vector<16xf32>,
        %gather3A_455 = tpu.vector_load_idx %arg6[%get3A_437] : memref<40008xf32, #tpu.memory_space<vmem>>[vector<16xi32>], vector<16xf32>,
        %swap3A_456 = arith.index_cast %scan3A_292 : i32 to index
        %swap3A_457 = arith.constant 144 : index
        %swap3A_458 = tpu.vector_load %arg11[%swap3A_456, %swap3A_457] {strides = array<i32>} : memref<8x432xf32, #tpu.memory_space<vmem>>, vector<16xf32>,
        tpu.vector_store %arg11[%swap3A_456, %swap3A_457], %gather3A_438 {strides = array<i32>} : memref<8x432xf32, #tpu.memory_space<vmem>>, vector<16xf32>,
        %swap3A_459 = arith.index_cast %scan3A_292 : i32 to index
        %swap3A_460 = arith.constant 144 : index
        %swap3A_461 = tpu.vector_load %arg12[%swap3A_459, %swap3A_460] {strides = array<i32>} : memref<8x432xf32, #tpu.memory_space<vmem>>, vector<16xf32>,
        tpu.vector_store %arg12[%swap3A_459, %swap3A_460], %gather3A_447 {strides = array<i32>} : memref<8x432xf32, #tpu.memory_space<vmem>>, vector<16xf32>,
        %swap3A_462 = arith.index_cast %scan3A_292 : i32 to index
        %swap3A_463 = arith.constant 160 : index
        %swap3A_464 = tpu.vector_load %arg11[%swap3A_462, %swap3A_463] {strides = array<i32>} : memref<8x432xf32, #tpu.memory_space<vmem>>, vector<16xf32>,
        tpu.vector_store %arg11[%swap3A_462, %swap3A_463], %gather3A_439 {strides = array<i32>} : memref<8x432xf32, #tpu.memory_space<vmem>>, vector<16xf32>,
        %swap3A_465 = arith.index_cast %scan3A_292 : i32 to index
        %swap3A_466 = arith.constant 160 : index
        %swap3A_467 = tpu.vector_load %arg12[%swap3A_465, %swap3A_466] {strides = array<i32>} : memref<8x432xf32, #tpu.memory_space<vmem>>, vector<16xf32>,
        tpu.vector_store %arg12[%swap3A_465, %swap3A_466], %gather3A_448 {strides = array<i32>} : memref<8x432xf32, #tpu.memory_space<vmem>>, vector<16xf32>,
        %swap3A_468 = arith.index_cast %scan3A_292 : i32 to index
        %swap3A_469 = arith.constant 176 : index
        %swap3A_470 = tpu.vector_load %arg11[%swap3A_468, %swap3A_469] {strides = array<i32>} : memref<8x432xf32, #tpu.memory_space<vmem>>, vector<16xf32>,
        tpu.vector_store %arg11[%swap3A_468, %swap3A_469], %gather3A_440 {strides = array<i32>} : memref<8x432xf32, #tpu.memory_space<vmem>>, vector<16xf32>,
        %swap3A_471 = arith.index_cast %scan3A_292 : i32 to index
        %swap3A_472 = arith.constant 176 : index
        %swap3A_473 = tpu.vector_load %arg12[%swap3A_471, %swap3A_472] {strides = array<i32>} : memref<8x432xf32, #tpu.memory_space<vmem>>, vector<16xf32>,
        tpu.vector_store %arg12[%swap3A_471, %swap3A_472], %gather3A_449 {strides = array<i32>} : memref<8x432xf32, #tpu.memory_space<vmem>>, vector<16xf32>,
        %swap3A_474 = arith.index_cast %scan3A_292 : i32 to index
        %swap3A_475 = arith.constant 192 : index
        %swap3A_476 = tpu.vector_load %arg11[%swap3A_474, %swap3A_475] {strides = array<i32>} : memref<8x432xf32, #tpu.memory_space<vmem>>, vector<16xf32>,
        tpu.vector_store %arg11[%swap3A_474, %swap3A_475], %gather3A_441 {strides = array<i32>} : memref<8x432xf32, #tpu.memory_space<vmem>>, vector<16xf32>,
        %swap3A_477 = arith.index_cast %scan3A_292 : i32 to index
        %swap3A_478 = arith.constant 192 : index
        %swap3A_479 = tpu.vector_load %arg12[%swap3A_477, %swap3A_478] {strides = array<i32>} : memref<8x432xf32, #tpu.memory_space<vmem>>, vector<16xf32>,
        tpu.vector_store %arg12[%swap3A_477, %swap3A_478], %gather3A_450 {strides = array<i32>} : memref<8x432xf32, #tpu.memory_space<vmem>>, vector<16xf32>,
        %swap3A_480 = arith.index_cast %scan3A_292 : i32 to index
        %swap3A_481 = arith.constant 208 : index
        %swap3A_482 = tpu.vector_load %arg11[%swap3A_480, %swap3A_481] {strides = array<i32>} : memref<8x432xf32, #tpu.memory_space<vmem>>, vector<16xf32>,
        tpu.vector_store %arg11[%swap3A_480, %swap3A_481], %gather3A_442 {strides = array<i32>} : memref<8x432xf32, #tpu.memory_space<vmem>>, vector<16xf32>,
        %swap3A_483 = arith.index_cast %scan3A_292 : i32 to index
        %swap3A_484 = arith.constant 208 : index
        %swap3A_485 = tpu.vector_load %arg12[%swap3A_483, %swap3A_484] {strides = array<i32>} : memref<8x432xf32, #tpu.memory_space<vmem>>, vector<16xf32>,
        tpu.vector_store %arg12[%swap3A_483, %swap3A_484], %gather3A_451 {strides = array<i32>} : memref<8x432xf32, #tpu.memory_space<vmem>>, vector<16xf32>,
        %swap3A_486 = arith.index_cast %scan3A_292 : i32 to index
        %swap3A_487 = arith.constant 224 : index
        %swap3A_488 = tpu.vector_load %arg11[%swap3A_486, %swap3A_487] {strides = array<i32>} : memref<8x432xf32, #tpu.memory_space<vmem>>, vector<16xf32>,
        tpu.vector_store %arg11[%swap3A_486, %swap3A_487], %gather3A_443 {strides = array<i32>} : memref<8x432xf32, #tpu.memory_space<vmem>>, vector<16xf32>,
        %swap3A_489 = arith.index_cast %scan3A_292 : i32 to index
        %swap3A_490 = arith.constant 224 : index
        %swap3A_491 = tpu.vector_load %arg12[%swap3A_489, %swap3A_490] {strides = array<i32>} : memref<8x432xf32, #tpu.memory_space<vmem>>, vector<16xf32>,
        tpu.vector_store %arg12[%swap3A_489, %swap3A_490], %gather3A_452 {strides = array<i32>} : memref<8x432xf32, #tpu.memory_space<vmem>>, vector<16xf32>,
        %swap3A_492 = arith.index_cast %scan3A_292 : i32 to index
        %swap3A_493 = arith.constant 240 : index
        %swap3A_494 = tpu.vector_load %arg11[%swap3A_492, %swap3A_493] {strides = array<i32>} : memref<8x432xf32, #tpu.memory_space<vmem>>, vector<16xf32>,
        tpu.vector_store %arg11[%swap3A_492, %swap3A_493], %gather3A_444 {strides = array<i32>} : memref<8x432xf32, #tpu.memory_space<vmem>>, vector<16xf32>,
        %swap3A_495 = arith.index_cast %scan3A_292 : i32 to index
        %swap3A_496 = arith.constant 240 : index
        %swap3A_497 = tpu.vector_load %arg12[%swap3A_495, %swap3A_496] {strides = array<i32>} : memref<8x432xf32, #tpu.memory_space<vmem>>, vector<16xf32>,
        tpu.vector_store %arg12[%swap3A_495, %swap3A_496], %gather3A_453 {strides = array<i32>} : memref<8x432xf32, #tpu.memory_space<vmem>>, vector<16xf32>,
        %swap3A_498 = arith.index_cast %scan3A_292 : i32 to index
        %swap3A_499 = arith.constant 256 : index
        %swap3A_500 = tpu.vector_load %arg11[%swap3A_498, %swap3A_499] {strides = array<i32>} : memref<8x432xf32, #tpu.memory_space<vmem>>, vector<16xf32>,
        tpu.vector_store %arg11[%swap3A_498, %swap3A_499], %gather3A_445 {strides = array<i32>} : memref<8x432xf32, #tpu.memory_space<vmem>>, vector<16xf32>,
        %swap3A_501 = arith.index_cast %scan3A_292 : i32 to index
        %swap3A_502 = arith.constant 256 : index
        %swap3A_503 = tpu.vector_load %arg12[%swap3A_501, %swap3A_502] {strides = array<i32>} : memref<8x432xf32, #tpu.memory_space<vmem>>, vector<16xf32>,
        tpu.vector_store %arg12[%swap3A_501, %swap3A_502], %gather3A_454 {strides = array<i32>} : memref<8x432xf32, #tpu.memory_space<vmem>>, vector<16xf32>,
        %swap3A_504 = arith.index_cast %scan3A_292 : i32 to index
        %swap3A_505 = arith.constant 272 : index
        %swap3A_506 = tpu.vector_load %arg11[%swap3A_504, %swap3A_505] {strides = array<i32>} : memref<8x432xf32, #tpu.memory_space<vmem>>, vector<16xf32>,
        tpu.vector_store %arg11[%swap3A_504, %swap3A_505], %gather3A_446 {strides = array<i32>} : memref<8x432xf32, #tpu.memory_space<vmem>>, vector<16xf32>,
        %swap3A_507 = arith.index_cast %scan3A_292 : i32 to index
        %swap3A_508 = arith.constant 272 : index
        %swap3A_509 = tpu.vector_load %arg12[%swap3A_507, %swap3A_508] {strides = array<i32>} : memref<8x432xf32, #tpu.memory_space<vmem>>, vector<16xf32>,
        tpu.vector_store %arg12[%swap3A_507, %swap3A_508], %gather3A_455 {strides = array<i32>} : memref<8x432xf32, #tpu.memory_space<vmem>>, vector<16xf32>,
        %add3A_510 = arith.constant 288 : i32
        %add3A_511 = arith.addi %mul3A_295, %add3A_510 : i32
        %get3A_512 = arith.index_cast %add3A_511 : i32 to index
        %get3A_513 = tpu.vector_load %arg8[%get3A_512] {strides = array<i32>} : memref<3456xi32, #tpu.memory_space<vmem>>, vector<16xi32>,
        %add3A_514 = arith.constant 304 : i32
        %add3A_515 = arith.addi %mul3A_295, %add3A_514 : i32
        %get3A_516 = arith.index_cast %add3A_515 : i32 to index
        %get3A_517 = tpu.vector_load %arg8[%get3A_516] {strides = array<i32>} : memref<3456xi32, #tpu.memory_space<vmem>>, vector<16xi32>,
        %add3A_518 = arith.constant 320 : i32
        %add3A_519 = arith.addi %mul3A_295, %add3A_518 : i32
        %get3A_520 = arith.index_cast %add3A_519 : i32 to index
        %get3A_521 = tpu.vector_load %arg8[%get3A_520] {strides = array<i32>} : memref<3456xi32, #tpu.memory_space<vmem>>, vector<16xi32>,
        %add3A_522 = arith.constant 336 : i32
        %add3A_523 = arith.addi %mul3A_295, %add3A_522 : i32
        %get3A_524 = arith.index_cast %add3A_523 : i32 to index
        %get3A_525 = tpu.vector_load %arg8[%get3A_524] {strides = array<i32>} : memref<3456xi32, #tpu.memory_space<vmem>>, vector<16xi32>,
        %add3A_526 = arith.constant 352 : i32
        %add3A_527 = arith.addi %mul3A_295, %add3A_526 : i32
        %get3A_528 = arith.index_cast %add3A_527 : i32 to index
        %get3A_529 = tpu.vector_load %arg8[%get3A_528] {strides = array<i32>} : memref<3456xi32, #tpu.memory_space<vmem>>, vector<16xi32>,
        %add3A_530 = arith.constant 368 : i32
        %add3A_531 = arith.addi %mul3A_295, %add3A_530 : i32
        %get3A_532 = arith.index_cast %add3A_531 : i32 to index
        %get3A_533 = tpu.vector_load %arg8[%get3A_532] {strides = array<i32>} : memref<3456xi32, #tpu.memory_space<vmem>>, vector<16xi32>,
        %add3A_534 = arith.constant 384 : i32
        %add3A_535 = arith.addi %mul3A_295, %add3A_534 : i32
        %get3A_536 = arith.index_cast %add3A_535 : i32 to index
        %get3A_537 = tpu.vector_load %arg8[%get3A_536] {strides = array<i32>} : memref<3456xi32, #tpu.memory_space<vmem>>, vector<16xi32>,
        %add3A_538 = arith.constant 400 : i32
        %add3A_539 = arith.addi %mul3A_295, %add3A_538 : i32
        %get3A_540 = arith.index_cast %add3A_539 : i32 to index
        %get3A_541 = tpu.vector_load %arg8[%get3A_540] {strides = array<i32>} : memref<3456xi32, #tpu.memory_space<vmem>>, vector<16xi32>,
        %add3A_542 = arith.constant 416 : i32
        %add3A_543 = arith.addi %mul3A_295, %add3A_542 : i32
        %get3A_544 = arith.index_cast %add3A_543 : i32 to index
        %get3A_545 = tpu.vector_load %arg8[%get3A_544] {strides = array<i32>} : memref<3456xi32, #tpu.memory_space<vmem>>, vector<16xi32>,
        %gather3A_546 = tpu.vector_load_idx %arg5[%get3A_513] : memref<40008xf32, #tpu.memory_space<vmem>>[vector<16xi32>], vector<16xf32>,
        %gather3A_547 = tpu.vector_load_idx %arg5[%get3A_517] : memref<40008xf32, #tpu.memory_space<vmem>>[vector<16xi32>], vector<16xf32>,
        %gather3A_548 = tpu.vector_load_idx %arg5[%get3A_521] : memref<40008xf32, #tpu.memory_space<vmem>>[vector<16xi32>], vector<16xf32>,
        %gather3A_549 = tpu.vector_load_idx %arg5[%get3A_525] : memref<40008xf32, #tpu.memory_space<vmem>>[vector<16xi32>], vector<16xf32>,
        %gather3A_550 = tpu.vector_load_idx %arg5[%get3A_529] : memref<40008xf32, #tpu.memory_space<vmem>>[vector<16xi32>], vector<16xf32>,
        %gather3A_551 = tpu.vector_load_idx %arg5[%get3A_533] : memref<40008xf32, #tpu.memory_space<vmem>>[vector<16xi32>], vector<16xf32>,
        %gather3A_552 = tpu.vector_load_idx %arg5[%get3A_537] : memref<40008xf32, #tpu.memory_space<vmem>>[vector<16xi32>], vector<16xf32>,
        %gather3A_553 = tpu.vector_load_idx %arg5[%get3A_541] : memref<40008xf32, #tpu.memory_space<vmem>>[vector<16xi32>], vector<16xf32>,
        %gather3A_554 = tpu.vector_load_idx %arg5[%get3A_545] : memref<40008xf32, #tpu.memory_space<vmem>>[vector<16xi32>], vector<16xf32>,
        %gather3A_555 = tpu.vector_load_idx %arg6[%get3A_513] : memref<40008xf32, #tpu.memory_space<vmem>>[vector<16xi32>], vector<16xf32>,
        %gather3A_556 = tpu.vector_load_idx %arg6[%get3A_517] : memref<40008xf32, #tpu.memory_space<vmem>>[vector<16xi32>], vector<16xf32>,
        %gather3A_557 = tpu.vector_load_idx %arg6[%get3A_521] : memref<40008xf32, #tpu.memory_space<vmem>>[vector<16xi32>], vector<16xf32>,
        %gather3A_558 = tpu.vector_load_idx %arg6[%get3A_525] : memref<40008xf32, #tpu.memory_space<vmem>>[vector<16xi32>], vector<16xf32>,
        %gather3A_559 = tpu.vector_load_idx %arg6[%get3A_529] : memref<40008xf32, #tpu.memory_space<vmem>>[vector<16xi32>], vector<16xf32>,
        %gather3A_560 = tpu.vector_load_idx %arg6[%get3A_533] : memref<40008xf32, #tpu.memory_space<vmem>>[vector<16xi32>], vector<16xf32>,
        %gather3A_561 = tpu.vector_load_idx %arg6[%get3A_537] : memref<40008xf32, #tpu.memory_space<vmem>>[vector<16xi32>], vector<16xf32>,
        %gather3A_562 = tpu.vector_load_idx %arg6[%get3A_541] : memref<40008xf32, #tpu.memory_space<vmem>>[vector<16xi32>], vector<16xf32>,
        %gather3A_563 = tpu.vector_load_idx %arg6[%get3A_545] : memref<40008xf32, #tpu.memory_space<vmem>>[vector<16xi32>], vector<16xf32>,
        %swap3A_564 = arith.index_cast %scan3A_292 : i32 to index
        %swap3A_565 = arith.constant 288 : index
        %swap3A_566 = tpu.vector_load %arg11[%swap3A_564, %swap3A_565] {strides = array<i32>} : memref<8x432xf32, #tpu.memory_space<vmem>>, vector<16xf32>,
        tpu.vector_store %arg11[%swap3A_564, %swap3A_565], %gather3A_546 {strides = array<i32>} : memref<8x432xf32, #tpu.memory_space<vmem>>, vector<16xf32>,
        %swap3A_567 = arith.index_cast %scan3A_292 : i32 to index
        %swap3A_568 = arith.constant 288 : index
        %swap3A_569 = tpu.vector_load %arg12[%swap3A_567, %swap3A_568] {strides = array<i32>} : memref<8x432xf32, #tpu.memory_space<vmem>>, vector<16xf32>,
        tpu.vector_store %arg12[%swap3A_567, %swap3A_568], %gather3A_555 {strides = array<i32>} : memref<8x432xf32, #tpu.memory_space<vmem>>, vector<16xf32>,
        %swap3A_570 = arith.index_cast %scan3A_292 : i32 to index
        %swap3A_571 = arith.constant 304 : index
        %swap3A_572 = tpu.vector_load %arg11[%swap3A_570, %swap3A_571] {strides = array<i32>} : memref<8x432xf32, #tpu.memory_space<vmem>>, vector<16xf32>,
        tpu.vector_store %arg11[%swap3A_570, %swap3A_571], %gather3A_547 {strides = array<i32>} : memref<8x432xf32, #tpu.memory_space<vmem>>, vector<16xf32>,
        %swap3A_573 = arith.index_cast %scan3A_292 : i32 to index
        %swap3A_574 = arith.constant 304 : index
        %swap3A_575 = tpu.vector_load %arg12[%swap3A_573, %swap3A_574] {strides = array<i32>} : memref<8x432xf32, #tpu.memory_space<vmem>>, vector<16xf32>,
        tpu.vector_store %arg12[%swap3A_573, %swap3A_574], %gather3A_556 {strides = array<i32>} : memref<8x432xf32, #tpu.memory_space<vmem>>, vector<16xf32>,
        %swap3A_576 = arith.index_cast %scan3A_292 : i32 to index
        %swap3A_577 = arith.constant 320 : index
        %swap3A_578 = tpu.vector_load %arg11[%swap3A_576, %swap3A_577] {strides = array<i32>} : memref<8x432xf32, #tpu.memory_space<vmem>>, vector<16xf32>,
        tpu.vector_store %arg11[%swap3A_576, %swap3A_577], %gather3A_548 {strides = array<i32>} : memref<8x432xf32, #tpu.memory_space<vmem>>, vector<16xf32>,
        %swap3A_579 = arith.index_cast %scan3A_292 : i32 to index
        %swap3A_580 = arith.constant 320 : index
        %swap3A_581 = tpu.vector_load %arg12[%swap3A_579, %swap3A_580] {strides = array<i32>} : memref<8x432xf32, #tpu.memory_space<vmem>>, vector<16xf32>,
        tpu.vector_store %arg12[%swap3A_579, %swap3A_580], %gather3A_557 {strides = array<i32>} : memref<8x432xf32, #tpu.memory_space<vmem>>, vector<16xf32>,
        %swap3A_582 = arith.index_cast %scan3A_292 : i32 to index
        %swap3A_583 = arith.constant 336 : index
        %swap3A_584 = tpu.vector_load %arg11[%swap3A_582, %swap3A_583] {strides = array<i32>} : memref<8x432xf32, #tpu.memory_space<vmem>>, vector<16xf32>,
        tpu.vector_store %arg11[%swap3A_582, %swap3A_583], %gather3A_549 {strides = array<i32>} : memref<8x432xf32, #tpu.memory_space<vmem>>, vector<16xf32>,
        %swap3A_585 = arith.index_cast %scan3A_292 : i32 to index
        %swap3A_586 = arith.constant 336 : index
        %swap3A_587 = tpu.vector_load %arg12[%swap3A_585, %swap3A_586] {strides = array<i32>} : memref<8x432xf32, #tpu.memory_space<vmem>>, vector<16xf32>,
        tpu.vector_store %arg12[%swap3A_585, %swap3A_586], %gather3A_558 {strides = array<i32>} : memref<8x432xf32, #tpu.memory_space<vmem>>, vector<16xf32>,
        %swap3A_588 = arith.index_cast %scan3A_292 : i32 to index
        %swap3A_589 = arith.constant 352 : index
        %swap3A_590 = tpu.vector_load %arg11[%swap3A_588, %swap3A_589] {strides = array<i32>} : memref<8x432xf32, #tpu.memory_space<vmem>>, vector<16xf32>,
        tpu.vector_store %arg11[%swap3A_588, %swap3A_589], %gather3A_550 {strides = array<i32>} : memref<8x432xf32, #tpu.memory_space<vmem>>, vector<16xf32>,
        %swap3A_591 = arith.index_cast %scan3A_292 : i32 to index
        %swap3A_592 = arith.constant 352 : index
        %swap3A_593 = tpu.vector_load %arg12[%swap3A_591, %swap3A_592] {strides = array<i32>} : memref<8x432xf32, #tpu.memory_space<vmem>>, vector<16xf32>,
        tpu.vector_store %arg12[%swap3A_591, %swap3A_592], %gather3A_559 {strides = array<i32>} : memref<8x432xf32, #tpu.memory_space<vmem>>, vector<16xf32>,
        %swap3A_594 = arith.index_cast %scan3A_292 : i32 to index
        %swap3A_595 = arith.constant 368 : index
        %swap3A_596 = tpu.vector_load %arg11[%swap3A_594, %swap3A_595] {strides = array<i32>} : memref<8x432xf32, #tpu.memory_space<vmem>>, vector<16xf32>,
        tpu.vector_store %arg11[%swap3A_594, %swap3A_595], %gather3A_551 {strides = array<i32>} : memref<8x432xf32, #tpu.memory_space<vmem>>, vector<16xf32>,
        %swap3A_597 = arith.index_cast %scan3A_292 : i32 to index
        %swap3A_598 = arith.constant 368 : index
        %swap3A_599 = tpu.vector_load %arg12[%swap3A_597, %swap3A_598] {strides = array<i32>} : memref<8x432xf32, #tpu.memory_space<vmem>>, vector<16xf32>,
        tpu.vector_store %arg12[%swap3A_597, %swap3A_598], %gather3A_560 {strides = array<i32>} : memref<8x432xf32, #tpu.memory_space<vmem>>, vector<16xf32>,
        %swap3A_600 = arith.index_cast %scan3A_292 : i32 to index
        %swap3A_601 = arith.constant 384 : index
        %swap3A_602 = tpu.vector_load %arg11[%swap3A_600, %swap3A_601] {strides = array<i32>} : memref<8x432xf32, #tpu.memory_space<vmem>>, vector<16xf32>,
        tpu.vector_store %arg11[%swap3A_600, %swap3A_601], %gather3A_552 {strides = array<i32>} : memref<8x432xf32, #tpu.memory_space<vmem>>, vector<16xf32>,
        %swap3A_603 = arith.index_cast %scan3A_292 : i32 to index
        %swap3A_604 = arith.constant 384 : index
        %swap3A_605 = tpu.vector_load %arg12[%swap3A_603, %swap3A_604] {strides = array<i32>} : memref<8x432xf32, #tpu.memory_space<vmem>>, vector<16xf32>,
        tpu.vector_store %arg12[%swap3A_603, %swap3A_604], %gather3A_561 {strides = array<i32>} : memref<8x432xf32, #tpu.memory_space<vmem>>, vector<16xf32>,
        %swap3A_606 = arith.index_cast %scan3A_292 : i32 to index
        %swap3A_607 = arith.constant 400 : index
        %swap3A_608 = tpu.vector_load %arg11[%swap3A_606, %swap3A_607] {strides = array<i32>} : memref<8x432xf32, #tpu.memory_space<vmem>>, vector<16xf32>,
        tpu.vector_store %arg11[%swap3A_606, %swap3A_607], %gather3A_553 {strides = array<i32>} : memref<8x432xf32, #tpu.memory_space<vmem>>, vector<16xf32>,
        %swap3A_609 = arith.index_cast %scan3A_292 : i32 to index
        %swap3A_610 = arith.constant 400 : index
        %swap3A_611 = tpu.vector_load %arg12[%swap3A_609, %swap3A_610] {strides = array<i32>} : memref<8x432xf32, #tpu.memory_space<vmem>>, vector<16xf32>,
        tpu.vector_store %arg12[%swap3A_609, %swap3A_610], %gather3A_562 {strides = array<i32>} : memref<8x432xf32, #tpu.memory_space<vmem>>, vector<16xf32>,
        %swap3A_612 = arith.index_cast %scan3A_292 : i32 to index
        %swap3A_613 = arith.constant 416 : index
        %swap3A_614 = tpu.vector_load %arg11[%swap3A_612, %swap3A_613] {strides = array<i32>} : memref<8x432xf32, #tpu.memory_space<vmem>>, vector<16xf32>,
        tpu.vector_store %arg11[%swap3A_612, %swap3A_613], %gather3A_554 {strides = array<i32>} : memref<8x432xf32, #tpu.memory_space<vmem>>, vector<16xf32>,
        %swap3A_615 = arith.index_cast %scan3A_292 : i32 to index
        %swap3A_616 = arith.constant 416 : index
        %swap3A_617 = tpu.vector_load %arg12[%swap3A_615, %swap3A_616] {strides = array<i32>} : memref<8x432xf32, #tpu.memory_space<vmem>>, vector<16xf32>,
        tpu.vector_store %arg12[%swap3A_615, %swap3A_616], %gather3A_563 {strides = array<i32>} : memref<8x432xf32, #tpu.memory_space<vmem>>, vector<16xf32>,
        %scan3A_618 = arith.constant 0 : i32
        scf.yield %scan3A_618 : i32
      }
      %scan3A_194 = arith.constant 8 : i32
      %jit3A_195 = arith.constant 62 : i32
      %div3A_196 = arith.divsi %add3A_70, %jit3A_195 : i32
      %sign3A_197 = arith.constant 0 : i32
      %sign3A_198 = arith.cmpi sgt, %add3A_70, %sign3A_197 : i32
      %sign3A_199 = arith.extui %sign3A_198 : i1 to i32
      %sign3A_200 = arith.constant 0 : i32
      %sign3A_201 = arith.cmpi slt, %add3A_70, %sign3A_200 : i32
      %sign3A_202 = arith.extui %sign3A_201 : i1 to i32
      %sign3A_203 = arith.subi %sign3A_199, %sign3A_202 : i32
      %sign3A_204 = arith.constant 0 : i32
      %sign3A_205 = arith.cmpi sgt, %jit3A_195, %sign3A_204 : i32
      %sign3A_206 = arith.extui %sign3A_205 : i1 to i32
      %sign3A_207 = arith.constant 0 : i32
      %sign3A_208 = arith.cmpi slt, %jit3A_195, %sign3A_207 : i32
      %sign3A_209 = arith.extui %sign3A_208 : i1 to i32
      %sign3A_210 = arith.subi %sign3A_206, %sign3A_209 : i32
      %ne3A_211 = arith.cmpi ne, %sign3A_203, %sign3A_210 : i32
      %rem3A_212 = arith.remsi %add3A_70, %jit3A_195 : i32
      %ne3A_213 = arith.constant 0 : i32
      %ne3A_214 = arith.cmpi ne, %rem3A_212, %ne3A_213 : i32
      %and3A_215 = arith.andi %ne3A_211, %ne3A_214 : i1
      %sub3A_216 = arith.constant 1 : i32
      %sub3A_217 = arith.subi %div3A_196, %sub3A_216 : i32
      %select_n3A_218 = arith.select %and3A_215, %sub3A_217, %div3A_196 : i32
      %jit3A_219 = arith.constant 62 : i32
      %eq3A_220 = arith.constant 0 : i32
      %eq3A_221 = arith.cmpi eq, %jit3A_219, %eq3A_220 : i32
      %jit3A_222 = arith.constant 1 : i32
      %select_n3A_223 = arith.select %eq3A_221, %jit3A_222, %jit3A_219 : i32
      %rem3A_224 = arith.remsi %add3A_70, %select_n3A_223 : i32
      %ne3A_225 = arith.constant 0 : i32
      %ne3A_226 = arith.cmpi ne, %rem3A_224, %ne3A_225 : i32
      %lt3A_227 = arith.constant 0 : i32
      %lt3A_228 = arith.cmpi slt, %rem3A_224, %lt3A_227 : i32
      %lt3A_229 = arith.constant 0 : i32
      %lt3A_230 = arith.cmpi slt, %select_n3A_223, %lt3A_229 : i32
      %ne3A_231 = arith.xori %lt3A_228, %lt3A_230 : i1
      %and3A_232 = arith.andi %ne3A_231, %ne3A_226 : i1
      %add3A_233 = arith.addi %rem3A_224, %select_n3A_223 : i32
      %select_n3A_234 = arith.select %and3A_232, %add3A_233, %rem3A_224 : i32
      %mul3A_235 = arith.constant 8 : i32
      %mul3A_236 = arith.muli %select_n3A_234, %mul3A_235 : i32
      %dma_start3A_237 = arith.constant 0 : i32
      %dma_start3A_238 = tpu.memref_slice %arg4[%select_n3A_218, %mul3A_2, %mul3A_236, %dma_start3A_237] : memref<4x64x496x432xf32, #tpu.memory_space<hbm>> -> memref<1x1x8x432xf32, #tpu.memory_space<hbm>>
      %dma_start3A_239 = tpu.memref_squeeze %dma_start3A_238 : memref<1x1x8x432xf32, #tpu.memory_space<hbm>> -> memref<8x432xf32, #tpu.memory_space<hbm>>
      %dma_start3A_240 = arith.constant 0 : i32
      %dma_start3A_241 = tpu.memref_slice %arg4[%select_n3A_218, %mul3A_2, %mul3A_236, %dma_start3A_240] : memref<4x64x496x432xf32, #tpu.memory_space<hbm>> -> memref<1x1x8x432xf32, #tpu.memory_space<hbm>>
      %dma_start3A_242 = tpu.memref_squeeze %dma_start3A_241 : memref<1x1x8x432xf32, #tpu.memory_space<hbm>> -> memref<8x432xf32, #tpu.memory_space<hbm>>
      tpu.enqueue_dma source(%arg11 : memref<8x432xf32, #tpu.memory_space<vmem>>) target(%dma_start3A_242 : memref<8x432xf32, #tpu.memory_space<hbm>>) target_semaphore(%arg17 : memref<!tpu.dma_semaphore, #tpu.memory_space<semaphore_mem>>)
      %jit3A_243 = arith.constant 62 : i32
      %div3A_244 = arith.divsi %add3A_70, %jit3A_243 : i32
      %sign3A_245 = arith.constant 0 : i32
      %sign3A_246 = arith.cmpi sgt, %add3A_70, %sign3A_245 : i32
      %sign3A_247 = arith.extui %sign3A_246 : i1 to i32
      %sign3A_248 = arith.constant 0 : i32
      %sign3A_249 = arith.cmpi slt, %add3A_70, %sign3A_248 : i32
      %sign3A_250 = arith.extui %sign3A_249 : i1 to i32
      %sign3A_251 = arith.subi %sign3A_247, %sign3A_250 : i32
      %sign3A_252 = arith.constant 0 : i32
      %sign3A_253 = arith.cmpi sgt, %jit3A_243, %sign3A_252 : i32
      %sign3A_254 = arith.extui %sign3A_253 : i1 to i32
      %sign3A_255 = arith.constant 0 : i32
      %sign3A_256 = arith.cmpi slt, %jit3A_243, %sign3A_255 : i32
      %sign3A_257 = arith.extui %sign3A_256 : i1 to i32
      %sign3A_258 = arith.subi %sign3A_254, %sign3A_257 : i32
      %ne3A_259 = arith.cmpi ne, %sign3A_251, %sign3A_258 : i32
      %rem3A_260 = arith.remsi %add3A_70, %jit3A_243 : i32
      %ne3A_261 = arith.constant 0 : i32
      %ne3A_262 = arith.cmpi ne, %rem3A_260, %ne3A_261 : i32
      %and3A_263 = arith.andi %ne3A_259, %ne3A_262 : i1
      %sub3A_264 = arith.constant 1 : i32
      %sub3A_265 = arith.subi %div3A_244, %sub3A_264 : i32
      %select_n3A_266 = arith.select %and3A_263, %sub3A_265, %div3A_244 : i32
      %jit3A_267 = arith.constant 62 : i32
      %eq3A_268 = arith.constant 0 : i32
      %eq3A_269 = arith.cmpi eq, %jit3A_267, %eq3A_268 : i32
      %jit3A_270 = arith.constant 1 : i32
      %select_n3A_271 = arith.select %eq3A_269, %jit3A_270, %jit3A_267 : i32
      %rem3A_272 = arith.remsi %add3A_70, %select_n3A_271 : i32
      %ne3A_273 = arith.constant 0 : i32
      %ne3A_274 = arith.cmpi ne, %rem3A_272, %ne3A_273 : i32
      %lt3A_275 = arith.constant 0 : i32
      %lt3A_276 = arith.cmpi slt, %rem3A_272, %lt3A_275 : i32
      %lt3A_277 = arith.constant 0 : i32
      %lt3A_278 = arith.cmpi slt, %select_n3A_271, %lt3A_277 : i32
      %ne3A_279 = arith.xori %lt3A_276, %lt3A_278 : i1
      %and3A_280 = arith.andi %ne3A_279, %ne3A_274 : i1
      %add3A_281 = arith.addi %rem3A_272, %select_n3A_271 : i32
      %select_n3A_282 = arith.select %and3A_280, %add3A_281, %rem3A_272 : i32
      %mul3A_283 = arith.constant 8 : i32
      %mul3A_284 = arith.muli %select_n3A_282, %mul3A_283 : i32
      %dma_start3A_285 = arith.constant 0 : i32
      %dma_start3A_286 = tpu.memref_slice %arg4[%select_n3A_266, %add3A_4, %mul3A_284, %dma_start3A_285] : memref<4x64x496x432xf32, #tpu.memory_space<hbm>> -> memref<1x1x8x432xf32, #tpu.memory_space<hbm>>
      %dma_start3A_287 = tpu.memref_squeeze %dma_start3A_286 : memref<1x1x8x432xf32, #tpu.memory_space<hbm>> -> memref<8x432xf32, #tpu.memory_space<hbm>>
      %dma_start3A_288 = arith.constant 0 : i32
      %dma_start3A_289 = tpu.memref_slice %arg4[%select_n3A_266, %add3A_4, %mul3A_284, %dma_start3A_288] : memref<4x64x496x432xf32, #tpu.memory_space<hbm>> -> memref<1x1x8x432xf32, #tpu.memory_space<hbm>>
      %dma_start3A_290 = tpu.memref_squeeze %dma_start3A_289 : memref<1x1x8x432xf32, #tpu.memory_space<hbm>> -> memref<8x432xf32, #tpu.memory_space<hbm>>
      tpu.enqueue_dma source(%arg12 : memref<8x432xf32, #tpu.memory_space<vmem>>) target(%dma_start3A_290 : memref<8x432xf32, #tpu.memory_space<hbm>>) target_semaphore(%arg18 : memref<!tpu.dma_semaphore, #tpu.memory_space<semaphore_mem>>)
      %scan3A_291 = arith.constant 0 : i32
      scf.yield %scan3A_291 : i32
    }
    %scan3A_23 = arith.constant 124 : i32
    %dma_wait3A = arith.constant 0 : i32
    %dma_wait3A_24 = arith.constant 0 : i32
    %dma_wait3A_25 = arith.constant 0 : i32
    %dma_wait3A_26 = arith.constant 0 : i32
    %dma_wait3A_27 = tpu.memref_slice %arg4[%dma_wait3A, %dma_wait3A_24, %dma_wait3A_25, %dma_wait3A_26] : memref<4x64x496x432xf32, #tpu.memory_space<hbm>> -> memref<1x1x8x432xf32, #tpu.memory_space<hbm>>
    %dma_wait3A_28 = tpu.memref_squeeze %dma_wait3A_27 : memref<1x1x8x432xf32, #tpu.memory_space<hbm>> -> memref<8x432xf32, #tpu.memory_space<hbm>>
    %dma_wait3A_29 = arith.constant 0 : i32
    %dma_wait3A_30 = arith.constant 0 : i32
    %dma_wait3A_31 = tpu.memref_slice %arg4[%dma_wait3A, %dma_wait3A_24, %dma_wait3A_29, %dma_wait3A_30] : memref<4x64x496x432xf32, #tpu.memory_space<hbm>> -> memref<1x1x8x432xf32, #tpu.memory_space<hbm>>
    %dma_wait3A_32 = tpu.memref_squeeze %dma_wait3A_31 : memref<1x1x8x432xf32, #tpu.memory_space<hbm>> -> memref<8x432xf32, #tpu.memory_space<hbm>>
    tpu.wait_dma2 semaphore(%arg15 : memref<!tpu.dma_semaphore, #tpu.memory_space<semaphore_mem>>) src(%arg9 : memref<8x432xf32, #tpu.memory_space<vmem>>) dst(%dma_wait3A_32 : memref<8x432xf32, #tpu.memory_space<hbm>>)
    %dma_wait3A_33 = arith.constant 0 : i32
    %dma_wait3A_34 = arith.constant 0 : i32
    %dma_wait3A_35 = arith.constant 0 : i32
    %dma_wait3A_36 = arith.constant 0 : i32
    %dma_wait3A_37 = tpu.memref_slice %arg4[%dma_wait3A_33, %dma_wait3A_34, %dma_wait3A_35, %dma_wait3A_36] : memref<4x64x496x432xf32, #tpu.memory_space<hbm>> -> memref<1x1x8x432xf32, #tpu.memory_space<hbm>>
    %dma_wait3A_38 = tpu.memref_squeeze %dma_wait3A_37 : memref<1x1x8x432xf32, #tpu.memory_space<hbm>> -> memref<8x432xf32, #tpu.memory_space<hbm>>
    %dma_wait3A_39 = arith.constant 0 : i32
    %dma_wait3A_40 = arith.constant 0 : i32
    %dma_wait3A_41 = tpu.memref_slice %arg4[%dma_wait3A_33, %dma_wait3A_34, %dma_wait3A_39, %dma_wait3A_40] : memref<4x64x496x432xf32, #tpu.memory_space<hbm>> -> memref<1x1x8x432xf32, #tpu.memory_space<hbm>>
    %dma_wait3A_42 = tpu.memref_squeeze %dma_wait3A_41 : memref<1x1x8x432xf32, #tpu.memory_space<hbm>> -> memref<8x432xf32, #tpu.memory_space<hbm>>
    tpu.wait_dma2 semaphore(%arg16 : memref<!tpu.dma_semaphore, #tpu.memory_space<semaphore_mem>>) src(%arg10 : memref<8x432xf32, #tpu.memory_space<vmem>>) dst(%dma_wait3A_42 : memref<8x432xf32, #tpu.memory_space<hbm>>)
    %dma_wait3A_43 = arith.constant 0 : i32
    %dma_wait3A_44 = arith.constant 0 : i32
    %dma_wait3A_45 = arith.constant 0 : i32
    %dma_wait3A_46 = arith.constant 0 : i32
    %dma_wait3A_47 = tpu.memref_slice %arg4[%dma_wait3A_43, %dma_wait3A_44, %dma_wait3A_45, %dma_wait3A_46] : memref<4x64x496x432xf32, #tpu.memory_space<hbm>> -> memref<1x1x8x432xf32, #tpu.memory_space<hbm>>
    %dma_wait3A_48 = tpu.memref_squeeze %dma_wait3A_47 : memref<1x1x8x432xf32, #tpu.memory_space<hbm>> -> memref<8x432xf32, #tpu.memory_space<hbm>>
    %dma_wait3A_49 = arith.constant 0 : i32
    %dma_wait3A_50 = arith.constant 0 : i32
    %dma_wait3A_51 = tpu.memref_slice %arg4[%dma_wait3A_43, %dma_wait3A_44, %dma_wait3A_49, %dma_wait3A_50] : memref<4x64x496x432xf32, #tpu.memory_space<hbm>> -> memref<1x1x8x432xf32, #tpu.memory_space<hbm>>
    %dma_wait3A_52 = tpu.memref_squeeze %dma_wait3A_51 : memref<1x1x8x432xf32, #tpu.memory_space<hbm>> -> memref<8x432xf32, #tpu.memory_space<hbm>>
    tpu.wait_dma2 semaphore(%arg17 : memref<!tpu.dma_semaphore, #tpu.memory_space<semaphore_mem>>) src(%arg11 : memref<8x432xf32, #tpu.memory_space<vmem>>) dst(%dma_wait3A_52 : memref<8x432xf32, #tpu.memory_space<hbm>>)
    %dma_wait3A_53 = arith.constant 0 : i32
    %dma_wait3A_54 = arith.constant 0 : i32
    %dma_wait3A_55 = arith.constant 0 : i32
    %dma_wait3A_56 = arith.constant 0 : i32
    %dma_wait3A_57 = tpu.memref_slice %arg4[%dma_wait3A_53, %dma_wait3A_54, %dma_wait3A_55, %dma_wait3A_56] : memref<4x64x496x432xf32, #tpu.memory_space<hbm>> -> memref<1x1x8x432xf32, #tpu.memory_space<hbm>>
    %dma_wait3A_58 = tpu.memref_squeeze %dma_wait3A_57 : memref<1x1x8x432xf32, #tpu.memory_space<hbm>> -> memref<8x432xf32, #tpu.memory_space<hbm>>
    %dma_wait3A_59 = arith.constant 0 : i32
    %dma_wait3A_60 = arith.constant 0 : i32
    %dma_wait3A_61 = tpu.memref_slice %arg4[%dma_wait3A_53, %dma_wait3A_54, %dma_wait3A_59, %dma_wait3A_60] : memref<4x64x496x432xf32, #tpu.memory_space<hbm>> -> memref<1x1x8x432xf32, #tpu.memory_space<hbm>>
    %dma_wait3A_62 = tpu.memref_squeeze %dma_wait3A_61 : memref<1x1x8x432xf32, #tpu.memory_space<hbm>> -> memref<8x432xf32, #tpu.memory_space<hbm>>
    tpu.wait_dma2 semaphore(%arg18 : memref<!tpu.dma_semaphore, #tpu.memory_space<semaphore_mem>>) src(%arg12 : memref<8x432xf32, #tpu.memory_space<vmem>>) dst(%dma_wait3A_62 : memref<8x432xf32, #tpu.memory_space<hbm>>)
    return
  }
}

#map = affine_map<(d0, d1) -> (0)>
module attributes {stable_mosaic.version = 14 : i64} {
  func.func @_k1_body(%arg0: i32, %arg1: i32, %arg2: memref<2560000xf32, #tpu.memory_space<hbm>>, %arg3: memref<160000xi32, #tpu.memory_space<hbm>>, %arg4: memref<2560000xf32, #tpu.memory_space<hbm>>, %arg5: memref<857088xi32, #tpu.memory_space<hbm>>, %arg6: memref<40000xi32, #tpu.memory_space<vmem_shared>>) attributes {dimension_semantics = [#tpu.dimension_semantics<core_parallel>, #tpu.dimension_semantics<subcore_parallel>], iteration_bounds = array<i64: 2, 16>, scalar_prefetch = 0 : i64, scratch_operands = 1 : i64, tpu.core_type = #tpu.core_type<sc_vector_subcore>, window_params = [{transform_indices = #map}, {transform_indices = #map}, {transform_indices = #map}, {transform_indices = #map}]} {
    %mul3A = arith.constant 2 : i32
    %mul3A_0 = arith.muli %arg1, %mul3A : i32
    %add3A = arith.addi %mul3A_0, %arg0 : i32
    %iota3A = tpu.iota {dimensions = array<i32: 0>} : vector<16xi32>
    "tpu.region"() ({
      %run_scoped3A = memref.alloca() : memref<81920xf32, #tpu.memory_space<vmem>>
      %run_scoped3A_1 = memref.alloca() : memref<1280xf32, #tpu.memory_space<vmem>>
      %run_scoped3A_2 = memref.alloca() : memref<1280xf32, #tpu.memory_space<vmem>>
      %run_scoped3A_3 = tpu.sem_alloc : memref<!tpu.dma_semaphore, #tpu.memory_space<semaphore_mem>>
      %run_scoped3A_4 = tpu.sem_alloc : memref<!tpu.dma_semaphore, #tpu.memory_space<semaphore_mem>>
      %lt3A = arith.constant 31 : i32
      %lt3A_5 = arith.cmpi slt, %add3A, %lt3A : i32
      %mul3A_6 = arith.constant 1280 : i32
      %mul3A_7 = arith.muli %add3A, %mul3A_6 : i32
      %jit3A = arith.constant 38720 : i32
      %select_n3A = arith.select %lt3A_5, %mul3A_7, %jit3A : i32
      %multiple_of3A = tpu.assume_multiple %select_n3A, 64 : i32
      %mul3A_8 = arith.constant 64 : i32
      %mul3A_9 = arith.muli %multiple_of3A, %mul3A_8 : i32
      "tpu.region"() ({
        %run_scoped3A_23 = tpu.sem_alloc : memref<!tpu.dma_semaphore, #tpu.memory_space<semaphore_mem>>
        %dma_start3A = tpu.memref_slice %arg2[%mul3A_9] : memref<2560000xf32, #tpu.memory_space<hbm>> -> memref<81920xf32, #tpu.memory_space<hbm>>
        %dma_start3A_24 = tpu.memref_slice %arg2[%mul3A_9] : memref<2560000xf32, #tpu.memory_space<hbm>> -> memref<81920xf32, #tpu.memory_space<hbm>>
        tpu.enqueue_dma source(%dma_start3A_24 : memref<81920xf32, #tpu.memory_space<hbm>>) target(%run_scoped3A : memref<81920xf32, #tpu.memory_space<vmem>>) target_semaphore(%run_scoped3A_23 : memref<!tpu.dma_semaphore, #tpu.memory_space<semaphore_mem>>)
        %dma_wait3A_25 = tpu.memref_slice %arg2[%mul3A_9] : memref<2560000xf32, #tpu.memory_space<hbm>> -> memref<81920xf32, #tpu.memory_space<hbm>>
        %dma_wait3A_26 = tpu.memref_slice %arg2[%mul3A_9] : memref<2560000xf32, #tpu.memory_space<hbm>> -> memref<81920xf32, #tpu.memory_space<hbm>>
        tpu.wait_dma2 semaphore(%run_scoped3A_23 : memref<!tpu.dma_semaphore, #tpu.memory_space<semaphore_mem>>) src(%dma_wait3A_26 : memref<81920xf32, #tpu.memory_space<hbm>>) dst(%run_scoped3A : memref<81920xf32, #tpu.memory_space<vmem>>)
        tpu.yield
      }) : () -> ()
      %scan3A = arith.constant 0 : i32
      %scan3A_10 = arith.constant 0 : i32
      %scan3A_11 = arith.constant 32 : i32
      %scan3A_12 = arith.addi %scan3A_10, %scan3A_11 : i32
      %scan3A_13 = arith.constant 1 : i32
      %scan3A_14 = scf.for %scan3A_23 = %scan3A_10 to %scan3A_12 step %scan3A_13 iter_args(%scan3A_24 = %scan3A) -> (i32)  : i32 {
        %mul3A_25 = arith.constant 2 : i32
        %mul3A_26 = arith.muli %mul3A_25, %scan3A_23 : i32
        %gt3A = arith.constant 0 : i32
        %gt3A_27 = arith.cmpi sgt, %scan3A_23, %gt3A : i32
        %convert_element_type3A = arith.extui %gt3A_27 : i1 to i32
        %cond3A = arith.constant 0 : i32
        %cond3A_28 = arith.cmpi ne, %convert_element_type3A, %cond3A : i32
        scf.if %cond3A_28 {
          %dma_wait3A_1806 = arith.constant 0 : i32
          %dma_wait3A_1807 = tpu.memref_slice %arg4[%dma_wait3A_1806] : memref<2560000xf32, #tpu.memory_space<hbm>> -> memref<1280xf32, #tpu.memory_space<hbm>>
          %dma_wait3A_1808 = arith.constant 0 : i32
          %dma_wait3A_1809 = tpu.memref_slice %arg4[%dma_wait3A_1808] : memref<2560000xf32, #tpu.memory_space<hbm>> -> memref<1280xf32, #tpu.memory_space<hbm>>
          tpu.wait_dma2 semaphore(%run_scoped3A_3 : memref<!tpu.dma_semaphore, #tpu.memory_space<semaphore_mem>>) src(%run_scoped3A_1 : memref<1280xf32, #tpu.memory_space<vmem>>) dst(%dma_wait3A_1809 : memref<1280xf32, #tpu.memory_space<hbm>>)
        } else {
        }
        %add3A_29 = arith.constant 0 : i32
        %add3A_30 = vector.broadcast %add3A_29 : i32 to vector<16xi32>
        %add3A_31 = arith.addi %add3A_30, %iota3A : vector<16xi32>
        %mul3A_32 = arith.constant 64 : i32
        %mul3A_33 = vector.broadcast %mul3A_32 : i32 to vector<16xi32>
        %mul3A_34 = arith.muli %add3A_31, %mul3A_33 : vector<16xi32>
        %add3A_35 = vector.broadcast %mul3A_26 : i32 to vector<16xi32>
        %add3A_36 = arith.addi %mul3A_34, %add3A_35 : vector<16xi32>
        %gather3A = tpu.vector_load_idx %run_scoped3A[%add3A_36] : memref<81920xf32, #tpu.memory_space<vmem>>[vector<16xi32>], vector<16xf32>,
        %add3A_37 = arith.constant 16 : i32
        %add3A_38 = vector.broadcast %add3A_37 : i32 to vector<16xi32>
        %add3A_39 = arith.addi %add3A_38, %iota3A : vector<16xi32>
        %mul3A_40 = arith.constant 64 : i32
        %mul3A_41 = vector.broadcast %mul3A_40 : i32 to vector<16xi32>
        %mul3A_42 = arith.muli %add3A_39, %mul3A_41 : vector<16xi32>
        %add3A_43 = vector.broadcast %mul3A_26 : i32 to vector<16xi32>
        %add3A_44 = arith.addi %mul3A_42, %add3A_43 : vector<16xi32>
        %gather3A_45 = tpu.vector_load_idx %run_scoped3A[%add3A_44] : memref<81920xf32, #tpu.memory_space<vmem>>[vector<16xi32>], vector<16xf32>,
        %add3A_46 = arith.constant 32 : i32
        %add3A_47 = vector.broadcast %add3A_46 : i32 to vector<16xi32>
        %add3A_48 = arith.addi %add3A_47, %iota3A : vector<16xi32>
        %mul3A_49 = arith.constant 64 : i32
        %mul3A_50 = vector.broadcast %mul3A_49 : i32 to vector<16xi32>
        %mul3A_51 = arith.muli %add3A_48, %mul3A_50 : vector<16xi32>
        %add3A_52 = vector.broadcast %mul3A_26 : i32 to vector<16xi32>
        %add3A_53 = arith.addi %mul3A_51, %add3A_52 : vector<16xi32>
        %gather3A_54 = tpu.vector_load_idx %run_scoped3A[%add3A_53] : memref<81920xf32, #tpu.memory_space<vmem>>[vector<16xi32>], vector<16xf32>,
        %add3A_55 = arith.constant 48 : i32
        %add3A_56 = vector.broadcast %add3A_55 : i32 to vector<16xi32>
        %add3A_57 = arith.addi %add3A_56, %iota3A : vector<16xi32>
        %mul3A_58 = arith.constant 64 : i32
        %mul3A_59 = vector.broadcast %mul3A_58 : i32 to vector<16xi32>
        %mul3A_60 = arith.muli %add3A_57, %mul3A_59 : vector<16xi32>
        %add3A_61 = vector.broadcast %mul3A_26 : i32 to vector<16xi32>
        %add3A_62 = arith.addi %mul3A_60, %add3A_61 : vector<16xi32>
        %gather3A_63 = tpu.vector_load_idx %run_scoped3A[%add3A_62] : memref<81920xf32, #tpu.memory_space<vmem>>[vector<16xi32>], vector<16xf32>,
        %add3A_64 = arith.constant 64 : i32
        %add3A_65 = vector.broadcast %add3A_64 : i32 to vector<16xi32>
        %add3A_66 = arith.addi %add3A_65, %iota3A : vector<16xi32>
        %mul3A_67 = arith.constant 64 : i32
        %mul3A_68 = vector.broadcast %mul3A_67 : i32 to vector<16xi32>
        %mul3A_69 = arith.muli %add3A_66, %mul3A_68 : vector<16xi32>
        %add3A_70 = vector.broadcast %mul3A_26 : i32 to vector<16xi32>
        %add3A_71 = arith.addi %mul3A_69, %add3A_70 : vector<16xi32>
        %gather3A_72 = tpu.vector_load_idx %run_scoped3A[%add3A_71] : memref<81920xf32, #tpu.memory_space<vmem>>[vector<16xi32>], vector<16xf32>,
        %add3A_73 = arith.constant 80 : i32
        %add3A_74 = vector.broadcast %add3A_73 : i32 to vector<16xi32>
        %add3A_75 = arith.addi %add3A_74, %iota3A : vector<16xi32>
        %mul3A_76 = arith.constant 64 : i32
        %mul3A_77 = vector.broadcast %mul3A_76 : i32 to vector<16xi32>
        %mul3A_78 = arith.muli %add3A_75, %mul3A_77 : vector<16xi32>
        %add3A_79 = vector.broadcast %mul3A_26 : i32 to vector<16xi32>
        %add3A_80 = arith.addi %mul3A_78, %add3A_79 : vector<16xi32>
        %gather3A_81 = tpu.vector_load_idx %run_scoped3A[%add3A_80] : memref<81920xf32, #tpu.memory_space<vmem>>[vector<16xi32>], vector<16xf32>,
        %add3A_82 = arith.constant 96 : i32
        %add3A_83 = vector.broadcast %add3A_82 : i32 to vector<16xi32>
        %add3A_84 = arith.addi %add3A_83, %iota3A : vector<16xi32>
        %mul3A_85 = arith.constant 64 : i32
        %mul3A_86 = vector.broadcast %mul3A_85 : i32 to vector<16xi32>
        %mul3A_87 = arith.muli %add3A_84, %mul3A_86 : vector<16xi32>
        %add3A_88 = vector.broadcast %mul3A_26 : i32 to vector<16xi32>
        %add3A_89 = arith.addi %mul3A_87, %add3A_88 : vector<16xi32>
        %gather3A_90 = tpu.vector_load_idx %run_scoped3A[%add3A_89] : memref<81920xf32, #tpu.memory_space<vmem>>[vector<16xi32>], vector<16xf32>,
        %add3A_91 = arith.constant 112 : i32
        %add3A_92 = vector.broadcast %add3A_91 : i32 to vector<16xi32>
        %add3A_93 = arith.addi %add3A_92, %iota3A : vector<16xi32>
        %mul3A_94 = arith.constant 64 : i32
        %mul3A_95 = vector.broadcast %mul3A_94 : i32 to vector<16xi32>
        %mul3A_96 = arith.muli %add3A_93, %mul3A_95 : vector<16xi32>
        %add3A_97 = vector.broadcast %mul3A_26 : i32 to vector<16xi32>
        %add3A_98 = arith.addi %mul3A_96, %add3A_97 : vector<16xi32>
        %gather3A_99 = tpu.vector_load_idx %run_scoped3A[%add3A_98] : memref<81920xf32, #tpu.memory_space<vmem>>[vector<16xi32>], vector<16xf32>,
        %swap3A = arith.constant 0 : index
        %swap3A_100 = tpu.vector_load %run_scoped3A_1[%swap3A] {strides = array<i32>} : memref<1280xf32, #tpu.memory_space<vmem>>, vector<16xf32>,
        tpu.vector_store %run_scoped3A_1[%swap3A], %gather3A {strides = array<i32>} : memref<1280xf32, #tpu.memory_space<vmem>>, vector<16xf32>,
        %swap3A_101 = arith.constant 16 : index
        %swap3A_102 = tpu.vector_load %run_scoped3A_1[%swap3A_101] {strides = array<i32>} : memref<1280xf32, #tpu.memory_space<vmem>>, vector<16xf32>,
        tpu.vector_store %run_scoped3A_1[%swap3A_101], %gather3A_45 {strides = array<i32>} : memref<1280xf32, #tpu.memory_space<vmem>>, vector<16xf32>,
        %swap3A_103 = arith.constant 32 : index
        %swap3A_104 = tpu.vector_load %run_scoped3A_1[%swap3A_103] {strides = array<i32>} : memref<1280xf32, #tpu.memory_space<vmem>>, vector<16xf32>,
        tpu.vector_store %run_scoped3A_1[%swap3A_103], %gather3A_54 {strides = array<i32>} : memref<1280xf32, #tpu.memory_space<vmem>>, vector<16xf32>,
        %swap3A_105 = arith.constant 48 : index
        %swap3A_106 = tpu.vector_load %run_scoped3A_1[%swap3A_105] {strides = array<i32>} : memref<1280xf32, #tpu.memory_space<vmem>>, vector<16xf32>,
        tpu.vector_store %run_scoped3A_1[%swap3A_105], %gather3A_63 {strides = array<i32>} : memref<1280xf32, #tpu.memory_space<vmem>>, vector<16xf32>,
        %swap3A_107 = arith.constant 64 : index
        %swap3A_108 = tpu.vector_load %run_scoped3A_1[%swap3A_107] {strides = array<i32>} : memref<1280xf32, #tpu.memory_space<vmem>>, vector<16xf32>,
        tpu.vector_store %run_scoped3A_1[%swap3A_107], %gather3A_72 {strides = array<i32>} : memref<1280xf32, #tpu.memory_space<vmem>>, vector<16xf32>,
        %swap3A_109 = arith.constant 80 : index
        %swap3A_110 = tpu.vector_load %run_scoped3A_1[%swap3A_109] {strides = array<i32>} : memref<1280xf32, #tpu.memory_space<vmem>>, vector<16xf32>,
        tpu.vector_store %run_scoped3A_1[%swap3A_109], %gather3A_81 {strides = array<i32>} : memref<1280xf32, #tpu.memory_space<vmem>>, vector<16xf32>,
        %swap3A_111 = arith.constant 96 : index
        %swap3A_112 = tpu.vector_load %run_scoped3A_1[%swap3A_111] {strides = array<i32>} : memref<1280xf32, #tpu.memory_space<vmem>>, vector<16xf32>,
        tpu.vector_store %run_scoped3A_1[%swap3A_111], %gather3A_90 {strides = array<i32>} : memref<1280xf32, #tpu.memory_space<vmem>>, vector<16xf32>,
        %swap3A_113 = arith.constant 112 : index
        %swap3A_114 = tpu.vector_load %run_scoped3A_1[%swap3A_113] {strides = array<i32>} : memref<1280xf32, #tpu.memory_space<vmem>>, vector<16xf32>,
        tpu.vector_store %run_scoped3A_1[%swap3A_113], %gather3A_99 {strides = array<i32>} : memref<1280xf32, #tpu.memory_space<vmem>>, vector<16xf32>,
        %add3A_115 = arith.constant 128 : i32
        %add3A_116 = vector.broadcast %add3A_115 : i32 to vector<16xi32>
        %add3A_117 = arith.addi %add3A_116, %iota3A : vector<16xi32>
        %mul3A_118 = arith.constant 64 : i32
        %mul3A_119 = vector.broadcast %mul3A_118 : i32 to vector<16xi32>
        %mul3A_120 = arith.muli %add3A_117, %mul3A_119 : vector<16xi32>
        %add3A_121 = vector.broadcast %mul3A_26 : i32 to vector<16xi32>
        %add3A_122 = arith.addi %mul3A_120, %add3A_121 : vector<16xi32>
        %gather3A_123 = tpu.vector_load_idx %run_scoped3A[%add3A_122] : memref<81920xf32, #tpu.memory_space<vmem>>[vector<16xi32>], vector<16xf32>,
        %add3A_124 = arith.constant 144 : i32
        %add3A_125 = vector.broadcast %add3A_124 : i32 to vector<16xi32>
        %add3A_126 = arith.addi %add3A_125, %iota3A : vector<16xi32>
        %mul3A_127 = arith.constant 64 : i32
        %mul3A_128 = vector.broadcast %mul3A_127 : i32 to vector<16xi32>
        %mul3A_129 = arith.muli %add3A_126, %mul3A_128 : vector<16xi32>
        %add3A_130 = vector.broadcast %mul3A_26 : i32 to vector<16xi32>
        %add3A_131 = arith.addi %mul3A_129, %add3A_130 : vector<16xi32>
        %gather3A_132 = tpu.vector_load_idx %run_scoped3A[%add3A_131] : memref<81920xf32, #tpu.memory_space<vmem>>[vector<16xi32>], vector<16xf32>,
        %add3A_133 = arith.constant 160 : i32
        %add3A_134 = vector.broadcast %add3A_133 : i32 to vector<16xi32>
        %add3A_135 = arith.addi %add3A_134, %iota3A : vector<16xi32>
        %mul3A_136 = arith.constant 64 : i32
        %mul3A_137 = vector.broadcast %mul3A_136 : i32 to vector<16xi32>
        %mul3A_138 = arith.muli %add3A_135, %mul3A_137 : vector<16xi32>
        %add3A_139 = vector.broadcast %mul3A_26 : i32 to vector<16xi32>
        %add3A_140 = arith.addi %mul3A_138, %add3A_139 : vector<16xi32>
        %gather3A_141 = tpu.vector_load_idx %run_scoped3A[%add3A_140] : memref<81920xf32, #tpu.memory_space<vmem>>[vector<16xi32>], vector<16xf32>,
        %add3A_142 = arith.constant 176 : i32
        %add3A_143 = vector.broadcast %add3A_142 : i32 to vector<16xi32>
        %add3A_144 = arith.addi %add3A_143, %iota3A : vector<16xi32>
        %mul3A_145 = arith.constant 64 : i32
        %mul3A_146 = vector.broadcast %mul3A_145 : i32 to vector<16xi32>
        %mul3A_147 = arith.muli %add3A_144, %mul3A_146 : vector<16xi32>
        %add3A_148 = vector.broadcast %mul3A_26 : i32 to vector<16xi32>
        %add3A_149 = arith.addi %mul3A_147, %add3A_148 : vector<16xi32>
        %gather3A_150 = tpu.vector_load_idx %run_scoped3A[%add3A_149] : memref<81920xf32, #tpu.memory_space<vmem>>[vector<16xi32>], vector<16xf32>,
        %add3A_151 = arith.constant 192 : i32
        %add3A_152 = vector.broadcast %add3A_151 : i32 to vector<16xi32>
        %add3A_153 = arith.addi %add3A_152, %iota3A : vector<16xi32>
        %mul3A_154 = arith.constant 64 : i32
        %mul3A_155 = vector.broadcast %mul3A_154 : i32 to vector<16xi32>
        %mul3A_156 = arith.muli %add3A_153, %mul3A_155 : vector<16xi32>
        %add3A_157 = vector.broadcast %mul3A_26 : i32 to vector<16xi32>
        %add3A_158 = arith.addi %mul3A_156, %add3A_157 : vector<16xi32>
        %gather3A_159 = tpu.vector_load_idx %run_scoped3A[%add3A_158] : memref<81920xf32, #tpu.memory_space<vmem>>[vector<16xi32>], vector<16xf32>,
        %add3A_160 = arith.constant 208 : i32
        %add3A_161 = vector.broadcast %add3A_160 : i32 to vector<16xi32>
        %add3A_162 = arith.addi %add3A_161, %iota3A : vector<16xi32>
        %mul3A_163 = arith.constant 64 : i32
        %mul3A_164 = vector.broadcast %mul3A_163 : i32 to vector<16xi32>
        %mul3A_165 = arith.muli %add3A_162, %mul3A_164 : vector<16xi32>
        %add3A_166 = vector.broadcast %mul3A_26 : i32 to vector<16xi32>
        %add3A_167 = arith.addi %mul3A_165, %add3A_166 : vector<16xi32>
        %gather3A_168 = tpu.vector_load_idx %run_scoped3A[%add3A_167] : memref<81920xf32, #tpu.memory_space<vmem>>[vector<16xi32>], vector<16xf32>,
        %add3A_169 = arith.constant 224 : i32
        %add3A_170 = vector.broadcast %add3A_169 : i32 to vector<16xi32>
        %add3A_171 = arith.addi %add3A_170, %iota3A : vector<16xi32>
        %mul3A_172 = arith.constant 64 : i32
        %mul3A_173 = vector.broadcast %mul3A_172 : i32 to vector<16xi32>
        %mul3A_174 = arith.muli %add3A_171, %mul3A_173 : vector<16xi32>
        %add3A_175 = vector.broadcast %mul3A_26 : i32 to vector<16xi32>
        %add3A_176 = arith.addi %mul3A_174, %add3A_175 : vector<16xi32>
        %gather3A_177 = tpu.vector_load_idx %run_scoped3A[%add3A_176] : memref<81920xf32, #tpu.memory_space<vmem>>[vector<16xi32>], vector<16xf32>,
        %add3A_178 = arith.constant 240 : i32
        %add3A_179 = vector.broadcast %add3A_178 : i32 to vector<16xi32>
        %add3A_180 = arith.addi %add3A_179, %iota3A : vector<16xi32>
        %mul3A_181 = arith.constant 64 : i32
        %mul3A_182 = vector.broadcast %mul3A_181 : i32 to vector<16xi32>
        %mul3A_183 = arith.muli %add3A_180, %mul3A_182 : vector<16xi32>
        %add3A_184 = vector.broadcast %mul3A_26 : i32 to vector<16xi32>
        %add3A_185 = arith.addi %mul3A_183, %add3A_184 : vector<16xi32>
        %gather3A_186 = tpu.vector_load_idx %run_scoped3A[%add3A_185] : memref<81920xf32, #tpu.memory_space<vmem>>[vector<16xi32>], vector<16xf32>,
        %swap3A_187 = arith.constant 128 : index
        %swap3A_188 = tpu.vector_load %run_scoped3A_1[%swap3A_187] {strides = array<i32>} : memref<1280xf32, #tpu.memory_space<vmem>>, vector<16xf32>,
        tpu.vector_store %run_scoped3A_1[%swap3A_187], %gather3A_123 {strides = array<i32>} : memref<1280xf32, #tpu.memory_space<vmem>>, vector<16xf32>,
        %swap3A_189 = arith.constant 144 : index
        %swap3A_190 = tpu.vector_load %run_scoped3A_1[%swap3A_189] {strides = array<i32>} : memref<1280xf32, #tpu.memory_space<vmem>>, vector<16xf32>,
        tpu.vector_store %run_scoped3A_1[%swap3A_189], %gather3A_132 {strides = array<i32>} : memref<1280xf32, #tpu.memory_space<vmem>>, vector<16xf32>,
        %swap3A_191 = arith.constant 160 : index
        %swap3A_192 = tpu.vector_load %run_scoped3A_1[%swap3A_191] {strides = array<i32>} : memref<1280xf32, #tpu.memory_space<vmem>>, vector<16xf32>,
        tpu.vector_store %run_scoped3A_1[%swap3A_191], %gather3A_141 {strides = array<i32>} : memref<1280xf32, #tpu.memory_space<vmem>>, vector<16xf32>,
        %swap3A_193 = arith.constant 176 : index
        %swap3A_194 = tpu.vector_load %run_scoped3A_1[%swap3A_193] {strides = array<i32>} : memref<1280xf32, #tpu.memory_space<vmem>>, vector<16xf32>,
        tpu.vector_store %run_scoped3A_1[%swap3A_193], %gather3A_150 {strides = array<i32>} : memref<1280xf32, #tpu.memory_space<vmem>>, vector<16xf32>,
        %swap3A_195 = arith.constant 192 : index
        %swap3A_196 = tpu.vector_load %run_scoped3A_1[%swap3A_195] {strides = array<i32>} : memref<1280xf32, #tpu.memory_space<vmem>>, vector<16xf32>,
        tpu.vector_store %run_scoped3A_1[%swap3A_195], %gather3A_159 {strides = array<i32>} : memref<1280xf32, #tpu.memory_space<vmem>>, vector<16xf32>,
        %swap3A_197 = arith.constant 208 : index
        %swap3A_198 = tpu.vector_load %run_scoped3A_1[%swap3A_197] {strides = array<i32>} : memref<1280xf32, #tpu.memory_space<vmem>>, vector<16xf32>,
        tpu.vector_store %run_scoped3A_1[%swap3A_197], %gather3A_168 {strides = array<i32>} : memref<1280xf32, #tpu.memory_space<vmem>>, vector<16xf32>,
        %swap3A_199 = arith.constant 224 : index
        %swap3A_200 = tpu.vector_load %run_scoped3A_1[%swap3A_199] {strides = array<i32>} : memref<1280xf32, #tpu.memory_space<vmem>>, vector<16xf32>,
        tpu.vector_store %run_scoped3A_1[%swap3A_199], %gather3A_177 {strides = array<i32>} : memref<1280xf32, #tpu.memory_space<vmem>>, vector<16xf32>,
        %swap3A_201 = arith.constant 240 : index
        %swap3A_202 = tpu.vector_load %run_scoped3A_1[%swap3A_201] {strides = array<i32>} : memref<1280xf32, #tpu.memory_space<vmem>>, vector<16xf32>,
        tpu.vector_store %run_scoped3A_1[%swap3A_201], %gather3A_186 {strides = array<i32>} : memref<1280xf32, #tpu.memory_space<vmem>>, vector<16xf32>,
        %add3A_203 = arith.constant 256 : i32
        %add3A_204 = vector.broadcast %add3A_203 : i32 to vector<16xi32>
        %add3A_205 = arith.addi %add3A_204, %iota3A : vector<16xi32>
        %mul3A_206 = arith.constant 64 : i32
        %mul3A_207 = vector.broadcast %mul3A_206 : i32 to vector<16xi32>
        %mul3A_208 = arith.muli %add3A_205, %mul3A_207 : vector<16xi32>
        %add3A_209 = vector.broadcast %mul3A_26 : i32 to vector<16xi32>
        %add3A_210 = arith.addi %mul3A_208, %add3A_209 : vector<16xi32>
        %gather3A_211 = tpu.vector_load_idx %run_scoped3A[%add3A_210] : memref<81920xf32, #tpu.memory_space<vmem>>[vector<16xi32>], vector<16xf32>,
        %add3A_212 = arith.constant 272 : i32
        %add3A_213 = vector.broadcast %add3A_212 : i32 to vector<16xi32>
        %add3A_214 = arith.addi %add3A_213, %iota3A : vector<16xi32>
        %mul3A_215 = arith.constant 64 : i32
        %mul3A_216 = vector.broadcast %mul3A_215 : i32 to vector<16xi32>
        %mul3A_217 = arith.muli %add3A_214, %mul3A_216 : vector<16xi32>
        %add3A_218 = vector.broadcast %mul3A_26 : i32 to vector<16xi32>
        %add3A_219 = arith.addi %mul3A_217, %add3A_218 : vector<16xi32>
        %gather3A_220 = tpu.vector_load_idx %run_scoped3A[%add3A_219] : memref<81920xf32, #tpu.memory_space<vmem>>[vector<16xi32>], vector<16xf32>,
        %add3A_221 = arith.constant 288 : i32
        %add3A_222 = vector.broadcast %add3A_221 : i32 to vector<16xi32>
        %add3A_223 = arith.addi %add3A_222, %iota3A : vector<16xi32>
        %mul3A_224 = arith.constant 64 : i32
        %mul3A_225 = vector.broadcast %mul3A_224 : i32 to vector<16xi32>
        %mul3A_226 = arith.muli %add3A_223, %mul3A_225 : vector<16xi32>
        %add3A_227 = vector.broadcast %mul3A_26 : i32 to vector<16xi32>
        %add3A_228 = arith.addi %mul3A_226, %add3A_227 : vector<16xi32>
        %gather3A_229 = tpu.vector_load_idx %run_scoped3A[%add3A_228] : memref<81920xf32, #tpu.memory_space<vmem>>[vector<16xi32>], vector<16xf32>,
        %add3A_230 = arith.constant 304 : i32
        %add3A_231 = vector.broadcast %add3A_230 : i32 to vector<16xi32>
        %add3A_232 = arith.addi %add3A_231, %iota3A : vector<16xi32>
        %mul3A_233 = arith.constant 64 : i32
        %mul3A_234 = vector.broadcast %mul3A_233 : i32 to vector<16xi32>
        %mul3A_235 = arith.muli %add3A_232, %mul3A_234 : vector<16xi32>
        %add3A_236 = vector.broadcast %mul3A_26 : i32 to vector<16xi32>
        %add3A_237 = arith.addi %mul3A_235, %add3A_236 : vector<16xi32>
        %gather3A_238 = tpu.vector_load_idx %run_scoped3A[%add3A_237] : memref<81920xf32, #tpu.memory_space<vmem>>[vector<16xi32>], vector<16xf32>,
        %add3A_239 = arith.constant 320 : i32
        %add3A_240 = vector.broadcast %add3A_239 : i32 to vector<16xi32>
        %add3A_241 = arith.addi %add3A_240, %iota3A : vector<16xi32>
        %mul3A_242 = arith.constant 64 : i32
        %mul3A_243 = vector.broadcast %mul3A_242 : i32 to vector<16xi32>
        %mul3A_244 = arith.muli %add3A_241, %mul3A_243 : vector<16xi32>
        %add3A_245 = vector.broadcast %mul3A_26 : i32 to vector<16xi32>
        %add3A_246 = arith.addi %mul3A_244, %add3A_245 : vector<16xi32>
        %gather3A_247 = tpu.vector_load_idx %run_scoped3A[%add3A_246] : memref<81920xf32, #tpu.memory_space<vmem>>[vector<16xi32>], vector<16xf32>,
        %add3A_248 = arith.constant 336 : i32
        %add3A_249 = vector.broadcast %add3A_248 : i32 to vector<16xi32>
        %add3A_250 = arith.addi %add3A_249, %iota3A : vector<16xi32>
        %mul3A_251 = arith.constant 64 : i32
        %mul3A_252 = vector.broadcast %mul3A_251 : i32 to vector<16xi32>
        %mul3A_253 = arith.muli %add3A_250, %mul3A_252 : vector<16xi32>
        %add3A_254 = vector.broadcast %mul3A_26 : i32 to vector<16xi32>
        %add3A_255 = arith.addi %mul3A_253, %add3A_254 : vector<16xi32>
        %gather3A_256 = tpu.vector_load_idx %run_scoped3A[%add3A_255] : memref<81920xf32, #tpu.memory_space<vmem>>[vector<16xi32>], vector<16xf32>,
        %add3A_257 = arith.constant 352 : i32
        %add3A_258 = vector.broadcast %add3A_257 : i32 to vector<16xi32>
        %add3A_259 = arith.addi %add3A_258, %iota3A : vector<16xi32>
        %mul3A_260 = arith.constant 64 : i32
        %mul3A_261 = vector.broadcast %mul3A_260 : i32 to vector<16xi32>
        %mul3A_262 = arith.muli %add3A_259, %mul3A_261 : vector<16xi32>
        %add3A_263 = vector.broadcast %mul3A_26 : i32 to vector<16xi32>
        %add3A_264 = arith.addi %mul3A_262, %add3A_263 : vector<16xi32>
        %gather3A_265 = tpu.vector_load_idx %run_scoped3A[%add3A_264] : memref<81920xf32, #tpu.memory_space<vmem>>[vector<16xi32>], vector<16xf32>,
        %add3A_266 = arith.constant 368 : i32
        %add3A_267 = vector.broadcast %add3A_266 : i32 to vector<16xi32>
        %add3A_268 = arith.addi %add3A_267, %iota3A : vector<16xi32>
        %mul3A_269 = arith.constant 64 : i32
        %mul3A_270 = vector.broadcast %mul3A_269 : i32 to vector<16xi32>
        %mul3A_271 = arith.muli %add3A_268, %mul3A_270 : vector<16xi32>
        %add3A_272 = vector.broadcast %mul3A_26 : i32 to vector<16xi32>
        %add3A_273 = arith.addi %mul3A_271, %add3A_272 : vector<16xi32>
        %gather3A_274 = tpu.vector_load_idx %run_scoped3A[%add3A_273] : memref<81920xf32, #tpu.memory_space<vmem>>[vector<16xi32>], vector<16xf32>,
        %swap3A_275 = arith.constant 256 : index
        %swap3A_276 = tpu.vector_load %run_scoped3A_1[%swap3A_275] {strides = array<i32>} : memref<1280xf32, #tpu.memory_space<vmem>>, vector<16xf32>,
        tpu.vector_store %run_scoped3A_1[%swap3A_275], %gather3A_211 {strides = array<i32>} : memref<1280xf32, #tpu.memory_space<vmem>>, vector<16xf32>,
        %swap3A_277 = arith.constant 272 : index
        %swap3A_278 = tpu.vector_load %run_scoped3A_1[%swap3A_277] {strides = array<i32>} : memref<1280xf32, #tpu.memory_space<vmem>>, vector<16xf32>,
        tpu.vector_store %run_scoped3A_1[%swap3A_277], %gather3A_220 {strides = array<i32>} : memref<1280xf32, #tpu.memory_space<vmem>>, vector<16xf32>,
        %swap3A_279 = arith.constant 288 : index
        %swap3A_280 = tpu.vector_load %run_scoped3A_1[%swap3A_279] {strides = array<i32>} : memref<1280xf32, #tpu.memory_space<vmem>>, vector<16xf32>,
        tpu.vector_store %run_scoped3A_1[%swap3A_279], %gather3A_229 {strides = array<i32>} : memref<1280xf32, #tpu.memory_space<vmem>>, vector<16xf32>,
        %swap3A_281 = arith.constant 304 : index
        %swap3A_282 = tpu.vector_load %run_scoped3A_1[%swap3A_281] {strides = array<i32>} : memref<1280xf32, #tpu.memory_space<vmem>>, vector<16xf32>,
        tpu.vector_store %run_scoped3A_1[%swap3A_281], %gather3A_238 {strides = array<i32>} : memref<1280xf32, #tpu.memory_space<vmem>>, vector<16xf32>,
        %swap3A_283 = arith.constant 320 : index
        %swap3A_284 = tpu.vector_load %run_scoped3A_1[%swap3A_283] {strides = array<i32>} : memref<1280xf32, #tpu.memory_space<vmem>>, vector<16xf32>,
        tpu.vector_store %run_scoped3A_1[%swap3A_283], %gather3A_247 {strides = array<i32>} : memref<1280xf32, #tpu.memory_space<vmem>>, vector<16xf32>,
        %swap3A_285 = arith.constant 336 : index
        %swap3A_286 = tpu.vector_load %run_scoped3A_1[%swap3A_285] {strides = array<i32>} : memref<1280xf32, #tpu.memory_space<vmem>>, vector<16xf32>,
        tpu.vector_store %run_scoped3A_1[%swap3A_285], %gather3A_256 {strides = array<i32>} : memref<1280xf32, #tpu.memory_space<vmem>>, vector<16xf32>,
        %swap3A_287 = arith.constant 352 : index
        %swap3A_288 = tpu.vector_load %run_scoped3A_1[%swap3A_287] {strides = array<i32>} : memref<1280xf32, #tpu.memory_space<vmem>>, vector<16xf32>,
        tpu.vector_store %run_scoped3A_1[%swap3A_287], %gather3A_265 {strides = array<i32>} : memref<1280xf32, #tpu.memory_space<vmem>>, vector<16xf32>,
        %swap3A_289 = arith.constant 368 : index
        %swap3A_290 = tpu.vector_load %run_scoped3A_1[%swap3A_289] {strides = array<i32>} : memref<1280xf32, #tpu.memory_space<vmem>>, vector<16xf32>,
        tpu.vector_store %run_scoped3A_1[%swap3A_289], %gather3A_274 {strides = array<i32>} : memref<1280xf32, #tpu.memory_space<vmem>>, vector<16xf32>,
        %add3A_291 = arith.constant 384 : i32
        %add3A_292 = vector.broadcast %add3A_291 : i32 to vector<16xi32>
        %add3A_293 = arith.addi %add3A_292, %iota3A : vector<16xi32>
        %mul3A_294 = arith.constant 64 : i32
        %mul3A_295 = vector.broadcast %mul3A_294 : i32 to vector<16xi32>
        %mul3A_296 = arith.muli %add3A_293, %mul3A_295 : vector<16xi32>
        %add3A_297 = vector.broadcast %mul3A_26 : i32 to vector<16xi32>
        %add3A_298 = arith.addi %mul3A_296, %add3A_297 : vector<16xi32>
        %gather3A_299 = tpu.vector_load_idx %run_scoped3A[%add3A_298] : memref<81920xf32, #tpu.memory_space<vmem>>[vector<16xi32>], vector<16xf32>,
        %add3A_300 = arith.constant 400 : i32
        %add3A_301 = vector.broadcast %add3A_300 : i32 to vector<16xi32>
        %add3A_302 = arith.addi %add3A_301, %iota3A : vector<16xi32>
        %mul3A_303 = arith.constant 64 : i32
        %mul3A_304 = vector.broadcast %mul3A_303 : i32 to vector<16xi32>
        %mul3A_305 = arith.muli %add3A_302, %mul3A_304 : vector<16xi32>
        %add3A_306 = vector.broadcast %mul3A_26 : i32 to vector<16xi32>
        %add3A_307 = arith.addi %mul3A_305, %add3A_306 : vector<16xi32>
        %gather3A_308 = tpu.vector_load_idx %run_scoped3A[%add3A_307] : memref<81920xf32, #tpu.memory_space<vmem>>[vector<16xi32>], vector<16xf32>,
        %add3A_309 = arith.constant 416 : i32
        %add3A_310 = vector.broadcast %add3A_309 : i32 to vector<16xi32>
        %add3A_311 = arith.addi %add3A_310, %iota3A : vector<16xi32>
        %mul3A_312 = arith.constant 64 : i32
        %mul3A_313 = vector.broadcast %mul3A_312 : i32 to vector<16xi32>
        %mul3A_314 = arith.muli %add3A_311, %mul3A_313 : vector<16xi32>
        %add3A_315 = vector.broadcast %mul3A_26 : i32 to vector<16xi32>
        %add3A_316 = arith.addi %mul3A_314, %add3A_315 : vector<16xi32>
        %gather3A_317 = tpu.vector_load_idx %run_scoped3A[%add3A_316] : memref<81920xf32, #tpu.memory_space<vmem>>[vector<16xi32>], vector<16xf32>,
        %add3A_318 = arith.constant 432 : i32
        %add3A_319 = vector.broadcast %add3A_318 : i32 to vector<16xi32>
        %add3A_320 = arith.addi %add3A_319, %iota3A : vector<16xi32>
        %mul3A_321 = arith.constant 64 : i32
        %mul3A_322 = vector.broadcast %mul3A_321 : i32 to vector<16xi32>
        %mul3A_323 = arith.muli %add3A_320, %mul3A_322 : vector<16xi32>
        %add3A_324 = vector.broadcast %mul3A_26 : i32 to vector<16xi32>
        %add3A_325 = arith.addi %mul3A_323, %add3A_324 : vector<16xi32>
        %gather3A_326 = tpu.vector_load_idx %run_scoped3A[%add3A_325] : memref<81920xf32, #tpu.memory_space<vmem>>[vector<16xi32>], vector<16xf32>,
        %add3A_327 = arith.constant 448 : i32
        %add3A_328 = vector.broadcast %add3A_327 : i32 to vector<16xi32>
        %add3A_329 = arith.addi %add3A_328, %iota3A : vector<16xi32>
        %mul3A_330 = arith.constant 64 : i32
        %mul3A_331 = vector.broadcast %mul3A_330 : i32 to vector<16xi32>
        %mul3A_332 = arith.muli %add3A_329, %mul3A_331 : vector<16xi32>
        %add3A_333 = vector.broadcast %mul3A_26 : i32 to vector<16xi32>
        %add3A_334 = arith.addi %mul3A_332, %add3A_333 : vector<16xi32>
        %gather3A_335 = tpu.vector_load_idx %run_scoped3A[%add3A_334] : memref<81920xf32, #tpu.memory_space<vmem>>[vector<16xi32>], vector<16xf32>,
        %add3A_336 = arith.constant 464 : i32
        %add3A_337 = vector.broadcast %add3A_336 : i32 to vector<16xi32>
        %add3A_338 = arith.addi %add3A_337, %iota3A : vector<16xi32>
        %mul3A_339 = arith.constant 64 : i32
        %mul3A_340 = vector.broadcast %mul3A_339 : i32 to vector<16xi32>
        %mul3A_341 = arith.muli %add3A_338, %mul3A_340 : vector<16xi32>
        %add3A_342 = vector.broadcast %mul3A_26 : i32 to vector<16xi32>
        %add3A_343 = arith.addi %mul3A_341, %add3A_342 : vector<16xi32>
        %gather3A_344 = tpu.vector_load_idx %run_scoped3A[%add3A_343] : memref<81920xf32, #tpu.memory_space<vmem>>[vector<16xi32>], vector<16xf32>,
        %add3A_345 = arith.constant 480 : i32
        %add3A_346 = vector.broadcast %add3A_345 : i32 to vector<16xi32>
        %add3A_347 = arith.addi %add3A_346, %iota3A : vector<16xi32>
        %mul3A_348 = arith.constant 64 : i32
        %mul3A_349 = vector.broadcast %mul3A_348 : i32 to vector<16xi32>
        %mul3A_350 = arith.muli %add3A_347, %mul3A_349 : vector<16xi32>
        %add3A_351 = vector.broadcast %mul3A_26 : i32 to vector<16xi32>
        %add3A_352 = arith.addi %mul3A_350, %add3A_351 : vector<16xi32>
        %gather3A_353 = tpu.vector_load_idx %run_scoped3A[%add3A_352] : memref<81920xf32, #tpu.memory_space<vmem>>[vector<16xi32>], vector<16xf32>,
        %add3A_354 = arith.constant 496 : i32
        %add3A_355 = vector.broadcast %add3A_354 : i32 to vector<16xi32>
        %add3A_356 = arith.addi %add3A_355, %iota3A : vector<16xi32>
        %mul3A_357 = arith.constant 64 : i32
        %mul3A_358 = vector.broadcast %mul3A_357 : i32 to vector<16xi32>
        %mul3A_359 = arith.muli %add3A_356, %mul3A_358 : vector<16xi32>
        %add3A_360 = vector.broadcast %mul3A_26 : i32 to vector<16xi32>
        %add3A_361 = arith.addi %mul3A_359, %add3A_360 : vector<16xi32>
        %gather3A_362 = tpu.vector_load_idx %run_scoped3A[%add3A_361] : memref<81920xf32, #tpu.memory_space<vmem>>[vector<16xi32>], vector<16xf32>,
        %swap3A_363 = arith.constant 384 : index
        %swap3A_364 = tpu.vector_load %run_scoped3A_1[%swap3A_363] {strides = array<i32>} : memref<1280xf32, #tpu.memory_space<vmem>>, vector<16xf32>,
        tpu.vector_store %run_scoped3A_1[%swap3A_363], %gather3A_299 {strides = array<i32>} : memref<1280xf32, #tpu.memory_space<vmem>>, vector<16xf32>,
        %swap3A_365 = arith.constant 400 : index
        %swap3A_366 = tpu.vector_load %run_scoped3A_1[%swap3A_365] {strides = array<i32>} : memref<1280xf32, #tpu.memory_space<vmem>>, vector<16xf32>,
        tpu.vector_store %run_scoped3A_1[%swap3A_365], %gather3A_308 {strides = array<i32>} : memref<1280xf32, #tpu.memory_space<vmem>>, vector<16xf32>,
        %swap3A_367 = arith.constant 416 : index
        %swap3A_368 = tpu.vector_load %run_scoped3A_1[%swap3A_367] {strides = array<i32>} : memref<1280xf32, #tpu.memory_space<vmem>>, vector<16xf32>,
        tpu.vector_store %run_scoped3A_1[%swap3A_367], %gather3A_317 {strides = array<i32>} : memref<1280xf32, #tpu.memory_space<vmem>>, vector<16xf32>,
        %swap3A_369 = arith.constant 432 : index
        %swap3A_370 = tpu.vector_load %run_scoped3A_1[%swap3A_369] {strides = array<i32>} : memref<1280xf32, #tpu.memory_space<vmem>>, vector<16xf32>,
        tpu.vector_store %run_scoped3A_1[%swap3A_369], %gather3A_326 {strides = array<i32>} : memref<1280xf32, #tpu.memory_space<vmem>>, vector<16xf32>,
        %swap3A_371 = arith.constant 448 : index
        %swap3A_372 = tpu.vector_load %run_scoped3A_1[%swap3A_371] {strides = array<i32>} : memref<1280xf32, #tpu.memory_space<vmem>>, vector<16xf32>,
        tpu.vector_store %run_scoped3A_1[%swap3A_371], %gather3A_335 {strides = array<i32>} : memref<1280xf32, #tpu.memory_space<vmem>>, vector<16xf32>,
        %swap3A_373 = arith.constant 464 : index
        %swap3A_374 = tpu.vector_load %run_scoped3A_1[%swap3A_373] {strides = array<i32>} : memref<1280xf32, #tpu.memory_space<vmem>>, vector<16xf32>,
        tpu.vector_store %run_scoped3A_1[%swap3A_373], %gather3A_344 {strides = array<i32>} : memref<1280xf32, #tpu.memory_space<vmem>>, vector<16xf32>,
        %swap3A_375 = arith.constant 480 : index
        %swap3A_376 = tpu.vector_load %run_scoped3A_1[%swap3A_375] {strides = array<i32>} : memref<1280xf32, #tpu.memory_space<vmem>>, vector<16xf32>,
        tpu.vector_store %run_scoped3A_1[%swap3A_375], %gather3A_353 {strides = array<i32>} : memref<1280xf32, #tpu.memory_space<vmem>>, vector<16xf32>,
        %swap3A_377 = arith.constant 496 : index
        %swap3A_378 = tpu.vector_load %run_scoped3A_1[%swap3A_377] {strides = array<i32>} : memref<1280xf32, #tpu.memory_space<vmem>>, vector<16xf32>,
        tpu.vector_store %run_scoped3A_1[%swap3A_377], %gather3A_362 {strides = array<i32>} : memref<1280xf32, #tpu.memory_space<vmem>>, vector<16xf32>,
        %add3A_379 = arith.constant 512 : i32
        %add3A_380 = vector.broadcast %add3A_379 : i32 to vector<16xi32>
        %add3A_381 = arith.addi %add3A_380, %iota3A : vector<16xi32>
        %mul3A_382 = arith.constant 64 : i32
        %mul3A_383 = vector.broadcast %mul3A_382 : i32 to vector<16xi32>
        %mul3A_384 = arith.muli %add3A_381, %mul3A_383 : vector<16xi32>
        %add3A_385 = vector.broadcast %mul3A_26 : i32 to vector<16xi32>
        %add3A_386 = arith.addi %mul3A_384, %add3A_385 : vector<16xi32>
        %gather3A_387 = tpu.vector_load_idx %run_scoped3A[%add3A_386] : memref<81920xf32, #tpu.memory_space<vmem>>[vector<16xi32>], vector<16xf32>,
        %add3A_388 = arith.constant 528 : i32
        %add3A_389 = vector.broadcast %add3A_388 : i32 to vector<16xi32>
        %add3A_390 = arith.addi %add3A_389, %iota3A : vector<16xi32>
        %mul3A_391 = arith.constant 64 : i32
        %mul3A_392 = vector.broadcast %mul3A_391 : i32 to vector<16xi32>
        %mul3A_393 = arith.muli %add3A_390, %mul3A_392 : vector<16xi32>
        %add3A_394 = vector.broadcast %mul3A_26 : i32 to vector<16xi32>
        %add3A_395 = arith.addi %mul3A_393, %add3A_394 : vector<16xi32>
        %gather3A_396 = tpu.vector_load_idx %run_scoped3A[%add3A_395] : memref<81920xf32, #tpu.memory_space<vmem>>[vector<16xi32>], vector<16xf32>,
        %add3A_397 = arith.constant 544 : i32
        %add3A_398 = vector.broadcast %add3A_397 : i32 to vector<16xi32>
        %add3A_399 = arith.addi %add3A_398, %iota3A : vector<16xi32>
        %mul3A_400 = arith.constant 64 : i32
        %mul3A_401 = vector.broadcast %mul3A_400 : i32 to vector<16xi32>
        %mul3A_402 = arith.muli %add3A_399, %mul3A_401 : vector<16xi32>
        %add3A_403 = vector.broadcast %mul3A_26 : i32 to vector<16xi32>
        %add3A_404 = arith.addi %mul3A_402, %add3A_403 : vector<16xi32>
        %gather3A_405 = tpu.vector_load_idx %run_scoped3A[%add3A_404] : memref<81920xf32, #tpu.memory_space<vmem>>[vector<16xi32>], vector<16xf32>,
        %add3A_406 = arith.constant 560 : i32
        %add3A_407 = vector.broadcast %add3A_406 : i32 to vector<16xi32>
        %add3A_408 = arith.addi %add3A_407, %iota3A : vector<16xi32>
        %mul3A_409 = arith.constant 64 : i32
        %mul3A_410 = vector.broadcast %mul3A_409 : i32 to vector<16xi32>
        %mul3A_411 = arith.muli %add3A_408, %mul3A_410 : vector<16xi32>
        %add3A_412 = vector.broadcast %mul3A_26 : i32 to vector<16xi32>
        %add3A_413 = arith.addi %mul3A_411, %add3A_412 : vector<16xi32>
        %gather3A_414 = tpu.vector_load_idx %run_scoped3A[%add3A_413] : memref<81920xf32, #tpu.memory_space<vmem>>[vector<16xi32>], vector<16xf32>,
        %add3A_415 = arith.constant 576 : i32
        %add3A_416 = vector.broadcast %add3A_415 : i32 to vector<16xi32>
        %add3A_417 = arith.addi %add3A_416, %iota3A : vector<16xi32>
        %mul3A_418 = arith.constant 64 : i32
        %mul3A_419 = vector.broadcast %mul3A_418 : i32 to vector<16xi32>
        %mul3A_420 = arith.muli %add3A_417, %mul3A_419 : vector<16xi32>
        %add3A_421 = vector.broadcast %mul3A_26 : i32 to vector<16xi32>
        %add3A_422 = arith.addi %mul3A_420, %add3A_421 : vector<16xi32>
        %gather3A_423 = tpu.vector_load_idx %run_scoped3A[%add3A_422] : memref<81920xf32, #tpu.memory_space<vmem>>[vector<16xi32>], vector<16xf32>,
        %add3A_424 = arith.constant 592 : i32
        %add3A_425 = vector.broadcast %add3A_424 : i32 to vector<16xi32>
        %add3A_426 = arith.addi %add3A_425, %iota3A : vector<16xi32>
        %mul3A_427 = arith.constant 64 : i32
        %mul3A_428 = vector.broadcast %mul3A_427 : i32 to vector<16xi32>
        %mul3A_429 = arith.muli %add3A_426, %mul3A_428 : vector<16xi32>
        %add3A_430 = vector.broadcast %mul3A_26 : i32 to vector<16xi32>
        %add3A_431 = arith.addi %mul3A_429, %add3A_430 : vector<16xi32>
        %gather3A_432 = tpu.vector_load_idx %run_scoped3A[%add3A_431] : memref<81920xf32, #tpu.memory_space<vmem>>[vector<16xi32>], vector<16xf32>,
        %add3A_433 = arith.constant 608 : i32
        %add3A_434 = vector.broadcast %add3A_433 : i32 to vector<16xi32>
        %add3A_435 = arith.addi %add3A_434, %iota3A : vector<16xi32>
        %mul3A_436 = arith.constant 64 : i32
        %mul3A_437 = vector.broadcast %mul3A_436 : i32 to vector<16xi32>
        %mul3A_438 = arith.muli %add3A_435, %mul3A_437 : vector<16xi32>
        %add3A_439 = vector.broadcast %mul3A_26 : i32 to vector<16xi32>
        %add3A_440 = arith.addi %mul3A_438, %add3A_439 : vector<16xi32>
        %gather3A_441 = tpu.vector_load_idx %run_scoped3A[%add3A_440] : memref<81920xf32, #tpu.memory_space<vmem>>[vector<16xi32>], vector<16xf32>,
        %add3A_442 = arith.constant 624 : i32
        %add3A_443 = vector.broadcast %add3A_442 : i32 to vector<16xi32>
        %add3A_444 = arith.addi %add3A_443, %iota3A : vector<16xi32>
        %mul3A_445 = arith.constant 64 : i32
        %mul3A_446 = vector.broadcast %mul3A_445 : i32 to vector<16xi32>
        %mul3A_447 = arith.muli %add3A_444, %mul3A_446 : vector<16xi32>
        %add3A_448 = vector.broadcast %mul3A_26 : i32 to vector<16xi32>
        %add3A_449 = arith.addi %mul3A_447, %add3A_448 : vector<16xi32>
        %gather3A_450 = tpu.vector_load_idx %run_scoped3A[%add3A_449] : memref<81920xf32, #tpu.memory_space<vmem>>[vector<16xi32>], vector<16xf32>,
        %swap3A_451 = arith.constant 512 : index
        %swap3A_452 = tpu.vector_load %run_scoped3A_1[%swap3A_451] {strides = array<i32>} : memref<1280xf32, #tpu.memory_space<vmem>>, vector<16xf32>,
        tpu.vector_store %run_scoped3A_1[%swap3A_451], %gather3A_387 {strides = array<i32>} : memref<1280xf32, #tpu.memory_space<vmem>>, vector<16xf32>,
        %swap3A_453 = arith.constant 528 : index
        %swap3A_454 = tpu.vector_load %run_scoped3A_1[%swap3A_453] {strides = array<i32>} : memref<1280xf32, #tpu.memory_space<vmem>>, vector<16xf32>,
        tpu.vector_store %run_scoped3A_1[%swap3A_453], %gather3A_396 {strides = array<i32>} : memref<1280xf32, #tpu.memory_space<vmem>>, vector<16xf32>,
        %swap3A_455 = arith.constant 544 : index
        %swap3A_456 = tpu.vector_load %run_scoped3A_1[%swap3A_455] {strides = array<i32>} : memref<1280xf32, #tpu.memory_space<vmem>>, vector<16xf32>,
        tpu.vector_store %run_scoped3A_1[%swap3A_455], %gather3A_405 {strides = array<i32>} : memref<1280xf32, #tpu.memory_space<vmem>>, vector<16xf32>,
        %swap3A_457 = arith.constant 560 : index
        %swap3A_458 = tpu.vector_load %run_scoped3A_1[%swap3A_457] {strides = array<i32>} : memref<1280xf32, #tpu.memory_space<vmem>>, vector<16xf32>,
        tpu.vector_store %run_scoped3A_1[%swap3A_457], %gather3A_414 {strides = array<i32>} : memref<1280xf32, #tpu.memory_space<vmem>>, vector<16xf32>,
        %swap3A_459 = arith.constant 576 : index
        %swap3A_460 = tpu.vector_load %run_scoped3A_1[%swap3A_459] {strides = array<i32>} : memref<1280xf32, #tpu.memory_space<vmem>>, vector<16xf32>,
        tpu.vector_store %run_scoped3A_1[%swap3A_459], %gather3A_423 {strides = array<i32>} : memref<1280xf32, #tpu.memory_space<vmem>>, vector<16xf32>,
        %swap3A_461 = arith.constant 592 : index
        %swap3A_462 = tpu.vector_load %run_scoped3A_1[%swap3A_461] {strides = array<i32>} : memref<1280xf32, #tpu.memory_space<vmem>>, vector<16xf32>,
        tpu.vector_store %run_scoped3A_1[%swap3A_461], %gather3A_432 {strides = array<i32>} : memref<1280xf32, #tpu.memory_space<vmem>>, vector<16xf32>,
        %swap3A_463 = arith.constant 608 : index
        %swap3A_464 = tpu.vector_load %run_scoped3A_1[%swap3A_463] {strides = array<i32>} : memref<1280xf32, #tpu.memory_space<vmem>>, vector<16xf32>,
        tpu.vector_store %run_scoped3A_1[%swap3A_463], %gather3A_441 {strides = array<i32>} : memref<1280xf32, #tpu.memory_space<vmem>>, vector<16xf32>,
        %swap3A_465 = arith.constant 624 : index
        %swap3A_466 = tpu.vector_load %run_scoped3A_1[%swap3A_465] {strides = array<i32>} : memref<1280xf32, #tpu.memory_space<vmem>>, vector<16xf32>,
        tpu.vector_store %run_scoped3A_1[%swap3A_465], %gather3A_450 {strides = array<i32>} : memref<1280xf32, #tpu.memory_space<vmem>>, vector<16xf32>,
        %add3A_467 = arith.constant 640 : i32
        %add3A_468 = vector.broadcast %add3A_467 : i32 to vector<16xi32>
        %add3A_469 = arith.addi %add3A_468, %iota3A : vector<16xi32>
        %mul3A_470 = arith.constant 64 : i32
        %mul3A_471 = vector.broadcast %mul3A_470 : i32 to vector<16xi32>
        %mul3A_472 = arith.muli %add3A_469, %mul3A_471 : vector<16xi32>
        %add3A_473 = vector.broadcast %mul3A_26 : i32 to vector<16xi32>
        %add3A_474 = arith.addi %mul3A_472, %add3A_473 : vector<16xi32>
        %gather3A_475 = tpu.vector_load_idx %run_scoped3A[%add3A_474] : memref<81920xf32, #tpu.memory_space<vmem>>[vector<16xi32>], vector<16xf32>,
        %add3A_476 = arith.constant 656 : i32
        %add3A_477 = vector.broadcast %add3A_476 : i32 to vector<16xi32>
        %add3A_478 = arith.addi %add3A_477, %iota3A : vector<16xi32>
        %mul3A_479 = arith.constant 64 : i32
        %mul3A_480 = vector.broadcast %mul3A_479 : i32 to vector<16xi32>
        %mul3A_481 = arith.muli %add3A_478, %mul3A_480 : vector<16xi32>
        %add3A_482 = vector.broadcast %mul3A_26 : i32 to vector<16xi32>
        %add3A_483 = arith.addi %mul3A_481, %add3A_482 : vector<16xi32>
        %gather3A_484 = tpu.vector_load_idx %run_scoped3A[%add3A_483] : memref<81920xf32, #tpu.memory_space<vmem>>[vector<16xi32>], vector<16xf32>,
        %add3A_485 = arith.constant 672 : i32
        %add3A_486 = vector.broadcast %add3A_485 : i32 to vector<16xi32>
        %add3A_487 = arith.addi %add3A_486, %iota3A : vector<16xi32>
        %mul3A_488 = arith.constant 64 : i32
        %mul3A_489 = vector.broadcast %mul3A_488 : i32 to vector<16xi32>
        %mul3A_490 = arith.muli %add3A_487, %mul3A_489 : vector<16xi32>
        %add3A_491 = vector.broadcast %mul3A_26 : i32 to vector<16xi32>
        %add3A_492 = arith.addi %mul3A_490, %add3A_491 : vector<16xi32>
        %gather3A_493 = tpu.vector_load_idx %run_scoped3A[%add3A_492] : memref<81920xf32, #tpu.memory_space<vmem>>[vector<16xi32>], vector<16xf32>,
        %add3A_494 = arith.constant 688 : i32
        %add3A_495 = vector.broadcast %add3A_494 : i32 to vector<16xi32>
        %add3A_496 = arith.addi %add3A_495, %iota3A : vector<16xi32>
        %mul3A_497 = arith.constant 64 : i32
        %mul3A_498 = vector.broadcast %mul3A_497 : i32 to vector<16xi32>
        %mul3A_499 = arith.muli %add3A_496, %mul3A_498 : vector<16xi32>
        %add3A_500 = vector.broadcast %mul3A_26 : i32 to vector<16xi32>
        %add3A_501 = arith.addi %mul3A_499, %add3A_500 : vector<16xi32>
        %gather3A_502 = tpu.vector_load_idx %run_scoped3A[%add3A_501] : memref<81920xf32, #tpu.memory_space<vmem>>[vector<16xi32>], vector<16xf32>,
        %add3A_503 = arith.constant 704 : i32
        %add3A_504 = vector.broadcast %add3A_503 : i32 to vector<16xi32>
        %add3A_505 = arith.addi %add3A_504, %iota3A : vector<16xi32>
        %mul3A_506 = arith.constant 64 : i32
        %mul3A_507 = vector.broadcast %mul3A_506 : i32 to vector<16xi32>
        %mul3A_508 = arith.muli %add3A_505, %mul3A_507 : vector<16xi32>
        %add3A_509 = vector.broadcast %mul3A_26 : i32 to vector<16xi32>
        %add3A_510 = arith.addi %mul3A_508, %add3A_509 : vector<16xi32>
        %gather3A_511 = tpu.vector_load_idx %run_scoped3A[%add3A_510] : memref<81920xf32, #tpu.memory_space<vmem>>[vector<16xi32>], vector<16xf32>,
        %add3A_512 = arith.constant 720 : i32
        %add3A_513 = vector.broadcast %add3A_512 : i32 to vector<16xi32>
        %add3A_514 = arith.addi %add3A_513, %iota3A : vector<16xi32>
        %mul3A_515 = arith.constant 64 : i32
        %mul3A_516 = vector.broadcast %mul3A_515 : i32 to vector<16xi32>
        %mul3A_517 = arith.muli %add3A_514, %mul3A_516 : vector<16xi32>
        %add3A_518 = vector.broadcast %mul3A_26 : i32 to vector<16xi32>
        %add3A_519 = arith.addi %mul3A_517, %add3A_518 : vector<16xi32>
        %gather3A_520 = tpu.vector_load_idx %run_scoped3A[%add3A_519] : memref<81920xf32, #tpu.memory_space<vmem>>[vector<16xi32>], vector<16xf32>,
        %add3A_521 = arith.constant 736 : i32
        %add3A_522 = vector.broadcast %add3A_521 : i32 to vector<16xi32>
        %add3A_523 = arith.addi %add3A_522, %iota3A : vector<16xi32>
        %mul3A_524 = arith.constant 64 : i32
        %mul3A_525 = vector.broadcast %mul3A_524 : i32 to vector<16xi32>
        %mul3A_526 = arith.muli %add3A_523, %mul3A_525 : vector<16xi32>
        %add3A_527 = vector.broadcast %mul3A_26 : i32 to vector<16xi32>
        %add3A_528 = arith.addi %mul3A_526, %add3A_527 : vector<16xi32>
        %gather3A_529 = tpu.vector_load_idx %run_scoped3A[%add3A_528] : memref<81920xf32, #tpu.memory_space<vmem>>[vector<16xi32>], vector<16xf32>,
        %add3A_530 = arith.constant 752 : i32
        %add3A_531 = vector.broadcast %add3A_530 : i32 to vector<16xi32>
        %add3A_532 = arith.addi %add3A_531, %iota3A : vector<16xi32>
        %mul3A_533 = arith.constant 64 : i32
        %mul3A_534 = vector.broadcast %mul3A_533 : i32 to vector<16xi32>
        %mul3A_535 = arith.muli %add3A_532, %mul3A_534 : vector<16xi32>
        %add3A_536 = vector.broadcast %mul3A_26 : i32 to vector<16xi32>
        %add3A_537 = arith.addi %mul3A_535, %add3A_536 : vector<16xi32>
        %gather3A_538 = tpu.vector_load_idx %run_scoped3A[%add3A_537] : memref<81920xf32, #tpu.memory_space<vmem>>[vector<16xi32>], vector<16xf32>,
        %swap3A_539 = arith.constant 640 : index
        %swap3A_540 = tpu.vector_load %run_scoped3A_1[%swap3A_539] {strides = array<i32>} : memref<1280xf32, #tpu.memory_space<vmem>>, vector<16xf32>,
        tpu.vector_store %run_scoped3A_1[%swap3A_539], %gather3A_475 {strides = array<i32>} : memref<1280xf32, #tpu.memory_space<vmem>>, vector<16xf32>,
        %swap3A_541 = arith.constant 656 : index
        %swap3A_542 = tpu.vector_load %run_scoped3A_1[%swap3A_541] {strides = array<i32>} : memref<1280xf32, #tpu.memory_space<vmem>>, vector<16xf32>,
        tpu.vector_store %run_scoped3A_1[%swap3A_541], %gather3A_484 {strides = array<i32>} : memref<1280xf32, #tpu.memory_space<vmem>>, vector<16xf32>,
        %swap3A_543 = arith.constant 672 : index
        %swap3A_544 = tpu.vector_load %run_scoped3A_1[%swap3A_543] {strides = array<i32>} : memref<1280xf32, #tpu.memory_space<vmem>>, vector<16xf32>,
        tpu.vector_store %run_scoped3A_1[%swap3A_543], %gather3A_493 {strides = array<i32>} : memref<1280xf32, #tpu.memory_space<vmem>>, vector<16xf32>,
        %swap3A_545 = arith.constant 688 : index
        %swap3A_546 = tpu.vector_load %run_scoped3A_1[%swap3A_545] {strides = array<i32>} : memref<1280xf32, #tpu.memory_space<vmem>>, vector<16xf32>,
        tpu.vector_store %run_scoped3A_1[%swap3A_545], %gather3A_502 {strides = array<i32>} : memref<1280xf32, #tpu.memory_space<vmem>>, vector<16xf32>,
        %swap3A_547 = arith.constant 704 : index
        %swap3A_548 = tpu.vector_load %run_scoped3A_1[%swap3A_547] {strides = array<i32>} : memref<1280xf32, #tpu.memory_space<vmem>>, vector<16xf32>,
        tpu.vector_store %run_scoped3A_1[%swap3A_547], %gather3A_511 {strides = array<i32>} : memref<1280xf32, #tpu.memory_space<vmem>>, vector<16xf32>,
        %swap3A_549 = arith.constant 720 : index
        %swap3A_550 = tpu.vector_load %run_scoped3A_1[%swap3A_549] {strides = array<i32>} : memref<1280xf32, #tpu.memory_space<vmem>>, vector<16xf32>,
        tpu.vector_store %run_scoped3A_1[%swap3A_549], %gather3A_520 {strides = array<i32>} : memref<1280xf32, #tpu.memory_space<vmem>>, vector<16xf32>,
        %swap3A_551 = arith.constant 736 : index
        %swap3A_552 = tpu.vector_load %run_scoped3A_1[%swap3A_551] {strides = array<i32>} : memref<1280xf32, #tpu.memory_space<vmem>>, vector<16xf32>,
        tpu.vector_store %run_scoped3A_1[%swap3A_551], %gather3A_529 {strides = array<i32>} : memref<1280xf32, #tpu.memory_space<vmem>>, vector<16xf32>,
        %swap3A_553 = arith.constant 752 : index
        %swap3A_554 = tpu.vector_load %run_scoped3A_1[%swap3A_553] {strides = array<i32>} : memref<1280xf32, #tpu.memory_space<vmem>>, vector<16xf32>,
        tpu.vector_store %run_scoped3A_1[%swap3A_553], %gather3A_538 {strides = array<i32>} : memref<1280xf32, #tpu.memory_space<vmem>>, vector<16xf32>,
        %add3A_555 = arith.constant 768 : i32
        %add3A_556 = vector.broadcast %add3A_555 : i32 to vector<16xi32>
        %add3A_557 = arith.addi %add3A_556, %iota3A : vector<16xi32>
        %mul3A_558 = arith.constant 64 : i32
        %mul3A_559 = vector.broadcast %mul3A_558 : i32 to vector<16xi32>
        %mul3A_560 = arith.muli %add3A_557, %mul3A_559 : vector<16xi32>
        %add3A_561 = vector.broadcast %mul3A_26 : i32 to vector<16xi32>
        %add3A_562 = arith.addi %mul3A_560, %add3A_561 : vector<16xi32>
        %gather3A_563 = tpu.vector_load_idx %run_scoped3A[%add3A_562] : memref<81920xf32, #tpu.memory_space<vmem>>[vector<16xi32>], vector<16xf32>,
        %add3A_564 = arith.constant 784 : i32
        %add3A_565 = vector.broadcast %add3A_564 : i32 to vector<16xi32>
        %add3A_566 = arith.addi %add3A_565, %iota3A : vector<16xi32>
        %mul3A_567 = arith.constant 64 : i32
        %mul3A_568 = vector.broadcast %mul3A_567 : i32 to vector<16xi32>
        %mul3A_569 = arith.muli %add3A_566, %mul3A_568 : vector<16xi32>
        %add3A_570 = vector.broadcast %mul3A_26 : i32 to vector<16xi32>
        %add3A_571 = arith.addi %mul3A_569, %add3A_570 : vector<16xi32>
        %gather3A_572 = tpu.vector_load_idx %run_scoped3A[%add3A_571] : memref<81920xf32, #tpu.memory_space<vmem>>[vector<16xi32>], vector<16xf32>,
        %add3A_573 = arith.constant 800 : i32
        %add3A_574 = vector.broadcast %add3A_573 : i32 to vector<16xi32>
        %add3A_575 = arith.addi %add3A_574, %iota3A : vector<16xi32>
        %mul3A_576 = arith.constant 64 : i32
        %mul3A_577 = vector.broadcast %mul3A_576 : i32 to vector<16xi32>
        %mul3A_578 = arith.muli %add3A_575, %mul3A_577 : vector<16xi32>
        %add3A_579 = vector.broadcast %mul3A_26 : i32 to vector<16xi32>
        %add3A_580 = arith.addi %mul3A_578, %add3A_579 : vector<16xi32>
        %gather3A_581 = tpu.vector_load_idx %run_scoped3A[%add3A_580] : memref<81920xf32, #tpu.memory_space<vmem>>[vector<16xi32>], vector<16xf32>,
        %add3A_582 = arith.constant 816 : i32
        %add3A_583 = vector.broadcast %add3A_582 : i32 to vector<16xi32>
        %add3A_584 = arith.addi %add3A_583, %iota3A : vector<16xi32>
        %mul3A_585 = arith.constant 64 : i32
        %mul3A_586 = vector.broadcast %mul3A_585 : i32 to vector<16xi32>
        %mul3A_587 = arith.muli %add3A_584, %mul3A_586 : vector<16xi32>
        %add3A_588 = vector.broadcast %mul3A_26 : i32 to vector<16xi32>
        %add3A_589 = arith.addi %mul3A_587, %add3A_588 : vector<16xi32>
        %gather3A_590 = tpu.vector_load_idx %run_scoped3A[%add3A_589] : memref<81920xf32, #tpu.memory_space<vmem>>[vector<16xi32>], vector<16xf32>,
        %add3A_591 = arith.constant 832 : i32
        %add3A_592 = vector.broadcast %add3A_591 : i32 to vector<16xi32>
        %add3A_593 = arith.addi %add3A_592, %iota3A : vector<16xi32>
        %mul3A_594 = arith.constant 64 : i32
        %mul3A_595 = vector.broadcast %mul3A_594 : i32 to vector<16xi32>
        %mul3A_596 = arith.muli %add3A_593, %mul3A_595 : vector<16xi32>
        %add3A_597 = vector.broadcast %mul3A_26 : i32 to vector<16xi32>
        %add3A_598 = arith.addi %mul3A_596, %add3A_597 : vector<16xi32>
        %gather3A_599 = tpu.vector_load_idx %run_scoped3A[%add3A_598] : memref<81920xf32, #tpu.memory_space<vmem>>[vector<16xi32>], vector<16xf32>,
        %add3A_600 = arith.constant 848 : i32
        %add3A_601 = vector.broadcast %add3A_600 : i32 to vector<16xi32>
        %add3A_602 = arith.addi %add3A_601, %iota3A : vector<16xi32>
        %mul3A_603 = arith.constant 64 : i32
        %mul3A_604 = vector.broadcast %mul3A_603 : i32 to vector<16xi32>
        %mul3A_605 = arith.muli %add3A_602, %mul3A_604 : vector<16xi32>
        %add3A_606 = vector.broadcast %mul3A_26 : i32 to vector<16xi32>
        %add3A_607 = arith.addi %mul3A_605, %add3A_606 : vector<16xi32>
        %gather3A_608 = tpu.vector_load_idx %run_scoped3A[%add3A_607] : memref<81920xf32, #tpu.memory_space<vmem>>[vector<16xi32>], vector<16xf32>,
        %add3A_609 = arith.constant 864 : i32
        %add3A_610 = vector.broadcast %add3A_609 : i32 to vector<16xi32>
        %add3A_611 = arith.addi %add3A_610, %iota3A : vector<16xi32>
        %mul3A_612 = arith.constant 64 : i32
        %mul3A_613 = vector.broadcast %mul3A_612 : i32 to vector<16xi32>
        %mul3A_614 = arith.muli %add3A_611, %mul3A_613 : vector<16xi32>
        %add3A_615 = vector.broadcast %mul3A_26 : i32 to vector<16xi32>
        %add3A_616 = arith.addi %mul3A_614, %add3A_615 : vector<16xi32>
        %gather3A_617 = tpu.vector_load_idx %run_scoped3A[%add3A_616] : memref<81920xf32, #tpu.memory_space<vmem>>[vector<16xi32>], vector<16xf32>,
        %add3A_618 = arith.constant 880 : i32
        %add3A_619 = vector.broadcast %add3A_618 : i32 to vector<16xi32>
        %add3A_620 = arith.addi %add3A_619, %iota3A : vector<16xi32>
        %mul3A_621 = arith.constant 64 : i32
        %mul3A_622 = vector.broadcast %mul3A_621 : i32 to vector<16xi32>
        %mul3A_623 = arith.muli %add3A_620, %mul3A_622 : vector<16xi32>
        %add3A_624 = vector.broadcast %mul3A_26 : i32 to vector<16xi32>
        %add3A_625 = arith.addi %mul3A_623, %add3A_624 : vector<16xi32>
        %gather3A_626 = tpu.vector_load_idx %run_scoped3A[%add3A_625] : memref<81920xf32, #tpu.memory_space<vmem>>[vector<16xi32>], vector<16xf32>,
        %swap3A_627 = arith.constant 768 : index
        %swap3A_628 = tpu.vector_load %run_scoped3A_1[%swap3A_627] {strides = array<i32>} : memref<1280xf32, #tpu.memory_space<vmem>>, vector<16xf32>,
        tpu.vector_store %run_scoped3A_1[%swap3A_627], %gather3A_563 {strides = array<i32>} : memref<1280xf32, #tpu.memory_space<vmem>>, vector<16xf32>,
        %swap3A_629 = arith.constant 784 : index
        %swap3A_630 = tpu.vector_load %run_scoped3A_1[%swap3A_629] {strides = array<i32>} : memref<1280xf32, #tpu.memory_space<vmem>>, vector<16xf32>,
        tpu.vector_store %run_scoped3A_1[%swap3A_629], %gather3A_572 {strides = array<i32>} : memref<1280xf32, #tpu.memory_space<vmem>>, vector<16xf32>,
        %swap3A_631 = arith.constant 800 : index
        %swap3A_632 = tpu.vector_load %run_scoped3A_1[%swap3A_631] {strides = array<i32>} : memref<1280xf32, #tpu.memory_space<vmem>>, vector<16xf32>,
        tpu.vector_store %run_scoped3A_1[%swap3A_631], %gather3A_581 {strides = array<i32>} : memref<1280xf32, #tpu.memory_space<vmem>>, vector<16xf32>,
        %swap3A_633 = arith.constant 816 : index
        %swap3A_634 = tpu.vector_load %run_scoped3A_1[%swap3A_633] {strides = array<i32>} : memref<1280xf32, #tpu.memory_space<vmem>>, vector<16xf32>,
        tpu.vector_store %run_scoped3A_1[%swap3A_633], %gather3A_590 {strides = array<i32>} : memref<1280xf32, #tpu.memory_space<vmem>>, vector<16xf32>,
        %swap3A_635 = arith.constant 832 : index
        %swap3A_636 = tpu.vector_load %run_scoped3A_1[%swap3A_635] {strides = array<i32>} : memref<1280xf32, #tpu.memory_space<vmem>>, vector<16xf32>,
        tpu.vector_store %run_scoped3A_1[%swap3A_635], %gather3A_599 {strides = array<i32>} : memref<1280xf32, #tpu.memory_space<vmem>>, vector<16xf32>,
        %swap3A_637 = arith.constant 848 : index
        %swap3A_638 = tpu.vector_load %run_scoped3A_1[%swap3A_637] {strides = array<i32>} : memref<1280xf32, #tpu.memory_space<vmem>>, vector<16xf32>,
        tpu.vector_store %run_scoped3A_1[%swap3A_637], %gather3A_608 {strides = array<i32>} : memref<1280xf32, #tpu.memory_space<vmem>>, vector<16xf32>,
        %swap3A_639 = arith.constant 864 : index
        %swap3A_640 = tpu.vector_load %run_scoped3A_1[%swap3A_639] {strides = array<i32>} : memref<1280xf32, #tpu.memory_space<vmem>>, vector<16xf32>,
        tpu.vector_store %run_scoped3A_1[%swap3A_639], %gather3A_617 {strides = array<i32>} : memref<1280xf32, #tpu.memory_space<vmem>>, vector<16xf32>,
        %swap3A_641 = arith.constant 880 : index
        %swap3A_642 = tpu.vector_load %run_scoped3A_1[%swap3A_641] {strides = array<i32>} : memref<1280xf32, #tpu.memory_space<vmem>>, vector<16xf32>,
        tpu.vector_store %run_scoped3A_1[%swap3A_641], %gather3A_626 {strides = array<i32>} : memref<1280xf32, #tpu.memory_space<vmem>>, vector<16xf32>,
        %add3A_643 = arith.constant 896 : i32
        %add3A_644 = vector.broadcast %add3A_643 : i32 to vector<16xi32>
        %add3A_645 = arith.addi %add3A_644, %iota3A : vector<16xi32>
        %mul3A_646 = arith.constant 64 : i32
        %mul3A_647 = vector.broadcast %mul3A_646 : i32 to vector<16xi32>
        %mul3A_648 = arith.muli %add3A_645, %mul3A_647 : vector<16xi32>
        %add3A_649 = vector.broadcast %mul3A_26 : i32 to vector<16xi32>
        %add3A_650 = arith.addi %mul3A_648, %add3A_649 : vector<16xi32>
        %gather3A_651 = tpu.vector_load_idx %run_scoped3A[%add3A_650] : memref<81920xf32, #tpu.memory_space<vmem>>[vector<16xi32>], vector<16xf32>,
        %add3A_652 = arith.constant 912 : i32
        %add3A_653 = vector.broadcast %add3A_652 : i32 to vector<16xi32>
        %add3A_654 = arith.addi %add3A_653, %iota3A : vector<16xi32>
        %mul3A_655 = arith.constant 64 : i32
        %mul3A_656 = vector.broadcast %mul3A_655 : i32 to vector<16xi32>
        %mul3A_657 = arith.muli %add3A_654, %mul3A_656 : vector<16xi32>
        %add3A_658 = vector.broadcast %mul3A_26 : i32 to vector<16xi32>
        %add3A_659 = arith.addi %mul3A_657, %add3A_658 : vector<16xi32>
        %gather3A_660 = tpu.vector_load_idx %run_scoped3A[%add3A_659] : memref<81920xf32, #tpu.memory_space<vmem>>[vector<16xi32>], vector<16xf32>,
        %add3A_661 = arith.constant 928 : i32
        %add3A_662 = vector.broadcast %add3A_661 : i32 to vector<16xi32>
        %add3A_663 = arith.addi %add3A_662, %iota3A : vector<16xi32>
        %mul3A_664 = arith.constant 64 : i32
        %mul3A_665 = vector.broadcast %mul3A_664 : i32 to vector<16xi32>
        %mul3A_666 = arith.muli %add3A_663, %mul3A_665 : vector<16xi32>
        %add3A_667 = vector.broadcast %mul3A_26 : i32 to vector<16xi32>
        %add3A_668 = arith.addi %mul3A_666, %add3A_667 : vector<16xi32>
        %gather3A_669 = tpu.vector_load_idx %run_scoped3A[%add3A_668] : memref<81920xf32, #tpu.memory_space<vmem>>[vector<16xi32>], vector<16xf32>,
        %add3A_670 = arith.constant 944 : i32
        %add3A_671 = vector.broadcast %add3A_670 : i32 to vector<16xi32>
        %add3A_672 = arith.addi %add3A_671, %iota3A : vector<16xi32>
        %mul3A_673 = arith.constant 64 : i32
        %mul3A_674 = vector.broadcast %mul3A_673 : i32 to vector<16xi32>
        %mul3A_675 = arith.muli %add3A_672, %mul3A_674 : vector<16xi32>
        %add3A_676 = vector.broadcast %mul3A_26 : i32 to vector<16xi32>
        %add3A_677 = arith.addi %mul3A_675, %add3A_676 : vector<16xi32>
        %gather3A_678 = tpu.vector_load_idx %run_scoped3A[%add3A_677] : memref<81920xf32, #tpu.memory_space<vmem>>[vector<16xi32>], vector<16xf32>,
        %add3A_679 = arith.constant 960 : i32
        %add3A_680 = vector.broadcast %add3A_679 : i32 to vector<16xi32>
        %add3A_681 = arith.addi %add3A_680, %iota3A : vector<16xi32>
        %mul3A_682 = arith.constant 64 : i32
        %mul3A_683 = vector.broadcast %mul3A_682 : i32 to vector<16xi32>
        %mul3A_684 = arith.muli %add3A_681, %mul3A_683 : vector<16xi32>
        %add3A_685 = vector.broadcast %mul3A_26 : i32 to vector<16xi32>
        %add3A_686 = arith.addi %mul3A_684, %add3A_685 : vector<16xi32>
        %gather3A_687 = tpu.vector_load_idx %run_scoped3A[%add3A_686] : memref<81920xf32, #tpu.memory_space<vmem>>[vector<16xi32>], vector<16xf32>,
        %add3A_688 = arith.constant 976 : i32
        %add3A_689 = vector.broadcast %add3A_688 : i32 to vector<16xi32>
        %add3A_690 = arith.addi %add3A_689, %iota3A : vector<16xi32>
        %mul3A_691 = arith.constant 64 : i32
        %mul3A_692 = vector.broadcast %mul3A_691 : i32 to vector<16xi32>
        %mul3A_693 = arith.muli %add3A_690, %mul3A_692 : vector<16xi32>
        %add3A_694 = vector.broadcast %mul3A_26 : i32 to vector<16xi32>
        %add3A_695 = arith.addi %mul3A_693, %add3A_694 : vector<16xi32>
        %gather3A_696 = tpu.vector_load_idx %run_scoped3A[%add3A_695] : memref<81920xf32, #tpu.memory_space<vmem>>[vector<16xi32>], vector<16xf32>,
        %add3A_697 = arith.constant 992 : i32
        %add3A_698 = vector.broadcast %add3A_697 : i32 to vector<16xi32>
        %add3A_699 = arith.addi %add3A_698, %iota3A : vector<16xi32>
        %mul3A_700 = arith.constant 64 : i32
        %mul3A_701 = vector.broadcast %mul3A_700 : i32 to vector<16xi32>
        %mul3A_702 = arith.muli %add3A_699, %mul3A_701 : vector<16xi32>
        %add3A_703 = vector.broadcast %mul3A_26 : i32 to vector<16xi32>
        %add3A_704 = arith.addi %mul3A_702, %add3A_703 : vector<16xi32>
        %gather3A_705 = tpu.vector_load_idx %run_scoped3A[%add3A_704] : memref<81920xf32, #tpu.memory_space<vmem>>[vector<16xi32>], vector<16xf32>,
        %add3A_706 = arith.constant 1008 : i32
        %add3A_707 = vector.broadcast %add3A_706 : i32 to vector<16xi32>
        %add3A_708 = arith.addi %add3A_707, %iota3A : vector<16xi32>
        %mul3A_709 = arith.constant 64 : i32
        %mul3A_710 = vector.broadcast %mul3A_709 : i32 to vector<16xi32>
        %mul3A_711 = arith.muli %add3A_708, %mul3A_710 : vector<16xi32>
        %add3A_712 = vector.broadcast %mul3A_26 : i32 to vector<16xi32>
        %add3A_713 = arith.addi %mul3A_711, %add3A_712 : vector<16xi32>
        %gather3A_714 = tpu.vector_load_idx %run_scoped3A[%add3A_713] : memref<81920xf32, #tpu.memory_space<vmem>>[vector<16xi32>], vector<16xf32>,
        %swap3A_715 = arith.constant 896 : index
        %swap3A_716 = tpu.vector_load %run_scoped3A_1[%swap3A_715] {strides = array<i32>} : memref<1280xf32, #tpu.memory_space<vmem>>, vector<16xf32>,
        tpu.vector_store %run_scoped3A_1[%swap3A_715], %gather3A_651 {strides = array<i32>} : memref<1280xf32, #tpu.memory_space<vmem>>, vector<16xf32>,
        %swap3A_717 = arith.constant 912 : index
        %swap3A_718 = tpu.vector_load %run_scoped3A_1[%swap3A_717] {strides = array<i32>} : memref<1280xf32, #tpu.memory_space<vmem>>, vector<16xf32>,
        tpu.vector_store %run_scoped3A_1[%swap3A_717], %gather3A_660 {strides = array<i32>} : memref<1280xf32, #tpu.memory_space<vmem>>, vector<16xf32>,
        %swap3A_719 = arith.constant 928 : index
        %swap3A_720 = tpu.vector_load %run_scoped3A_1[%swap3A_719] {strides = array<i32>} : memref<1280xf32, #tpu.memory_space<vmem>>, vector<16xf32>,
        tpu.vector_store %run_scoped3A_1[%swap3A_719], %gather3A_669 {strides = array<i32>} : memref<1280xf32, #tpu.memory_space<vmem>>, vector<16xf32>,
        %swap3A_721 = arith.constant 944 : index
        %swap3A_722 = tpu.vector_load %run_scoped3A_1[%swap3A_721] {strides = array<i32>} : memref<1280xf32, #tpu.memory_space<vmem>>, vector<16xf32>,
        tpu.vector_store %run_scoped3A_1[%swap3A_721], %gather3A_678 {strides = array<i32>} : memref<1280xf32, #tpu.memory_space<vmem>>, vector<16xf32>,
        %swap3A_723 = arith.constant 960 : index
        %swap3A_724 = tpu.vector_load %run_scoped3A_1[%swap3A_723] {strides = array<i32>} : memref<1280xf32, #tpu.memory_space<vmem>>, vector<16xf32>,
        tpu.vector_store %run_scoped3A_1[%swap3A_723], %gather3A_687 {strides = array<i32>} : memref<1280xf32, #tpu.memory_space<vmem>>, vector<16xf32>,
        %swap3A_725 = arith.constant 976 : index
        %swap3A_726 = tpu.vector_load %run_scoped3A_1[%swap3A_725] {strides = array<i32>} : memref<1280xf32, #tpu.memory_space<vmem>>, vector<16xf32>,
        tpu.vector_store %run_scoped3A_1[%swap3A_725], %gather3A_696 {strides = array<i32>} : memref<1280xf32, #tpu.memory_space<vmem>>, vector<16xf32>,
        %swap3A_727 = arith.constant 992 : index
        %swap3A_728 = tpu.vector_load %run_scoped3A_1[%swap3A_727] {strides = array<i32>} : memref<1280xf32, #tpu.memory_space<vmem>>, vector<16xf32>,
        tpu.vector_store %run_scoped3A_1[%swap3A_727], %gather3A_705 {strides = array<i32>} : memref<1280xf32, #tpu.memory_space<vmem>>, vector<16xf32>,
        %swap3A_729 = arith.constant 1008 : index
        %swap3A_730 = tpu.vector_load %run_scoped3A_1[%swap3A_729] {strides = array<i32>} : memref<1280xf32, #tpu.memory_space<vmem>>, vector<16xf32>,
        tpu.vector_store %run_scoped3A_1[%swap3A_729], %gather3A_714 {strides = array<i32>} : memref<1280xf32, #tpu.memory_space<vmem>>, vector<16xf32>,
        %add3A_731 = arith.constant 1024 : i32
        %add3A_732 = vector.broadcast %add3A_731 : i32 to vector<16xi32>
        %add3A_733 = arith.addi %add3A_732, %iota3A : vector<16xi32>
        %mul3A_734 = arith.constant 64 : i32
        %mul3A_735 = vector.broadcast %mul3A_734 : i32 to vector<16xi32>
        %mul3A_736 = arith.muli %add3A_733, %mul3A_735 : vector<16xi32>
        %add3A_737 = vector.broadcast %mul3A_26 : i32 to vector<16xi32>
        %add3A_738 = arith.addi %mul3A_736, %add3A_737 : vector<16xi32>
        %gather3A_739 = tpu.vector_load_idx %run_scoped3A[%add3A_738] : memref<81920xf32, #tpu.memory_space<vmem>>[vector<16xi32>], vector<16xf32>,
        %add3A_740 = arith.constant 1040 : i32
        %add3A_741 = vector.broadcast %add3A_740 : i32 to vector<16xi32>
        %add3A_742 = arith.addi %add3A_741, %iota3A : vector<16xi32>
        %mul3A_743 = arith.constant 64 : i32
        %mul3A_744 = vector.broadcast %mul3A_743 : i32 to vector<16xi32>
        %mul3A_745 = arith.muli %add3A_742, %mul3A_744 : vector<16xi32>
        %add3A_746 = vector.broadcast %mul3A_26 : i32 to vector<16xi32>
        %add3A_747 = arith.addi %mul3A_745, %add3A_746 : vector<16xi32>
        %gather3A_748 = tpu.vector_load_idx %run_scoped3A[%add3A_747] : memref<81920xf32, #tpu.memory_space<vmem>>[vector<16xi32>], vector<16xf32>,
        %add3A_749 = arith.constant 1056 : i32
        %add3A_750 = vector.broadcast %add3A_749 : i32 to vector<16xi32>
        %add3A_751 = arith.addi %add3A_750, %iota3A : vector<16xi32>
        %mul3A_752 = arith.constant 64 : i32
        %mul3A_753 = vector.broadcast %mul3A_752 : i32 to vector<16xi32>
        %mul3A_754 = arith.muli %add3A_751, %mul3A_753 : vector<16xi32>
        %add3A_755 = vector.broadcast %mul3A_26 : i32 to vector<16xi32>
        %add3A_756 = arith.addi %mul3A_754, %add3A_755 : vector<16xi32>
        %gather3A_757 = tpu.vector_load_idx %run_scoped3A[%add3A_756] : memref<81920xf32, #tpu.memory_space<vmem>>[vector<16xi32>], vector<16xf32>,
        %add3A_758 = arith.constant 1072 : i32
        %add3A_759 = vector.broadcast %add3A_758 : i32 to vector<16xi32>
        %add3A_760 = arith.addi %add3A_759, %iota3A : vector<16xi32>
        %mul3A_761 = arith.constant 64 : i32
        %mul3A_762 = vector.broadcast %mul3A_761 : i32 to vector<16xi32>
        %mul3A_763 = arith.muli %add3A_760, %mul3A_762 : vector<16xi32>
        %add3A_764 = vector.broadcast %mul3A_26 : i32 to vector<16xi32>
        %add3A_765 = arith.addi %mul3A_763, %add3A_764 : vector<16xi32>
        %gather3A_766 = tpu.vector_load_idx %run_scoped3A[%add3A_765] : memref<81920xf32, #tpu.memory_space<vmem>>[vector<16xi32>], vector<16xf32>,
        %add3A_767 = arith.constant 1088 : i32
        %add3A_768 = vector.broadcast %add3A_767 : i32 to vector<16xi32>
        %add3A_769 = arith.addi %add3A_768, %iota3A : vector<16xi32>
        %mul3A_770 = arith.constant 64 : i32
        %mul3A_771 = vector.broadcast %mul3A_770 : i32 to vector<16xi32>
        %mul3A_772 = arith.muli %add3A_769, %mul3A_771 : vector<16xi32>
        %add3A_773 = vector.broadcast %mul3A_26 : i32 to vector<16xi32>
        %add3A_774 = arith.addi %mul3A_772, %add3A_773 : vector<16xi32>
        %gather3A_775 = tpu.vector_load_idx %run_scoped3A[%add3A_774] : memref<81920xf32, #tpu.memory_space<vmem>>[vector<16xi32>], vector<16xf32>,
        %add3A_776 = arith.constant 1104 : i32
        %add3A_777 = vector.broadcast %add3A_776 : i32 to vector<16xi32>
        %add3A_778 = arith.addi %add3A_777, %iota3A : vector<16xi32>
        %mul3A_779 = arith.constant 64 : i32
        %mul3A_780 = vector.broadcast %mul3A_779 : i32 to vector<16xi32>
        %mul3A_781 = arith.muli %add3A_778, %mul3A_780 : vector<16xi32>
        %add3A_782 = vector.broadcast %mul3A_26 : i32 to vector<16xi32>
        %add3A_783 = arith.addi %mul3A_781, %add3A_782 : vector<16xi32>
        %gather3A_784 = tpu.vector_load_idx %run_scoped3A[%add3A_783] : memref<81920xf32, #tpu.memory_space<vmem>>[vector<16xi32>], vector<16xf32>,
        %add3A_785 = arith.constant 1120 : i32
        %add3A_786 = vector.broadcast %add3A_785 : i32 to vector<16xi32>
        %add3A_787 = arith.addi %add3A_786, %iota3A : vector<16xi32>
        %mul3A_788 = arith.constant 64 : i32
        %mul3A_789 = vector.broadcast %mul3A_788 : i32 to vector<16xi32>
        %mul3A_790 = arith.muli %add3A_787, %mul3A_789 : vector<16xi32>
        %add3A_791 = vector.broadcast %mul3A_26 : i32 to vector<16xi32>
        %add3A_792 = arith.addi %mul3A_790, %add3A_791 : vector<16xi32>
        %gather3A_793 = tpu.vector_load_idx %run_scoped3A[%add3A_792] : memref<81920xf32, #tpu.memory_space<vmem>>[vector<16xi32>], vector<16xf32>,
        %add3A_794 = arith.constant 1136 : i32
        %add3A_795 = vector.broadcast %add3A_794 : i32 to vector<16xi32>
        %add3A_796 = arith.addi %add3A_795, %iota3A : vector<16xi32>
        %mul3A_797 = arith.constant 64 : i32
        %mul3A_798 = vector.broadcast %mul3A_797 : i32 to vector<16xi32>
        %mul3A_799 = arith.muli %add3A_796, %mul3A_798 : vector<16xi32>
        %add3A_800 = vector.broadcast %mul3A_26 : i32 to vector<16xi32>
        %add3A_801 = arith.addi %mul3A_799, %add3A_800 : vector<16xi32>
        %gather3A_802 = tpu.vector_load_idx %run_scoped3A[%add3A_801] : memref<81920xf32, #tpu.memory_space<vmem>>[vector<16xi32>], vector<16xf32>,
        %swap3A_803 = arith.constant 1024 : index
        %swap3A_804 = tpu.vector_load %run_scoped3A_1[%swap3A_803] {strides = array<i32>} : memref<1280xf32, #tpu.memory_space<vmem>>, vector<16xf32>,
        tpu.vector_store %run_scoped3A_1[%swap3A_803], %gather3A_739 {strides = array<i32>} : memref<1280xf32, #tpu.memory_space<vmem>>, vector<16xf32>,
        %swap3A_805 = arith.constant 1040 : index
        %swap3A_806 = tpu.vector_load %run_scoped3A_1[%swap3A_805] {strides = array<i32>} : memref<1280xf32, #tpu.memory_space<vmem>>, vector<16xf32>,
        tpu.vector_store %run_scoped3A_1[%swap3A_805], %gather3A_748 {strides = array<i32>} : memref<1280xf32, #tpu.memory_space<vmem>>, vector<16xf32>,
        %swap3A_807 = arith.constant 1056 : index
        %swap3A_808 = tpu.vector_load %run_scoped3A_1[%swap3A_807] {strides = array<i32>} : memref<1280xf32, #tpu.memory_space<vmem>>, vector<16xf32>,
        tpu.vector_store %run_scoped3A_1[%swap3A_807], %gather3A_757 {strides = array<i32>} : memref<1280xf32, #tpu.memory_space<vmem>>, vector<16xf32>,
        %swap3A_809 = arith.constant 1072 : index
        %swap3A_810 = tpu.vector_load %run_scoped3A_1[%swap3A_809] {strides = array<i32>} : memref<1280xf32, #tpu.memory_space<vmem>>, vector<16xf32>,
        tpu.vector_store %run_scoped3A_1[%swap3A_809], %gather3A_766 {strides = array<i32>} : memref<1280xf32, #tpu.memory_space<vmem>>, vector<16xf32>,
        %swap3A_811 = arith.constant 1088 : index
        %swap3A_812 = tpu.vector_load %run_scoped3A_1[%swap3A_811] {strides = array<i32>} : memref<1280xf32, #tpu.memory_space<vmem>>, vector<16xf32>,
        tpu.vector_store %run_scoped3A_1[%swap3A_811], %gather3A_775 {strides = array<i32>} : memref<1280xf32, #tpu.memory_space<vmem>>, vector<16xf32>,
        %swap3A_813 = arith.constant 1104 : index
        %swap3A_814 = tpu.vector_load %run_scoped3A_1[%swap3A_813] {strides = array<i32>} : memref<1280xf32, #tpu.memory_space<vmem>>, vector<16xf32>,
        tpu.vector_store %run_scoped3A_1[%swap3A_813], %gather3A_784 {strides = array<i32>} : memref<1280xf32, #tpu.memory_space<vmem>>, vector<16xf32>,
        %swap3A_815 = arith.constant 1120 : index
        %swap3A_816 = tpu.vector_load %run_scoped3A_1[%swap3A_815] {strides = array<i32>} : memref<1280xf32, #tpu.memory_space<vmem>>, vector<16xf32>,
        tpu.vector_store %run_scoped3A_1[%swap3A_815], %gather3A_793 {strides = array<i32>} : memref<1280xf32, #tpu.memory_space<vmem>>, vector<16xf32>,
        %swap3A_817 = arith.constant 1136 : index
        %swap3A_818 = tpu.vector_load %run_scoped3A_1[%swap3A_817] {strides = array<i32>} : memref<1280xf32, #tpu.memory_space<vmem>>, vector<16xf32>,
        tpu.vector_store %run_scoped3A_1[%swap3A_817], %gather3A_802 {strides = array<i32>} : memref<1280xf32, #tpu.memory_space<vmem>>, vector<16xf32>,
        %add3A_819 = arith.constant 1152 : i32
        %add3A_820 = vector.broadcast %add3A_819 : i32 to vector<16xi32>
        %add3A_821 = arith.addi %add3A_820, %iota3A : vector<16xi32>
        %mul3A_822 = arith.constant 64 : i32
        %mul3A_823 = vector.broadcast %mul3A_822 : i32 to vector<16xi32>
        %mul3A_824 = arith.muli %add3A_821, %mul3A_823 : vector<16xi32>
        %add3A_825 = vector.broadcast %mul3A_26 : i32 to vector<16xi32>
        %add3A_826 = arith.addi %mul3A_824, %add3A_825 : vector<16xi32>
        %gather3A_827 = tpu.vector_load_idx %run_scoped3A[%add3A_826] : memref<81920xf32, #tpu.memory_space<vmem>>[vector<16xi32>], vector<16xf32>,
        %add3A_828 = arith.constant 1168 : i32
        %add3A_829 = vector.broadcast %add3A_828 : i32 to vector<16xi32>
        %add3A_830 = arith.addi %add3A_829, %iota3A : vector<16xi32>
        %mul3A_831 = arith.constant 64 : i32
        %mul3A_832 = vector.broadcast %mul3A_831 : i32 to vector<16xi32>
        %mul3A_833 = arith.muli %add3A_830, %mul3A_832 : vector<16xi32>
        %add3A_834 = vector.broadcast %mul3A_26 : i32 to vector<16xi32>
        %add3A_835 = arith.addi %mul3A_833, %add3A_834 : vector<16xi32>
        %gather3A_836 = tpu.vector_load_idx %run_scoped3A[%add3A_835] : memref<81920xf32, #tpu.memory_space<vmem>>[vector<16xi32>], vector<16xf32>,
        %add3A_837 = arith.constant 1184 : i32
        %add3A_838 = vector.broadcast %add3A_837 : i32 to vector<16xi32>
        %add3A_839 = arith.addi %add3A_838, %iota3A : vector<16xi32>
        %mul3A_840 = arith.constant 64 : i32
        %mul3A_841 = vector.broadcast %mul3A_840 : i32 to vector<16xi32>
        %mul3A_842 = arith.muli %add3A_839, %mul3A_841 : vector<16xi32>
        %add3A_843 = vector.broadcast %mul3A_26 : i32 to vector<16xi32>
        %add3A_844 = arith.addi %mul3A_842, %add3A_843 : vector<16xi32>
        %gather3A_845 = tpu.vector_load_idx %run_scoped3A[%add3A_844] : memref<81920xf32, #tpu.memory_space<vmem>>[vector<16xi32>], vector<16xf32>,
        %add3A_846 = arith.constant 1200 : i32
        %add3A_847 = vector.broadcast %add3A_846 : i32 to vector<16xi32>
        %add3A_848 = arith.addi %add3A_847, %iota3A : vector<16xi32>
        %mul3A_849 = arith.constant 64 : i32
        %mul3A_850 = vector.broadcast %mul3A_849 : i32 to vector<16xi32>
        %mul3A_851 = arith.muli %add3A_848, %mul3A_850 : vector<16xi32>
        %add3A_852 = vector.broadcast %mul3A_26 : i32 to vector<16xi32>
        %add3A_853 = arith.addi %mul3A_851, %add3A_852 : vector<16xi32>
        %gather3A_854 = tpu.vector_load_idx %run_scoped3A[%add3A_853] : memref<81920xf32, #tpu.memory_space<vmem>>[vector<16xi32>], vector<16xf32>,
        %add3A_855 = arith.constant 1216 : i32
        %add3A_856 = vector.broadcast %add3A_855 : i32 to vector<16xi32>
        %add3A_857 = arith.addi %add3A_856, %iota3A : vector<16xi32>
        %mul3A_858 = arith.constant 64 : i32
        %mul3A_859 = vector.broadcast %mul3A_858 : i32 to vector<16xi32>
        %mul3A_860 = arith.muli %add3A_857, %mul3A_859 : vector<16xi32>
        %add3A_861 = vector.broadcast %mul3A_26 : i32 to vector<16xi32>
        %add3A_862 = arith.addi %mul3A_860, %add3A_861 : vector<16xi32>
        %gather3A_863 = tpu.vector_load_idx %run_scoped3A[%add3A_862] : memref<81920xf32, #tpu.memory_space<vmem>>[vector<16xi32>], vector<16xf32>,
        %add3A_864 = arith.constant 1232 : i32
        %add3A_865 = vector.broadcast %add3A_864 : i32 to vector<16xi32>
        %add3A_866 = arith.addi %add3A_865, %iota3A : vector<16xi32>
        %mul3A_867 = arith.constant 64 : i32
        %mul3A_868 = vector.broadcast %mul3A_867 : i32 to vector<16xi32>
        %mul3A_869 = arith.muli %add3A_866, %mul3A_868 : vector<16xi32>
        %add3A_870 = vector.broadcast %mul3A_26 : i32 to vector<16xi32>
        %add3A_871 = arith.addi %mul3A_869, %add3A_870 : vector<16xi32>
        %gather3A_872 = tpu.vector_load_idx %run_scoped3A[%add3A_871] : memref<81920xf32, #tpu.memory_space<vmem>>[vector<16xi32>], vector<16xf32>,
        %add3A_873 = arith.constant 1248 : i32
        %add3A_874 = vector.broadcast %add3A_873 : i32 to vector<16xi32>
        %add3A_875 = arith.addi %add3A_874, %iota3A : vector<16xi32>
        %mul3A_876 = arith.constant 64 : i32
        %mul3A_877 = vector.broadcast %mul3A_876 : i32 to vector<16xi32>
        %mul3A_878 = arith.muli %add3A_875, %mul3A_877 : vector<16xi32>
        %add3A_879 = vector.broadcast %mul3A_26 : i32 to vector<16xi32>
        %add3A_880 = arith.addi %mul3A_878, %add3A_879 : vector<16xi32>
        %gather3A_881 = tpu.vector_load_idx %run_scoped3A[%add3A_880] : memref<81920xf32, #tpu.memory_space<vmem>>[vector<16xi32>], vector<16xf32>,
        %add3A_882 = arith.constant 1264 : i32
        %add3A_883 = vector.broadcast %add3A_882 : i32 to vector<16xi32>
        %add3A_884 = arith.addi %add3A_883, %iota3A : vector<16xi32>
        %mul3A_885 = arith.constant 64 : i32
        %mul3A_886 = vector.broadcast %mul3A_885 : i32 to vector<16xi32>
        %mul3A_887 = arith.muli %add3A_884, %mul3A_886 : vector<16xi32>
        %add3A_888 = vector.broadcast %mul3A_26 : i32 to vector<16xi32>
        %add3A_889 = arith.addi %mul3A_887, %add3A_888 : vector<16xi32>
        %gather3A_890 = tpu.vector_load_idx %run_scoped3A[%add3A_889] : memref<81920xf32, #tpu.memory_space<vmem>>[vector<16xi32>], vector<16xf32>,
        %swap3A_891 = arith.constant 1152 : index
        %swap3A_892 = tpu.vector_load %run_scoped3A_1[%swap3A_891] {strides = array<i32>} : memref<1280xf32, #tpu.memory_space<vmem>>, vector<16xf32>,
        tpu.vector_store %run_scoped3A_1[%swap3A_891], %gather3A_827 {strides = array<i32>} : memref<1280xf32, #tpu.memory_space<vmem>>, vector<16xf32>,
        %swap3A_893 = arith.constant 1168 : index
        %swap3A_894 = tpu.vector_load %run_scoped3A_1[%swap3A_893] {strides = array<i32>} : memref<1280xf32, #tpu.memory_space<vmem>>, vector<16xf32>,
        tpu.vector_store %run_scoped3A_1[%swap3A_893], %gather3A_836 {strides = array<i32>} : memref<1280xf32, #tpu.memory_space<vmem>>, vector<16xf32>,
        %swap3A_895 = arith.constant 1184 : index
        %swap3A_896 = tpu.vector_load %run_scoped3A_1[%swap3A_895] {strides = array<i32>} : memref<1280xf32, #tpu.memory_space<vmem>>, vector<16xf32>,
        tpu.vector_store %run_scoped3A_1[%swap3A_895], %gather3A_845 {strides = array<i32>} : memref<1280xf32, #tpu.memory_space<vmem>>, vector<16xf32>,
        %swap3A_897 = arith.constant 1200 : index
        %swap3A_898 = tpu.vector_load %run_scoped3A_1[%swap3A_897] {strides = array<i32>} : memref<1280xf32, #tpu.memory_space<vmem>>, vector<16xf32>,
        tpu.vector_store %run_scoped3A_1[%swap3A_897], %gather3A_854 {strides = array<i32>} : memref<1280xf32, #tpu.memory_space<vmem>>, vector<16xf32>,
        %swap3A_899 = arith.constant 1216 : index
        %swap3A_900 = tpu.vector_load %run_scoped3A_1[%swap3A_899] {strides = array<i32>} : memref<1280xf32, #tpu.memory_space<vmem>>, vector<16xf32>,
        tpu.vector_store %run_scoped3A_1[%swap3A_899], %gather3A_863 {strides = array<i32>} : memref<1280xf32, #tpu.memory_space<vmem>>, vector<16xf32>,
        %swap3A_901 = arith.constant 1232 : index
        %swap3A_902 = tpu.vector_load %run_scoped3A_1[%swap3A_901] {strides = array<i32>} : memref<1280xf32, #tpu.memory_space<vmem>>, vector<16xf32>,
        tpu.vector_store %run_scoped3A_1[%swap3A_901], %gather3A_872 {strides = array<i32>} : memref<1280xf32, #tpu.memory_space<vmem>>, vector<16xf32>,
        %swap3A_903 = arith.constant 1248 : index
        %swap3A_904 = tpu.vector_load %run_scoped3A_1[%swap3A_903] {strides = array<i32>} : memref<1280xf32, #tpu.memory_space<vmem>>, vector<16xf32>,
        tpu.vector_store %run_scoped3A_1[%swap3A_903], %gather3A_881 {strides = array<i32>} : memref<1280xf32, #tpu.memory_space<vmem>>, vector<16xf32>,
        %swap3A_905 = arith.constant 1264 : index
        %swap3A_906 = tpu.vector_load %run_scoped3A_1[%swap3A_905] {strides = array<i32>} : memref<1280xf32, #tpu.memory_space<vmem>>, vector<16xf32>,
        tpu.vector_store %run_scoped3A_1[%swap3A_905], %gather3A_890 {strides = array<i32>} : memref<1280xf32, #tpu.memory_space<vmem>>, vector<16xf32>,
        %mul3A_907 = arith.constant 40000 : i32
        %mul3A_908 = arith.muli %mul3A_26, %mul3A_907 : i32
        %add3A_909 = arith.addi %mul3A_908, %multiple_of3A : i32
        %dma_start3A = tpu.memref_slice %arg4[%add3A_909] : memref<2560000xf32, #tpu.memory_space<hbm>> -> memref<1280xf32, #tpu.memory_space<hbm>>
        %dma_start3A_910 = tpu.memref_slice %arg4[%add3A_909] : memref<2560000xf32, #tpu.memory_space<hbm>> -> memref<1280xf32, #tpu.memory_space<hbm>>
        tpu.enqueue_dma source(%run_scoped3A_1 : memref<1280xf32, #tpu.memory_space<vmem>>) target(%dma_start3A_910 : memref<1280xf32, #tpu.memory_space<hbm>>) target_semaphore(%run_scoped3A_3 : memref<!tpu.dma_semaphore, #tpu.memory_space<semaphore_mem>>)
        %gt3A_911 = arith.constant 0 : i32
        %gt3A_912 = arith.cmpi sgt, %scan3A_23, %gt3A_911 : i32
        %convert_element_type3A_913 = arith.extui %gt3A_912 : i1 to i32
        %cond3A_914 = arith.constant 0 : i32
        %cond3A_915 = arith.cmpi ne, %convert_element_type3A_913, %cond3A_914 : i32
        scf.if %cond3A_915 {
          %dma_wait3A_1806 = arith.constant 0 : i32
          %dma_wait3A_1807 = tpu.memref_slice %arg4[%dma_wait3A_1806] : memref<2560000xf32, #tpu.memory_space<hbm>> -> memref<1280xf32, #tpu.memory_space<hbm>>
          %dma_wait3A_1808 = arith.constant 0 : i32
          %dma_wait3A_1809 = tpu.memref_slice %arg4[%dma_wait3A_1808] : memref<2560000xf32, #tpu.memory_space<hbm>> -> memref<1280xf32, #tpu.memory_space<hbm>>
          tpu.wait_dma2 semaphore(%run_scoped3A_4 : memref<!tpu.dma_semaphore, #tpu.memory_space<semaphore_mem>>) src(%run_scoped3A_2 : memref<1280xf32, #tpu.memory_space<vmem>>) dst(%dma_wait3A_1809 : memref<1280xf32, #tpu.memory_space<hbm>>)
        } else {
        }
        %add3A_916 = arith.constant 1 : i32
        %add3A_917 = arith.addi %mul3A_26, %add3A_916 : i32
        %add3A_918 = arith.constant 0 : i32
        %add3A_919 = vector.broadcast %add3A_918 : i32 to vector<16xi32>
        %add3A_920 = arith.addi %add3A_919, %iota3A : vector<16xi32>
        %mul3A_921 = arith.constant 64 : i32
        %mul3A_922 = vector.broadcast %mul3A_921 : i32 to vector<16xi32>
        %mul3A_923 = arith.muli %add3A_920, %mul3A_922 : vector<16xi32>
        %add3A_924 = vector.broadcast %add3A_917 : i32 to vector<16xi32>
        %add3A_925 = arith.addi %mul3A_923, %add3A_924 : vector<16xi32>
        %gather3A_926 = tpu.vector_load_idx %run_scoped3A[%add3A_925] : memref<81920xf32, #tpu.memory_space<vmem>>[vector<16xi32>], vector<16xf32>,
        %add3A_927 = arith.constant 16 : i32
        %add3A_928 = vector.broadcast %add3A_927 : i32 to vector<16xi32>
        %add3A_929 = arith.addi %add3A_928, %iota3A : vector<16xi32>
        %mul3A_930 = arith.constant 64 : i32
        %mul3A_931 = vector.broadcast %mul3A_930 : i32 to vector<16xi32>
        %mul3A_932 = arith.muli %add3A_929, %mul3A_931 : vector<16xi32>
        %add3A_933 = vector.broadcast %add3A_917 : i32 to vector<16xi32>
        %add3A_934 = arith.addi %mul3A_932, %add3A_933 : vector<16xi32>
        %gather3A_935 = tpu.vector_load_idx %run_scoped3A[%add3A_934] : memref<81920xf32, #tpu.memory_space<vmem>>[vector<16xi32>], vector<16xf32>,
        %add3A_936 = arith.constant 32 : i32
        %add3A_937 = vector.broadcast %add3A_936 : i32 to vector<16xi32>
        %add3A_938 = arith.addi %add3A_937, %iota3A : vector<16xi32>
        %mul3A_939 = arith.constant 64 : i32
        %mul3A_940 = vector.broadcast %mul3A_939 : i32 to vector<16xi32>
        %mul3A_941 = arith.muli %add3A_938, %mul3A_940 : vector<16xi32>
        %add3A_942 = vector.broadcast %add3A_917 : i32 to vector<16xi32>
        %add3A_943 = arith.addi %mul3A_941, %add3A_942 : vector<16xi32>
        %gather3A_944 = tpu.vector_load_idx %run_scoped3A[%add3A_943] : memref<81920xf32, #tpu.memory_space<vmem>>[vector<16xi32>], vector<16xf32>,
        %add3A_945 = arith.constant 48 : i32
        %add3A_946 = vector.broadcast %add3A_945 : i32 to vector<16xi32>
        %add3A_947 = arith.addi %add3A_946, %iota3A : vector<16xi32>
        %mul3A_948 = arith.constant 64 : i32
        %mul3A_949 = vector.broadcast %mul3A_948 : i32 to vector<16xi32>
        %mul3A_950 = arith.muli %add3A_947, %mul3A_949 : vector<16xi32>
        %add3A_951 = vector.broadcast %add3A_917 : i32 to vector<16xi32>
        %add3A_952 = arith.addi %mul3A_950, %add3A_951 : vector<16xi32>
        %gather3A_953 = tpu.vector_load_idx %run_scoped3A[%add3A_952] : memref<81920xf32, #tpu.memory_space<vmem>>[vector<16xi32>], vector<16xf32>,
        %add3A_954 = arith.constant 64 : i32
        %add3A_955 = vector.broadcast %add3A_954 : i32 to vector<16xi32>
        %add3A_956 = arith.addi %add3A_955, %iota3A : vector<16xi32>
        %mul3A_957 = arith.constant 64 : i32
        %mul3A_958 = vector.broadcast %mul3A_957 : i32 to vector<16xi32>
        %mul3A_959 = arith.muli %add3A_956, %mul3A_958 : vector<16xi32>
        %add3A_960 = vector.broadcast %add3A_917 : i32 to vector<16xi32>
        %add3A_961 = arith.addi %mul3A_959, %add3A_960 : vector<16xi32>
        %gather3A_962 = tpu.vector_load_idx %run_scoped3A[%add3A_961] : memref<81920xf32, #tpu.memory_space<vmem>>[vector<16xi32>], vector<16xf32>,
        %add3A_963 = arith.constant 80 : i32
        %add3A_964 = vector.broadcast %add3A_963 : i32 to vector<16xi32>
        %add3A_965 = arith.addi %add3A_964, %iota3A : vector<16xi32>
        %mul3A_966 = arith.constant 64 : i32
        %mul3A_967 = vector.broadcast %mul3A_966 : i32 to vector<16xi32>
        %mul3A_968 = arith.muli %add3A_965, %mul3A_967 : vector<16xi32>
        %add3A_969 = vector.broadcast %add3A_917 : i32 to vector<16xi32>
        %add3A_970 = arith.addi %mul3A_968, %add3A_969 : vector<16xi32>
        %gather3A_971 = tpu.vector_load_idx %run_scoped3A[%add3A_970] : memref<81920xf32, #tpu.memory_space<vmem>>[vector<16xi32>], vector<16xf32>,
        %add3A_972 = arith.constant 96 : i32
        %add3A_973 = vector.broadcast %add3A_972 : i32 to vector<16xi32>
        %add3A_974 = arith.addi %add3A_973, %iota3A : vector<16xi32>
        %mul3A_975 = arith.constant 64 : i32
        %mul3A_976 = vector.broadcast %mul3A_975 : i32 to vector<16xi32>
        %mul3A_977 = arith.muli %add3A_974, %mul3A_976 : vector<16xi32>
        %add3A_978 = vector.broadcast %add3A_917 : i32 to vector<16xi32>
        %add3A_979 = arith.addi %mul3A_977, %add3A_978 : vector<16xi32>
        %gather3A_980 = tpu.vector_load_idx %run_scoped3A[%add3A_979] : memref<81920xf32, #tpu.memory_space<vmem>>[vector<16xi32>], vector<16xf32>,
        %add3A_981 = arith.constant 112 : i32
        %add3A_982 = vector.broadcast %add3A_981 : i32 to vector<16xi32>
        %add3A_983 = arith.addi %add3A_982, %iota3A : vector<16xi32>
        %mul3A_984 = arith.constant 64 : i32
        %mul3A_985 = vector.broadcast %mul3A_984 : i32 to vector<16xi32>
        %mul3A_986 = arith.muli %add3A_983, %mul3A_985 : vector<16xi32>
        %add3A_987 = vector.broadcast %add3A_917 : i32 to vector<16xi32>
        %add3A_988 = arith.addi %mul3A_986, %add3A_987 : vector<16xi32>
        %gather3A_989 = tpu.vector_load_idx %run_scoped3A[%add3A_988] : memref<81920xf32, #tpu.memory_space<vmem>>[vector<16xi32>], vector<16xf32>,
        %swap3A_990 = arith.constant 0 : index
        %swap3A_991 = tpu.vector_load %run_scoped3A_2[%swap3A_990] {strides = array<i32>} : memref<1280xf32, #tpu.memory_space<vmem>>, vector<16xf32>,
        tpu.vector_store %run_scoped3A_2[%swap3A_990], %gather3A_926 {strides = array<i32>} : memref<1280xf32, #tpu.memory_space<vmem>>, vector<16xf32>,
        %swap3A_992 = arith.constant 16 : index
        %swap3A_993 = tpu.vector_load %run_scoped3A_2[%swap3A_992] {strides = array<i32>} : memref<1280xf32, #tpu.memory_space<vmem>>, vector<16xf32>,
        tpu.vector_store %run_scoped3A_2[%swap3A_992], %gather3A_935 {strides = array<i32>} : memref<1280xf32, #tpu.memory_space<vmem>>, vector<16xf32>,
        %swap3A_994 = arith.constant 32 : index
        %swap3A_995 = tpu.vector_load %run_scoped3A_2[%swap3A_994] {strides = array<i32>} : memref<1280xf32, #tpu.memory_space<vmem>>, vector<16xf32>,
        tpu.vector_store %run_scoped3A_2[%swap3A_994], %gather3A_944 {strides = array<i32>} : memref<1280xf32, #tpu.memory_space<vmem>>, vector<16xf32>,
        %swap3A_996 = arith.constant 48 : index
        %swap3A_997 = tpu.vector_load %run_scoped3A_2[%swap3A_996] {strides = array<i32>} : memref<1280xf32, #tpu.memory_space<vmem>>, vector<16xf32>,
        tpu.vector_store %run_scoped3A_2[%swap3A_996], %gather3A_953 {strides = array<i32>} : memref<1280xf32, #tpu.memory_space<vmem>>, vector<16xf32>,
        %swap3A_998 = arith.constant 64 : index
        %swap3A_999 = tpu.vector_load %run_scoped3A_2[%swap3A_998] {strides = array<i32>} : memref<1280xf32, #tpu.memory_space<vmem>>, vector<16xf32>,
        tpu.vector_store %run_scoped3A_2[%swap3A_998], %gather3A_962 {strides = array<i32>} : memref<1280xf32, #tpu.memory_space<vmem>>, vector<16xf32>,
        %swap3A_1000 = arith.constant 80 : index
        %swap3A_1001 = tpu.vector_load %run_scoped3A_2[%swap3A_1000] {strides = array<i32>} : memref<1280xf32, #tpu.memory_space<vmem>>, vector<16xf32>,
        tpu.vector_store %run_scoped3A_2[%swap3A_1000], %gather3A_971 {strides = array<i32>} : memref<1280xf32, #tpu.memory_space<vmem>>, vector<16xf32>,
        %swap3A_1002 = arith.constant 96 : index
        %swap3A_1003 = tpu.vector_load %run_scoped3A_2[%swap3A_1002] {strides = array<i32>} : memref<1280xf32, #tpu.memory_space<vmem>>, vector<16xf32>,
        tpu.vector_store %run_scoped3A_2[%swap3A_1002], %gather3A_980 {strides = array<i32>} : memref<1280xf32, #tpu.memory_space<vmem>>, vector<16xf32>,
        %swap3A_1004 = arith.constant 112 : index
        %swap3A_1005 = tpu.vector_load %run_scoped3A_2[%swap3A_1004] {strides = array<i32>} : memref<1280xf32, #tpu.memory_space<vmem>>, vector<16xf32>,
        tpu.vector_store %run_scoped3A_2[%swap3A_1004], %gather3A_989 {strides = array<i32>} : memref<1280xf32, #tpu.memory_space<vmem>>, vector<16xf32>,
        %add3A_1006 = arith.constant 128 : i32
        %add3A_1007 = vector.broadcast %add3A_1006 : i32 to vector<16xi32>
        %add3A_1008 = arith.addi %add3A_1007, %iota3A : vector<16xi32>
        %mul3A_1009 = arith.constant 64 : i32
        %mul3A_1010 = vector.broadcast %mul3A_1009 : i32 to vector<16xi32>
        %mul3A_1011 = arith.muli %add3A_1008, %mul3A_1010 : vector<16xi32>
        %add3A_1012 = vector.broadcast %add3A_917 : i32 to vector<16xi32>
        %add3A_1013 = arith.addi %mul3A_1011, %add3A_1012 : vector<16xi32>
        %gather3A_1014 = tpu.vector_load_idx %run_scoped3A[%add3A_1013] : memref<81920xf32, #tpu.memory_space<vmem>>[vector<16xi32>], vector<16xf32>,
        %add3A_1015 = arith.constant 144 : i32
        %add3A_1016 = vector.broadcast %add3A_1015 : i32 to vector<16xi32>
        %add3A_1017 = arith.addi %add3A_1016, %iota3A : vector<16xi32>
        %mul3A_1018 = arith.constant 64 : i32
        %mul3A_1019 = vector.broadcast %mul3A_1018 : i32 to vector<16xi32>
        %mul3A_1020 = arith.muli %add3A_1017, %mul3A_1019 : vector<16xi32>
        %add3A_1021 = vector.broadcast %add3A_917 : i32 to vector<16xi32>
        %add3A_1022 = arith.addi %mul3A_1020, %add3A_1021 : vector<16xi32>
        %gather3A_1023 = tpu.vector_load_idx %run_scoped3A[%add3A_1022] : memref<81920xf32, #tpu.memory_space<vmem>>[vector<16xi32>], vector<16xf32>,
        %add3A_1024 = arith.constant 160 : i32
        %add3A_1025 = vector.broadcast %add3A_1024 : i32 to vector<16xi32>
        %add3A_1026 = arith.addi %add3A_1025, %iota3A : vector<16xi32>
        %mul3A_1027 = arith.constant 64 : i32
        %mul3A_1028 = vector.broadcast %mul3A_1027 : i32 to vector<16xi32>
        %mul3A_1029 = arith.muli %add3A_1026, %mul3A_1028 : vector<16xi32>
        %add3A_1030 = vector.broadcast %add3A_917 : i32 to vector<16xi32>
        %add3A_1031 = arith.addi %mul3A_1029, %add3A_1030 : vector<16xi32>
        %gather3A_1032 = tpu.vector_load_idx %run_scoped3A[%add3A_1031] : memref<81920xf32, #tpu.memory_space<vmem>>[vector<16xi32>], vector<16xf32>,
        %add3A_1033 = arith.constant 176 : i32
        %add3A_1034 = vector.broadcast %add3A_1033 : i32 to vector<16xi32>
        %add3A_1035 = arith.addi %add3A_1034, %iota3A : vector<16xi32>
        %mul3A_1036 = arith.constant 64 : i32
        %mul3A_1037 = vector.broadcast %mul3A_1036 : i32 to vector<16xi32>
        %mul3A_1038 = arith.muli %add3A_1035, %mul3A_1037 : vector<16xi32>
        %add3A_1039 = vector.broadcast %add3A_917 : i32 to vector<16xi32>
        %add3A_1040 = arith.addi %mul3A_1038, %add3A_1039 : vector<16xi32>
        %gather3A_1041 = tpu.vector_load_idx %run_scoped3A[%add3A_1040] : memref<81920xf32, #tpu.memory_space<vmem>>[vector<16xi32>], vector<16xf32>,
        %add3A_1042 = arith.constant 192 : i32
        %add3A_1043 = vector.broadcast %add3A_1042 : i32 to vector<16xi32>
        %add3A_1044 = arith.addi %add3A_1043, %iota3A : vector<16xi32>
        %mul3A_1045 = arith.constant 64 : i32
        %mul3A_1046 = vector.broadcast %mul3A_1045 : i32 to vector<16xi32>
        %mul3A_1047 = arith.muli %add3A_1044, %mul3A_1046 : vector<16xi32>
        %add3A_1048 = vector.broadcast %add3A_917 : i32 to vector<16xi32>
        %add3A_1049 = arith.addi %mul3A_1047, %add3A_1048 : vector<16xi32>
        %gather3A_1050 = tpu.vector_load_idx %run_scoped3A[%add3A_1049] : memref<81920xf32, #tpu.memory_space<vmem>>[vector<16xi32>], vector<16xf32>,
        %add3A_1051 = arith.constant 208 : i32
        %add3A_1052 = vector.broadcast %add3A_1051 : i32 to vector<16xi32>
        %add3A_1053 = arith.addi %add3A_1052, %iota3A : vector<16xi32>
        %mul3A_1054 = arith.constant 64 : i32
        %mul3A_1055 = vector.broadcast %mul3A_1054 : i32 to vector<16xi32>
        %mul3A_1056 = arith.muli %add3A_1053, %mul3A_1055 : vector<16xi32>
        %add3A_1057 = vector.broadcast %add3A_917 : i32 to vector<16xi32>
        %add3A_1058 = arith.addi %mul3A_1056, %add3A_1057 : vector<16xi32>
        %gather3A_1059 = tpu.vector_load_idx %run_scoped3A[%add3A_1058] : memref<81920xf32, #tpu.memory_space<vmem>>[vector<16xi32>], vector<16xf32>,
        %add3A_1060 = arith.constant 224 : i32
        %add3A_1061 = vector.broadcast %add3A_1060 : i32 to vector<16xi32>
        %add3A_1062 = arith.addi %add3A_1061, %iota3A : vector<16xi32>
        %mul3A_1063 = arith.constant 64 : i32
        %mul3A_1064 = vector.broadcast %mul3A_1063 : i32 to vector<16xi32>
        %mul3A_1065 = arith.muli %add3A_1062, %mul3A_1064 : vector<16xi32>
        %add3A_1066 = vector.broadcast %add3A_917 : i32 to vector<16xi32>
        %add3A_1067 = arith.addi %mul3A_1065, %add3A_1066 : vector<16xi32>
        %gather3A_1068 = tpu.vector_load_idx %run_scoped3A[%add3A_1067] : memref<81920xf32, #tpu.memory_space<vmem>>[vector<16xi32>], vector<16xf32>,
        %add3A_1069 = arith.constant 240 : i32
        %add3A_1070 = vector.broadcast %add3A_1069 : i32 to vector<16xi32>
        %add3A_1071 = arith.addi %add3A_1070, %iota3A : vector<16xi32>
        %mul3A_1072 = arith.constant 64 : i32
        %mul3A_1073 = vector.broadcast %mul3A_1072 : i32 to vector<16xi32>
        %mul3A_1074 = arith.muli %add3A_1071, %mul3A_1073 : vector<16xi32>
        %add3A_1075 = vector.broadcast %add3A_917 : i32 to vector<16xi32>
        %add3A_1076 = arith.addi %mul3A_1074, %add3A_1075 : vector<16xi32>
        %gather3A_1077 = tpu.vector_load_idx %run_scoped3A[%add3A_1076] : memref<81920xf32, #tpu.memory_space<vmem>>[vector<16xi32>], vector<16xf32>,
        %swap3A_1078 = arith.constant 128 : index
        %swap3A_1079 = tpu.vector_load %run_scoped3A_2[%swap3A_1078] {strides = array<i32>} : memref<1280xf32, #tpu.memory_space<vmem>>, vector<16xf32>,
        tpu.vector_store %run_scoped3A_2[%swap3A_1078], %gather3A_1014 {strides = array<i32>} : memref<1280xf32, #tpu.memory_space<vmem>>, vector<16xf32>,
        %swap3A_1080 = arith.constant 144 : index
        %swap3A_1081 = tpu.vector_load %run_scoped3A_2[%swap3A_1080] {strides = array<i32>} : memref<1280xf32, #tpu.memory_space<vmem>>, vector<16xf32>,
        tpu.vector_store %run_scoped3A_2[%swap3A_1080], %gather3A_1023 {strides = array<i32>} : memref<1280xf32, #tpu.memory_space<vmem>>, vector<16xf32>,
        %swap3A_1082 = arith.constant 160 : index
        %swap3A_1083 = tpu.vector_load %run_scoped3A_2[%swap3A_1082] {strides = array<i32>} : memref<1280xf32, #tpu.memory_space<vmem>>, vector<16xf32>,
        tpu.vector_store %run_scoped3A_2[%swap3A_1082], %gather3A_1032 {strides = array<i32>} : memref<1280xf32, #tpu.memory_space<vmem>>, vector<16xf32>,
        %swap3A_1084 = arith.constant 176 : index
        %swap3A_1085 = tpu.vector_load %run_scoped3A_2[%swap3A_1084] {strides = array<i32>} : memref<1280xf32, #tpu.memory_space<vmem>>, vector<16xf32>,
        tpu.vector_store %run_scoped3A_2[%swap3A_1084], %gather3A_1041 {strides = array<i32>} : memref<1280xf32, #tpu.memory_space<vmem>>, vector<16xf32>,
        %swap3A_1086 = arith.constant 192 : index
        %swap3A_1087 = tpu.vector_load %run_scoped3A_2[%swap3A_1086] {strides = array<i32>} : memref<1280xf32, #tpu.memory_space<vmem>>, vector<16xf32>,
        tpu.vector_store %run_scoped3A_2[%swap3A_1086], %gather3A_1050 {strides = array<i32>} : memref<1280xf32, #tpu.memory_space<vmem>>, vector<16xf32>,
        %swap3A_1088 = arith.constant 208 : index
        %swap3A_1089 = tpu.vector_load %run_scoped3A_2[%swap3A_1088] {strides = array<i32>} : memref<1280xf32, #tpu.memory_space<vmem>>, vector<16xf32>,
        tpu.vector_store %run_scoped3A_2[%swap3A_1088], %gather3A_1059 {strides = array<i32>} : memref<1280xf32, #tpu.memory_space<vmem>>, vector<16xf32>,
        %swap3A_1090 = arith.constant 224 : index
        %swap3A_1091 = tpu.vector_load %run_scoped3A_2[%swap3A_1090] {strides = array<i32>} : memref<1280xf32, #tpu.memory_space<vmem>>, vector<16xf32>,
        tpu.vector_store %run_scoped3A_2[%swap3A_1090], %gather3A_1068 {strides = array<i32>} : memref<1280xf32, #tpu.memory_space<vmem>>, vector<16xf32>,
        %swap3A_1092 = arith.constant 240 : index
        %swap3A_1093 = tpu.vector_load %run_scoped3A_2[%swap3A_1092] {strides = array<i32>} : memref<1280xf32, #tpu.memory_space<vmem>>, vector<16xf32>,
        tpu.vector_store %run_scoped3A_2[%swap3A_1092], %gather3A_1077 {strides = array<i32>} : memref<1280xf32, #tpu.memory_space<vmem>>, vector<16xf32>,
        %add3A_1094 = arith.constant 256 : i32
        %add3A_1095 = vector.broadcast %add3A_1094 : i32 to vector<16xi32>
        %add3A_1096 = arith.addi %add3A_1095, %iota3A : vector<16xi32>
        %mul3A_1097 = arith.constant 64 : i32
        %mul3A_1098 = vector.broadcast %mul3A_1097 : i32 to vector<16xi32>
        %mul3A_1099 = arith.muli %add3A_1096, %mul3A_1098 : vector<16xi32>
        %add3A_1100 = vector.broadcast %add3A_917 : i32 to vector<16xi32>
        %add3A_1101 = arith.addi %mul3A_1099, %add3A_1100 : vector<16xi32>
        %gather3A_1102 = tpu.vector_load_idx %run_scoped3A[%add3A_1101] : memref<81920xf32, #tpu.memory_space<vmem>>[vector<16xi32>], vector<16xf32>,
        %add3A_1103 = arith.constant 272 : i32
        %add3A_1104 = vector.broadcast %add3A_1103 : i32 to vector<16xi32>
        %add3A_1105 = arith.addi %add3A_1104, %iota3A : vector<16xi32>
        %mul3A_1106 = arith.constant 64 : i32
        %mul3A_1107 = vector.broadcast %mul3A_1106 : i32 to vector<16xi32>
        %mul3A_1108 = arith.muli %add3A_1105, %mul3A_1107 : vector<16xi32>
        %add3A_1109 = vector.broadcast %add3A_917 : i32 to vector<16xi32>
        %add3A_1110 = arith.addi %mul3A_1108, %add3A_1109 : vector<16xi32>
        %gather3A_1111 = tpu.vector_load_idx %run_scoped3A[%add3A_1110] : memref<81920xf32, #tpu.memory_space<vmem>>[vector<16xi32>], vector<16xf32>,
        %add3A_1112 = arith.constant 288 : i32
        %add3A_1113 = vector.broadcast %add3A_1112 : i32 to vector<16xi32>
        %add3A_1114 = arith.addi %add3A_1113, %iota3A : vector<16xi32>
        %mul3A_1115 = arith.constant 64 : i32
        %mul3A_1116 = vector.broadcast %mul3A_1115 : i32 to vector<16xi32>
        %mul3A_1117 = arith.muli %add3A_1114, %mul3A_1116 : vector<16xi32>
        %add3A_1118 = vector.broadcast %add3A_917 : i32 to vector<16xi32>
        %add3A_1119 = arith.addi %mul3A_1117, %add3A_1118 : vector<16xi32>
        %gather3A_1120 = tpu.vector_load_idx %run_scoped3A[%add3A_1119] : memref<81920xf32, #tpu.memory_space<vmem>>[vector<16xi32>], vector<16xf32>,
        %add3A_1121 = arith.constant 304 : i32
        %add3A_1122 = vector.broadcast %add3A_1121 : i32 to vector<16xi32>
        %add3A_1123 = arith.addi %add3A_1122, %iota3A : vector<16xi32>
        %mul3A_1124 = arith.constant 64 : i32
        %mul3A_1125 = vector.broadcast %mul3A_1124 : i32 to vector<16xi32>
        %mul3A_1126 = arith.muli %add3A_1123, %mul3A_1125 : vector<16xi32>
        %add3A_1127 = vector.broadcast %add3A_917 : i32 to vector<16xi32>
        %add3A_1128 = arith.addi %mul3A_1126, %add3A_1127 : vector<16xi32>
        %gather3A_1129 = tpu.vector_load_idx %run_scoped3A[%add3A_1128] : memref<81920xf32, #tpu.memory_space<vmem>>[vector<16xi32>], vector<16xf32>,
        %add3A_1130 = arith.constant 320 : i32
        %add3A_1131 = vector.broadcast %add3A_1130 : i32 to vector<16xi32>
        %add3A_1132 = arith.addi %add3A_1131, %iota3A : vector<16xi32>
        %mul3A_1133 = arith.constant 64 : i32
        %mul3A_1134 = vector.broadcast %mul3A_1133 : i32 to vector<16xi32>
        %mul3A_1135 = arith.muli %add3A_1132, %mul3A_1134 : vector<16xi32>
        %add3A_1136 = vector.broadcast %add3A_917 : i32 to vector<16xi32>
        %add3A_1137 = arith.addi %mul3A_1135, %add3A_1136 : vector<16xi32>
        %gather3A_1138 = tpu.vector_load_idx %run_scoped3A[%add3A_1137] : memref<81920xf32, #tpu.memory_space<vmem>>[vector<16xi32>], vector<16xf32>,
        %add3A_1139 = arith.constant 336 : i32
        %add3A_1140 = vector.broadcast %add3A_1139 : i32 to vector<16xi32>
        %add3A_1141 = arith.addi %add3A_1140, %iota3A : vector<16xi32>
        %mul3A_1142 = arith.constant 64 : i32
        %mul3A_1143 = vector.broadcast %mul3A_1142 : i32 to vector<16xi32>
        %mul3A_1144 = arith.muli %add3A_1141, %mul3A_1143 : vector<16xi32>
        %add3A_1145 = vector.broadcast %add3A_917 : i32 to vector<16xi32>
        %add3A_1146 = arith.addi %mul3A_1144, %add3A_1145 : vector<16xi32>
        %gather3A_1147 = tpu.vector_load_idx %run_scoped3A[%add3A_1146] : memref<81920xf32, #tpu.memory_space<vmem>>[vector<16xi32>], vector<16xf32>,
        %add3A_1148 = arith.constant 352 : i32
        %add3A_1149 = vector.broadcast %add3A_1148 : i32 to vector<16xi32>
        %add3A_1150 = arith.addi %add3A_1149, %iota3A : vector<16xi32>
        %mul3A_1151 = arith.constant 64 : i32
        %mul3A_1152 = vector.broadcast %mul3A_1151 : i32 to vector<16xi32>
        %mul3A_1153 = arith.muli %add3A_1150, %mul3A_1152 : vector<16xi32>
        %add3A_1154 = vector.broadcast %add3A_917 : i32 to vector<16xi32>
        %add3A_1155 = arith.addi %mul3A_1153, %add3A_1154 : vector<16xi32>
        %gather3A_1156 = tpu.vector_load_idx %run_scoped3A[%add3A_1155] : memref<81920xf32, #tpu.memory_space<vmem>>[vector<16xi32>], vector<16xf32>,
        %add3A_1157 = arith.constant 368 : i32
        %add3A_1158 = vector.broadcast %add3A_1157 : i32 to vector<16xi32>
        %add3A_1159 = arith.addi %add3A_1158, %iota3A : vector<16xi32>
        %mul3A_1160 = arith.constant 64 : i32
        %mul3A_1161 = vector.broadcast %mul3A_1160 : i32 to vector<16xi32>
        %mul3A_1162 = arith.muli %add3A_1159, %mul3A_1161 : vector<16xi32>
        %add3A_1163 = vector.broadcast %add3A_917 : i32 to vector<16xi32>
        %add3A_1164 = arith.addi %mul3A_1162, %add3A_1163 : vector<16xi32>
        %gather3A_1165 = tpu.vector_load_idx %run_scoped3A[%add3A_1164] : memref<81920xf32, #tpu.memory_space<vmem>>[vector<16xi32>], vector<16xf32>,
        %swap3A_1166 = arith.constant 256 : index
        %swap3A_1167 = tpu.vector_load %run_scoped3A_2[%swap3A_1166] {strides = array<i32>} : memref<1280xf32, #tpu.memory_space<vmem>>, vector<16xf32>,
        tpu.vector_store %run_scoped3A_2[%swap3A_1166], %gather3A_1102 {strides = array<i32>} : memref<1280xf32, #tpu.memory_space<vmem>>, vector<16xf32>,
        %swap3A_1168 = arith.constant 272 : index
        %swap3A_1169 = tpu.vector_load %run_scoped3A_2[%swap3A_1168] {strides = array<i32>} : memref<1280xf32, #tpu.memory_space<vmem>>, vector<16xf32>,
        tpu.vector_store %run_scoped3A_2[%swap3A_1168], %gather3A_1111 {strides = array<i32>} : memref<1280xf32, #tpu.memory_space<vmem>>, vector<16xf32>,
        %swap3A_1170 = arith.constant 288 : index
        %swap3A_1171 = tpu.vector_load %run_scoped3A_2[%swap3A_1170] {strides = array<i32>} : memref<1280xf32, #tpu.memory_space<vmem>>, vector<16xf32>,
        tpu.vector_store %run_scoped3A_2[%swap3A_1170], %gather3A_1120 {strides = array<i32>} : memref<1280xf32, #tpu.memory_space<vmem>>, vector<16xf32>,
        %swap3A_1172 = arith.constant 304 : index
        %swap3A_1173 = tpu.vector_load %run_scoped3A_2[%swap3A_1172] {strides = array<i32>} : memref<1280xf32, #tpu.memory_space<vmem>>, vector<16xf32>,
        tpu.vector_store %run_scoped3A_2[%swap3A_1172], %gather3A_1129 {strides = array<i32>} : memref<1280xf32, #tpu.memory_space<vmem>>, vector<16xf32>,
        %swap3A_1174 = arith.constant 320 : index
        %swap3A_1175 = tpu.vector_load %run_scoped3A_2[%swap3A_1174] {strides = array<i32>} : memref<1280xf32, #tpu.memory_space<vmem>>, vector<16xf32>,
        tpu.vector_store %run_scoped3A_2[%swap3A_1174], %gather3A_1138 {strides = array<i32>} : memref<1280xf32, #tpu.memory_space<vmem>>, vector<16xf32>,
        %swap3A_1176 = arith.constant 336 : index
        %swap3A_1177 = tpu.vector_load %run_scoped3A_2[%swap3A_1176] {strides = array<i32>} : memref<1280xf32, #tpu.memory_space<vmem>>, vector<16xf32>,
        tpu.vector_store %run_scoped3A_2[%swap3A_1176], %gather3A_1147 {strides = array<i32>} : memref<1280xf32, #tpu.memory_space<vmem>>, vector<16xf32>,
        %swap3A_1178 = arith.constant 352 : index
        %swap3A_1179 = tpu.vector_load %run_scoped3A_2[%swap3A_1178] {strides = array<i32>} : memref<1280xf32, #tpu.memory_space<vmem>>, vector<16xf32>,
        tpu.vector_store %run_scoped3A_2[%swap3A_1178], %gather3A_1156 {strides = array<i32>} : memref<1280xf32, #tpu.memory_space<vmem>>, vector<16xf32>,
        %swap3A_1180 = arith.constant 368 : index
        %swap3A_1181 = tpu.vector_load %run_scoped3A_2[%swap3A_1180] {strides = array<i32>} : memref<1280xf32, #tpu.memory_space<vmem>>, vector<16xf32>,
        tpu.vector_store %run_scoped3A_2[%swap3A_1180], %gather3A_1165 {strides = array<i32>} : memref<1280xf32, #tpu.memory_space<vmem>>, vector<16xf32>,
        %add3A_1182 = arith.constant 384 : i32
        %add3A_1183 = vector.broadcast %add3A_1182 : i32 to vector<16xi32>
        %add3A_1184 = arith.addi %add3A_1183, %iota3A : vector<16xi32>
        %mul3A_1185 = arith.constant 64 : i32
        %mul3A_1186 = vector.broadcast %mul3A_1185 : i32 to vector<16xi32>
        %mul3A_1187 = arith.muli %add3A_1184, %mul3A_1186 : vector<16xi32>
        %add3A_1188 = vector.broadcast %add3A_917 : i32 to vector<16xi32>
        %add3A_1189 = arith.addi %mul3A_1187, %add3A_1188 : vector<16xi32>
        %gather3A_1190 = tpu.vector_load_idx %run_scoped3A[%add3A_1189] : memref<81920xf32, #tpu.memory_space<vmem>>[vector<16xi32>], vector<16xf32>,
        %add3A_1191 = arith.constant 400 : i32
        %add3A_1192 = vector.broadcast %add3A_1191 : i32 to vector<16xi32>
        %add3A_1193 = arith.addi %add3A_1192, %iota3A : vector<16xi32>
        %mul3A_1194 = arith.constant 64 : i32
        %mul3A_1195 = vector.broadcast %mul3A_1194 : i32 to vector<16xi32>
        %mul3A_1196 = arith.muli %add3A_1193, %mul3A_1195 : vector<16xi32>
        %add3A_1197 = vector.broadcast %add3A_917 : i32 to vector<16xi32>
        %add3A_1198 = arith.addi %mul3A_1196, %add3A_1197 : vector<16xi32>
        %gather3A_1199 = tpu.vector_load_idx %run_scoped3A[%add3A_1198] : memref<81920xf32, #tpu.memory_space<vmem>>[vector<16xi32>], vector<16xf32>,
        %add3A_1200 = arith.constant 416 : i32
        %add3A_1201 = vector.broadcast %add3A_1200 : i32 to vector<16xi32>
        %add3A_1202 = arith.addi %add3A_1201, %iota3A : vector<16xi32>
        %mul3A_1203 = arith.constant 64 : i32
        %mul3A_1204 = vector.broadcast %mul3A_1203 : i32 to vector<16xi32>
        %mul3A_1205 = arith.muli %add3A_1202, %mul3A_1204 : vector<16xi32>
        %add3A_1206 = vector.broadcast %add3A_917 : i32 to vector<16xi32>
        %add3A_1207 = arith.addi %mul3A_1205, %add3A_1206 : vector<16xi32>
        %gather3A_1208 = tpu.vector_load_idx %run_scoped3A[%add3A_1207] : memref<81920xf32, #tpu.memory_space<vmem>>[vector<16xi32>], vector<16xf32>,
        %add3A_1209 = arith.constant 432 : i32
        %add3A_1210 = vector.broadcast %add3A_1209 : i32 to vector<16xi32>
        %add3A_1211 = arith.addi %add3A_1210, %iota3A : vector<16xi32>
        %mul3A_1212 = arith.constant 64 : i32
        %mul3A_1213 = vector.broadcast %mul3A_1212 : i32 to vector<16xi32>
        %mul3A_1214 = arith.muli %add3A_1211, %mul3A_1213 : vector<16xi32>
        %add3A_1215 = vector.broadcast %add3A_917 : i32 to vector<16xi32>
        %add3A_1216 = arith.addi %mul3A_1214, %add3A_1215 : vector<16xi32>
        %gather3A_1217 = tpu.vector_load_idx %run_scoped3A[%add3A_1216] : memref<81920xf32, #tpu.memory_space<vmem>>[vector<16xi32>], vector<16xf32>,
        %add3A_1218 = arith.constant 448 : i32
        %add3A_1219 = vector.broadcast %add3A_1218 : i32 to vector<16xi32>
        %add3A_1220 = arith.addi %add3A_1219, %iota3A : vector<16xi32>
        %mul3A_1221 = arith.constant 64 : i32
        %mul3A_1222 = vector.broadcast %mul3A_1221 : i32 to vector<16xi32>
        %mul3A_1223 = arith.muli %add3A_1220, %mul3A_1222 : vector<16xi32>
        %add3A_1224 = vector.broadcast %add3A_917 : i32 to vector<16xi32>
        %add3A_1225 = arith.addi %mul3A_1223, %add3A_1224 : vector<16xi32>
        %gather3A_1226 = tpu.vector_load_idx %run_scoped3A[%add3A_1225] : memref<81920xf32, #tpu.memory_space<vmem>>[vector<16xi32>], vector<16xf32>,
        %add3A_1227 = arith.constant 464 : i32
        %add3A_1228 = vector.broadcast %add3A_1227 : i32 to vector<16xi32>
        %add3A_1229 = arith.addi %add3A_1228, %iota3A : vector<16xi32>
        %mul3A_1230 = arith.constant 64 : i32
        %mul3A_1231 = vector.broadcast %mul3A_1230 : i32 to vector<16xi32>
        %mul3A_1232 = arith.muli %add3A_1229, %mul3A_1231 : vector<16xi32>
        %add3A_1233 = vector.broadcast %add3A_917 : i32 to vector<16xi32>
        %add3A_1234 = arith.addi %mul3A_1232, %add3A_1233 : vector<16xi32>
        %gather3A_1235 = tpu.vector_load_idx %run_scoped3A[%add3A_1234] : memref<81920xf32, #tpu.memory_space<vmem>>[vector<16xi32>], vector<16xf32>,
        %add3A_1236 = arith.constant 480 : i32
        %add3A_1237 = vector.broadcast %add3A_1236 : i32 to vector<16xi32>
        %add3A_1238 = arith.addi %add3A_1237, %iota3A : vector<16xi32>
        %mul3A_1239 = arith.constant 64 : i32
        %mul3A_1240 = vector.broadcast %mul3A_1239 : i32 to vector<16xi32>
        %mul3A_1241 = arith.muli %add3A_1238, %mul3A_1240 : vector<16xi32>
        %add3A_1242 = vector.broadcast %add3A_917 : i32 to vector<16xi32>
        %add3A_1243 = arith.addi %mul3A_1241, %add3A_1242 : vector<16xi32>
        %gather3A_1244 = tpu.vector_load_idx %run_scoped3A[%add3A_1243] : memref<81920xf32, #tpu.memory_space<vmem>>[vector<16xi32>], vector<16xf32>,
        %add3A_1245 = arith.constant 496 : i32
        %add3A_1246 = vector.broadcast %add3A_1245 : i32 to vector<16xi32>
        %add3A_1247 = arith.addi %add3A_1246, %iota3A : vector<16xi32>
        %mul3A_1248 = arith.constant 64 : i32
        %mul3A_1249 = vector.broadcast %mul3A_1248 : i32 to vector<16xi32>
        %mul3A_1250 = arith.muli %add3A_1247, %mul3A_1249 : vector<16xi32>
        %add3A_1251 = vector.broadcast %add3A_917 : i32 to vector<16xi32>
        %add3A_1252 = arith.addi %mul3A_1250, %add3A_1251 : vector<16xi32>
        %gather3A_1253 = tpu.vector_load_idx %run_scoped3A[%add3A_1252] : memref<81920xf32, #tpu.memory_space<vmem>>[vector<16xi32>], vector<16xf32>,
        %swap3A_1254 = arith.constant 384 : index
        %swap3A_1255 = tpu.vector_load %run_scoped3A_2[%swap3A_1254] {strides = array<i32>} : memref<1280xf32, #tpu.memory_space<vmem>>, vector<16xf32>,
        tpu.vector_store %run_scoped3A_2[%swap3A_1254], %gather3A_1190 {strides = array<i32>} : memref<1280xf32, #tpu.memory_space<vmem>>, vector<16xf32>,
        %swap3A_1256 = arith.constant 400 : index
        %swap3A_1257 = tpu.vector_load %run_scoped3A_2[%swap3A_1256] {strides = array<i32>} : memref<1280xf32, #tpu.memory_space<vmem>>, vector<16xf32>,
        tpu.vector_store %run_scoped3A_2[%swap3A_1256], %gather3A_1199 {strides = array<i32>} : memref<1280xf32, #tpu.memory_space<vmem>>, vector<16xf32>,
        %swap3A_1258 = arith.constant 416 : index
        %swap3A_1259 = tpu.vector_load %run_scoped3A_2[%swap3A_1258] {strides = array<i32>} : memref<1280xf32, #tpu.memory_space<vmem>>, vector<16xf32>,
        tpu.vector_store %run_scoped3A_2[%swap3A_1258], %gather3A_1208 {strides = array<i32>} : memref<1280xf32, #tpu.memory_space<vmem>>, vector<16xf32>,
        %swap3A_1260 = arith.constant 432 : index
        %swap3A_1261 = tpu.vector_load %run_scoped3A_2[%swap3A_1260] {strides = array<i32>} : memref<1280xf32, #tpu.memory_space<vmem>>, vector<16xf32>,
        tpu.vector_store %run_scoped3A_2[%swap3A_1260], %gather3A_1217 {strides = array<i32>} : memref<1280xf32, #tpu.memory_space<vmem>>, vector<16xf32>,
        %swap3A_1262 = arith.constant 448 : index
        %swap3A_1263 = tpu.vector_load %run_scoped3A_2[%swap3A_1262] {strides = array<i32>} : memref<1280xf32, #tpu.memory_space<vmem>>, vector<16xf32>,
        tpu.vector_store %run_scoped3A_2[%swap3A_1262], %gather3A_1226 {strides = array<i32>} : memref<1280xf32, #tpu.memory_space<vmem>>, vector<16xf32>,
        %swap3A_1264 = arith.constant 464 : index
        %swap3A_1265 = tpu.vector_load %run_scoped3A_2[%swap3A_1264] {strides = array<i32>} : memref<1280xf32, #tpu.memory_space<vmem>>, vector<16xf32>,
        tpu.vector_store %run_scoped3A_2[%swap3A_1264], %gather3A_1235 {strides = array<i32>} : memref<1280xf32, #tpu.memory_space<vmem>>, vector<16xf32>,
        %swap3A_1266 = arith.constant 480 : index
        %swap3A_1267 = tpu.vector_load %run_scoped3A_2[%swap3A_1266] {strides = array<i32>} : memref<1280xf32, #tpu.memory_space<vmem>>, vector<16xf32>,
        tpu.vector_store %run_scoped3A_2[%swap3A_1266], %gather3A_1244 {strides = array<i32>} : memref<1280xf32, #tpu.memory_space<vmem>>, vector<16xf32>,
        %swap3A_1268 = arith.constant 496 : index
        %swap3A_1269 = tpu.vector_load %run_scoped3A_2[%swap3A_1268] {strides = array<i32>} : memref<1280xf32, #tpu.memory_space<vmem>>, vector<16xf32>,
        tpu.vector_store %run_scoped3A_2[%swap3A_1268], %gather3A_1253 {strides = array<i32>} : memref<1280xf32, #tpu.memory_space<vmem>>, vector<16xf32>,
        %add3A_1270 = arith.constant 512 : i32
        %add3A_1271 = vector.broadcast %add3A_1270 : i32 to vector<16xi32>
        %add3A_1272 = arith.addi %add3A_1271, %iota3A : vector<16xi32>
        %mul3A_1273 = arith.constant 64 : i32
        %mul3A_1274 = vector.broadcast %mul3A_1273 : i32 to vector<16xi32>
        %mul3A_1275 = arith.muli %add3A_1272, %mul3A_1274 : vector<16xi32>
        %add3A_1276 = vector.broadcast %add3A_917 : i32 to vector<16xi32>
        %add3A_1277 = arith.addi %mul3A_1275, %add3A_1276 : vector<16xi32>
        %gather3A_1278 = tpu.vector_load_idx %run_scoped3A[%add3A_1277] : memref<81920xf32, #tpu.memory_space<vmem>>[vector<16xi32>], vector<16xf32>,
        %add3A_1279 = arith.constant 528 : i32
        %add3A_1280 = vector.broadcast %add3A_1279 : i32 to vector<16xi32>
        %add3A_1281 = arith.addi %add3A_1280, %iota3A : vector<16xi32>
        %mul3A_1282 = arith.constant 64 : i32
        %mul3A_1283 = vector.broadcast %mul3A_1282 : i32 to vector<16xi32>
        %mul3A_1284 = arith.muli %add3A_1281, %mul3A_1283 : vector<16xi32>
        %add3A_1285 = vector.broadcast %add3A_917 : i32 to vector<16xi32>
        %add3A_1286 = arith.addi %mul3A_1284, %add3A_1285 : vector<16xi32>
        %gather3A_1287 = tpu.vector_load_idx %run_scoped3A[%add3A_1286] : memref<81920xf32, #tpu.memory_space<vmem>>[vector<16xi32>], vector<16xf32>,
        %add3A_1288 = arith.constant 544 : i32
        %add3A_1289 = vector.broadcast %add3A_1288 : i32 to vector<16xi32>
        %add3A_1290 = arith.addi %add3A_1289, %iota3A : vector<16xi32>
        %mul3A_1291 = arith.constant 64 : i32
        %mul3A_1292 = vector.broadcast %mul3A_1291 : i32 to vector<16xi32>
        %mul3A_1293 = arith.muli %add3A_1290, %mul3A_1292 : vector<16xi32>
        %add3A_1294 = vector.broadcast %add3A_917 : i32 to vector<16xi32>
        %add3A_1295 = arith.addi %mul3A_1293, %add3A_1294 : vector<16xi32>
        %gather3A_1296 = tpu.vector_load_idx %run_scoped3A[%add3A_1295] : memref<81920xf32, #tpu.memory_space<vmem>>[vector<16xi32>], vector<16xf32>,
        %add3A_1297 = arith.constant 560 : i32
        %add3A_1298 = vector.broadcast %add3A_1297 : i32 to vector<16xi32>
        %add3A_1299 = arith.addi %add3A_1298, %iota3A : vector<16xi32>
        %mul3A_1300 = arith.constant 64 : i32
        %mul3A_1301 = vector.broadcast %mul3A_1300 : i32 to vector<16xi32>
        %mul3A_1302 = arith.muli %add3A_1299, %mul3A_1301 : vector<16xi32>
        %add3A_1303 = vector.broadcast %add3A_917 : i32 to vector<16xi32>
        %add3A_1304 = arith.addi %mul3A_1302, %add3A_1303 : vector<16xi32>
        %gather3A_1305 = tpu.vector_load_idx %run_scoped3A[%add3A_1304] : memref<81920xf32, #tpu.memory_space<vmem>>[vector<16xi32>], vector<16xf32>,
        %add3A_1306 = arith.constant 576 : i32
        %add3A_1307 = vector.broadcast %add3A_1306 : i32 to vector<16xi32>
        %add3A_1308 = arith.addi %add3A_1307, %iota3A : vector<16xi32>
        %mul3A_1309 = arith.constant 64 : i32
        %mul3A_1310 = vector.broadcast %mul3A_1309 : i32 to vector<16xi32>
        %mul3A_1311 = arith.muli %add3A_1308, %mul3A_1310 : vector<16xi32>
        %add3A_1312 = vector.broadcast %add3A_917 : i32 to vector<16xi32>
        %add3A_1313 = arith.addi %mul3A_1311, %add3A_1312 : vector<16xi32>
        %gather3A_1314 = tpu.vector_load_idx %run_scoped3A[%add3A_1313] : memref<81920xf32, #tpu.memory_space<vmem>>[vector<16xi32>], vector<16xf32>,
        %add3A_1315 = arith.constant 592 : i32
        %add3A_1316 = vector.broadcast %add3A_1315 : i32 to vector<16xi32>
        %add3A_1317 = arith.addi %add3A_1316, %iota3A : vector<16xi32>
        %mul3A_1318 = arith.constant 64 : i32
        %mul3A_1319 = vector.broadcast %mul3A_1318 : i32 to vector<16xi32>
        %mul3A_1320 = arith.muli %add3A_1317, %mul3A_1319 : vector<16xi32>
        %add3A_1321 = vector.broadcast %add3A_917 : i32 to vector<16xi32>
        %add3A_1322 = arith.addi %mul3A_1320, %add3A_1321 : vector<16xi32>
        %gather3A_1323 = tpu.vector_load_idx %run_scoped3A[%add3A_1322] : memref<81920xf32, #tpu.memory_space<vmem>>[vector<16xi32>], vector<16xf32>,
        %add3A_1324 = arith.constant 608 : i32
        %add3A_1325 = vector.broadcast %add3A_1324 : i32 to vector<16xi32>
        %add3A_1326 = arith.addi %add3A_1325, %iota3A : vector<16xi32>
        %mul3A_1327 = arith.constant 64 : i32
        %mul3A_1328 = vector.broadcast %mul3A_1327 : i32 to vector<16xi32>
        %mul3A_1329 = arith.muli %add3A_1326, %mul3A_1328 : vector<16xi32>
        %add3A_1330 = vector.broadcast %add3A_917 : i32 to vector<16xi32>
        %add3A_1331 = arith.addi %mul3A_1329, %add3A_1330 : vector<16xi32>
        %gather3A_1332 = tpu.vector_load_idx %run_scoped3A[%add3A_1331] : memref<81920xf32, #tpu.memory_space<vmem>>[vector<16xi32>], vector<16xf32>,
        %add3A_1333 = arith.constant 624 : i32
        %add3A_1334 = vector.broadcast %add3A_1333 : i32 to vector<16xi32>
        %add3A_1335 = arith.addi %add3A_1334, %iota3A : vector<16xi32>
        %mul3A_1336 = arith.constant 64 : i32
        %mul3A_1337 = vector.broadcast %mul3A_1336 : i32 to vector<16xi32>
        %mul3A_1338 = arith.muli %add3A_1335, %mul3A_1337 : vector<16xi32>
        %add3A_1339 = vector.broadcast %add3A_917 : i32 to vector<16xi32>
        %add3A_1340 = arith.addi %mul3A_1338, %add3A_1339 : vector<16xi32>
        %gather3A_1341 = tpu.vector_load_idx %run_scoped3A[%add3A_1340] : memref<81920xf32, #tpu.memory_space<vmem>>[vector<16xi32>], vector<16xf32>,
        %swap3A_1342 = arith.constant 512 : index
        %swap3A_1343 = tpu.vector_load %run_scoped3A_2[%swap3A_1342] {strides = array<i32>} : memref<1280xf32, #tpu.memory_space<vmem>>, vector<16xf32>,
        tpu.vector_store %run_scoped3A_2[%swap3A_1342], %gather3A_1278 {strides = array<i32>} : memref<1280xf32, #tpu.memory_space<vmem>>, vector<16xf32>,
        %swap3A_1344 = arith.constant 528 : index
        %swap3A_1345 = tpu.vector_load %run_scoped3A_2[%swap3A_1344] {strides = array<i32>} : memref<1280xf32, #tpu.memory_space<vmem>>, vector<16xf32>,
        tpu.vector_store %run_scoped3A_2[%swap3A_1344], %gather3A_1287 {strides = array<i32>} : memref<1280xf32, #tpu.memory_space<vmem>>, vector<16xf32>,
        %swap3A_1346 = arith.constant 544 : index
        %swap3A_1347 = tpu.vector_load %run_scoped3A_2[%swap3A_1346] {strides = array<i32>} : memref<1280xf32, #tpu.memory_space<vmem>>, vector<16xf32>,
        tpu.vector_store %run_scoped3A_2[%swap3A_1346], %gather3A_1296 {strides = array<i32>} : memref<1280xf32, #tpu.memory_space<vmem>>, vector<16xf32>,
        %swap3A_1348 = arith.constant 560 : index
        %swap3A_1349 = tpu.vector_load %run_scoped3A_2[%swap3A_1348] {strides = array<i32>} : memref<1280xf32, #tpu.memory_space<vmem>>, vector<16xf32>,
        tpu.vector_store %run_scoped3A_2[%swap3A_1348], %gather3A_1305 {strides = array<i32>} : memref<1280xf32, #tpu.memory_space<vmem>>, vector<16xf32>,
        %swap3A_1350 = arith.constant 576 : index
        %swap3A_1351 = tpu.vector_load %run_scoped3A_2[%swap3A_1350] {strides = array<i32>} : memref<1280xf32, #tpu.memory_space<vmem>>, vector<16xf32>,
        tpu.vector_store %run_scoped3A_2[%swap3A_1350], %gather3A_1314 {strides = array<i32>} : memref<1280xf32, #tpu.memory_space<vmem>>, vector<16xf32>,
        %swap3A_1352 = arith.constant 592 : index
        %swap3A_1353 = tpu.vector_load %run_scoped3A_2[%swap3A_1352] {strides = array<i32>} : memref<1280xf32, #tpu.memory_space<vmem>>, vector<16xf32>,
        tpu.vector_store %run_scoped3A_2[%swap3A_1352], %gather3A_1323 {strides = array<i32>} : memref<1280xf32, #tpu.memory_space<vmem>>, vector<16xf32>,
        %swap3A_1354 = arith.constant 608 : index
        %swap3A_1355 = tpu.vector_load %run_scoped3A_2[%swap3A_1354] {strides = array<i32>} : memref<1280xf32, #tpu.memory_space<vmem>>, vector<16xf32>,
        tpu.vector_store %run_scoped3A_2[%swap3A_1354], %gather3A_1332 {strides = array<i32>} : memref<1280xf32, #tpu.memory_space<vmem>>, vector<16xf32>,
        %swap3A_1356 = arith.constant 624 : index
        %swap3A_1357 = tpu.vector_load %run_scoped3A_2[%swap3A_1356] {strides = array<i32>} : memref<1280xf32, #tpu.memory_space<vmem>>, vector<16xf32>,
        tpu.vector_store %run_scoped3A_2[%swap3A_1356], %gather3A_1341 {strides = array<i32>} : memref<1280xf32, #tpu.memory_space<vmem>>, vector<16xf32>,
        %add3A_1358 = arith.constant 640 : i32
        %add3A_1359 = vector.broadcast %add3A_1358 : i32 to vector<16xi32>
        %add3A_1360 = arith.addi %add3A_1359, %iota3A : vector<16xi32>
        %mul3A_1361 = arith.constant 64 : i32
        %mul3A_1362 = vector.broadcast %mul3A_1361 : i32 to vector<16xi32>
        %mul3A_1363 = arith.muli %add3A_1360, %mul3A_1362 : vector<16xi32>
        %add3A_1364 = vector.broadcast %add3A_917 : i32 to vector<16xi32>
        %add3A_1365 = arith.addi %mul3A_1363, %add3A_1364 : vector<16xi32>
        %gather3A_1366 = tpu.vector_load_idx %run_scoped3A[%add3A_1365] : memref<81920xf32, #tpu.memory_space<vmem>>[vector<16xi32>], vector<16xf32>,
        %add3A_1367 = arith.constant 656 : i32
        %add3A_1368 = vector.broadcast %add3A_1367 : i32 to vector<16xi32>
        %add3A_1369 = arith.addi %add3A_1368, %iota3A : vector<16xi32>
        %mul3A_1370 = arith.constant 64 : i32
        %mul3A_1371 = vector.broadcast %mul3A_1370 : i32 to vector<16xi32>
        %mul3A_1372 = arith.muli %add3A_1369, %mul3A_1371 : vector<16xi32>
        %add3A_1373 = vector.broadcast %add3A_917 : i32 to vector<16xi32>
        %add3A_1374 = arith.addi %mul3A_1372, %add3A_1373 : vector<16xi32>
        %gather3A_1375 = tpu.vector_load_idx %run_scoped3A[%add3A_1374] : memref<81920xf32, #tpu.memory_space<vmem>>[vector<16xi32>], vector<16xf32>,
        %add3A_1376 = arith.constant 672 : i32
        %add3A_1377 = vector.broadcast %add3A_1376 : i32 to vector<16xi32>
        %add3A_1378 = arith.addi %add3A_1377, %iota3A : vector<16xi32>
        %mul3A_1379 = arith.constant 64 : i32
        %mul3A_1380 = vector.broadcast %mul3A_1379 : i32 to vector<16xi32>
        %mul3A_1381 = arith.muli %add3A_1378, %mul3A_1380 : vector<16xi32>
        %add3A_1382 = vector.broadcast %add3A_917 : i32 to vector<16xi32>
        %add3A_1383 = arith.addi %mul3A_1381, %add3A_1382 : vector<16xi32>
        %gather3A_1384 = tpu.vector_load_idx %run_scoped3A[%add3A_1383] : memref<81920xf32, #tpu.memory_space<vmem>>[vector<16xi32>], vector<16xf32>,
        %add3A_1385 = arith.constant 688 : i32
        %add3A_1386 = vector.broadcast %add3A_1385 : i32 to vector<16xi32>
        %add3A_1387 = arith.addi %add3A_1386, %iota3A : vector<16xi32>
        %mul3A_1388 = arith.constant 64 : i32
        %mul3A_1389 = vector.broadcast %mul3A_1388 : i32 to vector<16xi32>
        %mul3A_1390 = arith.muli %add3A_1387, %mul3A_1389 : vector<16xi32>
        %add3A_1391 = vector.broadcast %add3A_917 : i32 to vector<16xi32>
        %add3A_1392 = arith.addi %mul3A_1390, %add3A_1391 : vector<16xi32>
        %gather3A_1393 = tpu.vector_load_idx %run_scoped3A[%add3A_1392] : memref<81920xf32, #tpu.memory_space<vmem>>[vector<16xi32>], vector<16xf32>,
        %add3A_1394 = arith.constant 704 : i32
        %add3A_1395 = vector.broadcast %add3A_1394 : i32 to vector<16xi32>
        %add3A_1396 = arith.addi %add3A_1395, %iota3A : vector<16xi32>
        %mul3A_1397 = arith.constant 64 : i32
        %mul3A_1398 = vector.broadcast %mul3A_1397 : i32 to vector<16xi32>
        %mul3A_1399 = arith.muli %add3A_1396, %mul3A_1398 : vector<16xi32>
        %add3A_1400 = vector.broadcast %add3A_917 : i32 to vector<16xi32>
        %add3A_1401 = arith.addi %mul3A_1399, %add3A_1400 : vector<16xi32>
        %gather3A_1402 = tpu.vector_load_idx %run_scoped3A[%add3A_1401] : memref<81920xf32, #tpu.memory_space<vmem>>[vector<16xi32>], vector<16xf32>,
        %add3A_1403 = arith.constant 720 : i32
        %add3A_1404 = vector.broadcast %add3A_1403 : i32 to vector<16xi32>
        %add3A_1405 = arith.addi %add3A_1404, %iota3A : vector<16xi32>
        %mul3A_1406 = arith.constant 64 : i32
        %mul3A_1407 = vector.broadcast %mul3A_1406 : i32 to vector<16xi32>
        %mul3A_1408 = arith.muli %add3A_1405, %mul3A_1407 : vector<16xi32>
        %add3A_1409 = vector.broadcast %add3A_917 : i32 to vector<16xi32>
        %add3A_1410 = arith.addi %mul3A_1408, %add3A_1409 : vector<16xi32>
        %gather3A_1411 = tpu.vector_load_idx %run_scoped3A[%add3A_1410] : memref<81920xf32, #tpu.memory_space<vmem>>[vector<16xi32>], vector<16xf32>,
        %add3A_1412 = arith.constant 736 : i32
        %add3A_1413 = vector.broadcast %add3A_1412 : i32 to vector<16xi32>
        %add3A_1414 = arith.addi %add3A_1413, %iota3A : vector<16xi32>
        %mul3A_1415 = arith.constant 64 : i32
        %mul3A_1416 = vector.broadcast %mul3A_1415 : i32 to vector<16xi32>
        %mul3A_1417 = arith.muli %add3A_1414, %mul3A_1416 : vector<16xi32>
        %add3A_1418 = vector.broadcast %add3A_917 : i32 to vector<16xi32>
        %add3A_1419 = arith.addi %mul3A_1417, %add3A_1418 : vector<16xi32>
        %gather3A_1420 = tpu.vector_load_idx %run_scoped3A[%add3A_1419] : memref<81920xf32, #tpu.memory_space<vmem>>[vector<16xi32>], vector<16xf32>,
        %add3A_1421 = arith.constant 752 : i32
        %add3A_1422 = vector.broadcast %add3A_1421 : i32 to vector<16xi32>
        %add3A_1423 = arith.addi %add3A_1422, %iota3A : vector<16xi32>
        %mul3A_1424 = arith.constant 64 : i32
        %mul3A_1425 = vector.broadcast %mul3A_1424 : i32 to vector<16xi32>
        %mul3A_1426 = arith.muli %add3A_1423, %mul3A_1425 : vector<16xi32>
        %add3A_1427 = vector.broadcast %add3A_917 : i32 to vector<16xi32>
        %add3A_1428 = arith.addi %mul3A_1426, %add3A_1427 : vector<16xi32>
        %gather3A_1429 = tpu.vector_load_idx %run_scoped3A[%add3A_1428] : memref<81920xf32, #tpu.memory_space<vmem>>[vector<16xi32>], vector<16xf32>,
        %swap3A_1430 = arith.constant 640 : index
        %swap3A_1431 = tpu.vector_load %run_scoped3A_2[%swap3A_1430] {strides = array<i32>} : memref<1280xf32, #tpu.memory_space<vmem>>, vector<16xf32>,
        tpu.vector_store %run_scoped3A_2[%swap3A_1430], %gather3A_1366 {strides = array<i32>} : memref<1280xf32, #tpu.memory_space<vmem>>, vector<16xf32>,
        %swap3A_1432 = arith.constant 656 : index
        %swap3A_1433 = tpu.vector_load %run_scoped3A_2[%swap3A_1432] {strides = array<i32>} : memref<1280xf32, #tpu.memory_space<vmem>>, vector<16xf32>,
        tpu.vector_store %run_scoped3A_2[%swap3A_1432], %gather3A_1375 {strides = array<i32>} : memref<1280xf32, #tpu.memory_space<vmem>>, vector<16xf32>,
        %swap3A_1434 = arith.constant 672 : index
        %swap3A_1435 = tpu.vector_load %run_scoped3A_2[%swap3A_1434] {strides = array<i32>} : memref<1280xf32, #tpu.memory_space<vmem>>, vector<16xf32>,
        tpu.vector_store %run_scoped3A_2[%swap3A_1434], %gather3A_1384 {strides = array<i32>} : memref<1280xf32, #tpu.memory_space<vmem>>, vector<16xf32>,
        %swap3A_1436 = arith.constant 688 : index
        %swap3A_1437 = tpu.vector_load %run_scoped3A_2[%swap3A_1436] {strides = array<i32>} : memref<1280xf32, #tpu.memory_space<vmem>>, vector<16xf32>,
        tpu.vector_store %run_scoped3A_2[%swap3A_1436], %gather3A_1393 {strides = array<i32>} : memref<1280xf32, #tpu.memory_space<vmem>>, vector<16xf32>,
        %swap3A_1438 = arith.constant 704 : index
        %swap3A_1439 = tpu.vector_load %run_scoped3A_2[%swap3A_1438] {strides = array<i32>} : memref<1280xf32, #tpu.memory_space<vmem>>, vector<16xf32>,
        tpu.vector_store %run_scoped3A_2[%swap3A_1438], %gather3A_1402 {strides = array<i32>} : memref<1280xf32, #tpu.memory_space<vmem>>, vector<16xf32>,
        %swap3A_1440 = arith.constant 720 : index
        %swap3A_1441 = tpu.vector_load %run_scoped3A_2[%swap3A_1440] {strides = array<i32>} : memref<1280xf32, #tpu.memory_space<vmem>>, vector<16xf32>,
        tpu.vector_store %run_scoped3A_2[%swap3A_1440], %gather3A_1411 {strides = array<i32>} : memref<1280xf32, #tpu.memory_space<vmem>>, vector<16xf32>,
        %swap3A_1442 = arith.constant 736 : index
        %swap3A_1443 = tpu.vector_load %run_scoped3A_2[%swap3A_1442] {strides = array<i32>} : memref<1280xf32, #tpu.memory_space<vmem>>, vector<16xf32>,
        tpu.vector_store %run_scoped3A_2[%swap3A_1442], %gather3A_1420 {strides = array<i32>} : memref<1280xf32, #tpu.memory_space<vmem>>, vector<16xf32>,
        %swap3A_1444 = arith.constant 752 : index
        %swap3A_1445 = tpu.vector_load %run_scoped3A_2[%swap3A_1444] {strides = array<i32>} : memref<1280xf32, #tpu.memory_space<vmem>>, vector<16xf32>,
        tpu.vector_store %run_scoped3A_2[%swap3A_1444], %gather3A_1429 {strides = array<i32>} : memref<1280xf32, #tpu.memory_space<vmem>>, vector<16xf32>,
        %add3A_1446 = arith.constant 768 : i32
        %add3A_1447 = vector.broadcast %add3A_1446 : i32 to vector<16xi32>
        %add3A_1448 = arith.addi %add3A_1447, %iota3A : vector<16xi32>
        %mul3A_1449 = arith.constant 64 : i32
        %mul3A_1450 = vector.broadcast %mul3A_1449 : i32 to vector<16xi32>
        %mul3A_1451 = arith.muli %add3A_1448, %mul3A_1450 : vector<16xi32>
        %add3A_1452 = vector.broadcast %add3A_917 : i32 to vector<16xi32>
        %add3A_1453 = arith.addi %mul3A_1451, %add3A_1452 : vector<16xi32>
        %gather3A_1454 = tpu.vector_load_idx %run_scoped3A[%add3A_1453] : memref<81920xf32, #tpu.memory_space<vmem>>[vector<16xi32>], vector<16xf32>,
        %add3A_1455 = arith.constant 784 : i32
        %add3A_1456 = vector.broadcast %add3A_1455 : i32 to vector<16xi32>
        %add3A_1457 = arith.addi %add3A_1456, %iota3A : vector<16xi32>
        %mul3A_1458 = arith.constant 64 : i32
        %mul3A_1459 = vector.broadcast %mul3A_1458 : i32 to vector<16xi32>
        %mul3A_1460 = arith.muli %add3A_1457, %mul3A_1459 : vector<16xi32>
        %add3A_1461 = vector.broadcast %add3A_917 : i32 to vector<16xi32>
        %add3A_1462 = arith.addi %mul3A_1460, %add3A_1461 : vector<16xi32>
        %gather3A_1463 = tpu.vector_load_idx %run_scoped3A[%add3A_1462] : memref<81920xf32, #tpu.memory_space<vmem>>[vector<16xi32>], vector<16xf32>,
        %add3A_1464 = arith.constant 800 : i32
        %add3A_1465 = vector.broadcast %add3A_1464 : i32 to vector<16xi32>
        %add3A_1466 = arith.addi %add3A_1465, %iota3A : vector<16xi32>
        %mul3A_1467 = arith.constant 64 : i32
        %mul3A_1468 = vector.broadcast %mul3A_1467 : i32 to vector<16xi32>
        %mul3A_1469 = arith.muli %add3A_1466, %mul3A_1468 : vector<16xi32>
        %add3A_1470 = vector.broadcast %add3A_917 : i32 to vector<16xi32>
        %add3A_1471 = arith.addi %mul3A_1469, %add3A_1470 : vector<16xi32>
        %gather3A_1472 = tpu.vector_load_idx %run_scoped3A[%add3A_1471] : memref<81920xf32, #tpu.memory_space<vmem>>[vector<16xi32>], vector<16xf32>,
        %add3A_1473 = arith.constant 816 : i32
        %add3A_1474 = vector.broadcast %add3A_1473 : i32 to vector<16xi32>
        %add3A_1475 = arith.addi %add3A_1474, %iota3A : vector<16xi32>
        %mul3A_1476 = arith.constant 64 : i32
        %mul3A_1477 = vector.broadcast %mul3A_1476 : i32 to vector<16xi32>
        %mul3A_1478 = arith.muli %add3A_1475, %mul3A_1477 : vector<16xi32>
        %add3A_1479 = vector.broadcast %add3A_917 : i32 to vector<16xi32>
        %add3A_1480 = arith.addi %mul3A_1478, %add3A_1479 : vector<16xi32>
        %gather3A_1481 = tpu.vector_load_idx %run_scoped3A[%add3A_1480] : memref<81920xf32, #tpu.memory_space<vmem>>[vector<16xi32>], vector<16xf32>,
        %add3A_1482 = arith.constant 832 : i32
        %add3A_1483 = vector.broadcast %add3A_1482 : i32 to vector<16xi32>
        %add3A_1484 = arith.addi %add3A_1483, %iota3A : vector<16xi32>
        %mul3A_1485 = arith.constant 64 : i32
        %mul3A_1486 = vector.broadcast %mul3A_1485 : i32 to vector<16xi32>
        %mul3A_1487 = arith.muli %add3A_1484, %mul3A_1486 : vector<16xi32>
        %add3A_1488 = vector.broadcast %add3A_917 : i32 to vector<16xi32>
        %add3A_1489 = arith.addi %mul3A_1487, %add3A_1488 : vector<16xi32>
        %gather3A_1490 = tpu.vector_load_idx %run_scoped3A[%add3A_1489] : memref<81920xf32, #tpu.memory_space<vmem>>[vector<16xi32>], vector<16xf32>,
        %add3A_1491 = arith.constant 848 : i32
        %add3A_1492 = vector.broadcast %add3A_1491 : i32 to vector<16xi32>
        %add3A_1493 = arith.addi %add3A_1492, %iota3A : vector<16xi32>
        %mul3A_1494 = arith.constant 64 : i32
        %mul3A_1495 = vector.broadcast %mul3A_1494 : i32 to vector<16xi32>
        %mul3A_1496 = arith.muli %add3A_1493, %mul3A_1495 : vector<16xi32>
        %add3A_1497 = vector.broadcast %add3A_917 : i32 to vector<16xi32>
        %add3A_1498 = arith.addi %mul3A_1496, %add3A_1497 : vector<16xi32>
        %gather3A_1499 = tpu.vector_load_idx %run_scoped3A[%add3A_1498] : memref<81920xf32, #tpu.memory_space<vmem>>[vector<16xi32>], vector<16xf32>,
        %add3A_1500 = arith.constant 864 : i32
        %add3A_1501 = vector.broadcast %add3A_1500 : i32 to vector<16xi32>
        %add3A_1502 = arith.addi %add3A_1501, %iota3A : vector<16xi32>
        %mul3A_1503 = arith.constant 64 : i32
        %mul3A_1504 = vector.broadcast %mul3A_1503 : i32 to vector<16xi32>
        %mul3A_1505 = arith.muli %add3A_1502, %mul3A_1504 : vector<16xi32>
        %add3A_1506 = vector.broadcast %add3A_917 : i32 to vector<16xi32>
        %add3A_1507 = arith.addi %mul3A_1505, %add3A_1506 : vector<16xi32>
        %gather3A_1508 = tpu.vector_load_idx %run_scoped3A[%add3A_1507] : memref<81920xf32, #tpu.memory_space<vmem>>[vector<16xi32>], vector<16xf32>,
        %add3A_1509 = arith.constant 880 : i32
        %add3A_1510 = vector.broadcast %add3A_1509 : i32 to vector<16xi32>
        %add3A_1511 = arith.addi %add3A_1510, %iota3A : vector<16xi32>
        %mul3A_1512 = arith.constant 64 : i32
        %mul3A_1513 = vector.broadcast %mul3A_1512 : i32 to vector<16xi32>
        %mul3A_1514 = arith.muli %add3A_1511, %mul3A_1513 : vector<16xi32>
        %add3A_1515 = vector.broadcast %add3A_917 : i32 to vector<16xi32>
        %add3A_1516 = arith.addi %mul3A_1514, %add3A_1515 : vector<16xi32>
        %gather3A_1517 = tpu.vector_load_idx %run_scoped3A[%add3A_1516] : memref<81920xf32, #tpu.memory_space<vmem>>[vector<16xi32>], vector<16xf32>,
        %swap3A_1518 = arith.constant 768 : index
        %swap3A_1519 = tpu.vector_load %run_scoped3A_2[%swap3A_1518] {strides = array<i32>} : memref<1280xf32, #tpu.memory_space<vmem>>, vector<16xf32>,
        tpu.vector_store %run_scoped3A_2[%swap3A_1518], %gather3A_1454 {strides = array<i32>} : memref<1280xf32, #tpu.memory_space<vmem>>, vector<16xf32>,
        %swap3A_1520 = arith.constant 784 : index
        %swap3A_1521 = tpu.vector_load %run_scoped3A_2[%swap3A_1520] {strides = array<i32>} : memref<1280xf32, #tpu.memory_space<vmem>>, vector<16xf32>,
        tpu.vector_store %run_scoped3A_2[%swap3A_1520], %gather3A_1463 {strides = array<i32>} : memref<1280xf32, #tpu.memory_space<vmem>>, vector<16xf32>,
        %swap3A_1522 = arith.constant 800 : index
        %swap3A_1523 = tpu.vector_load %run_scoped3A_2[%swap3A_1522] {strides = array<i32>} : memref<1280xf32, #tpu.memory_space<vmem>>, vector<16xf32>,
        tpu.vector_store %run_scoped3A_2[%swap3A_1522], %gather3A_1472 {strides = array<i32>} : memref<1280xf32, #tpu.memory_space<vmem>>, vector<16xf32>,
        %swap3A_1524 = arith.constant 816 : index
        %swap3A_1525 = tpu.vector_load %run_scoped3A_2[%swap3A_1524] {strides = array<i32>} : memref<1280xf32, #tpu.memory_space<vmem>>, vector<16xf32>,
        tpu.vector_store %run_scoped3A_2[%swap3A_1524], %gather3A_1481 {strides = array<i32>} : memref<1280xf32, #tpu.memory_space<vmem>>, vector<16xf32>,
        %swap3A_1526 = arith.constant 832 : index
        %swap3A_1527 = tpu.vector_load %run_scoped3A_2[%swap3A_1526] {strides = array<i32>} : memref<1280xf32, #tpu.memory_space<vmem>>, vector<16xf32>,
        tpu.vector_store %run_scoped3A_2[%swap3A_1526], %gather3A_1490 {strides = array<i32>} : memref<1280xf32, #tpu.memory_space<vmem>>, vector<16xf32>,
        %swap3A_1528 = arith.constant 848 : index
        %swap3A_1529 = tpu.vector_load %run_scoped3A_2[%swap3A_1528] {strides = array<i32>} : memref<1280xf32, #tpu.memory_space<vmem>>, vector<16xf32>,
        tpu.vector_store %run_scoped3A_2[%swap3A_1528], %gather3A_1499 {strides = array<i32>} : memref<1280xf32, #tpu.memory_space<vmem>>, vector<16xf32>,
        %swap3A_1530 = arith.constant 864 : index
        %swap3A_1531 = tpu.vector_load %run_scoped3A_2[%swap3A_1530] {strides = array<i32>} : memref<1280xf32, #tpu.memory_space<vmem>>, vector<16xf32>,
        tpu.vector_store %run_scoped3A_2[%swap3A_1530], %gather3A_1508 {strides = array<i32>} : memref<1280xf32, #tpu.memory_space<vmem>>, vector<16xf32>,
        %swap3A_1532 = arith.constant 880 : index
        %swap3A_1533 = tpu.vector_load %run_scoped3A_2[%swap3A_1532] {strides = array<i32>} : memref<1280xf32, #tpu.memory_space<vmem>>, vector<16xf32>,
        tpu.vector_store %run_scoped3A_2[%swap3A_1532], %gather3A_1517 {strides = array<i32>} : memref<1280xf32, #tpu.memory_space<vmem>>, vector<16xf32>,
        %add3A_1534 = arith.constant 896 : i32
        %add3A_1535 = vector.broadcast %add3A_1534 : i32 to vector<16xi32>
        %add3A_1536 = arith.addi %add3A_1535, %iota3A : vector<16xi32>
        %mul3A_1537 = arith.constant 64 : i32
        %mul3A_1538 = vector.broadcast %mul3A_1537 : i32 to vector<16xi32>
        %mul3A_1539 = arith.muli %add3A_1536, %mul3A_1538 : vector<16xi32>
        %add3A_1540 = vector.broadcast %add3A_917 : i32 to vector<16xi32>
        %add3A_1541 = arith.addi %mul3A_1539, %add3A_1540 : vector<16xi32>
        %gather3A_1542 = tpu.vector_load_idx %run_scoped3A[%add3A_1541] : memref<81920xf32, #tpu.memory_space<vmem>>[vector<16xi32>], vector<16xf32>,
        %add3A_1543 = arith.constant 912 : i32
        %add3A_1544 = vector.broadcast %add3A_1543 : i32 to vector<16xi32>
        %add3A_1545 = arith.addi %add3A_1544, %iota3A : vector<16xi32>
        %mul3A_1546 = arith.constant 64 : i32
        %mul3A_1547 = vector.broadcast %mul3A_1546 : i32 to vector<16xi32>
        %mul3A_1548 = arith.muli %add3A_1545, %mul3A_1547 : vector<16xi32>
        %add3A_1549 = vector.broadcast %add3A_917 : i32 to vector<16xi32>
        %add3A_1550 = arith.addi %mul3A_1548, %add3A_1549 : vector<16xi32>
        %gather3A_1551 = tpu.vector_load_idx %run_scoped3A[%add3A_1550] : memref<81920xf32, #tpu.memory_space<vmem>>[vector<16xi32>], vector<16xf32>,
        %add3A_1552 = arith.constant 928 : i32
        %add3A_1553 = vector.broadcast %add3A_1552 : i32 to vector<16xi32>
        %add3A_1554 = arith.addi %add3A_1553, %iota3A : vector<16xi32>
        %mul3A_1555 = arith.constant 64 : i32
        %mul3A_1556 = vector.broadcast %mul3A_1555 : i32 to vector<16xi32>
        %mul3A_1557 = arith.muli %add3A_1554, %mul3A_1556 : vector<16xi32>
        %add3A_1558 = vector.broadcast %add3A_917 : i32 to vector<16xi32>
        %add3A_1559 = arith.addi %mul3A_1557, %add3A_1558 : vector<16xi32>
        %gather3A_1560 = tpu.vector_load_idx %run_scoped3A[%add3A_1559] : memref<81920xf32, #tpu.memory_space<vmem>>[vector<16xi32>], vector<16xf32>,
        %add3A_1561 = arith.constant 944 : i32
        %add3A_1562 = vector.broadcast %add3A_1561 : i32 to vector<16xi32>
        %add3A_1563 = arith.addi %add3A_1562, %iota3A : vector<16xi32>
        %mul3A_1564 = arith.constant 64 : i32
        %mul3A_1565 = vector.broadcast %mul3A_1564 : i32 to vector<16xi32>
        %mul3A_1566 = arith.muli %add3A_1563, %mul3A_1565 : vector<16xi32>
        %add3A_1567 = vector.broadcast %add3A_917 : i32 to vector<16xi32>
        %add3A_1568 = arith.addi %mul3A_1566, %add3A_1567 : vector<16xi32>
        %gather3A_1569 = tpu.vector_load_idx %run_scoped3A[%add3A_1568] : memref<81920xf32, #tpu.memory_space<vmem>>[vector<16xi32>], vector<16xf32>,
        %add3A_1570 = arith.constant 960 : i32
        %add3A_1571 = vector.broadcast %add3A_1570 : i32 to vector<16xi32>
        %add3A_1572 = arith.addi %add3A_1571, %iota3A : vector<16xi32>
        %mul3A_1573 = arith.constant 64 : i32
        %mul3A_1574 = vector.broadcast %mul3A_1573 : i32 to vector<16xi32>
        %mul3A_1575 = arith.muli %add3A_1572, %mul3A_1574 : vector<16xi32>
        %add3A_1576 = vector.broadcast %add3A_917 : i32 to vector<16xi32>
        %add3A_1577 = arith.addi %mul3A_1575, %add3A_1576 : vector<16xi32>
        %gather3A_1578 = tpu.vector_load_idx %run_scoped3A[%add3A_1577] : memref<81920xf32, #tpu.memory_space<vmem>>[vector<16xi32>], vector<16xf32>,
        %add3A_1579 = arith.constant 976 : i32
        %add3A_1580 = vector.broadcast %add3A_1579 : i32 to vector<16xi32>
        %add3A_1581 = arith.addi %add3A_1580, %iota3A : vector<16xi32>
        %mul3A_1582 = arith.constant 64 : i32
        %mul3A_1583 = vector.broadcast %mul3A_1582 : i32 to vector<16xi32>
        %mul3A_1584 = arith.muli %add3A_1581, %mul3A_1583 : vector<16xi32>
        %add3A_1585 = vector.broadcast %add3A_917 : i32 to vector<16xi32>
        %add3A_1586 = arith.addi %mul3A_1584, %add3A_1585 : vector<16xi32>
        %gather3A_1587 = tpu.vector_load_idx %run_scoped3A[%add3A_1586] : memref<81920xf32, #tpu.memory_space<vmem>>[vector<16xi32>], vector<16xf32>,
        %add3A_1588 = arith.constant 992 : i32
        %add3A_1589 = vector.broadcast %add3A_1588 : i32 to vector<16xi32>
        %add3A_1590 = arith.addi %add3A_1589, %iota3A : vector<16xi32>
        %mul3A_1591 = arith.constant 64 : i32
        %mul3A_1592 = vector.broadcast %mul3A_1591 : i32 to vector<16xi32>
        %mul3A_1593 = arith.muli %add3A_1590, %mul3A_1592 : vector<16xi32>
        %add3A_1594 = vector.broadcast %add3A_917 : i32 to vector<16xi32>
        %add3A_1595 = arith.addi %mul3A_1593, %add3A_1594 : vector<16xi32>
        %gather3A_1596 = tpu.vector_load_idx %run_scoped3A[%add3A_1595] : memref<81920xf32, #tpu.memory_space<vmem>>[vector<16xi32>], vector<16xf32>,
        %add3A_1597 = arith.constant 1008 : i32
        %add3A_1598 = vector.broadcast %add3A_1597 : i32 to vector<16xi32>
        %add3A_1599 = arith.addi %add3A_1598, %iota3A : vector<16xi32>
        %mul3A_1600 = arith.constant 64 : i32
        %mul3A_1601 = vector.broadcast %mul3A_1600 : i32 to vector<16xi32>
        %mul3A_1602 = arith.muli %add3A_1599, %mul3A_1601 : vector<16xi32>
        %add3A_1603 = vector.broadcast %add3A_917 : i32 to vector<16xi32>
        %add3A_1604 = arith.addi %mul3A_1602, %add3A_1603 : vector<16xi32>
        %gather3A_1605 = tpu.vector_load_idx %run_scoped3A[%add3A_1604] : memref<81920xf32, #tpu.memory_space<vmem>>[vector<16xi32>], vector<16xf32>,
        %swap3A_1606 = arith.constant 896 : index
        %swap3A_1607 = tpu.vector_load %run_scoped3A_2[%swap3A_1606] {strides = array<i32>} : memref<1280xf32, #tpu.memory_space<vmem>>, vector<16xf32>,
        tpu.vector_store %run_scoped3A_2[%swap3A_1606], %gather3A_1542 {strides = array<i32>} : memref<1280xf32, #tpu.memory_space<vmem>>, vector<16xf32>,
        %swap3A_1608 = arith.constant 912 : index
        %swap3A_1609 = tpu.vector_load %run_scoped3A_2[%swap3A_1608] {strides = array<i32>} : memref<1280xf32, #tpu.memory_space<vmem>>, vector<16xf32>,
        tpu.vector_store %run_scoped3A_2[%swap3A_1608], %gather3A_1551 {strides = array<i32>} : memref<1280xf32, #tpu.memory_space<vmem>>, vector<16xf32>,
        %swap3A_1610 = arith.constant 928 : index
        %swap3A_1611 = tpu.vector_load %run_scoped3A_2[%swap3A_1610] {strides = array<i32>} : memref<1280xf32, #tpu.memory_space<vmem>>, vector<16xf32>,
        tpu.vector_store %run_scoped3A_2[%swap3A_1610], %gather3A_1560 {strides = array<i32>} : memref<1280xf32, #tpu.memory_space<vmem>>, vector<16xf32>,
        %swap3A_1612 = arith.constant 944 : index
        %swap3A_1613 = tpu.vector_load %run_scoped3A_2[%swap3A_1612] {strides = array<i32>} : memref<1280xf32, #tpu.memory_space<vmem>>, vector<16xf32>,
        tpu.vector_store %run_scoped3A_2[%swap3A_1612], %gather3A_1569 {strides = array<i32>} : memref<1280xf32, #tpu.memory_space<vmem>>, vector<16xf32>,
        %swap3A_1614 = arith.constant 960 : index
        %swap3A_1615 = tpu.vector_load %run_scoped3A_2[%swap3A_1614] {strides = array<i32>} : memref<1280xf32, #tpu.memory_space<vmem>>, vector<16xf32>,
        tpu.vector_store %run_scoped3A_2[%swap3A_1614], %gather3A_1578 {strides = array<i32>} : memref<1280xf32, #tpu.memory_space<vmem>>, vector<16xf32>,
        %swap3A_1616 = arith.constant 976 : index
        %swap3A_1617 = tpu.vector_load %run_scoped3A_2[%swap3A_1616] {strides = array<i32>} : memref<1280xf32, #tpu.memory_space<vmem>>, vector<16xf32>,
        tpu.vector_store %run_scoped3A_2[%swap3A_1616], %gather3A_1587 {strides = array<i32>} : memref<1280xf32, #tpu.memory_space<vmem>>, vector<16xf32>,
        %swap3A_1618 = arith.constant 992 : index
        %swap3A_1619 = tpu.vector_load %run_scoped3A_2[%swap3A_1618] {strides = array<i32>} : memref<1280xf32, #tpu.memory_space<vmem>>, vector<16xf32>,
        tpu.vector_store %run_scoped3A_2[%swap3A_1618], %gather3A_1596 {strides = array<i32>} : memref<1280xf32, #tpu.memory_space<vmem>>, vector<16xf32>,
        %swap3A_1620 = arith.constant 1008 : index
        %swap3A_1621 = tpu.vector_load %run_scoped3A_2[%swap3A_1620] {strides = array<i32>} : memref<1280xf32, #tpu.memory_space<vmem>>, vector<16xf32>,
        tpu.vector_store %run_scoped3A_2[%swap3A_1620], %gather3A_1605 {strides = array<i32>} : memref<1280xf32, #tpu.memory_space<vmem>>, vector<16xf32>,
        %add3A_1622 = arith.constant 1024 : i32
        %add3A_1623 = vector.broadcast %add3A_1622 : i32 to vector<16xi32>
        %add3A_1624 = arith.addi %add3A_1623, %iota3A : vector<16xi32>
        %mul3A_1625 = arith.constant 64 : i32
        %mul3A_1626 = vector.broadcast %mul3A_1625 : i32 to vector<16xi32>
        %mul3A_1627 = arith.muli %add3A_1624, %mul3A_1626 : vector<16xi32>
        %add3A_1628 = vector.broadcast %add3A_917 : i32 to vector<16xi32>
        %add3A_1629 = arith.addi %mul3A_1627, %add3A_1628 : vector<16xi32>
        %gather3A_1630 = tpu.vector_load_idx %run_scoped3A[%add3A_1629] : memref<81920xf32, #tpu.memory_space<vmem>>[vector<16xi32>], vector<16xf32>,
        %add3A_1631 = arith.constant 1040 : i32
        %add3A_1632 = vector.broadcast %add3A_1631 : i32 to vector<16xi32>
        %add3A_1633 = arith.addi %add3A_1632, %iota3A : vector<16xi32>
        %mul3A_1634 = arith.constant 64 : i32
        %mul3A_1635 = vector.broadcast %mul3A_1634 : i32 to vector<16xi32>
        %mul3A_1636 = arith.muli %add3A_1633, %mul3A_1635 : vector<16xi32>
        %add3A_1637 = vector.broadcast %add3A_917 : i32 to vector<16xi32>
        %add3A_1638 = arith.addi %mul3A_1636, %add3A_1637 : vector<16xi32>
        %gather3A_1639 = tpu.vector_load_idx %run_scoped3A[%add3A_1638] : memref<81920xf32, #tpu.memory_space<vmem>>[vector<16xi32>], vector<16xf32>,
        %add3A_1640 = arith.constant 1056 : i32
        %add3A_1641 = vector.broadcast %add3A_1640 : i32 to vector<16xi32>
        %add3A_1642 = arith.addi %add3A_1641, %iota3A : vector<16xi32>
        %mul3A_1643 = arith.constant 64 : i32
        %mul3A_1644 = vector.broadcast %mul3A_1643 : i32 to vector<16xi32>
        %mul3A_1645 = arith.muli %add3A_1642, %mul3A_1644 : vector<16xi32>
        %add3A_1646 = vector.broadcast %add3A_917 : i32 to vector<16xi32>
        %add3A_1647 = arith.addi %mul3A_1645, %add3A_1646 : vector<16xi32>
        %gather3A_1648 = tpu.vector_load_idx %run_scoped3A[%add3A_1647] : memref<81920xf32, #tpu.memory_space<vmem>>[vector<16xi32>], vector<16xf32>,
        %add3A_1649 = arith.constant 1072 : i32
        %add3A_1650 = vector.broadcast %add3A_1649 : i32 to vector<16xi32>
        %add3A_1651 = arith.addi %add3A_1650, %iota3A : vector<16xi32>
        %mul3A_1652 = arith.constant 64 : i32
        %mul3A_1653 = vector.broadcast %mul3A_1652 : i32 to vector<16xi32>
        %mul3A_1654 = arith.muli %add3A_1651, %mul3A_1653 : vector<16xi32>
        %add3A_1655 = vector.broadcast %add3A_917 : i32 to vector<16xi32>
        %add3A_1656 = arith.addi %mul3A_1654, %add3A_1655 : vector<16xi32>
        %gather3A_1657 = tpu.vector_load_idx %run_scoped3A[%add3A_1656] : memref<81920xf32, #tpu.memory_space<vmem>>[vector<16xi32>], vector<16xf32>,
        %add3A_1658 = arith.constant 1088 : i32
        %add3A_1659 = vector.broadcast %add3A_1658 : i32 to vector<16xi32>
        %add3A_1660 = arith.addi %add3A_1659, %iota3A : vector<16xi32>
        %mul3A_1661 = arith.constant 64 : i32
        %mul3A_1662 = vector.broadcast %mul3A_1661 : i32 to vector<16xi32>
        %mul3A_1663 = arith.muli %add3A_1660, %mul3A_1662 : vector<16xi32>
        %add3A_1664 = vector.broadcast %add3A_917 : i32 to vector<16xi32>
        %add3A_1665 = arith.addi %mul3A_1663, %add3A_1664 : vector<16xi32>
        %gather3A_1666 = tpu.vector_load_idx %run_scoped3A[%add3A_1665] : memref<81920xf32, #tpu.memory_space<vmem>>[vector<16xi32>], vector<16xf32>,
        %add3A_1667 = arith.constant 1104 : i32
        %add3A_1668 = vector.broadcast %add3A_1667 : i32 to vector<16xi32>
        %add3A_1669 = arith.addi %add3A_1668, %iota3A : vector<16xi32>
        %mul3A_1670 = arith.constant 64 : i32
        %mul3A_1671 = vector.broadcast %mul3A_1670 : i32 to vector<16xi32>
        %mul3A_1672 = arith.muli %add3A_1669, %mul3A_1671 : vector<16xi32>
        %add3A_1673 = vector.broadcast %add3A_917 : i32 to vector<16xi32>
        %add3A_1674 = arith.addi %mul3A_1672, %add3A_1673 : vector<16xi32>
        %gather3A_1675 = tpu.vector_load_idx %run_scoped3A[%add3A_1674] : memref<81920xf32, #tpu.memory_space<vmem>>[vector<16xi32>], vector<16xf32>,
        %add3A_1676 = arith.constant 1120 : i32
        %add3A_1677 = vector.broadcast %add3A_1676 : i32 to vector<16xi32>
        %add3A_1678 = arith.addi %add3A_1677, %iota3A : vector<16xi32>
        %mul3A_1679 = arith.constant 64 : i32
        %mul3A_1680 = vector.broadcast %mul3A_1679 : i32 to vector<16xi32>
        %mul3A_1681 = arith.muli %add3A_1678, %mul3A_1680 : vector<16xi32>
        %add3A_1682 = vector.broadcast %add3A_917 : i32 to vector<16xi32>
        %add3A_1683 = arith.addi %mul3A_1681, %add3A_1682 : vector<16xi32>
        %gather3A_1684 = tpu.vector_load_idx %run_scoped3A[%add3A_1683] : memref<81920xf32, #tpu.memory_space<vmem>>[vector<16xi32>], vector<16xf32>,
        %add3A_1685 = arith.constant 1136 : i32
        %add3A_1686 = vector.broadcast %add3A_1685 : i32 to vector<16xi32>
        %add3A_1687 = arith.addi %add3A_1686, %iota3A : vector<16xi32>
        %mul3A_1688 = arith.constant 64 : i32
        %mul3A_1689 = vector.broadcast %mul3A_1688 : i32 to vector<16xi32>
        %mul3A_1690 = arith.muli %add3A_1687, %mul3A_1689 : vector<16xi32>
        %add3A_1691 = vector.broadcast %add3A_917 : i32 to vector<16xi32>
        %add3A_1692 = arith.addi %mul3A_1690, %add3A_1691 : vector<16xi32>
        %gather3A_1693 = tpu.vector_load_idx %run_scoped3A[%add3A_1692] : memref<81920xf32, #tpu.memory_space<vmem>>[vector<16xi32>], vector<16xf32>,
        %swap3A_1694 = arith.constant 1024 : index
        %swap3A_1695 = tpu.vector_load %run_scoped3A_2[%swap3A_1694] {strides = array<i32>} : memref<1280xf32, #tpu.memory_space<vmem>>, vector<16xf32>,
        tpu.vector_store %run_scoped3A_2[%swap3A_1694], %gather3A_1630 {strides = array<i32>} : memref<1280xf32, #tpu.memory_space<vmem>>, vector<16xf32>,
        %swap3A_1696 = arith.constant 1040 : index
        %swap3A_1697 = tpu.vector_load %run_scoped3A_2[%swap3A_1696] {strides = array<i32>} : memref<1280xf32, #tpu.memory_space<vmem>>, vector<16xf32>,
        tpu.vector_store %run_scoped3A_2[%swap3A_1696], %gather3A_1639 {strides = array<i32>} : memref<1280xf32, #tpu.memory_space<vmem>>, vector<16xf32>,
        %swap3A_1698 = arith.constant 1056 : index
        %swap3A_1699 = tpu.vector_load %run_scoped3A_2[%swap3A_1698] {strides = array<i32>} : memref<1280xf32, #tpu.memory_space<vmem>>, vector<16xf32>,
        tpu.vector_store %run_scoped3A_2[%swap3A_1698], %gather3A_1648 {strides = array<i32>} : memref<1280xf32, #tpu.memory_space<vmem>>, vector<16xf32>,
        %swap3A_1700 = arith.constant 1072 : index
        %swap3A_1701 = tpu.vector_load %run_scoped3A_2[%swap3A_1700] {strides = array<i32>} : memref<1280xf32, #tpu.memory_space<vmem>>, vector<16xf32>,
        tpu.vector_store %run_scoped3A_2[%swap3A_1700], %gather3A_1657 {strides = array<i32>} : memref<1280xf32, #tpu.memory_space<vmem>>, vector<16xf32>,
        %swap3A_1702 = arith.constant 1088 : index
        %swap3A_1703 = tpu.vector_load %run_scoped3A_2[%swap3A_1702] {strides = array<i32>} : memref<1280xf32, #tpu.memory_space<vmem>>, vector<16xf32>,
        tpu.vector_store %run_scoped3A_2[%swap3A_1702], %gather3A_1666 {strides = array<i32>} : memref<1280xf32, #tpu.memory_space<vmem>>, vector<16xf32>,
        %swap3A_1704 = arith.constant 1104 : index
        %swap3A_1705 = tpu.vector_load %run_scoped3A_2[%swap3A_1704] {strides = array<i32>} : memref<1280xf32, #tpu.memory_space<vmem>>, vector<16xf32>,
        tpu.vector_store %run_scoped3A_2[%swap3A_1704], %gather3A_1675 {strides = array<i32>} : memref<1280xf32, #tpu.memory_space<vmem>>, vector<16xf32>,
        %swap3A_1706 = arith.constant 1120 : index
        %swap3A_1707 = tpu.vector_load %run_scoped3A_2[%swap3A_1706] {strides = array<i32>} : memref<1280xf32, #tpu.memory_space<vmem>>, vector<16xf32>,
        tpu.vector_store %run_scoped3A_2[%swap3A_1706], %gather3A_1684 {strides = array<i32>} : memref<1280xf32, #tpu.memory_space<vmem>>, vector<16xf32>,
        %swap3A_1708 = arith.constant 1136 : index
        %swap3A_1709 = tpu.vector_load %run_scoped3A_2[%swap3A_1708] {strides = array<i32>} : memref<1280xf32, #tpu.memory_space<vmem>>, vector<16xf32>,
        tpu.vector_store %run_scoped3A_2[%swap3A_1708], %gather3A_1693 {strides = array<i32>} : memref<1280xf32, #tpu.memory_space<vmem>>, vector<16xf32>,
        %add3A_1710 = arith.constant 1152 : i32
        %add3A_1711 = vector.broadcast %add3A_1710 : i32 to vector<16xi32>
        %add3A_1712 = arith.addi %add3A_1711, %iota3A : vector<16xi32>
        %mul3A_1713 = arith.constant 64 : i32
        %mul3A_1714 = vector.broadcast %mul3A_1713 : i32 to vector<16xi32>
        %mul3A_1715 = arith.muli %add3A_1712, %mul3A_1714 : vector<16xi32>
        %add3A_1716 = vector.broadcast %add3A_917 : i32 to vector<16xi32>
        %add3A_1717 = arith.addi %mul3A_1715, %add3A_1716 : vector<16xi32>
        %gather3A_1718 = tpu.vector_load_idx %run_scoped3A[%add3A_1717] : memref<81920xf32, #tpu.memory_space<vmem>>[vector<16xi32>], vector<16xf32>,
        %add3A_1719 = arith.constant 1168 : i32
        %add3A_1720 = vector.broadcast %add3A_1719 : i32 to vector<16xi32>
        %add3A_1721 = arith.addi %add3A_1720, %iota3A : vector<16xi32>
        %mul3A_1722 = arith.constant 64 : i32
        %mul3A_1723 = vector.broadcast %mul3A_1722 : i32 to vector<16xi32>
        %mul3A_1724 = arith.muli %add3A_1721, %mul3A_1723 : vector<16xi32>
        %add3A_1725 = vector.broadcast %add3A_917 : i32 to vector<16xi32>
        %add3A_1726 = arith.addi %mul3A_1724, %add3A_1725 : vector<16xi32>
        %gather3A_1727 = tpu.vector_load_idx %run_scoped3A[%add3A_1726] : memref<81920xf32, #tpu.memory_space<vmem>>[vector<16xi32>], vector<16xf32>,
        %add3A_1728 = arith.constant 1184 : i32
        %add3A_1729 = vector.broadcast %add3A_1728 : i32 to vector<16xi32>
        %add3A_1730 = arith.addi %add3A_1729, %iota3A : vector<16xi32>
        %mul3A_1731 = arith.constant 64 : i32
        %mul3A_1732 = vector.broadcast %mul3A_1731 : i32 to vector<16xi32>
        %mul3A_1733 = arith.muli %add3A_1730, %mul3A_1732 : vector<16xi32>
        %add3A_1734 = vector.broadcast %add3A_917 : i32 to vector<16xi32>
        %add3A_1735 = arith.addi %mul3A_1733, %add3A_1734 : vector<16xi32>
        %gather3A_1736 = tpu.vector_load_idx %run_scoped3A[%add3A_1735] : memref<81920xf32, #tpu.memory_space<vmem>>[vector<16xi32>], vector<16xf32>,
        %add3A_1737 = arith.constant 1200 : i32
        %add3A_1738 = vector.broadcast %add3A_1737 : i32 to vector<16xi32>
        %add3A_1739 = arith.addi %add3A_1738, %iota3A : vector<16xi32>
        %mul3A_1740 = arith.constant 64 : i32
        %mul3A_1741 = vector.broadcast %mul3A_1740 : i32 to vector<16xi32>
        %mul3A_1742 = arith.muli %add3A_1739, %mul3A_1741 : vector<16xi32>
        %add3A_1743 = vector.broadcast %add3A_917 : i32 to vector<16xi32>
        %add3A_1744 = arith.addi %mul3A_1742, %add3A_1743 : vector<16xi32>
        %gather3A_1745 = tpu.vector_load_idx %run_scoped3A[%add3A_1744] : memref<81920xf32, #tpu.memory_space<vmem>>[vector<16xi32>], vector<16xf32>,
        %add3A_1746 = arith.constant 1216 : i32
        %add3A_1747 = vector.broadcast %add3A_1746 : i32 to vector<16xi32>
        %add3A_1748 = arith.addi %add3A_1747, %iota3A : vector<16xi32>
        %mul3A_1749 = arith.constant 64 : i32
        %mul3A_1750 = vector.broadcast %mul3A_1749 : i32 to vector<16xi32>
        %mul3A_1751 = arith.muli %add3A_1748, %mul3A_1750 : vector<16xi32>
        %add3A_1752 = vector.broadcast %add3A_917 : i32 to vector<16xi32>
        %add3A_1753 = arith.addi %mul3A_1751, %add3A_1752 : vector<16xi32>
        %gather3A_1754 = tpu.vector_load_idx %run_scoped3A[%add3A_1753] : memref<81920xf32, #tpu.memory_space<vmem>>[vector<16xi32>], vector<16xf32>,
        %add3A_1755 = arith.constant 1232 : i32
        %add3A_1756 = vector.broadcast %add3A_1755 : i32 to vector<16xi32>
        %add3A_1757 = arith.addi %add3A_1756, %iota3A : vector<16xi32>
        %mul3A_1758 = arith.constant 64 : i32
        %mul3A_1759 = vector.broadcast %mul3A_1758 : i32 to vector<16xi32>
        %mul3A_1760 = arith.muli %add3A_1757, %mul3A_1759 : vector<16xi32>
        %add3A_1761 = vector.broadcast %add3A_917 : i32 to vector<16xi32>
        %add3A_1762 = arith.addi %mul3A_1760, %add3A_1761 : vector<16xi32>
        %gather3A_1763 = tpu.vector_load_idx %run_scoped3A[%add3A_1762] : memref<81920xf32, #tpu.memory_space<vmem>>[vector<16xi32>], vector<16xf32>,
        %add3A_1764 = arith.constant 1248 : i32
        %add3A_1765 = vector.broadcast %add3A_1764 : i32 to vector<16xi32>
        %add3A_1766 = arith.addi %add3A_1765, %iota3A : vector<16xi32>
        %mul3A_1767 = arith.constant 64 : i32
        %mul3A_1768 = vector.broadcast %mul3A_1767 : i32 to vector<16xi32>
        %mul3A_1769 = arith.muli %add3A_1766, %mul3A_1768 : vector<16xi32>
        %add3A_1770 = vector.broadcast %add3A_917 : i32 to vector<16xi32>
        %add3A_1771 = arith.addi %mul3A_1769, %add3A_1770 : vector<16xi32>
        %gather3A_1772 = tpu.vector_load_idx %run_scoped3A[%add3A_1771] : memref<81920xf32, #tpu.memory_space<vmem>>[vector<16xi32>], vector<16xf32>,
        %add3A_1773 = arith.constant 1264 : i32
        %add3A_1774 = vector.broadcast %add3A_1773 : i32 to vector<16xi32>
        %add3A_1775 = arith.addi %add3A_1774, %iota3A : vector<16xi32>
        %mul3A_1776 = arith.constant 64 : i32
        %mul3A_1777 = vector.broadcast %mul3A_1776 : i32 to vector<16xi32>
        %mul3A_1778 = arith.muli %add3A_1775, %mul3A_1777 : vector<16xi32>
        %add3A_1779 = vector.broadcast %add3A_917 : i32 to vector<16xi32>
        %add3A_1780 = arith.addi %mul3A_1778, %add3A_1779 : vector<16xi32>
        %gather3A_1781 = tpu.vector_load_idx %run_scoped3A[%add3A_1780] : memref<81920xf32, #tpu.memory_space<vmem>>[vector<16xi32>], vector<16xf32>,
        %swap3A_1782 = arith.constant 1152 : index
        %swap3A_1783 = tpu.vector_load %run_scoped3A_2[%swap3A_1782] {strides = array<i32>} : memref<1280xf32, #tpu.memory_space<vmem>>, vector<16xf32>,
        tpu.vector_store %run_scoped3A_2[%swap3A_1782], %gather3A_1718 {strides = array<i32>} : memref<1280xf32, #tpu.memory_space<vmem>>, vector<16xf32>,
        %swap3A_1784 = arith.constant 1168 : index
        %swap3A_1785 = tpu.vector_load %run_scoped3A_2[%swap3A_1784] {strides = array<i32>} : memref<1280xf32, #tpu.memory_space<vmem>>, vector<16xf32>,
        tpu.vector_store %run_scoped3A_2[%swap3A_1784], %gather3A_1727 {strides = array<i32>} : memref<1280xf32, #tpu.memory_space<vmem>>, vector<16xf32>,
        %swap3A_1786 = arith.constant 1184 : index
        %swap3A_1787 = tpu.vector_load %run_scoped3A_2[%swap3A_1786] {strides = array<i32>} : memref<1280xf32, #tpu.memory_space<vmem>>, vector<16xf32>,
        tpu.vector_store %run_scoped3A_2[%swap3A_1786], %gather3A_1736 {strides = array<i32>} : memref<1280xf32, #tpu.memory_space<vmem>>, vector<16xf32>,
        %swap3A_1788 = arith.constant 1200 : index
        %swap3A_1789 = tpu.vector_load %run_scoped3A_2[%swap3A_1788] {strides = array<i32>} : memref<1280xf32, #tpu.memory_space<vmem>>, vector<16xf32>,
        tpu.vector_store %run_scoped3A_2[%swap3A_1788], %gather3A_1745 {strides = array<i32>} : memref<1280xf32, #tpu.memory_space<vmem>>, vector<16xf32>,
        %swap3A_1790 = arith.constant 1216 : index
        %swap3A_1791 = tpu.vector_load %run_scoped3A_2[%swap3A_1790] {strides = array<i32>} : memref<1280xf32, #tpu.memory_space<vmem>>, vector<16xf32>,
        tpu.vector_store %run_scoped3A_2[%swap3A_1790], %gather3A_1754 {strides = array<i32>} : memref<1280xf32, #tpu.memory_space<vmem>>, vector<16xf32>,
        %swap3A_1792 = arith.constant 1232 : index
        %swap3A_1793 = tpu.vector_load %run_scoped3A_2[%swap3A_1792] {strides = array<i32>} : memref<1280xf32, #tpu.memory_space<vmem>>, vector<16xf32>,
        tpu.vector_store %run_scoped3A_2[%swap3A_1792], %gather3A_1763 {strides = array<i32>} : memref<1280xf32, #tpu.memory_space<vmem>>, vector<16xf32>,
        %swap3A_1794 = arith.constant 1248 : index
        %swap3A_1795 = tpu.vector_load %run_scoped3A_2[%swap3A_1794] {strides = array<i32>} : memref<1280xf32, #tpu.memory_space<vmem>>, vector<16xf32>,
        tpu.vector_store %run_scoped3A_2[%swap3A_1794], %gather3A_1772 {strides = array<i32>} : memref<1280xf32, #tpu.memory_space<vmem>>, vector<16xf32>,
        %swap3A_1796 = arith.constant 1264 : index
        %swap3A_1797 = tpu.vector_load %run_scoped3A_2[%swap3A_1796] {strides = array<i32>} : memref<1280xf32, #tpu.memory_space<vmem>>, vector<16xf32>,
        tpu.vector_store %run_scoped3A_2[%swap3A_1796], %gather3A_1781 {strides = array<i32>} : memref<1280xf32, #tpu.memory_space<vmem>>, vector<16xf32>,
        %add3A_1798 = arith.constant 1 : i32
        %add3A_1799 = arith.addi %mul3A_26, %add3A_1798 : i32
        %mul3A_1800 = arith.constant 40000 : i32
        %mul3A_1801 = arith.muli %add3A_1799, %mul3A_1800 : i32
        %add3A_1802 = arith.addi %mul3A_1801, %multiple_of3A : i32
        %dma_start3A_1803 = tpu.memref_slice %arg4[%add3A_1802] : memref<2560000xf32, #tpu.memory_space<hbm>> -> memref<1280xf32, #tpu.memory_space<hbm>>
        %dma_start3A_1804 = tpu.memref_slice %arg4[%add3A_1802] : memref<2560000xf32, #tpu.memory_space<hbm>> -> memref<1280xf32, #tpu.memory_space<hbm>>
        tpu.enqueue_dma source(%run_scoped3A_2 : memref<1280xf32, #tpu.memory_space<vmem>>) target(%dma_start3A_1804 : memref<1280xf32, #tpu.memory_space<hbm>>) target_semaphore(%run_scoped3A_4 : memref<!tpu.dma_semaphore, #tpu.memory_space<semaphore_mem>>)
        %scan3A_1805 = arith.constant 0 : i32
        scf.yield %scan3A_1805 : i32
      }
      %scan3A_15 = arith.constant 32 : i32
      %dma_wait3A = arith.constant 0 : i32
      %dma_wait3A_16 = tpu.memref_slice %arg4[%dma_wait3A] : memref<2560000xf32, #tpu.memory_space<hbm>> -> memref<1280xf32, #tpu.memory_space<hbm>>
      %dma_wait3A_17 = arith.constant 0 : i32
      %dma_wait3A_18 = tpu.memref_slice %arg4[%dma_wait3A_17] : memref<2560000xf32, #tpu.memory_space<hbm>> -> memref<1280xf32, #tpu.memory_space<hbm>>
      tpu.wait_dma2 semaphore(%run_scoped3A_3 : memref<!tpu.dma_semaphore, #tpu.memory_space<semaphore_mem>>) src(%run_scoped3A_1 : memref<1280xf32, #tpu.memory_space<vmem>>) dst(%dma_wait3A_18 : memref<1280xf32, #tpu.memory_space<hbm>>)
      %dma_wait3A_19 = arith.constant 0 : i32
      %dma_wait3A_20 = tpu.memref_slice %arg4[%dma_wait3A_19] : memref<2560000xf32, #tpu.memory_space<hbm>> -> memref<1280xf32, #tpu.memory_space<hbm>>
      %dma_wait3A_21 = arith.constant 0 : i32
      %dma_wait3A_22 = tpu.memref_slice %arg4[%dma_wait3A_21] : memref<2560000xf32, #tpu.memory_space<hbm>> -> memref<1280xf32, #tpu.memory_space<hbm>>
      tpu.wait_dma2 semaphore(%run_scoped3A_4 : memref<!tpu.dma_semaphore, #tpu.memory_space<semaphore_mem>>) src(%run_scoped3A_2 : memref<1280xf32, #tpu.memory_space<vmem>>) dst(%dma_wait3A_22 : memref<1280xf32, #tpu.memory_space<hbm>>)
      tpu.yield
    }) : () -> ()
    "tpu.region"() ({
      %run_scoped3A = memref.alloca() : memref<10240xi32, #tpu.memory_space<vmem>>
      %run_scoped3A_1 = memref.alloca() : memref<2560xi32, #tpu.memory_space<vmem>>
      %lt3A = arith.constant 15 : i32
      %lt3A_2 = arith.cmpi slt, %arg1, %lt3A : i32
      %mul3A_3 = arith.constant 2560 : i32
      %mul3A_4 = arith.muli %arg1, %mul3A_3 : i32
      %jit3A = arith.constant 37440 : i32
      %select_n3A = arith.select %lt3A_2, %mul3A_4, %jit3A : i32
      %multiple_of3A = tpu.assume_multiple %select_n3A, 64 : i32
      %mul3A_5 = arith.constant 4 : i32
      %mul3A_6 = arith.muli %multiple_of3A, %mul3A_5 : i32
      "tpu.region"() ({
        %run_scoped3A_13 = tpu.sem_alloc : memref<!tpu.dma_semaphore, #tpu.memory_space<semaphore_mem>>
        %dma_start3A = tpu.memref_slice %arg3[%mul3A_6] : memref<160000xi32, #tpu.memory_space<hbm>> -> memref<10240xi32, #tpu.memory_space<hbm>>
        %dma_start3A_14 = tpu.memref_slice %arg3[%mul3A_6] : memref<160000xi32, #tpu.memory_space<hbm>> -> memref<10240xi32, #tpu.memory_space<hbm>>
        tpu.enqueue_dma source(%dma_start3A_14 : memref<10240xi32, #tpu.memory_space<hbm>>) target(%run_scoped3A : memref<10240xi32, #tpu.memory_space<vmem>>) target_semaphore(%run_scoped3A_13 : memref<!tpu.dma_semaphore, #tpu.memory_space<semaphore_mem>>)
        %dma_wait3A = tpu.memref_slice %arg3[%mul3A_6] : memref<160000xi32, #tpu.memory_space<hbm>> -> memref<10240xi32, #tpu.memory_space<hbm>>
        %dma_wait3A_15 = tpu.memref_slice %arg3[%mul3A_6] : memref<160000xi32, #tpu.memory_space<hbm>> -> memref<10240xi32, #tpu.memory_space<hbm>>
        tpu.wait_dma2 semaphore(%run_scoped3A_13 : memref<!tpu.dma_semaphore, #tpu.memory_space<semaphore_mem>>) src(%dma_wait3A_15 : memref<10240xi32, #tpu.memory_space<hbm>>) dst(%run_scoped3A : memref<10240xi32, #tpu.memory_space<vmem>>)
        tpu.yield
      }) : () -> ()
      %scan3A = arith.constant 0 : i32
      %scan3A_7 = arith.constant 0 : i32
      %scan3A_8 = arith.constant 160 : i32
      %scan3A_9 = arith.addi %scan3A_7, %scan3A_8 : i32
      %scan3A_10 = arith.constant 1 : i32
      %scan3A_11 = scf.for %scan3A_13 = %scan3A_7 to %scan3A_9 step %scan3A_10 iter_args(%scan3A_14 = %scan3A) -> (i32)  : i32 {
        %mul3A_15 = arith.constant 16 : i32
        %mul3A_16 = arith.muli %scan3A_13, %mul3A_15 : i32
        %add3A_17 = vector.broadcast %mul3A_16 : i32 to vector<16xi32>
        %add3A_18 = arith.addi %add3A_17, %iota3A : vector<16xi32>
        %mul3A_19 = arith.constant 4 : i32
        %mul3A_20 = vector.broadcast %mul3A_19 : i32 to vector<16xi32>
        %mul3A_21 = arith.muli %add3A_18, %mul3A_20 : vector<16xi32>
        %gather3A = tpu.vector_load_idx %run_scoped3A[%mul3A_21] : memref<10240xi32, #tpu.memory_space<vmem>>[vector<16xi32>], vector<16xi32>,
        %add3A_22 = arith.constant 1 : i32
        %add3A_23 = vector.broadcast %add3A_22 : i32 to vector<16xi32>
        %add3A_24 = arith.addi %mul3A_21, %add3A_23 : vector<16xi32>
        %gather3A_25 = tpu.vector_load_idx %run_scoped3A[%add3A_24] : memref<10240xi32, #tpu.memory_space<vmem>>[vector<16xi32>], vector<16xi32>,
        %add3A_26 = arith.constant 3 : i32
        %add3A_27 = vector.broadcast %add3A_26 : i32 to vector<16xi32>
        %add3A_28 = arith.addi %mul3A_21, %add3A_27 : vector<16xi32>
        %gather3A_29 = tpu.vector_load_idx %run_scoped3A[%add3A_28] : memref<10240xi32, #tpu.memory_space<vmem>>[vector<16xi32>], vector<16xi32>,
        %mul3A_30 = arith.constant 214272 : i32
        %mul3A_31 = vector.broadcast %mul3A_30 : i32 to vector<16xi32>
        %mul3A_32 = arith.muli %gather3A_29, %mul3A_31 : vector<16xi32>
        %mul3A_33 = arith.constant 432 : i32
        %mul3A_34 = vector.broadcast %mul3A_33 : i32 to vector<16xi32>
        %mul3A_35 = arith.muli %gather3A_25, %mul3A_34 : vector<16xi32>
        %add3A_36 = arith.addi %mul3A_32, %mul3A_35 : vector<16xi32>
        %add3A_37 = arith.addi %add3A_36, %gather3A : vector<16xi32>
        %mul3A_38 = arith.constant 16 : i32
        %mul3A_39 = arith.muli %scan3A_13, %mul3A_38 : i32
        %swap3A = arith.index_cast %mul3A_39 : i32 to index
        %swap3A_40 = tpu.vector_load %run_scoped3A_1[%swap3A] {strides = array<i32>} : memref<2560xi32, #tpu.memory_space<vmem>>, vector<16xi32>,
        tpu.vector_store %run_scoped3A_1[%swap3A], %add3A_37 {strides = array<i32>} : memref<2560xi32, #tpu.memory_space<vmem>>, vector<16xi32>,
        %scan3A_41 = arith.constant 0 : i32
        scf.yield %scan3A_41 : i32
      }
      %scan3A_12 = arith.constant 160 : i32
      "tpu.region"() ({
        %run_scoped3A_13 = tpu.sem_alloc : memref<!tpu.dma_semaphore, #tpu.memory_space<semaphore_mem>>
        %dma_start3A = tpu.memref_slice %arg6[%multiple_of3A] : memref<40000xi32, #tpu.memory_space<vmem_shared>> -> memref<2560xi32, #tpu.memory_space<vmem_shared>>
        %dma_start3A_14 = tpu.memref_slice %arg6[%multiple_of3A] : memref<40000xi32, #tpu.memory_space<vmem_shared>> -> memref<2560xi32, #tpu.memory_space<vmem_shared>>
        tpu.enqueue_dma source(%run_scoped3A_1 : memref<2560xi32, #tpu.memory_space<vmem>>) target(%dma_start3A_14 : memref<2560xi32, #tpu.memory_space<vmem_shared>>) target_semaphore(%run_scoped3A_13 : memref<!tpu.dma_semaphore, #tpu.memory_space<semaphore_mem>>)
        %dma_wait3A = tpu.memref_slice %arg6[%multiple_of3A] : memref<40000xi32, #tpu.memory_space<vmem_shared>> -> memref<2560xi32, #tpu.memory_space<vmem_shared>>
        %dma_wait3A_15 = tpu.memref_slice %arg6[%multiple_of3A] : memref<40000xi32, #tpu.memory_space<vmem_shared>> -> memref<2560xi32, #tpu.memory_space<vmem_shared>>
        tpu.wait_dma2 semaphore(%run_scoped3A_13 : memref<!tpu.dma_semaphore, #tpu.memory_space<semaphore_mem>>) src(%run_scoped3A_1 : memref<2560xi32, #tpu.memory_space<vmem>>) dst(%dma_wait3A_15 : memref<2560xi32, #tpu.memory_space<vmem_shared>>)
        tpu.yield
      }) : () -> ()
      tpu.yield
    }) : () -> ()
    %barrier3A = arith.constant 0 : index
    tpu.barrier barrier_id(%barrier3A)
    "tpu.region"() ({
      %run_scoped3A = memref.alloca() : memref<26784xi32, #tpu.memory_space<vmem>>
      %run_scoped3A_1 = memref.alloca() : memref<40000xi32, #tpu.memory_space<vmem>>
      %mul3A_2 = arith.constant 26784 : i32
      %mul3A_3 = arith.muli %add3A, %mul3A_2 : i32
      %scan3A = arith.constant 0 : i32
      %scan3A_4 = arith.constant 0 : i32
      %scan3A_5 = arith.constant 1674 : i32
      %scan3A_6 = arith.addi %scan3A_4, %scan3A_5 : i32
      %scan3A_7 = arith.constant 1 : i32
      %scan3A_8 = scf.for %scan3A_17 = %scan3A_4 to %scan3A_6 step %scan3A_7 iter_args(%scan3A_18 = %scan3A) -> (i32)  : i32 {
        %broadcast_in_dim3A = arith.constant 0 : i32
        %broadcast_in_dim3A_19 = vector.broadcast %broadcast_in_dim3A : i32 to vector<16xi32>
        %mul3A_20 = arith.constant 16 : i32
        %mul3A_21 = arith.muli %scan3A_17, %mul3A_20 : i32
        %swap3A = arith.index_cast %mul3A_21 : i32 to index
        %swap3A_22 = tpu.vector_load %run_scoped3A[%swap3A] {strides = array<i32>} : memref<26784xi32, #tpu.memory_space<vmem>>, vector<16xi32>,
        tpu.vector_store %run_scoped3A[%swap3A], %broadcast_in_dim3A_19 {strides = array<i32>} : memref<26784xi32, #tpu.memory_space<vmem>>, vector<16xi32>,
        %scan3A_23 = arith.constant 0 : i32
        scf.yield %scan3A_23 : i32
      }
      %scan3A_9 = arith.constant 1674 : i32
      "tpu.region"() ({
        %run_scoped3A_17 = tpu.sem_alloc : memref<!tpu.dma_semaphore, #tpu.memory_space<semaphore_mem>>
        tpu.enqueue_dma source(%arg6 : memref<40000xi32, #tpu.memory_space<vmem_shared>>) target(%run_scoped3A_1 : memref<40000xi32, #tpu.memory_space<vmem>>) target_semaphore(%run_scoped3A_17 : memref<!tpu.dma_semaphore, #tpu.memory_space<semaphore_mem>>)
        tpu.wait_dma2 semaphore(%run_scoped3A_17 : memref<!tpu.dma_semaphore, #tpu.memory_space<semaphore_mem>>) src(%arg6 : memref<40000xi32, #tpu.memory_space<vmem_shared>>) dst(%run_scoped3A_1 : memref<40000xi32, #tpu.memory_space<vmem>>)
        tpu.yield
      }) : () -> ()
      %scan3A_10 = arith.constant 0 : i32
      %scan3A_11 = arith.constant 0 : i32
      %scan3A_12 = arith.constant 2500 : i32
      %scan3A_13 = arith.addi %scan3A_11, %scan3A_12 : i32
      %scan3A_14 = arith.constant 1 : i32
      %scan3A_15 = scf.for %scan3A_17 = %scan3A_11 to %scan3A_13 step %scan3A_14 iter_args(%scan3A_18 = %scan3A_10) -> (i32)  : i32 {
        %mul3A_19 = arith.constant 16 : i32
        %mul3A_20 = arith.muli %scan3A_17, %mul3A_19 : i32
        %get3A = arith.index_cast %mul3A_20 : i32 to index
        %get3A_21 = tpu.vector_load %run_scoped3A_1[%get3A] {strides = array<i32>} : memref<40000xi32, #tpu.memory_space<vmem>>, vector<16xi32>,
        %mul3A_22 = arith.constant 16 : i32
        %mul3A_23 = arith.muli %scan3A_17, %mul3A_22 : i32
        %add3A_24 = vector.broadcast %mul3A_23 : i32 to vector<16xi32>
        %add3A_25 = arith.addi %add3A_24, %iota3A : vector<16xi32>
        %add3A_26 = arith.constant 8 : i32
        %add3A_27 = vector.broadcast %add3A_26 : i32 to vector<16xi32>
        %add3A_28 = arith.addi %add3A_25, %add3A_27 : vector<16xi32>
        %sub3A = vector.broadcast %mul3A_3 : i32 to vector<16xi32>
        %sub3A_29 = arith.subi %get3A_21, %sub3A : vector<16xi32>
        %ge3A = arith.constant 0 : i32
        %ge3A_30 = vector.broadcast %ge3A : i32 to vector<16xi32>
        %ge3A_31 = arith.cmpi sge, %sub3A_29, %ge3A_30 : vector<16xi32>
        %lt3A = arith.constant 26784 : i32
        %lt3A_32 = vector.broadcast %lt3A : i32 to vector<16xi32>
        %lt3A_33 = arith.cmpi slt, %sub3A_29, %lt3A_32 : vector<16xi32>
        %and3A = arith.andi %ge3A_31, %lt3A_33 : vector<16xi1>
        %jit3A = arith.constant 0 : i32
        %jit3A_34 = arith.constant 26783 : i32
        %max3A = vector.broadcast %jit3A : i32 to vector<16xi32>
        %max3A_35 = arith.maxsi %max3A, %sub3A_29 : vector<16xi32>
        %min3A = vector.broadcast %jit3A_34 : i32 to vector<16xi32>
        %min3A_36 = arith.minsi %min3A, %max3A_35 : vector<16xi32>
        %unique3A, %unique3A_37 = tpu.scan_count mask(%and3A : vector<16xi1>) value(%min3A_36 : vector<16xi32>) : vector<16xi1>, vector<16xi32>
        %and3A_38 = arith.andi %and3A, %unique3A : vector<16xi1>
        tpu.vector_store_idx %run_scoped3A[%min3A_36], %add3A_28 masked %and3A_38 : memref<26784xi32, #tpu.memory_space<vmem>>[vector<16xi32>], vector<16xi32>, vector<16xi1>
        %scan3A_39 = arith.constant 0 : i32
        scf.yield %scan3A_39 : i32
      }
      %scan3A_16 = arith.constant 2500 : i32
      "tpu.region"() ({
        %run_scoped3A_17 = tpu.sem_alloc : memref<!tpu.dma_semaphore, #tpu.memory_space<semaphore_mem>>
        %dma_start3A = tpu.memref_slice %arg5[%mul3A_3] : memref<857088xi32, #tpu.memory_space<hbm>> -> memref<26784xi32, #tpu.memory_space<hbm>>
        %dma_start3A_18 = tpu.memref_slice %arg5[%mul3A_3] : memref<857088xi32, #tpu.memory_space<hbm>> -> memref<26784xi32, #tpu.memory_space<hbm>>
        tpu.enqueue_dma source(%run_scoped3A : memref<26784xi32, #tpu.memory_space<vmem>>) target(%dma_start3A_18 : memref<26784xi32, #tpu.memory_space<hbm>>) target_semaphore(%run_scoped3A_17 : memref<!tpu.dma_semaphore, #tpu.memory_space<semaphore_mem>>)
        %dma_wait3A = tpu.memref_slice %arg5[%mul3A_3] : memref<857088xi32, #tpu.memory_space<hbm>> -> memref<26784xi32, #tpu.memory_space<hbm>>
        %dma_wait3A_19 = tpu.memref_slice %arg5[%mul3A_3] : memref<857088xi32, #tpu.memory_space<hbm>> -> memref<26784xi32, #tpu.memory_space<hbm>>
        tpu.wait_dma2 semaphore(%run_scoped3A_17 : memref<!tpu.dma_semaphore, #tpu.memory_space<semaphore_mem>>) src(%run_scoped3A : memref<26784xi32, #tpu.memory_space<vmem>>) dst(%dma_wait3A_19 : memref<26784xi32, #tpu.memory_space<hbm>>)
        tpu.yield
      }) : () -> ()
      tpu.yield
    }) : () -> ()
    return
  }
}

</mosaic_0001>

<sc_bundles>
// kernel: kernel.4.cloned.1.call-start
scs
__scs_entry_jumppad:
0x0: {  	(pc) =	sbr.rel $0x88, $3  }
0x1: {  	(tag) =	ssettag $0x0;
	lr =	simm.s32 $0x1  }
0x2: {  	[smem:$0x3F9F] =	sst lr;
	_ =	strace $0xD0000000  }
0x3: {  	_ = 	snop  }
0x4: {  	_ = 	snop  }
0x5: {  	_ = 	snop  }
0x6: {  	_ = 	snop  }
0x7: {  	_ = 	snop  }
__scs_overlays_trampoline_lowered:
0x8: {  	[smem:$0x3FAE] =	sst s0  }
0x9: {  	[smem:$0x3FAF] =	sst s1  }
0xa: {  	[smem:$0x3FB0] =	sst s2  }
0xb: {  	[smem:$0x3FB1] =	sst s3  }
0xc: {  	[smem:$0x3FB2] =	sst s4  }
0xd: {  	[smem:$0x3FB3] =	sst s5  }
0xe: {  	[smem:$0x3FB4] =	sst s6  }
0xf: {  	[smem:$0x3FB5] =	sst s7  }
0x10: {  	[smem:$0x3FB6] =	sst s8  }
0x11: {  	[smem:$0x3FB7] =	sst s9;
	s0 =	simm.s32 @!p0 $0x0  }
0x12: {  	s1 =	sld [smem:$0x3F9D];
	s0 =	simm.s32 @p0 $0x1  }
0x13: {  	[smem:$0x3FB8] =	sst s0;
	s0 =	simm.s32 @!p1 $0x0  }
0x14: {  	s2 =	sld [smem:$0x3F9C];
	s0 =	simm.s32 @p1 $0x1  }
0x15: {  	[smem:$0x3FB9] =	sst s0;
	s0 =	simm.s32 @!p2 $0x0  }
0x16: {  	s3 =	sld [smem:$0x3FDB];
	s0 =	simm.s32 @p2 $0x1  }
0x17: {  	s4 =	simm.s32 $0x1BF5;
	[smem:$0x3FBB] =	sst s0  }
0x18: {  	s0 =	sld [smem:$0x3F9E];
	_ =	swait.ge [sflag:s4], $0x0  }
0x19: {  	s7 =	sld [smem:$0x3F9F]  }
0x1a: {  	s8 =	sadd.s32 $0xFFFFE003, lr  }
0x1b: {  	s9 =	sadd.s32 $0xFFFFFEF7, lr;
	s5 =	simm.s32 $0xFFFFFFFF;
	p2 =	slt.u32 s8, $0xFFFFF086  }
0x1c: {  	p1 =	slt.u32 s9, $0xF7A;
	s5 =	simm.s32 @!p2 $0x0  }
0x1d: {  	s5 =	simm.s32 @p1 $0x1;
	p0 =	seq.s32 s7, s2  }
0x1e: {  	s7 =	smul.u32 @!p0 $0xF7A, s2;
	p2 =	seq.s32 @!p0 s5, $0x0  }
0x1f: {  	s9 =	smul.u32 $0xF7A, s1;
	s8 =	simm.s32 @!p0 $0x1BF5;
	p2 =	por !p2, p0  }
0x20: {  	[sflag:s8] =	ssyncset.s32 @!p0 $0xFFFFF086;
	s6 =	sadd.s32 @!p0 s3, s7;
	s7 =	simm.s32 @!p0 $0x108  }
0x21: {  	s3 =	sadd.s32 s3, s9;
	s6 =	sadd.s32 @!p0 $0x88, s6;
	s7 =	simm.s32 @p2 $0x1082  }
0x22: {  	[simem:s7], [sflag:s8] =	dma.local @!p0 [hbm:s6], $0xF7A  }
0x23: {  	s9 =	sor.u32 $0xD0000000, s2;
	s6 =	simm.s32 $0x108;
	_ =	swait.ge @!p0 [sflag:s8], $0x0  }
0x24: {  	s3 =	sadd.s32 $0x88, s3;
	s6 =	simm.s32 @!p1 $0x1082;
	[sflag:s4] =	ssyncset.s32 $0xFFFFF086  }
0x25: {  	[simem:s6], [sflag:s4] =	dma.local [hbm:s3], $0xF7A  }
0x26: {  	[smem:$0x3F9F] =	sst s1;
	(tag) =	ssettag s2;
	_ =	strace s9  }
0x27: {  	s1 =	sld [smem:$0x3FAF]  }
0x28: {  	s2 =	sld [smem:$0x3FB0]  }
0x29: {  	s4 =	sld [smem:$0x3FB2]  }
0x2a: {  	p0 =	seq.s32 s5, $0x0;
	s5 =	sld [smem:$0x3FB3]  }
0x2b: {  	s6 =	sld [smem:$0x3FB4]  }
0x2c: {  	s7 =	sld [smem:$0x3FB5]  }
0x2d: {  	s3 =	simm.s32 $0x108;
	s8 =	sld [smem:$0x3FB6]  }
0x2e: {  	s3 =	simm.s32 @!p0 $0x1082;
	s9 =	sld [smem:$0x3FB7]  }
0x2f: {  	lr =	sadd.s32 s0, s3;
	s0 =	sld [smem:$0x3FAE]  }
0x30: {  	s3 =	sld [smem:$0x3FB1]  }
0x31: {  	[smem:$0x3FBA] =	sst s10  }
0x32: {  	s10 =	sld [smem:$0x3FB8];
	_ =	sdelay $0x3  }
0x33: {  	p0 =	seq.s32 s10, $0x1;
	s10 =	sld [smem:$0x3FBA];
	_ =	sdelay $0x3  }
0x34: {  	[smem:$0x3FBA] =	sst s10  }
0x35: {  	s10 =	sld [smem:$0x3FB9];
	_ =	sdelay $0x3  }
0x36: {  	p1 =	seq.s32 s10, $0x1;
	s10 =	sld [smem:$0x3FBA];
	_ =	sdelay $0x3  }
0x37: {  	[smem:$0x3FBA] =	sst s10  }
0x38: {  	s10 =	sld [smem:$0x3FBB]  }
0x39: {  	_ = 	snop;
	(pc) =	sbr.ind lr, $3  }
0x3a: {  	_ = 	snop  }
0x3b: {  	_ = 	snop  }
0x3c: {  	p2 =	seq.s32 s10, $0x1;
	s10 =	sld [smem:$0x3FBA]  }
0x3d: {  	_ =	shalt  }
0x3e: {  	_ =	shalt  }
0x3f: {  	_ =	shalt  }
0x40: {  	_ =	shalt  }
0x41: {  	_ =	shalt  }
0x42: {  	_ =	shalt  }
0x43: {  	_ =	shalt  }
0x44: {  	_ =	shalt  }
0x45: {  	_ =	shalt  }
0x46: {  	_ =	shalt  }
0x47: {  	_ =	shalt  }
0x48: {  	_ =	shalt  }
0x49: {  	_ =	shalt  }
0x4a: {  	_ =	shalt  }
0x4b: {  	_ =	shalt  }
0x4c: {  	_ =	shalt  }
0x4d: {  	_ =	shalt  }
0x4e: {  	_ =	shalt  }
0x4f: {  	_ =	shalt  }
0x50: {  	_ =	shalt  }
0x51: {  	_ =	shalt  }
0x52: {  	_ =	shalt  }
0x53: {  	_ =	shalt  }
0x54: {  	_ =	shalt  }
0x55: {  	_ =	shalt  }
0x56: {  	_ =	shalt  }
0x57: {  	_ =	shalt  }
0x58: {  	_ =	shalt  }
0x59: {  	_ =	shalt  }
0x5a: {  	_ =	shalt  }
0x5b: {  	_ =	shalt  }
0x5c: {  	_ =	shalt  }
0x5d: {  	_ =	shalt  }
0x5e: {  	_ =	shalt  }
0x5f: {  	_ =	shalt  }
0x60: {  	_ =	shalt  }
0x61: {  	_ =	shalt  }
0x62: {  	_ =	shalt  }
0x63: {  	_ =	shalt  }
0x64: {  	_ =	shalt  }
0x65: {  	_ =	shalt  }
0x66: {  	_ =	shalt  }
0x67: {  	_ =	shalt  }
0x68: {  	_ =	shalt  }
0x69: {  	_ =	shalt  }
0x6a: {  	_ =	shalt  }
0x6b: {  	_ =	shalt  }
0x6c: {  	_ =	shalt  }
0x6d: {  	_ =	shalt  }
0x6e: {  	_ =	shalt  }
0x6f: {  	_ =	shalt  }
0x70: {  	_ =	shalt  }
0x71: {  	_ =	shalt  }
0x72: {  	_ =	shalt  }
0x73: {  	_ =	shalt  }
0x74: {  	_ =	shalt  }
0x75: {  	_ =	shalt  }
0x76: {  	_ =	shalt  }
0x77: {  	_ =	shalt  }
0x78: {  	_ =	shalt  }
0x79: {  	_ =	shalt  }
0x7a: {  	_ =	shalt  }
0x7b: {  	_ =	shalt  }
0x7c: {  	_ =	shalt  }
0x7d: {  	_ =	shalt  }
0x7e: {  	_ =	shalt  }
0x7f: {  	_ =	shalt  }
0x80: {  	_ =	shalt  }
0x81: {  	_ =	shalt  }
0x82: {  	_ =	shalt  }
0x83: {  	_ =	shalt  }
0x84: {  	_ =	shalt  }
0x85: {  	_ =	shalt  }
0x86: {  	_ =	shalt  }
0x87: {  	_ =	shalt  }
.Lfunc_end0:
.L_simem_size_0:
called_computation_lowered:
.L_overlay_start_0:
0x88: {  	s2 =	sld [smem:$0x3FD9]  }
0x89: {  	s3 =	sld [smem:$0x3FFE];
	_ =	sdelay $0x1  }
0x8a: {  	s1 =	srdreg.scid  }
0x8b: {  	s0 =	sand.u32 $0x1, s1  }
0x8c: {  	s17 =	sshll.u32 s0, $0xA;
	s2 =	sadd.s32 s3, s2  }
0x8d: {  	s2 =	sadd.s32 s2, s17  }
0x8e: {  	[smem:$0x3FC6] =	sst s2  }
0x8f: {  	_ = 	snop  }
0x90: {  	s2 =	sld [smem:$0x3FD0];
	(tm) =	ssettm $0x1  }
0x91: {  	s18 =	sld [smem:$0x3FFB];
	_ =	sdelay $0x3  }
0x92: {  	_ =	strace s18  }
0x93: {  	s3 =	sld [smem:$0x3FFC];
	_ =	sdelay $0x3  }
0x94: {  	_ =	strace s3  }
0x95: {  	s3 =	sld [smem:$0x3FFD];
	_ =	sdelay $0x3  }
0x96: {  	_ =	strace s3  }
0x97: {  	_ =	strace $0x8FFFFFFF  }
0x98: {  	s19 =	sld [smem:$0x3FDB];
	_ =	sdelay $0x1  }
0x99: {  	s4 =	simm.s32 $_scs_section_size  }
0x9a: {  	s5 =	simm.s32 $_size__tile_overlayer_lowered;
	s6 =	simm.s32 $_tile_overlayer_lowered  }
0x9b: {  	s22 =	simm.s32 $0x1BFF;
	s21 =	sshll.u32 s6, $0x1;
	s3 =	sadd.s32 s4, s19  }
0x9c: {  	s7 =	simm.s32 $0x0;
	s20 =	sshll.u32 s5, $0x1;
	s5 =	sadd.s32 s21, s3  }
0x9d: {  	[timem:s7], [sflag:s22] =	dma.local [hbm:s5], s20  }
0x9e: {  	_ =	swait.ge [sflag:s22], s20  }
0x9f: {  	s4 =	ssub.s32 $0x0, s20;
	[sflag:s22] =	ssyncset.done $0x0  }
0xa0: {  	[sflag:s22] =	ssyncadd.s32 s4;
	_ =	sdelay $0x1  }
0xa1: {  	s23 =	simm.s32 $0x1B8B  }
0xa2: {  	_ =	swait.ge [sflag:s23], $0x1  }
0xa3: {  	[sflag:s23] =	ssyncset.done $0x0  }
0xa4: {  	s25 =	simm.s32 $0x1B8E;
	s24 =	sld [smem:$0x3FFE];
	[sflag:s23] =	ssyncadd.s32 $0xFFFFFFFF  }
0xa5: {  	s26 =	simm.s32 $execute0_lowered;
	[smem:$0x3FD2] =	sst s25  }
0xa6: {  	s5 =	sshll.u32 s26, $0x1;
	_ =	strace $0x80000046;
	[dreg:$0x1] =	wrdreg $0xFFFFFFFF  }
0xa7: {  	s28 =	simm.s32 $_size_execute0_lowered;
	s3 =	sadd.s32 s3, s5;
	[dreg:$0x0] =	wrdreg $0x0  }
0xa8: {  	s5 =	sshll.u32 s28, $0x1;
	[dreg:$0x2] =	wrdreg s3  }
0xa9: {  	[dreg:$0x3] =	wrdreg s5  }
0xaa: {  	[dreg:$0x4] =	wrdreg $0xC0  }
0xab: {  	_ =	task [dreg:s7], $0x5FFFF  }
0xac: {  	[dreg:$0x1] =	wrdreg $0xFFFFFFFF  }
0xad: {  	[dreg:$0x0] =	wrdreg $0x60  }
0xae: {  	[dreg:$0x2] =	wrdreg s2  }
0xaf: {  	[dreg:$0x3] =	wrdreg s24  }
0xb0: {  	[dreg:$0x4] =	wrdreg $0x0  }
0xb1: {  	[dreg:$0x5] =	wrdreg $0x9  }
0xb2: {  	_ =	task.clear_ibuf [dreg:s7], $0x6FFFF;
	_ =	strace $0x90000046  }
0xb3: {  	s29 =	simm.s32 $0x9;
	_ =	strace $0x80000048  }
0xb4: {  	_ =	swait.ge [sflag:s29], $0x1  }
0xb5: {  	[sflag:s29] =	ssyncadd.s32 $0xFFFFFFFF  }
0xb6: {  	_ =	strace $0x90000048  }
0xb7: {  	_ =	sfence  }
0xb8: {  	s30 =	sld [smem:$0x0];
	_ =	sdelay $0x2  }
0xb9: {  	s31 =	sshll.u32 s1, $0xD;
	s1 =	sshrl.u32 s1, $0x2  }
0xba: {  	s3 =	sand.u32 $0x4000, s31;
	s1 =	sadd.s32 s1, s30  }
0xbb: {  	s0 =	sor.u32 s3, s0;
	s1 =	sshll.u32 s1, $0x11  }
0xbc: {  	s0 =	sor.u32 s1, s0  }
0xbd: {  	s0 =	sadd.s32 $0x8F2B, s0  }
0xbe: {  	[sflag:s0] =	ssyncadd.remote.s32 $0x1  }
0xbf: {  	_ =	sfence.sel $0xFFFF  }
0xc0: {  	[dreg:$0x0] =	wrdreg $0xFFFFFFFF;
	(pc) =	sbr.abs _section_cstart, $3  }
0xc1: {  	[dreg:$0x1] =	wrdreg $0xFFFFFFFF  }
0xc2: {  	_ =	task.clear_ibuf [dreg:s7], $0x2FFFF;
	_ =	strace $0x9FFFFFFF  }
0xc3: {  	(tm) =	ssettm $0x7FFFFFFF  }
tec
execute0_lowered:
.L_overlay_start_1:
0x0: {  	(tag) =	ssettag $0x1  }
0x1: {  	v0 =	vlaneseq.u32;
	s7 =	rddreg [dreg:$0x0]  }
0x2: {  	s8 =	rddreg [dreg:$0x1];
	v1 =	vmul.u32 $0x40, v0  }
0x3: {  	s2 =	rddreg [dreg:$0x2];
	s3 =	simm.s32 $0x0  }
0x4: {  	s1 =	srdreg.scid;
	[smem:$0x7FF] =	sst s3;
	v3 =	vor.u32 $0xD800, v1  }
0x5: {  	s5 =	sand.u32 $0x1, s1;
	s1 =	rddreg [dreg:$0x3];
	_ =	strace $0x80000047;
	v12 =	vor.u32 $0xD000, v1;
	[tilespmem:$0x1FC20] =	vst v3  }
0x6: {  	v13 =	vor.u32 $0xD400, v1;
	[tilespmem:$0x1FCB0] =	vst v12  }
0x7: {  	v39 =	vor.u32 $0x2400, v1;
	[tilespmem:$0x1FCC0] =	vst v13  }
0x8: {  	v40 =	vor.u32 $0x2800, v1;
	[tilespmem:$0x1FCD0] =	vst v39  }
0x9: {  	v41 =	vor.u32 $0x2C00, v1;
	[tilespmem:$0x1FCE0] =	vst v40  }
0xa: {  	v42 =	vor.u32 $0x3000, v1;
	[tilespmem:$0x1FCF0] =	vst v41  }
0xb: {  	v43 =	vor.u32 $0x3400, v1;
	[tilespmem:$0x1FD00] =	vst v42  }
0xc: {  	v44 =	vor.u32 $0x3800, v1;
	[tilespmem:$0x1FD10] =	vst v43  }
0xd: {  	v45 =	vor.u32 $0x3C00, v1;
	[tilespmem:$0x1FD20] =	vst v44  }
0xe: {  	v46 =	vor.u32 $0x4000, v1;
	[tilespmem:$0x1FD30] =	vst v45  }
0xf: {  	v47 =	vor.u32 $0x4400, v1;
	[tilespmem:$0x1FD40] =	vst v46  }
0x10: {  	v48 =	vor.u32 $0x4800, v1;
	[tilespmem:$0x1FD50] =	vst v47  }
0x11: {  	v49 =	vor.u32 $0x4C00, v1;
	[tilespmem:$0x1FD60] =	vst v48  }
0x12: {  	v50 =	vor.u32 $0x5000, v1;
	[tilespmem:$0x1FD70] =	vst v49  }
0x13: {  	v51 =	vor.u32 $0x5400, v1;
	[tilespmem:$0x1FD80] =	vst v50  }
0x14: {  	v52 =	vor.u32 $0x5800, v1;
	[tilespmem:$0x1FD90] =	vst v51  }
0x15: {  	v53 =	vor.u32 $0x5C00, v1;
	[tilespmem:$0x1FDA0] =	vst v52  }
0x16: {  	v54 =	vor.u32 $0x6000, v1;
	[tilespmem:$0x1FDB0] =	vst v53  }
0x17: {  	v55 =	vor.u32 $0x6400, v1;
	[tilespmem:$0x1FDC0] =	vst v54  }
0x18: {  	v56 =	vor.u32 $0x6800, v1;
	[tilespmem:$0x1FDD0] =	vst v55  }
0x19: {  	v57 =	vor.u32 $0x6C00, v1;
	[tilespmem:$0x1FDE0] =	vst v56  }
0x1a: {  	v58 =	vor.u32 $0x7000, v1;
	[tilespmem:$0x1FDF0] =	vst v57  }
0x1b: {  	v59 =	vor.u32 $0x7400, v1;
	[tilespmem:$0x1FE00] =	vst v58  }
0x1c: {  	v60 =	vor.u32 $0x7800, v1;
	[tilespmem:$0x1FE10] =	vst v59  }
0x1d: {  	v61 =	vor.u32 $0x7C00, v1;
	[tilespmem:$0x1FE20] =	vst v60  }
0x1e: {  	v0 =	vor.u32 $0x8800, v1;
	[tilespmem:$0x1FE30] =	vst v61  }
0x1f: {  	v62 =	vor.u32 $0x8000, v1;
	[tilespmem:$0x1FE40] =	vst v0  }
0x20: {  	v63 =	vor.u32 $0x8400, v1;
	[tilespmem:$0x1FE50] =	vst v62  }
0x21: {  	v23 =	vor.u32 $0x8C00, v1;
	[tilespmem:$0x1FE60] =	vst v63  }
0x22: {  	v15 =	vor.u32 $0x400, v1;
	[tilespmem:$0x1FE70] =	vst v23  }
0x23: {  	v24 =	vor.u32 $0x9000, v1;
	[tilespmem:$0x1FE80] =	vst v15  }
0x24: {  	v16 =	vor.u32 $0x800, v1;
	[tilespmem:$0x1FE90] =	vst v24  }
0x25: {  	v25 =	vor.u32 $0x9400, v1;
	[tilespmem:$0x1FEA0] =	vst v16  }
0x26: {  	v17 =	vor.u32 $0xC00, v1;
	[tilespmem:$0x1FEB0] =	vst v25  }
0x27: {  	v26 =	vor.u32 $0x9800, v1;
	[tilespmem:$0x1FEC0] =	vst v17  }
0x28: {  	v18 =	vor.u32 $0x1000, v1;
	[tilespmem:$0x1FED0] =	vst v26  }
0x29: {  	v27 =	vor.u32 $0x9C00, v1;
	[tilespmem:$0x1FEE0] =	vst v18  }
0x2a: {  	v19 =	vor.u32 $0x1400, v1;
	[tilespmem:$0x1FEF0] =	vst v27  }
0x2b: {  	v28 =	vor.u32 $0xA000, v1;
	[tilespmem:$0x1FF00] =	vst v19  }
0x2c: {  	v20 =	vor.u32 $0x1800, v1;
	[tilespmem:$0x1FF10] =	vst v28  }
0x2d: {  	v29 =	vor.u32 $0xA400, v1;
	[tilespmem:$0x1FF20] =	vst v20  }
0x2e: {  	v21 =	vor.u32 $0x1C00, v1;
	[tilespmem:$0x1FF30] =	vst v29  }
0x2f: {  	v30 =	vor.u32 $0xA800, v1;
	[tilespmem:$0x1FF40] =	vst v21  }
0x30: {  	v22 =	vor.u32 $0x2000, v1;
	[tilespmem:$0x1FF50] =	vst v30  }
0x31: {  	v31 =	vor.u32 $0xAC00, v1;
	[tilespmem:$0x1FF60] =	vst v22  }
0x32: {  	v32 =	vor.u32 $0xB000, v1;
	[tilespmem:$0x1FF70] =	vst v31  }
0x33: {  	v33 =	vor.u32 $0xB400, v1;
	[tilespmem:$0x1FF80] =	vst v32  }
0x34: {  	v34 =	vor.u32 $0xB800, v1;
	[tilespmem:$0x1FF90] =	vst v33  }
0x35: {  	v35 =	vor.u32 $0xBC00, v1;
	[tilespmem:$0x1FFA0] =	vst v34  }
0x36: {  	v36 =	vor.u32 $0xC000, v1;
	[tilespmem:$0x1FFB0] =	vst v35  }
0x37: {  	s0 =	stileid.u32;
	s13 =	simm.s32 $0x149C8;
	v37 =	vor.u32 $0xC400, v1;
	[tilespmem:$0x1FFC0] =	vst v36  }
0x38: {  	s14 =	simm.s32 $0x14EC8;
	s15 =	simm.s32 $0x1;
	s29 =	sshll.u32 s0, $0x1;
	v38 =	vor.u32 $0xC800, v1;
	[tilespmem:$0x1FFD0] =	vst v37  }
0x39: {  	s16 =	simm.s32 $0x2;
	s9 =	smul.u32 $0xA00, s0;
	s6 =	sor.u32 s5, s29;
	v14 =	vor.u32 $0xCC00, v1;
	[tilespmem:$0x1FFE0] =	vst v38  }
0x3a: {  	s17 =	simm.s32 $0x31C8;
	s18 =	simm.s32 $0x0;
	s4 =	smul.u32 $0x68A0, s6;
	v3 =	vor.u32 $0xDC00, v1;
	[tilespmem:$0x1FFF0] =	vst v14  }
0x3b: {  	p0 =	seq.s32 s0, $0xF;
	s5 =	ssub.s32 $0x2, s5;
	s10 =	smul.u32 $0x500, s6;
	[tilespmem:$0x1FC30] =	vst v3;
	v3 =	vor.u32 $0xE000, v1  }
0x3c: {  	s9 =	simm.s32 @p0 $0x9240;
	p0 =	seq.s32 s6, $0x1F;
	s12 =	sshrl.u32 s5, $0x1;
	[tilespmem:$0x1FC40] =	vst v3;
	v3 =	vor.u32 $0xE400, v1  }
0x3d: {  	s30 =	sshrl.u32 s9, $0x1;
	s12 =	ssub.s32 s5, s12;
	s10 =	simm.s32 @p0 $0x9740;
	[tilespmem:$0x1FC50] =	vst v3;
	v3 =	vor.u32 $0xE800, v1  }
0x3e: {  	v2 =	vmov s4;
	s6 =	sadd.s32 s30, s8;
	s4 =	sshrl.u32 s4, $0x3;
	s11 =	sshrl.u32 s10, $0x3;
	[tilespmem:$0x1FC60] =	vst v3;
	v3 =	vor.u32 $0xEC00, v1  }
0x3f: {  	s31 =	sshll.u32 s10, $0x3;
	s5 =	sadd.s32 $0xE00, s6;
	s6 =	sadd.s32 s9, s2;
	[tilespmem:$0x1FC70] =	vst v3;
	v3 =	vor.u32 $0xF000, v1  }
0x40: {  	s11 =	sadd.s32 s11, s8;
	s8 =	sadd.s32 s4, s8;
	s4 =	sadd.s32 s7, s31;
	[tilespmem:$0x1FC80] =	vst v3;
	v3 =	vor.u32 $0xF400, v1  }
0x41: {  	s7 =	sadd.s32 $0x54000, s8;
	s8 =	smax.u32 s12, $0x1;
	s9 =	sadd.s32 $0x5E00, s11;
	[tilespmem:$0x1FC90] =	vst v3;
	v3 =	vor.u32 $0xF800, v1  }
0x42: {  	s10 =	sadd.s32 $0x7188, s11;
	s11 =	simm.s32 $0x9C8;
	s12 =	simm.s32 $0x3;
	[tilespmem:$0x1FCA0] =	vst v3;
	v3 =	vimm.s32 $0x0  }
.LBB2_1:
0x43: {  	[tilespmem:s11], [sflag:$0x3] =	stream.linear.gather [hbm4b:s4+s3], $0x14000, $0x38;
	[tilespmem:$0x153C8] =	vst v63  }
0x44: {  	_ =	swait.ge [sflag:s12], $0x14000  }
0x45: {  	s19 =	smov.u32 s10;
	[sflag:s12] =	ssyncset.done $0x0  }
0x46: {  	s20 =	smov.u32 s9;
	s21 =	simm.s32 $0x0;
	[sflag:s12] =	ssyncadd.s32 $0xFFFEC000  }
.LBB2_2:
0x47: {  	p0 =	seq.s32 s21, $0x0  }
0x48: {  	s22 =	simm.s32 @!p0 $0x1  }
0x49: {  	_ =	swait.ge @!p0 [sflag:s22], $0x500  }
0x4a: {  	v58 =	vld [tilespmem:$0x1FCD0]  }
0x4b: {  	v59 =	vld [tilespmem:$0x1FCE0]  }
0x4c: {  	v39 =	vld [tilespmem:$0x1FCF0]  }
0x4d: {  	v40 =	vld [tilespmem:$0x1FD00]  }
0x4e: {  	v60 =	vld [tilespmem:$0x1FD10]  }
0x4f: {  	v61 =	vld [tilespmem:$0x1FD20]  }
0x50: {  	v41 =	vld [tilespmem:$0x1FD30]  }
0x51: {  	v0 =	vld [tilespmem:$0x1FD40]  }
0x52: {  	v62 =	vld [tilespmem:$0x1FD50]  }
0x53: {  	v63 =	vld [tilespmem:$0x1FD60]  }
0x54: {  	v43 =	vld [tilespmem:$0x1FD70]  }
0x55: {  	v44 =	vld [tilespmem:$0x1FD80]  }
0x56: {  	v45 =	vld [tilespmem:$0x1FDB0]  }
0x57: {  	v46 =	vld [tilespmem:$0x1FDC0]  }
0x58: {  	v47 =	vld [tilespmem:$0x1FDD0]  }
0x59: {  	v48 =	vld [tilespmem:$0x1FDE0]  }
0x5a: {  	v4 =	vor.u32 s21, v1;
	v49 =	vld [tilespmem:$0x1FDF0]  }
0x5b: {  	v50 =	vld [tilespmem:$0x1FE00]  }
0x5c: {  	v51 =	vld [tilespmem:$0x1FE10];
	v5 =	vor.u32 s21, v15  }
0x5d: {  	[sflag:s22] =	ssyncset.done @!p0 $0x0;
	v52 =	vld [tilespmem:$0x1FE20];
	v6 =	vor.u32 s21, v16  }
0x5e: {  	v53 =	vld [tilespmem:$0x1FE30];
	v7 =	vor.u32 s21, v17;
	[sflag:s22] =	ssyncadd.s32 @!p0 $0xFFFFFB00  }
0x5f: {  	v8 =	vor.u32 s21, v18;
	v4 =	vld.idx.msk [tilespmem:v4+s11+$0x0], $0xffff  }
0x60: {  	v9 =	vor.u32 s21, v19;
	v24 =	vor.u32 s21, v0;
	v0 =	vld [tilespmem:$0x1FDA0]  }
0x61: {  	v10 =	vor.u32 s21, v20;
	v5 =	vld.idx.msk [tilespmem:v5+s11+$0x0], $0xffff  }
0x62: {  	v12 =	vor.u32 s21, v22;
	v6 =	vld.idx.msk [tilespmem:v6+s11+$0x0], $0xffff  }
0x63: {  	v11 =	vor.u32 s21, v21;
	v7 =	vld.idx.msk [tilespmem:v7+s11+$0x0], $0xffff  }
0x64: {  	v13 =	vor.u32 s21, v58;
	v8 =	vld.idx.msk [tilespmem:v8+s11+$0x0], $0xffff  }
0x65: {  	v25 =	vor.u32 s21, v62;
	v9 =	vld.idx.msk [tilespmem:v9+s11+$0x0], $0xffff  }
0x66: {  	v54 =	vor.u32 s21, v40;
	v10 =	vld.idx.msk [tilespmem:v10+s11+$0x0], $0xffff  }
0x67: {  	v55 =	vld.idx.msk [tilespmem:v12+s11+$0x0], $0xffff;
	v12 =	vor.u32 s21, v60  }
0x68: {  	v57 =	vor.u32 s21, v41;
	v11 =	vld.idx.msk [tilespmem:v11+s11+$0x0], $0xffff  }
0x69: {  	v56 =	vld.idx.msk [tilespmem:v13+s11+$0x0], $0xffff  }
0x6a: {  	v26 =	vor.u32 s21, v63;
	v29 =	vld.idx.msk [tilespmem:v25+s11+$0x0], $0xffff  }
0x6b: {  	v27 =	vor.u32 s21, v43;
	[tilespmem:$0x149E8] =	vst v6;
	v6 =	vld.idx.msk [tilespmem:v54+s11+$0x0], $0xffff  }
0x6c: {  	v12 =	vld.idx.msk [tilespmem:v12+s11+$0x0], $0xffff  }
0x6d: {  	[tilespmem:$0x14A18] =	vst v9;
	v9 =	vld.idx.msk [tilespmem:v57+s11+$0x0], $0xffff  }
0x6e: {  	[tilespmem:$0x149C8] =	vst v4;
	v4 =	vor.u32 s21, v59;
	v57 =	vld [tilespmem:$0x1FD90]  }
0x6f: {  	v13 =	vor.u32 s21, v61;
	[tilespmem:$0x149F8] =	vst v7;
	v7 =	vld.idx.msk [tilespmem:v26+s11+$0x0], $0xffff  }
0x70: {  	v30 =	vor.u32 s21, v0;
	[tilespmem:$0x14A08] =	vst v8;
	v8 =	vld.idx.msk [tilespmem:v27+s11+$0x0], $0xffff  }
0x71: {  	[tilespmem:$0x14A48] =	vst v55;
	v55 =	vld [tilespmem:$0x1FE50]  }
0x72: {  	v54 =	vld [tilespmem:$0x1FE40]  }
0x73: {  	[tilespmem:$0x149D8] =	vst v5;
	v5 =	vor.u32 s21, v39;
	v4 =	vld.idx.msk [tilespmem:v4+s11+$0x0], $0xffff  }
0x74: {  	v32 =	vor.u32 s21, v49;
	v13 =	vld.idx.msk [tilespmem:v13+s11+$0x0], $0xffff  }
0x75: {  	v33 =	vor.u32 s21, v50;
	[tilespmem:$0x14A38] =	vst v11;
	v11 =	vld.idx.msk [tilespmem:v30+s11+$0x0], $0xffff  }
0x76: {  	v35 =	vor.u32 s21, v52;
	[tilespmem:$0x14A58] =	vst v56;
	v56 =	vld [tilespmem:$0x1FE60]  }
0x77: {  	v30 =	vld [tilespmem:$0x1FF80]  }
0x78: {  	v5 =	vld.idx.msk [tilespmem:v5+s11+$0x0], $0xffff  }
0x79: {  	[tilespmem:$0x14A88] =	vst v6;
	v6 =	vld.idx.msk [tilespmem:v32+s11+$0x0], $0xffff  }
0x7a: {  	[tilespmem:$0x14AE8] =	vst v7;
	v7 =	vld.idx.msk [tilespmem:v33+s11+$0x0], $0xffff  }
0x7b: {  	v28 =	vor.u32 s21, v57;
	[tilespmem:$0x14AB8] =	vst v9;
	v9 =	vld.idx.msk [tilespmem:v35+s11+$0x0], $0xffff  }
0x7c: {  	[tilespmem:$0x14A98] =	vst v12;
	v12 =	vor.u32 s21, v45;
	v32 =	vld [tilespmem:$0x1FEB0]  }
0x7d: {  	v37 =	vor.u32 s21, v55;
	v33 =	vld [tilespmem:$0x1FED0]  }
0x7e: {  	v38 =	vor.u32 s21, v54;
	v35 =	vld [tilespmem:$0x1FF10]  }
0x7f: {  	[tilespmem:$0x14A78] =	vst v5;
	v5 =	vld.idx.msk [tilespmem:v24+s11+$0x0], $0xffff  }
0x80: {  	[tilespmem:$0x14A28] =	vst v10;
	v10 =	vld.idx.msk [tilespmem:v28+s11+$0x0], $0xffff  }
0x81: {  	[tilespmem:$0x14A68] =	vst v4;
	v4 =	vor.u32 s21, v44;
	v12 =	vld.idx.msk [tilespmem:v12+s11+$0x0], $0xffff  }
0x82: {  	[tilespmem:$0x14AA8] =	vst v13;
	v13 =	vor.u32 s21, v46;
	v42 =	vld.idx.msk [tilespmem:v37+s11+$0x0], $0xffff  }
0x83: {  	v36 =	vor.u32 s21, v53;
	[tilespmem:$0x14AF8] =	vst v8;
	v8 =	vld.idx.msk [tilespmem:v38+s11+$0x0], $0xffff  }
0x84: {  	v37 =	vld [tilespmem:$0x1FF50]  }
0x85: {  	v24 =	vor.u32 s21, v32;
	v38 =	vld [tilespmem:$0x1FF70]  }
0x86: {  	v4 =	vld.idx.msk [tilespmem:v4+s11+$0x0], $0xffff  }
0x87: {  	v34 =	vld.idx.msk [tilespmem:v13+s11+$0x0], $0xffff  }
0x88: {  	v31 =	vor.u32 s21, v47;
	[tilespmem:$0x14B18] =	vst v10;
	v10 =	vld.idx.msk [tilespmem:v36+s11+$0x0], $0xffff  }
0x89: {  	v36 =	vld [tilespmem:$0x1FF30]  }
0x8a: {  	[tilespmem:$0x14B28] =	vst v11;
	v11 =	vld.idx.msk [tilespmem:v24+s11+$0x0], $0xffff  }
0x8b: {  	v13 =	vor.u32 s21, v51;
	[tilespmem:$0x14BC8] =	vst v42;
	v42 =	vld [tilespmem:$0x1FF90]  }
0x8c: {  	[tilespmem:$0x14AC8] =	vst v5;
	v5 =	vor.u32 s21, v48;
	v24 =	vld [tilespmem:$0x1FFA0]  }
0x8d: {  	[tilespmem:$0x14B08] =	vst v4;
	v4 =	vld.idx.msk [tilespmem:v31+s11+$0x0], $0xffff  }
0x8e: {  	[tilespmem:$0x14B38] =	vst v12;
	v12 =	vor.u32 s21, v56;
	v31 =	vld [tilespmem:$0x1FE70]  }
0x8f: {  	v28 =	vor.u32 s21, v37;
	[tilespmem:$0x14BE8] =	vst v8;
	v8 =	vor.u32 s21, v30;
	v30 =	vld [tilespmem:$0x1FC40]  }
0x90: {  	[tilespmem:$0x14AD8] =	vst v29;
	v29 =	vor.u32 s21, v38;
	v13 =	vld.idx.msk [tilespmem:v13+s11+$0x0], $0xffff  }
0x91: {  	v5 =	vld.idx.msk [tilespmem:v5+s11+$0x0], $0xffff  }
0x92: {  	[tilespmem:$0x14B48] =	vst v34;
	v34 =	vld [tilespmem:$0x1FEF0]  }
0x93: {  	v25 =	vld.idx.msk [tilespmem:v12+s11+$0x0], $0xffff;
	[tilespmem:$0x14B58] =	vst v4;
	v4 =	vor.u32 s21, v31  }
0x94: {  	[tilespmem:$0x14B78] =	vst v6;
	v6 =	vld.idx.msk [tilespmem:v28+s11+$0x0], $0xffff  }
0x95: {  	[tilespmem:$0x14B88] =	vst v7;
	v7 =	vld.idx.msk [tilespmem:v29+s11+$0x0], $0xffff  }
0x96: {  	[tilespmem:$0x14B68] =	vst v5;
	v5 =	vld [tilespmem:$0x1FE90]  }
0x97: {  	v12 =	vor.u32 s21, v33;
	v8 =	vld.idx.msk [tilespmem:v8+s11+$0x0], $0xffff  }
0x98: {  	[tilespmem:$0x14BA8] =	vst v9;
	v26 =	vor.u32 s21, v35;
	v4 =	vld.idx.msk [tilespmem:v4+s11+$0x0], $0xffff  }
0x99: {  	v9 =	vor.u32 s21, v42;
	v42 =	vld [tilespmem:$0x1FFD0];
	[tilespmem:$0x14B98] =	vst v13;
	v13 =	vor.u32 s21, v34  }
0x9a: {  	v29 =	vld [tilespmem:$0x1FC30]  }
0x9b: {  	[tilespmem:$0x14BB8] =	vst v10;
	v10 =	vor.u32 s21, v24;
	v24 =	vld [tilespmem:$0x1FC50];
	v5 =	vor.u32 s21, v5  }
0x9c: {  	v12 =	vld.idx.msk [tilespmem:v12+s11+$0x0], $0xffff  }
0x9d: {  	[tilespmem:$0x14BF8] =	vst v4;
	v4 =	vld.idx.msk [tilespmem:v26+s11+$0x0], $0xffff  }
0x9e: {  	v13 =	vld.idx.msk [tilespmem:v13+s11+$0x0], $0xffff  }
0x9f: {  	[tilespmem:$0x14BD8] =	vst v25;
	v25 =	vld [tilespmem:$0x1FFB0]  }
0xa0: {  	v27 =	vor.u32 s21, v36;
	v5 =	vld.idx.msk [tilespmem:v5+s11+$0x0], $0xffff  }
0xa1: {  	[tilespmem:$0x14C28] =	vst v12;
	v12 =	vld [tilespmem:$0x1FFC0]  }
0xa2: {  	[tilespmem:$0x14C48] =	vst v4;
	v4 =	vld [tilespmem:$0x1FFE0]  }
0xa3: {  	v9 =	vld.idx.msk [tilespmem:v9+s11+$0x0], $0xffff;
	[tilespmem:$0x14C38] =	vst v13;
	v13 =	vor.u32 s21, v42  }
0xa4: {  	v10 =	vld.idx.msk [tilespmem:v10+s11+$0x0], $0xffff  }
0xa5: {  	[tilespmem:$0x14C08] =	vst v5;
	v5 =	vld.idx.msk [tilespmem:v27+s11+$0x0], $0xffff  }
0xa6: {  	[tilespmem:$0x14C18] =	vst v11;
	v11 =	vor.u32 s21, v25;
	v25 =	vld [tilespmem:$0x1FC60];
	v12 =	vor.u32 s21, v12  }
0xa7: {  	v26 =	vld [tilespmem:$0x1FCB0];
	v4 =	vor.u32 s21, v4  }
0xa8: {  	v28 =	vld.idx.msk [tilespmem:v13+s11+$0x0], $0xffff  }
0xa9: {  	v13 =	vld [tilespmem:$0x1FC20]  }
0xaa: {  	[tilespmem:$0x14C58] =	vst v5;
	v5 =	vld [tilespmem:$0x1FFF0]  }
0xab: {  	[tilespmem:$0x14C98] =	vst v9;
	v9 =	vor.u32 s21, v29;
	v27 =	vld.idx.msk [tilespmem:v12+s11+$0x0], $0xffff  }
0xac: {  	v4 =	vld.idx.msk [tilespmem:v4+s11+$0x0], $0xffff  }
0xad: {  	[tilespmem:$0x14CA8] =	vst v10;
	v10 =	vor.u32 s21, v30;
	v12 =	vld [tilespmem:$0x1FCC0]  }
0xae: {  	[tilespmem:$0x14C68] =	vst v6;
	v6 =	vor.u32 s21, v26;
	v26 =	vld [tilespmem:$0x1FC70];
	v13 =	vor.u32 s21, v13  }
0xaf: {  	v11 =	vld.idx.msk [tilespmem:v11+s11+$0x0], $0xffff;
	v5 =	vor.u32 s21, v5  }
0xb0: {  	v9 =	vld.idx.msk [tilespmem:v9+s11+$0x0], $0xffff  }
0xb1: {  	[tilespmem:$0x14CE8] =	vst v4;
	v4 =	vld [tilespmem:$0x1FC80]  }
0xb2: {  	[tilespmem:$0x14C78] =	vst v7;
	v10 =	vld.idx.msk [tilespmem:v10+s11+$0x0], $0xffff;
	v12 =	vor.u32 s21, v12  }
0xb3: {  	[tilespmem:$0x14C88] =	vst v8;
	v8 =	vor.u32 s21, v26;
	v13 =	vld.idx.msk [tilespmem:v13+s11+$0x0], $0xffff  }
0xb4: {  	[tilespmem:$0x14CB8] =	vst v11;
	v5 =	vld.idx.msk [tilespmem:v5+s11+$0x0], $0xffff  }
0xb5: {  	v11 =	vor.u32 s21, v24;
	[tilespmem:$0x14D38] =	vst v9;
	v9 =	vor.u32 $0x11000, v1;
	v6 =	vld.idx.msk [tilespmem:v6+s11+$0x0], $0xffff  }
0xb6: {  	v22 =	vor.u32 s21, v9;
	[tilespmem:$0x14CD8] =	vst v28;
	v28 =	vor.u32 $0x10000, v1;
	v14 =	vor.u32 s21, v4;
	v4 =	vld [tilespmem:$0x1FC90]  }
0xb7: {  	[tilespmem:$0x14D48] =	vst v10;
	v18 =	vor.u32 s21, v28;
	v12 =	vld.idx.msk [tilespmem:v12+s11+$0x0], $0xffff  }
0xb8: {  	[tilespmem:$0x14D28] =	vst v13;
	v13 =	vld.idx.msk [tilespmem:v8+s11+$0x0], $0xffff  }
0xb9: {  	v7 =	vor.u32 s21, v25;
	v8 =	vor.u32 $0x10C00, v1;
	[tilespmem:$0x14CF8] =	vst v5;
	v5 =	vld [tilespmem:$0x1FCA0]  }
0xba: {  	[tilespmem:$0x14CC8] =	vst v27;
	v11 =	vld.idx.msk [tilespmem:v11+s11+$0x0], $0xffff;
	v21 =	vor.u32 s21, v8  }
0xbb: {  	v27 =	vor.u32 $0xFC00, v1;
	[tilespmem:$0x1FC10] =	vst v28;
	v22 =	vld.idx.msk [tilespmem:v22+s11+$0x0], $0xffff;
	v15 =	vor.u32 s21, v4  }
0xbc: {  	[tilespmem:$0x14D08] =	vst v6;
	v17 =	vor.u32 s21, v27;
	v6 =	vor.u32 $0x10400, v1;
	v18 =	vld.idx.msk [tilespmem:v18+s11+$0x0], $0xffff  }
0xbd: {  	[tilespmem:$0x1FC00] =	vst v27;
	v19 =	vor.u32 s21, v6;
	v14 =	vld.idx.msk [tilespmem:v14+s11+$0x0], $0xffff  }
0xbe: {  	[tilespmem:$0x14D18] =	vst v12;
	v12 =	vld.idx.msk [tilespmem:v7+s11+$0x0], $0xffff;
	v7 =	vor.u32 $0x10800, v1;
	v16 =	vor.u32 s21, v5  }
0xbf: {  	v20 =	vor.u32 s21, v7;
	[tilespmem:$0x14D78] =	vst v13;
	v13 =	vor.u32 $0x12000, v1;
	v21 =	vld.idx.msk [tilespmem:v21+s11+$0x0], $0xffff  }
0xc0: {  	v10 =	vor.u32 $0x11400, v1;
	[tilespmem:$0x14D58] =	vst v11;
	v26 =	vor.u32 s21, v13;
	v15 =	vld.idx.msk [tilespmem:v15+s11+$0x0], $0xffff  }
0xc1: {  	v23 =	vor.u32 s21, v10;
	v11 =	vor.u32 $0x11800, v1;
	v17 =	vld.idx.msk [tilespmem:v17+s11+$0x0], $0xffff;
	[tilespmem:$0x14DC8] =	vst v18  }
0xc2: {  	v24 =	vor.u32 s21, v11;
	v19 =	vld.idx.msk [tilespmem:v19+s11+$0x0], $0xffff;
	[tilespmem:$0x14D88] =	vst v14;
	v14 =	vor.u32 $0x12400, v1  }
0xc3: {  	[tilespmem:$0x14D68] =	vst v12;
	v12 =	vor.u32 $0x11C00, v1;
	v27 =	vor.u32 s21, v14;
	v16 =	vld.idx.msk [tilespmem:v16+s11+$0x0], $0xffff  }
0xc4: {  	v18 =	vor.u32 $0x13400, v1;
	v20 =	vld.idx.msk [tilespmem:v20+s11+$0x0], $0xffff;
	v25 =	vor.u32 s21, v12;
	[tilespmem:$0x14DF8] =	vst v21  }
0xc5: {  	v21 =	vld.idx.msk [tilespmem:v26+s11+$0x0], $0xffff;
	v26 =	vor.u32 s21, v18;
	[tilespmem:$0x14D98] =	vst v15;
	v15 =	vor.u32 $0x12800, v1  }
0xc6: {  	v23 =	vld.idx.msk [tilespmem:v23+s11+$0x0], $0xffff;
	[tilespmem:$0x14E08] =	vst v22;
	v28 =	vor.u32 s21, v15  }
0xc7: {  	v24 =	vld.idx.msk [tilespmem:v24+s11+$0x0], $0xffff;
	[tilespmem:$0x14DD8] =	vst v19;
	v19 =	vor.u32 $0x13800, v1  }
0xc8: {  	v22 =	vld.idx.msk [tilespmem:v27+s11+$0x0], $0xffff;
	v27 =	vor.u32 s21, v19;
	[tilespmem:$0x14DA8] =	vst v16;
	v16 =	vor.u32 $0x12C00, v1  }
0xc9: {  	[tilespmem:$0x14DB8] =	vst v17;
	v17 =	vor.u32 $0x13000, v1;
	v25 =	vld.idx.msk [tilespmem:v25+s11+$0x0], $0xffff;
	v29 =	vor.u32 s21, v16  }
0xca: {  	v30 =	vor.u32 s21, v17;
	[tilespmem:$0x14DE8] =	vst v20;
	v20 =	vor.u32 $0x13C00, v1;
	v26 =	vld.idx.msk [tilespmem:v26+s11+$0x0], $0xffff  }
0xcb: {  	[tilespmem:$0x14E18] =	vst v23;
	v23 =	vld.idx.msk [tilespmem:v28+s11+$0x0], $0xffff;
	v28 =	vor.u32 s21, v20  }
0xcc: {  	[tilespmem:$0x14E28] =	vst v24  }
0xcd: {  	[tilespmem:$0x14E48] =	vst v21;
	v21 =	vld.idx.msk [tilespmem:v27+s11+$0x0], $0xffff  }
0xce: {  	[tilespmem:$0x14E38] =	vst v25;
	v24 =	vld.idx.msk [tilespmem:v29+s11+$0x0], $0xffff  }
0xcf: {  	[tilespmem:$0x14E98] =	vst v26;
	v29 =	vld.idx.msk [tilespmem:v30+s11+$0x0], $0xffff  }
0xd0: {  	[tilespmem:$0x14E58] =	vst v22;
	v22 =	vld.idx.msk [tilespmem:v28+s11+$0x0], $0xffff  }
0xd1: {  	[tilespmem:$0x14E68] =	vst v23  }
0xd2: {  	[tilespmem:$0x14EA8] =	vst v21  }
0xd3: {  	[tilespmem:$0x14E78] =	vst v24  }
0xd4: {  	[tilespmem:$0x14E88] =	vst v29  }
0xd5: {  	s23 =	simm.s32 @!p0 $0x2;
	[tilespmem:$0x14EB8] =	vst v22  }
0xd6: {  	[hbm4b:s20+s3] =	stream.linear.scatter [tilespmem:s13], [sflag:$0x1], $0x500, $0x38;
	[tilespmem:$0x153C8] =	vst v63  }
0xd7: {  	v22 =	vld [tilespmem:$0x1FE80];
	_ =	swait.ge @!p0 [sflag:s23], $0x500  }
0xd8: {  	v30 =	vld [tilespmem:$0x1FEC0];
	_ =	sdelay $0x1  }
0xd9: {  	s31 =	sadd.s32 $0x1, s21  }
0xda: {  	v21 =	vor.u32 s31, v1  }
0xdb: {  	v23 =	vld [tilespmem:$0x1FEA0]  }
0xdc: {  	v22 =	vor.u32 s31, v22;
	v24 =	vor.u32 s31, v30;
	v30 =	vld [tilespmem:$0x1FF20]  }
0xdd: {  	[sflag:s23] =	ssyncset.done @!p0 $0x0  }
0xde: {  	[sflag:s23] =	ssyncadd.s32 @!p0 $0xFFFFFB00  }
0xdf: {  	v21 =	vld.idx.msk [tilespmem:v21+s11+$0x0], $0xffff  }
0xe0: {  	v23 =	vor.u32 s31, v23  }
0xe1: {  	v22 =	vld.idx.msk [tilespmem:v22+s11+$0x0], $0xffff;
	v27 =	vor.u32 s31, v30;
	_ =	sdelay $0x2  }
0xe2: {  	[tilespmem:$0x14EC8] =	vst v21;
	v21 =	vor.u32 s31, v59;
	v59 =	vor.u32 s31, v61;
	v61 =	vld [tilespmem:$0x1FD40]  }
0xe3: {  	v23 =	vld.idx.msk [tilespmem:v23+s11+$0x0], $0xffff  }
0xe4: {  	[tilespmem:$0x14ED8] =	vst v22;
	v22 =	vor.u32 s31, v39;
	v27 =	vld.idx.msk [tilespmem:v27+s11+$0x0], $0xffff;
	_ =	sdelay $0x3  }
0xe5: {  	[tilespmem:$0x14EE8] =	vst v23;
	v23 =	vor.u32 s31, v40  }
0xe6: {  	v22 =	vld.idx.msk [tilespmem:v22+s11+$0x0], $0xffff;
	[tilespmem:$0x14F28] =	vst v27;
	v27 =	vor.u32 s31, v61;
	_ =	sdelay $0x3  }
0xe7: {  	v39 =	vor.u32 s31, v62;
	v23 =	vld.idx.msk [tilespmem:v23+s11+$0x0], $0xffff  }
0xe8: {  	[tilespmem:$0x14F78] =	vst v22;
	v22 =	vld.idx.msk [tilespmem:v27+s11+$0x0], $0xffff  }
0xe9: {  	v29 =	vld [tilespmem:$0x1FF00];
	_ =	sdelay $0x1  }
0xea: {  	v21 =	vld.idx.msk [tilespmem:v21+s11+$0x0], $0xffff  }
0xeb: {  	[tilespmem:$0x14F88] =	vst v23;
	v23 =	vld.idx.msk [tilespmem:v39+s11+$0x0], $0xffff  }
0xec: {  	[tilespmem:$0x14FC8] =	vst v22;
	v22 =	vor.u32 s31, v48  }
0xed: {  	v26 =	vor.u32 s31, v29;
	v29 =	vld [tilespmem:$0x1FF60];
	_ =	sdelay $0x1  }
0xee: {  	[tilespmem:$0x14F68] =	vst v21  }
0xef: {  	v21 =	vor.u32 s31, v44;
	v44 =	vor.u32 s31, v0;
	v0 =	vld [tilespmem:$0x1FE90];
	[tilespmem:$0x14FD8] =	vst v23;
	v23 =	vor.u32 s31, v49  }
0xf0: {  	v22 =	vld.idx.msk [tilespmem:v22+s11+$0x0], $0xffff  }
0xf1: {  	v24 =	vld.idx.msk [tilespmem:v24+s11+$0x0], $0xffff;
	v29 =	vor.u32 s31, v29  }
0xf2: {  	v40 =	vor.u32 s31, v60  }
0xf3: {  	v60 =	vor.u32 s31, v41  }
0xf4: {  	v41 =	vor.u32 s31, v43;
	v43 =	vor.u32 s31, v57;
	v57 =	vor.u32 s31, v55;
	v23 =	vld.idx.msk [tilespmem:v23+s11+$0x0], $0xffff  }
0xf5: {  	[tilespmem:$0x15068] =	vst v22;
	v22 =	vor.u32 s31, v0;
	v0 =	vld [tilespmem:$0x1FF80]  }
0xf6: {  	[tilespmem:$0x14EF8] =	vst v24;
	v24 =	vld.idx.msk [tilespmem:v29+s11+$0x0], $0xffff  }
0xf7: {  	v29 =	vld.idx.msk [tilespmem:v40+s11+$0x0], $0xffff  }
0xf8: {  	v47 =	vor.u32 s31, v47;
	v21 =	vld.idx.msk [tilespmem:v21+s11+$0x0], $0xffff  }
0xf9: {  	v40 =	vor.u32 s31, v63;
	[tilespmem:$0x15078] =	vst v23;
	v23 =	vld.idx.msk [tilespmem:v57+s11+$0x0], $0xffff  }
0xfa: {  	v63 =	vor.u32 s31, v34;
	v34 =	vor.u32 s31, v36;
	v36 =	vor.u32 s31, v0;
	v0 =	vld [tilespmem:$0x1FF90];
	_ =	sdelay $0x2  }
0xfb: {  	[tilespmem:$0x15008] =	vst v21;
	v21 =	vld.idx.msk [tilespmem:v47+s11+$0x0], $0xffff;
	_ =	sdelay $0x1  }
0xfc: {  	[tilespmem:$0x150C8] =	vst v23;
	v23 =	vor.u32 s31, v37;
	v37 =	vor.u32 s31, v0;
	v0 =	vld [tilespmem:$0x1FFA0];
	_ =	sdelay $0x2  }
0xfd: {  	[tilespmem:$0x15058] =	vst v21;
	v21 =	vor.u32 s31, v31  }
0xfe: {  	v62 =	vor.u32 s31, v33  }
0xff: {  	v33 =	vor.u32 s31, v35;
	v35 =	vor.u32 s31, v38;
	v38 =	vor.u32 s31, v0;
	v0 =	vld [tilespmem:$0x1FFB0];
	_ =	sdelay $0x2  }
0x100: {  	v21 =	vld.idx.msk [tilespmem:v21+s11+$0x0], $0xffff;
	_ =	sdelay $0x1  }
0x101: {  	v39 =	vor.u32 s31, v0;
	v0 =	vld [tilespmem:$0x1FFC0];
	_ =	sdelay $0x1  }
0x102: {  	[tilespmem:$0x14F48] =	vst v24;
	v24 =	vld.idx.msk [tilespmem:v40+s11+$0x0], $0xffff  }
0x103: {  	[tilespmem:$0x150F8] =	vst v21;
	v21 =	vld.idx.msk [tilespmem:v33+s11+$0x0], $0xffff  }
0x104: {  	v22 =	vld.idx.msk [tilespmem:v22+s11+$0x0], $0xffff  }
0x105: {  	v40 =	vor.u32 s31, v0;
	v0 =	vld [tilespmem:$0x1FFE0];
	_ =	sdelay $0x3  }
0x106: {  	[tilespmem:$0x15108] =	vst v22;
	v22 =	vld.idx.msk [tilespmem:v34+s11+$0x0], $0xffff  }
0x107: {  	[tilespmem:$0x15148] =	vst v21;
	v21 =	vor.u32 s31, v0;
	v0 =	vld [tilespmem:$0x1FFF0];
	_ =	sdelay $0x3  }
0x108: {  	v23 =	vld.idx.msk [tilespmem:v23+s11+$0x0], $0xffff  }
0x109: {  	[tilespmem:$0x15158] =	vst v22;
	v22 =	vor.u32 s31, v0;
	v0 =	vld [tilespmem:$0x1FCB0];
	_ =	sdelay $0x2  }
0x10a: {  	v58 =	vor.u32 s31, v58;
	_ =	sdelay $0x1  }
0x10b: {  	[tilespmem:$0x15168] =	vst v23;
	v23 =	vor.u32 s31, v0;
	v0 =	vld [tilespmem:$0x1FCC0]  }
0x10c: {  	v6 =	vor.u32 s31, v6  }
0x10d: {  	v7 =	vor.u32 s31, v7;
	v28 =	vld [tilespmem:$0x1FEE0]  }
0x10e: {  	v58 =	vld.idx.msk [tilespmem:v58+s11+$0x0], $0xffff  }
0x10f: {  	v45 =	vor.u32 s31, v45;
	v27 =	vld.idx.msk [tilespmem:v43+s11+$0x0], $0xffff  }
0x110: {  	v43 =	vor.u32 s31, v0;
	v0 =	vld [tilespmem:$0x1FC20]  }
0x111: {  	v8 =	vor.u32 s31, v8;
	v6 =	vld.idx.msk [tilespmem:v6+s11+$0x0], $0xffff  }
0x112: {  	v7 =	vld.idx.msk [tilespmem:v7+s11+$0x0], $0xffff  }
0x113: {  	v25 =	vor.u32 s31, v28;
	v28 =	vld [tilespmem:$0x1FF40]  }
0x114: {  	v46 =	vor.u32 s31, v46;
	[tilespmem:$0x14F98] =	vst v29;
	v29 =	vld.idx.msk [tilespmem:v45+s11+$0x0], $0xffff  }
0x115: {  	v45 =	vor.u32 s31, v0;
	v0 =	vld [tilespmem:$0x1FC30]  }
0x116: {  	v8 =	vld.idx.msk [tilespmem:v8+s11+$0x0], $0xffff  }
0x117: {  	[tilespmem:$0x14F58] =	vst v58;
	v58 =	vor.u32 s31, v56;
	v56 =	vor.u32 s31, v16;
	v16 =	vld [tilespmem:$0x1FEA0]  }
0x118: {  	v28 =	vor.u32 s31, v28;
	v25 =	vld.idx.msk [tilespmem:v25+s11+$0x0], $0xffff  }
0x119: {  	v11 =	vor.u32 s31, v11;
	v49 =	vor.u32 s31, v50;
	v50 =	vld.idx.msk [tilespmem:v46+s11+$0x0], $0xffff  }
0x11a: {  	v46 =	vor.u32 s31, v0;
	v0 =	vld [tilespmem:$0x1FC40]  }
0x11b: {  	v51 =	vor.u32 s31, v51;
	v30 =	vld.idx.msk [tilespmem:v59+s11+$0x0], $0xffff  }
0x11c: {  	v26 =	vld.idx.msk [tilespmem:v26+s11+$0x0], $0xffff  }
0x11d: {  	v28 =	vld.idx.msk [tilespmem:v28+s11+$0x0], $0xffff  }
0x11e: {  	[tilespmem:$0x152D8] =	vst v6;
	v55 =	vld.idx.msk [tilespmem:v11+s11+$0x0], $0xffff  }
0x11f: {  	[tilespmem:$0x152E8] =	vst v7;
	v47 =	vor.u32 s31, v0;
	v0 =	vld [tilespmem:$0x1FC50]  }
0x120: {  	v13 =	vor.u32 s31, v13;
	[tilespmem:$0x14FA8] =	vst v30;
	v30 =	vld.idx.msk [tilespmem:v51+s11+$0x0], $0xffff  }
0x121: {  	[tilespmem:$0x14F18] =	vst v26;
	v26 =	vld.idx.msk [tilespmem:v60+s11+$0x0], $0xffff  }
0x122: {  	v52 =	vor.u32 s31, v52;
	[tilespmem:$0x14F08] =	vst v25;
	v25 =	vld.idx.msk [tilespmem:v41+s11+$0x0], $0xffff  }
0x123: {  	[tilespmem:$0x152F8] =	vst v8;
	v61 =	vld.idx.msk [tilespmem:v58+s11+$0x0], $0xffff  }
0x124: {  	[tilespmem:$0x14F38] =	vst v28;
	v48 =	vor.u32 s31, v0;
	v0 =	vld [tilespmem:$0x1FC60]  }
0x125: {  	v59 =	vor.u32 s31, v54;
	v58 =	vld.idx.msk [tilespmem:v13+s11+$0x0], $0xffff;
	[tilespmem:$0x15328] =	vst v55  }
0x126: {  	v28 =	vld.idx.msk [tilespmem:v44+s11+$0x0], $0xffff;
	[tilespmem:$0x15098] =	vst v30  }
0x127: {  	v41 =	vor.u32 s31, v42;
	[tilespmem:$0x14FB8] =	vst v26;
	v26 =	vld.idx.msk [tilespmem:v52+s11+$0x0], $0xffff  }
0x128: {  	[tilespmem:$0x14FE8] =	vst v24;
	v24 =	vld.idx.msk [tilespmem:v49+s11+$0x0], $0xffff  }
0x129: {  	[tilespmem:$0x14FF8] =	vst v25;
	v49 =	vor.u32 s31, v0;
	v0 =	vld [tilespmem:$0x1FC70]  }
0x12a: {  	v25 =	vld.idx.msk [tilespmem:v59+s11+$0x0], $0xffff;
	[tilespmem:$0x150D8] =	vst v61  }
0x12b: {  	v13 =	vor.u32 s31, v18;
	v30 =	vld.idx.msk [tilespmem:v63+s11+$0x0], $0xffff;
	[tilespmem:$0x15348] =	vst v58  }
0x12c: {  	v60 =	vor.u32 s31, v32;
	v44 =	vld.idx.msk [tilespmem:v41+s11+$0x0], $0xffff;
	[tilespmem:$0x15028] =	vst v28  }
0x12d: {  	v12 =	vor.u32 s31, v12;
	[tilespmem:$0x15018] =	vst v27;
	v21 =	vld.idx.msk [tilespmem:v21+s11+$0x0], $0xffff  }
0x12e: {  	[tilespmem:$0x15048] =	vst v50;
	v50 =	vor.u32 s31, v0;
	v0 =	vld [tilespmem:$0x1FC80]  }
0x12f: {  	v53 =	vor.u32 s31, v53;
	v61 =	vld.idx.msk [tilespmem:v56+s11+$0x0], $0xffff;
	[tilespmem:$0x15038] =	vst v29  }
0x130: {  	v63 =	vld.idx.msk [tilespmem:v13+s11+$0x0], $0xffff;
	[tilespmem:$0x150A8] =	vst v26  }
0x131: {  	v28 =	vld.idx.msk [tilespmem:v60+s11+$0x0], $0xffff;
	[tilespmem:$0x150E8] =	vst v25  }
0x132: {  	[tilespmem:$0x15138] =	vst v30;
	v57 =	vld.idx.msk [tilespmem:v12+s11+$0x0], $0xffff;
	v12 =	vor.u32 s31, v17  }
0x133: {  	[tilespmem:$0x151E8] =	vst v21;
	v21 =	vor.u32 s31, v0;
	v0 =	vld [tilespmem:$0x1FC00]  }
0x134: {  	v27 =	vld.idx.msk [tilespmem:v53+s11+$0x0], $0xffff;
	[tilespmem:$0x151D8] =	vst v44  }
0x135: {  	v29 =	vld.idx.msk [tilespmem:v62+s11+$0x0], $0xffff;
	[tilespmem:$0x15378] =	vst v61  }
0x136: {  	[tilespmem:$0x15088] =	vst v24;
	v24 =	vld.idx.msk [tilespmem:v35+s11+$0x0], $0xffff  }
0x137: {  	[tilespmem:$0x15398] =	vst v63;
	v62 =	vld.idx.msk [tilespmem:v12+s11+$0x0], $0xffff  }
0x138: {  	v51 =	vor.u32 s31, v4;
	[tilespmem:$0x15118] =	vst v28;
	v4 =	vor.u32 s31, v0;
	v0 =	vld [tilespmem:$0x1FC10]  }
0x139: {  	[tilespmem:$0x150B8] =	vst v27;
	v25 =	vld.idx.msk [tilespmem:v36+s11+$0x0], $0xffff  }
0x13a: {  	[tilespmem:$0x15128] =	vst v29;
	v26 =	vld.idx.msk [tilespmem:v37+s11+$0x0], $0xffff  }
0x13b: {  	[tilespmem:$0x15178] =	vst v24;
	v27 =	vld.idx.msk [tilespmem:v38+s11+$0x0], $0xffff  }
0x13c: {  	[tilespmem:$0x15338] =	vst v57;
	v28 =	vld.idx.msk [tilespmem:v39+s11+$0x0], $0xffff  }
0x13d: {  	v52 =	vor.u32 s31, v5;
	[tilespmem:$0x15388] =	vst v62;
	v42 =	vld.idx.msk [tilespmem:v40+s11+$0x0], $0xffff;
	v5 =	vor.u32 s31, v0  }
0x13e: {  	[tilespmem:$0x15188] =	vst v25;
	v22 =	vld.idx.msk [tilespmem:v22+s11+$0x0], $0xffff  }
0x13f: {  	[tilespmem:$0x15198] =	vst v26;
	v23 =	vld.idx.msk [tilespmem:v23+s11+$0x0], $0xffff  }
0x140: {  	[tilespmem:$0x151A8] =	vst v27;
	v29 =	vld.idx.msk [tilespmem:v43+s11+$0x0], $0xffff  }
0x141: {  	v9 =	vor.u32 s31, v9;
	[tilespmem:$0x151B8] =	vst v28;
	v4 =	vld.idx.msk [tilespmem:v4+s11+$0x0], $0xffff  }
0x142: {  	v10 =	vor.u32 s31, v10;
	[tilespmem:$0x151C8] =	vst v42;
	v5 =	vld.idx.msk [tilespmem:v5+s11+$0x0], $0xffff  }
0x143: {  	[tilespmem:$0x151F8] =	vst v22;
	v30 =	vld.idx.msk [tilespmem:v45+s11+$0x0], $0xffff  }
0x144: {  	[tilespmem:$0x15208] =	vst v23;
	v22 =	vld.idx.msk [tilespmem:v47+s11+$0x0], $0xffff  }
0x145: {  	[tilespmem:$0x15218] =	vst v29;
	v26 =	vld.idx.msk [tilespmem:v46+s11+$0x0], $0xffff  }
0x146: {  	v53 =	vor.u32 s31, v14;
	[tilespmem:$0x152B8] =	vst v4;
	v4 =	vld.idx.msk [tilespmem:v9+s11+$0x0], $0xffff  }
0x147: {  	v54 =	vor.u32 s31, v15;
	[tilespmem:$0x152C8] =	vst v5;
	v5 =	vld.idx.msk [tilespmem:v10+s11+$0x0], $0xffff  }
0x148: {  	[tilespmem:$0x15228] =	vst v30;
	v23 =	vld.idx.msk [tilespmem:v48+s11+$0x0], $0xffff  }
0x149: {  	[tilespmem:$0x15248] =	vst v22;
	v22 =	vld.idx.msk [tilespmem:v51+s11+$0x0], $0xffff  }
0x14a: {  	[tilespmem:$0x15238] =	vst v26;
	v24 =	vld.idx.msk [tilespmem:v49+s11+$0x0], $0xffff  }
0x14b: {  	v59 =	vor.u32 s31, v19;
	[tilespmem:$0x15308] =	vst v4;
	v4 =	vld.idx.msk [tilespmem:v53+s11+$0x0], $0xffff  }
0x14c: {  	v60 =	vor.u32 s31, v20;
	[tilespmem:$0x15318] =	vst v5;
	v5 =	vld.idx.msk [tilespmem:v54+s11+$0x0], $0xffff  }
0x14d: {  	[tilespmem:$0x15258] =	vst v23;
	v23 =	vld.idx.msk [tilespmem:v52+s11+$0x0], $0xffff  }
0x14e: {  	[tilespmem:$0x15298] =	vst v22;
	v25 =	vld.idx.msk [tilespmem:v50+s11+$0x0], $0xffff  }
0x14f: {  	[tilespmem:$0x15268] =	vst v24;
	v21 =	vld.idx.msk [tilespmem:v21+s11+$0x0], $0xffff  }
0x150: {  	[tilespmem:$0x15358] =	vst v4;
	v4 =	vld.idx.msk [tilespmem:v59+s11+$0x0], $0xffff  }
0x151: {  	[tilespmem:$0x15368] =	vst v5;
	v5 =	vld.idx.msk [tilespmem:v60+s11+$0x0], $0xffff  }
0x152: {  	s21 =	sadd.s32 $0x2, s21;
	v15 =	vld [tilespmem:$0x1FE80];
	[tilespmem:$0x152A8] =	vst v23  }
0x153: {  	p0 =	sne.s32 s21, $0x40;
	v18 =	vld [tilespmem:$0x1FEE0];
	[tilespmem:$0x15278] =	vst v25  }
.Ltmp0:
0x154: {  	v19 =	vld [tilespmem:$0x1FF00];
	[tilespmem:$0x15288] =	vst v21;
	(pc) =	sbr.rel @p0 .LBB2_2-.Ltmp0, $4  }
0x155: {  	v20 =	vld [tilespmem:$0x1FF20];
	[tilespmem:$0x153A8] =	vst v4  }
0x156: {  	v17 =	vld [tilespmem:$0x1FEC0];
	[tilespmem:$0x153B8] =	vst v5  }
0x157: {  	v22 =	vld [tilespmem:$0x1FF60];
	[hbm4b:s19+s3] =	stream.linear.scatter [tilespmem:s14], [sflag:$0x2], $0x500, $0x38  }
0x158: {  	s20 =	sadd.s32 $0x2710, s20;
	v21 =	vld [tilespmem:$0x1FF40];
	s19 =	sadd.s32 $0x2710, s19  }
0x159: {  	_ =	swait.ge [sflag:s15], $0x500  }
0x15a: {  	s19 =	simm.s32 $0x0;
	v4 =	vlaneseq.u32;
	[sflag:s15] =	ssyncset.done $0x0  }
0x15b: {  	v5 =	vmov s19;
	v4 =	vmul.u32 $0x4, v4;
	[sflag:s15] =	ssyncadd.s32 $0xFFFFFB00  }
0x15c: {  	v5 =	vshll.u32 v5, $0x2;
	_ =	swait.ge [sflag:s16], $0x500  }
0x15d: {  	v5 =	vor.u32 v4, v5;
	[sflag:s16] =	ssyncset.done $0x0  }
0x15e: {  	v6 =	vor.u32 $0x1, v5;
	[sflag:s16] =	ssyncadd.s32 $0xFFFFFB00  }
0x15f: {  	v7 =	vor.u32 $0x3, v5;
	[tilespmem:s11], [sflag:$0x1] =	stream.linear.gather [hbm4b:s5+s19], $0x2800, $0x38;
	[tilespmem:$0x153C8] =	vst v63  }
0x160: {  	_ =	swait.ge [sflag:s15], $0x2800  }
0x161: {  	s30 =	simm.s32 $0x10;
	[sflag:s15] =	ssyncset.done $0x0  }
0x162: {  	v8 =	vmov s30;
	[sflag:s15] =	ssyncadd.s32 $0xFFFFD800  }
0x163: {  	v8 =	vshll.u32 v8, $0x2;
	v6 =	vld.idx.msk [tilespmem:v6+s11+$0x0], $0xffff  }
0x164: {  	v8 =	vor.u32 v4, v8;
	v7 =	vld.idx.msk [tilespmem:v7+s11+$0x0], $0xffff  }
0x165: {  	v9 =	vor.u32 $0x1, v8  }
0x166: {  	s31 =	simm.s32 $0x20;
	v10 =	vor.u32 $0x3, v8;
	v11 =	vld.idx.msk [tilespmem:v5+s11+$0x0], $0xffff  }
0x167: {  	v5 =	vmov s31  }
0x168: {  	v12 =	vmul.u32 $0x1B0, v6;
	v6 =	vshll.u32 v5, $0x2  }
0x169: {  	v13 =	vmul.u32 $0x34500, v7;
	v7 =	vor.u32 v4, v6  }
0x16a: {  	v5 =	vld.idx.msk [tilespmem:v9+s11+$0x0], $0xffff;
	v9 =	vor.u32 $0x1, v7  }
0x16b: {  	v6 =	vld.idx.msk [tilespmem:v10+s11+$0x0], $0xffff;
	v11 =	vadd.s32 v11, v12;
	v10 =	vor.u32 $0x3, v7  }
0x16c: {  	s20 =	simm.s32 $0x30;
	s19 =	simm.s32 $0x31C8;
	v8 =	vld.idx.msk [tilespmem:v8+s11+$0x0], $0xffff;
	v11 =	vadd.s32 v13, v11  }
.LBB2_4:
0x16d: {  	v12 =	vmov s20;
	p0 =	sne.s32 s20, $0x9F0;
	s20 =	sadd.s32 $0x10, s20;
	[tilespmem:s19+$0x0] =	vst v11  }
.Ltmp1:
0x16e: {  	v11 =	vshll.u32 v12, $0x2;
	(pc) =	sbr.rel @p0 .LBB2_4-.Ltmp1, $4  }
0x16f: {  	v12 =	vmul.u32 $0x1B0, v5;
	v11 =	vor.u32 v4, v11;
	v5 =	vld.idx.msk [tilespmem:v9+s11+$0x0], $0xffff  }
0x170: {  	v13 =	vmul.u32 $0x34500, v6;
	v9 =	vor.u32 $0x1, v11;
	v6 =	vld.idx.msk [tilespmem:v10+s11+$0x0], $0xffff  }
0x171: {  	v10 =	vor.u32 $0x3, v11;
	v12 =	vadd.s32 v8, v12;
	v8 =	vld.idx.msk [tilespmem:v7+s11+$0x0], $0xffff;
	v7 =	vmov v11  }
0x172: {  	s19 =	sadd.s32 $0x10, s19;
	v11 =	vadd.s32 v13, v12  }
0x173: {  	_ =	sdelay $0x3  }
0x174: {  	v4 =	vld.idx.msk [tilespmem:v9+s11+$0x0], $0xffff  }
0x175: {  	v62 =	vld.idx.msk [tilespmem:v10+s11+$0x0], $0xffff  }
0x176: {  	v7 =	vld.idx.msk [tilespmem:v7+s11+$0x0], $0xffff;
	_ =	sdelay $0x1  }
0x177: {  	v5 =	vmul.u32 $0x1B0, v5  }
0x178: {  	v6 =	vmul.u32 $0x34500, v6;
	v4 =	vmul.u32 $0x1B0, v4  }
0x179: {  	v5 =	vadd.s32 v8, v5;
	v63 =	vmul.u32 $0x34500, v62  }
0x17a: {  	[tilespmem:s19+$0x0] =	vst v11;
	s31 =	sadd.s32 $0x10, s19;
	v5 =	vadd.s32 v6, v5;
	v4 =	vadd.s32 v7, v4  }
0x17b: {  	s19 =	sadd.s32 $0x10, s31;
	[tilespmem:s31+$0x0] =	vst v5;
	v4 =	vadd.s32 v63, v4  }
0x17c: {  	[tilespmem:s19+$0x0] =	vst v4  }
0x17d: {  	[spmem:s6] =	stream.linear.scatter [tilespmem:s17], [sflag:$0x1], $0xA00, $0x38;
	[tilespmem:$0x153C8] =	vst v63  }
0x17e: {  	_ =	swait.ge [sflag:s15], $0xA00  }
0x17f: {  	[sflag:s15] =	ssyncset.done $0x0  }
0x180: {  	[sflag:s15] =	ssyncadd.s32 $0xFFFFF600  }
0x181: {  	s20 =	simm.s32 $0x0;
	s19 =	simm.s32 $0x40;
	[bflag:$0x0] =	sbarrier.arrive $0xFFFF  }
.LBB2_6:
0x182: {  	p0 =	sne.s32 s19, $0x1A240;
	[tilespmem:s20+$0x9C8] =	vst v3;
	s20 =	smov.u32 s19;
	s19 =	sadd.s32 $0x40, s19  }
.Ltmp2:
0x183: {  	(pc) =	sbr.rel @p0 .LBB2_6-.Ltmp2, $2  }
0x184: {  	_ =	sdelay $0x2  }
0x185: {  	s20 =	sshra.s32 s20, $0x2  }
0x186: {  	[tilespmem:s20+$0x9C8] =	vst v3;
	s19 =	simm.s32 $0x72C8  }
0x187: {  	[tilespmem:s19], [sflag:$0x1] =	stream.linear.gather [spmem:s2], $0x9C80, $0x38;
	[tilespmem:$0x153C8] =	vst v63  }
0x188: {  	_ =	swait.ge [sflag:s15], $0x9C80  }
0x189: {  	[sflag:s15] =	ssyncset.done $0x0  }
0x18a: {  	[sflag:s15] =	ssyncadd.s32 $0xFFFF6380  }
0x18b: {  	v4 =	vld [tilespmem:s19+$0x0];
	_ =	sdelay $0x2  }
0x18c: {  	s28 =	simm.s32 $0x72D8  }
0x18d: {  	v5 =	vld [tilespmem:s28+$0x0]  }
0x18e: {  	v4 =	vsub.s32 v4, v2  }
0x18f: {  	vm0 =	vgt.s32 v4, $0x0  }
0x190: {  	v6 =	vnsel vm0, $0x0, v4  }
0x191: {  	vm0 =	vlt.u32 v4, $0x68A0;
	v4 =	vmin.u32 v6, $0x689F  }
0x192: {  	v5 =	vsub.s32 v5, v2;
	(xrf1) =	vunique.msk.u32 vm0, v4  }
0x193: {  	vm1 =	vgt.s32 v5, $0x0  }
0x194: {  	s29 =	simm.s32 $0x72E8;
	v6 =	vnsel vm1, $0x0, v5  }
0x195: {  	vm1 =	vlt.u32 v5, $0x68A0;
	v5 =	vmin.u32 v6, $0x689F;
	v6 =	vld [tilespmem:s29+$0x0];
	_ =	sdelay $0x2  }
0x196: {  	s30 =	simm.s32 $0x72F8  }
0x197: {  	v7 =	vld [tilespmem:s30+$0x0]  }
0x198: {  	(xrf1) =	vunique.msk.u32 vm1, v5;
	v6 =	vsub.s32 v6, v2  }
0x199: {  	vm2 =	vgt.s32 v6, $0x0  }
0x19a: {  	v8 =	vnsel vm2, $0x0, v6;
	_ =	sdelay $0x1  }
0x19b: {  	v7 =	vsub.s32 v7, v2  }
0x19c: {  	vm4 =	vgt.s32 v7, $0x0;
	vm0 =	vmmov vm0  }
0x19d: {  	vm0 =	vmmov vm0;
	vm3 =	vlt.u32 v6, $0x68A0;
	v6 =	vmin.u32 v8, $0x689F;
	_, v8, vm2 =	vpop (xrf1)  }
0x19e: {  	vm1 =	vmmov vm1;
	vm0 =	vmand vm0, vm2;
	v8 =	vnsel vm4, $0x0, v7  }
0x19f: {  	(xrf1) =	vunique.msk.u32 vm3, v6;
	vm2 =	vmmov vm1;
	vm1 =	vlt.u32 v7, $0x68A0;
	v8 =	vmin.u32 v8, $0x689F  }
0x1a0: {  	s31 =	simm.s32 $0x7308;
	(xrf1) =	vunique.msk.u32 vm1, v8  }
0x1a1: {  	v9 =	vld [tilespmem:s31+$0x0];
	_ =	sdelay $0x2  }
0x1a2: {  	s25 =	simm.s32 $0x0;
	v7 =	vlaneseq.u32  }
0x1a3: {  	s21 =	simm.s32 $0x10;
	s20 =	simm.s32 $0x20;
	s22 =	simm.s32 $0x40;
	_, v10, vm4 =	vpop (xrf1);
	v7 =	vadd.s32 $0x8, v7  }
0x1a4: {  	s23 =	simm.s32 $0x50;
	s24 =	simm.s32 $0x7318;
	s19 =	simm.s32 $0x30;
	v9 =	vsub.s32 v9, v2;
	vm3 =	vmmov vm3;
	v10 =	vadd.s32 s25, v7  }
.LBB2_8:
0x1a5: {  	p0 =	sne.s32 s23, $0x9C30;
	s25 =	smov.u32 s19  }
0x1a6: {  	v11 =	vld [tilespmem:s24+$0x0];
	vm5 =	vgt.s32 v9, $0x0;
	[tilespmem:v4+s11+$0x0] =	vst.idx.msk vm0, v10;
	vm0 =	vmand vm2, vm4;
	v4 =	vmovc v5;
	v5 =	vmovc v6;
	v6 =	vmov v8;
	s19 =	smov.u32 s22;
	s22 =	smov.u32 s23;
	s23 =	sadd.s32 $0x10, s23  }
0x1a7: {  	vm2 =	vmmov vm3;
	vm3 =	vmmov vm1;
	v8 =	vnsel vm5, $0x0, v9  }
.Ltmp3:
0x1a8: {  	vm1 =	vlt.u32 v9, $0x68A0;
	v8 =	vmin.u32 v8, $0x689F;
	(pc) =	sbr.rel @p0 .LBB2_8-.Ltmp3, $3  }
0x1a9: {  	(xrf1) =	vunique.msk.u32 vm1, v8;
	_ =	sdelay $0x1  }
0x1aa: {  	_, v10, vm4 =	vpop (xrf1)  }
0x1ab: {  	s24 =	sadd.s32 $0x10, s24;
	v9 =	vsub.s32 v11, v2;
	v10 =	vadd.s32 s21, v7;
	s21 =	smov.u32 s20;
	s20 =	smov.u32 s25  }
0x1ac: {  	vm5 =	vgt.s32 v9, $0x0  }
0x1ad: {  	v11 =	vnsel vm5, $0x0, v9  }
0x1ae: {  	vm11 =	vlt.u32 v9, $0x68A0;
	v60 =	vmin.u32 v11, $0x689F  }
0x1af: {  	(xrf1) =	vunique.msk.u32 vm11, v60;
	_ =	sdelay $0xb  }
0x1b0: {  	vm2 =	vmand vm2, vm4;
	vm3 =	vmmov vm3;
	vm1 =	vmmov vm1;
	_, v61, vm12 =	vpop (xrf1)  }
0x1b1: {  	vm3 =	vmand vm3, vm12;
	vm1 =	vmmov vm1;
	vm13 =	vmmov vm11;
	_, v62, vm14 =	vpop (xrf1)  }
0x1b2: {  	vm4 =	vmmov vm13;
	vm1 =	vmand vm1, vm14;
	_, v63, vm15 =	vpop (xrf1)  }
0x1b3: {  	vm4 =	vmand vm4, vm15;
	_ =	sdelay $0x1  }
0x1b4: {  	[tilespmem:v4+s11+$0x0] =	vst.idx.msk vm0, v10;
	v4 =	vadd.s32 s21, v7  }
0x1b5: {  	[tilespmem:v5+s11+$0x0] =	vst.idx.msk vm2, v4;
	v4 =	vadd.s32 s20, v7  }
0x1b6: {  	s18 =	sadd.s32 $0x1, s18;
	[tilespmem:v6+s11+$0x0] =	vst.idx.msk vm3, v4;
	v4 =	vadd.s32 s19, v7  }
0x1b7: {  	p0 =	sne.s32 s18, s8;
	[tilespmem:v8+s11+$0x0] =	vst.idx.msk vm1, v4;
	v4 =	vadd.s32 s22, v7  }
.Ltmp4:
0x1b8: {  	[tilespmem:v60+s11+$0x0] =	vst.idx.msk vm4, v4;
	(pc) =	sbr.rel @p0 .LBB2_1-.Ltmp4, $4  }
0x1b9: {  	[hbm4b:s7+s3] =	stream.linear.scatter [tilespmem:s11], [sflag:$0x1], $0x68A0, $0x38;
	[tilespmem:$0x153C8] =	vst v63  }
0x1ba: {  	_ =	swait.ge [sflag:s15], $0x68A0  }
0x1bb: {  	[sflag:s15] =	ssyncset.done $0x0  }
0x1bc: {  	[sflag:s15] =	ssyncadd.s32 $0xFFFF9760  }
0x1bd: {  	_ =	sfence.sel $0x180000  }
0x1be: {  	[bflag:$0x0] =	sbarrier.arrive $0xFFFF  }
0x1bf: {  	p0 =	sne.s32 s0, $0x0;
	_ =	strace $0x90000047  }
0x1c0: {  	s0 =	sadd.s32 @!p0 $0x100000, s1;
	[bflag:$0x2] =	sbarrier.arrive $0xFFFF  }
0x1c1: {  	[sflag:s0] =	ssyncadd.tile.s32 @!p0 $0x1;
	_ =	shalt  }
.Lfunc_end2:
_tile_overlayer_lowered:
.L_overlay_start_2:
0x1c2: {  	(tag) =	ssettag $0x2  }
0x1c3: {  	s0 =	rddreg [dreg:$0x0];
	s2 =	stileid.u32  }
0x1c4: {  	s1 =	rddreg [dreg:$0x1];
	p0 =	sne.s32 s2, $0x0  }
0x1c5: {  	s3 =	rddreg [dreg:$0x2];
	[bflag:$0x3] =	sbarrier.arrive $0xFFFF;
	s2 =	simm.s32 @!p0 $0x1C01  }
0x1c6: {  	[timem:s3], [sflag:s2] =	dma.local @!p0 [hbm:s0], s1  }
0x1c7: {  	s0 =	simm.s32 @!p0 $0x1  }
0x1c8: {  	_ =	swait.ge @!p0 [sflag:s0], s1  }
0x1c9: {  	s1 =	ssub.s32 @!p0 $0x0, s1;
	[sflag:s0] =	ssyncset.done @!p0 $0x0  }
0x1ca: {  	[sflag:s0] =	ssyncadd.s32 @!p0 s1  }
0x1cb: {  	[bflag:$0x3] =	sbarrier.arrive $0xFFFF  }
0x1cc: {  	_ =	shalt  }

// kernel: kernel.7.cloned.1.call-start
scs
__scs_entry_jumppad:
0x0: {  	(pc) =	sbr.rel $0x88, $3  }
0x1: {  	(tag) =	ssettag $0x0;
	lr =	simm.s32 $0x1  }
0x2: {  	[smem:$0x3F9F] =	sst lr;
	_ =	strace $0xD0000000  }
0x3: {  	_ = 	snop  }
0x4: {  	_ = 	snop  }
0x5: {  	_ = 	snop  }
0x6: {  	_ = 	snop  }
0x7: {  	_ = 	snop  }
__scs_overlays_trampoline_lowered:
0x8: {  	[smem:$0x3FAE] =	sst s0  }
0x9: {  	[smem:$0x3FAF] =	sst s1  }
0xa: {  	[smem:$0x3FB0] =	sst s2  }
0xb: {  	[smem:$0x3FB1] =	sst s3  }
0xc: {  	[smem:$0x3FB2] =	sst s4  }
0xd: {  	[smem:$0x3FB3] =	sst s5  }
0xe: {  	[smem:$0x3FB4] =	sst s6  }
0xf: {  	[smem:$0x3FB5] =	sst s7  }
0x10: {  	[smem:$0x3FB6] =	sst s8  }
0x11: {  	[smem:$0x3FB7] =	sst s9;
	s0 =	simm.s32 @!p0 $0x0  }
0x12: {  	s1 =	sld [smem:$0x3F9D];
	s0 =	simm.s32 @p0 $0x1  }
0x13: {  	[smem:$0x3FB8] =	sst s0;
	s0 =	simm.s32 @!p1 $0x0  }
0x14: {  	s2 =	sld [smem:$0x3F9C];
	s0 =	simm.s32 @p1 $0x1  }
0x15: {  	[smem:$0x3FB9] =	sst s0;
	s0 =	simm.s32 @!p2 $0x0  }
0x16: {  	s3 =	sld [smem:$0x3FDB];
	s0 =	simm.s32 @p2 $0x1  }
0x17: {  	s4 =	simm.s32 $0x1BF5;
	[smem:$0x3FBB] =	sst s0  }
0x18: {  	s0 =	sld [smem:$0x3F9E];
	_ =	swait.ge [sflag:s4], $0x0  }
0x19: {  	s7 =	sld [smem:$0x3F9F]  }
0x1a: {  	s8 =	sadd.s32 $0xFFFFE003, lr  }
0x1b: {  	s9 =	sadd.s32 $0xFFFFFEF7, lr;
	s5 =	simm.s32 $0xFFFFFFFF;
	p2 =	slt.u32 s8, $0xFFFFF086  }
0x1c: {  	p1 =	slt.u32 s9, $0xF7A;
	s5 =	simm.s32 @!p2 $0x0  }
0x1d: {  	s5 =	simm.s32 @p1 $0x1;
	p0 =	seq.s32 s7, s2  }
0x1e: {  	s7 =	smul.u32 @!p0 $0xF7A, s2;
	p2 =	seq.s32 @!p0 s5, $0x0  }
0x1f: {  	s9 =	smul.u32 $0xF7A, s1;
	s8 =	simm.s32 @!p0 $0x1BF5;
	p2 =	por !p2, p0  }
0x20: {  	[sflag:s8] =	ssyncset.s32 @!p0 $0xFFFFF086;
	s6 =	sadd.s32 @!p0 s3, s7;
	s7 =	simm.s32 @!p0 $0x108  }
0x21: {  	s3 =	sadd.s32 s3, s9;
	s6 =	sadd.s32 @!p0 $0x88, s6;
	s7 =	simm.s32 @p2 $0x1082  }
0x22: {  	[simem:s7], [sflag:s8] =	dma.local @!p0 [hbm:s6], $0xF7A  }
0x23: {  	s9 =	sor.u32 $0xD0000000, s2;
	s6 =	simm.s32 $0x108;
	_ =	swait.ge @!p0 [sflag:s8], $0x0  }
0x24: {  	s3 =	sadd.s32 $0x88, s3;
	s6 =	simm.s32 @!p1 $0x1082;
	[sflag:s4] =	ssyncset.s32 $0xFFFFF086  }
0x25: {  	[simem:s6], [sflag:s4] =	dma.local [hbm:s3], $0xF7A  }
0x26: {  	[smem:$0x3F9F] =	sst s1;
	(tag) =	ssettag s2;
	_ =	strace s9  }
0x27: {  	s1 =	sld [smem:$0x3FAF]  }
0x28: {  	s2 =	sld [smem:$0x3FB0]  }
0x29: {  	s4 =	sld [smem:$0x3FB2]  }
0x2a: {  	p0 =	seq.s32 s5, $0x0;
	s5 =	sld [smem:$0x3FB3]  }
0x2b: {  	s6 =	sld [smem:$0x3FB4]  }
0x2c: {  	s7 =	sld [smem:$0x3FB5]  }
0x2d: {  	s3 =	simm.s32 $0x108;
	s8 =	sld [smem:$0x3FB6]  }
0x2e: {  	s3 =	simm.s32 @!p0 $0x1082;
	s9 =	sld [smem:$0x3FB7]  }
0x2f: {  	lr =	sadd.s32 s0, s3;
	s0 =	sld [smem:$0x3FAE]  }
0x30: {  	s3 =	sld [smem:$0x3FB1]  }
0x31: {  	[smem:$0x3FBA] =	sst s10  }
0x32: {  	s10 =	sld [smem:$0x3FB8];
	_ =	sdelay $0x3  }
0x33: {  	p0 =	seq.s32 s10, $0x1;
	s10 =	sld [smem:$0x3FBA];
	_ =	sdelay $0x3  }
0x34: {  	[smem:$0x3FBA] =	sst s10  }
0x35: {  	s10 =	sld [smem:$0x3FB9];
	_ =	sdelay $0x3  }
0x36: {  	p1 =	seq.s32 s10, $0x1;
	s10 =	sld [smem:$0x3FBA];
	_ =	sdelay $0x3  }
0x37: {  	[smem:$0x3FBA] =	sst s10  }
0x38: {  	s10 =	sld [smem:$0x3FBB]  }
0x39: {  	_ = 	snop;
	(pc) =	sbr.ind lr, $3  }
0x3a: {  	_ = 	snop  }
0x3b: {  	_ = 	snop  }
0x3c: {  	p2 =	seq.s32 s10, $0x1;
	s10 =	sld [smem:$0x3FBA]  }
0x3d: {  	_ =	shalt  }
0x3e: {  	_ =	shalt  }
0x3f: {  	_ =	shalt  }
0x40: {  	_ =	shalt  }
0x41: {  	_ =	shalt  }
0x42: {  	_ =	shalt  }
0x43: {  	_ =	shalt  }
0x44: {  	_ =	shalt  }
0x45: {  	_ =	shalt  }
0x46: {  	_ =	shalt  }
0x47: {  	_ =	shalt  }
0x48: {  	_ =	shalt  }
0x49: {  	_ =	shalt  }
0x4a: {  	_ =	shalt  }
0x4b: {  	_ =	shalt  }
0x4c: {  	_ =	shalt  }
0x4d: {  	_ =	shalt  }
0x4e: {  	_ =	shalt  }
0x4f: {  	_ =	shalt  }
0x50: {  	_ =	shalt  }
0x51: {  	_ =	shalt  }
0x52: {  	_ =	shalt  }
0x53: {  	_ =	shalt  }
0x54: {  	_ =	shalt  }
0x55: {  	_ =	shalt  }
0x56: {  	_ =	shalt  }
0x57: {  	_ =	shalt  }
0x58: {  	_ =	shalt  }
0x59: {  	_ =	shalt  }
0x5a: {  	_ =	shalt  }
0x5b: {  	_ =	shalt  }
0x5c: {  	_ =	shalt  }
0x5d: {  	_ =	shalt  }
0x5e: {  	_ =	shalt  }
0x5f: {  	_ =	shalt  }
0x60: {  	_ =	shalt  }
0x61: {  	_ =	shalt  }
0x62: {  	_ =	shalt  }
0x63: {  	_ =	shalt  }
0x64: {  	_ =	shalt  }
0x65: {  	_ =	shalt  }
0x66: {  	_ =	shalt  }
0x67: {  	_ =	shalt  }
0x68: {  	_ =	shalt  }
0x69: {  	_ =	shalt  }
0x6a: {  	_ =	shalt  }
0x6b: {  	_ =	shalt  }
0x6c: {  	_ =	shalt  }
0x6d: {  	_ =	shalt  }
0x6e: {  	_ =	shalt  }
0x6f: {  	_ =	shalt  }
0x70: {  	_ =	shalt  }
0x71: {  	_ =	shalt  }
0x72: {  	_ =	shalt  }
0x73: {  	_ =	shalt  }
0x74: {  	_ =	shalt  }
0x75: {  	_ =	shalt  }
0x76: {  	_ =	shalt  }
0x77: {  	_ =	shalt  }
0x78: {  	_ =	shalt  }
0x79: {  	_ =	shalt  }
0x7a: {  	_ =	shalt  }
0x7b: {  	_ =	shalt  }
0x7c: {  	_ =	shalt  }
0x7d: {  	_ =	shalt  }
0x7e: {  	_ =	shalt  }
0x7f: {  	_ =	shalt  }
0x80: {  	_ =	shalt  }
0x81: {  	_ =	shalt  }
0x82: {  	_ =	shalt  }
0x83: {  	_ =	shalt  }
0x84: {  	_ =	shalt  }
0x85: {  	_ =	shalt  }
0x86: {  	_ =	shalt  }
0x87: {  	_ =	shalt  }
.Lfunc_end0:
.L_simem_size_0:
called_computation.1_lowered:
.L_overlay_start_0:
0x88: {  	s2 =	sld [smem:$0x3FD9]  }
0x89: {  	s3 =	sld [smem:$0x3FFE];
	_ =	sdelay $0x1  }
0x8a: {  	s1 =	srdreg.scid  }
0x8b: {  	s0 =	sand.u32 $0x1, s1  }
0x8c: {  	s16 =	sshll.u32 s0, $0xA;
	s2 =	sadd.s32 s3, s2  }
0x8d: {  	s2 =	sadd.s32 s2, s16  }
0x8e: {  	[smem:$0x3FC6] =	sst s2  }
0x8f: {  	_ = 	snop  }
0x90: {  	(tm) =	ssettm $0x1  }
0x91: {  	s17 =	sld [smem:$0x3FFB];
	_ =	sdelay $0x3  }
0x92: {  	_ =	strace s17  }
0x93: {  	s2 =	sld [smem:$0x3FFC];
	_ =	sdelay $0x3  }
0x94: {  	_ =	strace s2  }
0x95: {  	s2 =	sld [smem:$0x3FFD];
	_ =	sdelay $0x3  }
0x96: {  	_ =	strace s2  }
0x97: {  	_ =	strace $0x8FFFFFFF  }
0x98: {  	s18 =	sld [smem:$0x3FDB];
	_ =	sdelay $0x1  }
0x99: {  	s19 =	simm.s32 $_scs_section_size  }
0x9a: {  	s4 =	simm.s32 $_size__tile_overlayer_lowered;
	s5 =	simm.s32 $_tile_overlayer_lowered  }
0x9b: {  	s22 =	simm.s32 $0x1BFF;
	s21 =	sshll.u32 s5, $0x1;
	s2 =	sadd.s32 s19, s18  }
0x9c: {  	s6 =	simm.s32 $0x0;
	s20 =	sshll.u32 s4, $0x1;
	s4 =	sadd.s32 s21, s2  }
0x9d: {  	[timem:s6], [sflag:s22] =	dma.local [hbm:s4], s20  }
0x9e: {  	_ =	swait.ge [sflag:s22], s20  }
0x9f: {  	s3 =	ssub.s32 $0x0, s20;
	[sflag:s22] =	ssyncset.done $0x0  }
0xa0: {  	[sflag:s22] =	ssyncadd.s32 s3;
	_ =	sdelay $0x1  }
0xa1: {  	s23 =	simm.s32 $0x1B8B  }
0xa2: {  	_ =	swait.ge [sflag:s23], $0x1  }
0xa3: {  	[sflag:s23] =	ssyncset.done $0x0  }
0xa4: {  	s25 =	simm.s32 $0x1B8E;
	s24 =	sld [smem:$0x3FFE];
	[sflag:s23] =	ssyncadd.s32 $0xFFFFFFFF  }
0xa5: {  	s26 =	simm.s32 $execute0_lowered;
	[smem:$0x3FD2] =	sst s25  }
0xa6: {  	s4 =	sshll.u32 s26, $0x1;
	_ =	strace $0x80000049;
	[dreg:$0x1] =	wrdreg $0xFFFFFFFF  }
0xa7: {  	s28 =	simm.s32 $_size_execute0_lowered;
	s2 =	sadd.s32 s2, s4;
	[dreg:$0x0] =	wrdreg $0x0  }
0xa8: {  	s4 =	sshll.u32 s28, $0x1;
	[dreg:$0x2] =	wrdreg s2  }
0xa9: {  	[dreg:$0x3] =	wrdreg s4  }
0xaa: {  	[dreg:$0x4] =	wrdreg $0xC0  }
0xab: {  	_ =	task [dreg:s6], $0x5FFFF  }
0xac: {  	[dreg:$0x1] =	wrdreg $0xFFFFFFFF  }
0xad: {  	[dreg:$0x0] =	wrdreg $0x60  }
0xae: {  	[dreg:$0x2] =	wrdreg s24  }
0xaf: {  	[dreg:$0x3] =	wrdreg $0x9  }
0xb0: {  	_ =	task.clear_ibuf [dreg:s6], $0x4FFFF;
	_ =	strace $0x90000049  }
0xb1: {  	s29 =	simm.s32 $0x9;
	_ =	strace $0x8000004B  }
0xb2: {  	_ =	swait.ge [sflag:s29], $0x1  }
0xb3: {  	[sflag:s29] =	ssyncadd.s32 $0xFFFFFFFF  }
0xb4: {  	_ =	strace $0x9000004B  }
0xb5: {  	_ =	sfence  }
0xb6: {  	s30 =	sld [smem:$0x0];
	_ =	sdelay $0x2  }
0xb7: {  	s31 =	sshll.u32 s1, $0xD;
	s1 =	sshrl.u32 s1, $0x2  }
0xb8: {  	s3 =	sand.u32 $0x4000, s31;
	s1 =	sadd.s32 s1, s30  }
0xb9: {  	s0 =	sor.u32 s3, s0;
	s1 =	sshll.u32 s1, $0x11  }
0xba: {  	s0 =	sor.u32 s1, s0  }
0xbb: {  	s0 =	sadd.s32 $0x8F2B, s0  }
0xbc: {  	[sflag:s0] =	ssyncadd.remote.s32 $0x1  }
0xbd: {  	_ =	sfence.sel $0xFFFF  }
0xbe: {  	[dreg:$0x0] =	wrdreg $0xFFFFFFFF;
	(pc) =	sbr.abs _section_cstart, $3  }
0xbf: {  	[dreg:$0x1] =	wrdreg $0xFFFFFFFF  }
0xc0: {  	_ =	task.clear_ibuf [dreg:s6], $0x2FFFF;
	_ =	strace $0x9FFFFFFF  }
0xc1: {  	(tm) =	ssettm $0x7FFFFFFF  }
tec
execute0_lowered:
.L_overlay_start_1:
0x0: {  	(tag) =	ssettag $0x1  }
0x1: {  	s0 =	rddreg [dreg:$0x0];
	s2 =	simm.s32 $0x0;
	s1 =	srdreg.scid  }
0x2: {  	s3 =	stileid.u32;
	s11 =	simm.s32 $0x7;
	s14 =	simm.s32 $0x1  }
0x3: {  	s15 =	simm.s32 $0x14680;
	s16 =	simm.s32 $0x9C80;
	s17 =	simm.s32 $0x15400  }
0x4: {  	s18 =	simm.s32 $0x16400;
	s19 =	simm.s32 $0x2;
	s20 =	simm.s32 $0x17400  }
0x5: {  	s21 =	simm.s32 $0x18400;
	s22 =	simm.s32 $0x3;
	s23 =	simm.s32 $0x4  }
0x6: {  	s24 =	simm.s32 $0x5;
	s25 =	simm.s32 $0x6;
	s26 =	simm.s32 $0x0  }
0x7: {  	[smem:$0x7FF] =	sst s2;
	s1 =	sand.u32 $0x1, s1;
	s3 =	sshll.u32 s3, $0x1  }
0x8: {  	s6 =	sadd.s32 $0x5E00, s0;
	s4 =	sadd.s32 $0x6E400, s0;
	s5 =	sor.u32 s1, s3  }
0x9: {  	_ =	strace $0x8000004A;
	s7 =	sshllo.u32 s5, $0x1;
	s8 =	smul.u32 $0x2710, s5  }
0xa: {  	s1 =	ssub.s32 $0x2, s1;
	s3 =	sadd.s32 $0x54000, s0;
	s10 =	smul.u32 $0x1388, s7  }
0xb: {  	s9 =	sshrl.u32 s1, $0x1;
	s5 =	smul.u32 $0x7C000, s5;
	s30 =	sadd.s32 s6, s8  }
0xc: {  	s29 =	ssub.s32 s1, s9;
	[dreg:$0x2] =	wrdreg s30;
	s31 =	sadd.s32 s6, s10  }
0xd: {  	v0 =	vimm.f32 $0.0e+00;
	s8 =	smul.u32 $0x3E000, s7;
	s9 =	smax.u32 s29, $0x1;
	[dreg:$0x3] =	wrdreg s31  }
.LBB2_1:
0xe: {  	[tilespmem:$0x0] =	vst v0  }
0xf: {  	[tilespmem:$0x9C80] =	vst v0;
	s0 =	rddreg [dreg:$0x2];
	s1 =	simm.s32 $0x8  }
0x10: {  	[tilespmem:s1], [sflag:$0x7] =	stream.linear.gather [hbm4b:s0+s2], $0x9C40, $0x38;
	[tilespmem:$0x19400] =	vst v63  }
0x11: {  	_ =	swait.ge [sflag:s11], $0x9C40  }
0x12: {  	[sflag:s11] =	ssyncset.done $0x0  }
0x13: {  	s30 =	simm.s32 $0x9C88;
	s29 =	rddreg [dreg:$0x3];
	[sflag:s11] =	ssyncadd.s32 $0xFFFF63C0  }
0x14: {  	[tilespmem:s30], [sflag:$0x7] =	stream.linear.gather [hbm4b:s29+s2], $0x9C40, $0x38;
	[tilespmem:$0x19400] =	vst v63  }
0x15: {  	_ =	swait.ge [sflag:s11], $0x9C40  }
0x16: {  	[sflag:s11] =	ssyncset.done $0x0  }
0x17: {  	s31 =	simm.s32 $0x13900;
	s28 =	simm.s32 $0x0;
	[sflag:s11] =	ssyncadd.s32 $0xFFFF63C0  }
0x18: {  	[tilespmem:s31], [sflag:$0x1] =	stream.linear.gather [hbm4b:s3+s2], $0xD80, $0x38;
	[tilespmem:$0x19400] =	vst v63  }
.LBB2_2:
0x19: {  	s29 =	sshllo.u32 s28, $0x1  }
0x1a: {  	_ =	swait.ge [sflag:s14], $0xD80;
	s0 =	smul.u32 $0x1B0, s29  }
0x1b: {  	[sflag:s14] =	ssyncset.done $0x0  }
0x1c: {  	p0 =	seq.s32 s28, $0x0;
	[sflag:s14] =	ssyncadd.s32 $0xFFFFF280;
	s0 =	sadd.s32 s3, s0  }
0x1d: {  	[tilespmem:s15], [sflag:$0x2] =	stream.linear.gather [hbm4b:s0+s2], $0xD80, $0x38;
	[tilespmem:$0x19400] =	vst v63  }
0x1e: {  	s0 =	simm.s32 @!p0 $0x3  }
0x1f: {  	_ =	swait.ge @!p0 [sflag:s0], $0x1000  }
0x20: {  	[sflag:s0] =	ssyncset.done @!p0 $0x0  }
0x21: {  	[sflag:s0] =	ssyncadd.s32 @!p0 $0xFFFFF000;
	s0 =	simm.s32 @!p0 $0x4  }
0x22: {  	_ =	swait.ge @!p0 [sflag:s0], $0x1000  }
0x23: {  	s1 =	simm.s32 $0x0;
	[sflag:s0] =	ssyncset.done @!p0 $0x0  }
0x24: {  	s6 =	sand.u32 $0xFF0, s1;
	[sflag:s0] =	ssyncadd.s32 @!p0 $0xFFFFF000  }
0x25: {  	s30 =	simm.s32 $0x139D0;
	v1 =	vld [tilespmem:s6+$0x13980]  }
0x26: {  	v2 =	vld [tilespmem:s30+$0xFFFFFFA0]  }
0x27: {  	v3 =	vld [tilespmem:s30+$0xFFFFFF90]  }
0x28: {  	v4 =	vld [tilespmem:s30+$0xFFFFFF30]  }
0x29: {  	v5 =	vld [tilespmem:s30+$0xFFFFFF80]  }
0x2a: {  	v6 =	vld [tilespmem:s30+$0xFFFFFF40]  }
0x2b: {  	v7 =	vld [tilespmem:s30+$0xFFFFFF70]  }
0x2c: {  	v8 =	vld [tilespmem:s30+$0xFFFFFF50]  }
0x2d: {  	v9 =	vld [tilespmem:s30+$0xFFFFFF60]  }
0x2e: {  	v10 =	vld.idx.msk [tilespmem:v2+s16+$0x0], $0xffff  }
0x2f: {  	v2 =	vld.idx.msk [tilespmem:v2+s2+$0x0], $0xffff  }
0x30: {  	v11 =	vld.idx.msk [tilespmem:v3+s16+$0x0], $0xffff  }
0x31: {  	v3 =	vld.idx.msk [tilespmem:v3+s2+$0x0], $0xffff  }
0x32: {  	v12 =	vld.idx.msk [tilespmem:v4+s2+$0x0], $0xffff  }
0x33: {  	v13 =	vld.idx.msk [tilespmem:v5+s2+$0x0], $0xffff  }
0x34: {  	v5 =	vld.idx.msk [tilespmem:v5+s16+$0x0], $0xffff  }
0x35: {  	v4 =	vld.idx.msk [tilespmem:v4+s16+$0x0], $0xffff  }
0x36: {  	v14 =	vld.idx.msk [tilespmem:v6+s2+$0x0], $0xffff  }
0x37: {  	v15 =	vld.idx.msk [tilespmem:v7+s16+$0x0], $0xffff  }
0x38: {  	v6 =	vld.idx.msk [tilespmem:v6+s16+$0x0], $0xffff  }
0x39: {  	v7 =	vld.idx.msk [tilespmem:v7+s2+$0x0], $0xffff  }
0x3a: {  	v16 =	vld.idx.msk [tilespmem:v8+s2+$0x0], $0xffff  }
0x3b: {  	v17 =	vld.idx.msk [tilespmem:v1+s16+$0x0], $0xffff  }
0x3c: {  	v8 =	vld.idx.msk [tilespmem:v8+s16+$0x0], $0xffff  }
0x3d: {  	v1 =	vld.idx.msk [tilespmem:v1+s2+$0x0], $0xffff  }
0x3e: {  	s0 =	simm.s32 $0x15C00;
	v18 =	vld.idx.msk [tilespmem:v9+s16+$0x0], $0xffff  }
0x3f: {  	s1 =	simm.s32 $0x16C00;
	v9 =	vld.idx.msk [tilespmem:v9+s2+$0x0], $0xffff;
	[tilespmem:s0+$0xFFFFF800] =	vst v12  }
0x40: {  	[tilespmem:s1+$0xFFFFF800] =	vst v4  }
0x41: {  	[tilespmem:s0+$0xFFFFF810] =	vst v14  }
0x42: {  	[tilespmem:s1+$0xFFFFF810] =	vst v6  }
0x43: {  	[tilespmem:s0+$0xFFFFF820] =	vst v16  }
0x44: {  	[tilespmem:s1+$0xFFFFF820] =	vst v8  }
0x45: {  	[tilespmem:s0+$0xFFFFF830] =	vst v9  }
0x46: {  	[tilespmem:s1+$0xFFFFF830] =	vst v18  }
0x47: {  	[tilespmem:s0+$0xFFFFF840] =	vst v7  }
0x48: {  	[tilespmem:s1+$0xFFFFF840] =	vst v15  }
0x49: {  	[tilespmem:s0+$0xFFFFF850] =	vst v13  }
0x4a: {  	[tilespmem:s1+$0xFFFFF850] =	vst v5  }
0x4b: {  	[tilespmem:s0+$0xFFFFF860] =	vst v3  }
0x4c: {  	[tilespmem:s1+$0xFFFFF860] =	vst v11  }
0x4d: {  	[tilespmem:s0+$0xFFFFF870] =	vst v2  }
0x4e: {  	[tilespmem:s1+$0xFFFFF870] =	vst v10  }
0x4f: {  	[tilespmem:s0+$0xFFFFFC00] =	vst v1  }
0x50: {  	[tilespmem:s1+$0xFFFFFC00] =	vst v17  }
0x51: {  	v1 =	vld [tilespmem:s30+$0xFFFFFFF0]  }
0x52: {  	v2 =	vld [tilespmem:s30+$0x40]  }
0x53: {  	v3 =	vld [tilespmem:s30+$0xFFFFFFC0]  }
0x54: {  	v4 =	vld [tilespmem:s30+$0xFFFFFFD0]  }
0x55: {  	v5 =	vld [tilespmem:s30+$0x10]  }
0x56: {  	v6 =	vld [tilespmem:s30+$0xFFFFFFE0]  }
0x57: {  	v7 =	vld [tilespmem:s30+$0x0]  }
0x58: {  	v8 =	vld [tilespmem:s30+$0x20]  }
0x59: {  	v14 =	vld [tilespmem:s6+$0x13A00]  }
0x5a: {  	v9 =	vld.idx.msk [tilespmem:v1+s2+$0x0], $0xffff  }
0x5b: {  	v10 =	vld.idx.msk [tilespmem:v2+s16+$0x0], $0xffff  }
0x5c: {  	v11 =	vld.idx.msk [tilespmem:v3+s2+$0x0], $0xffff  }
0x5d: {  	v3 =	vld.idx.msk [tilespmem:v3+s16+$0x0], $0xffff  }
0x5e: {  	v12 =	vld.idx.msk [tilespmem:v5+s16+$0x0], $0xffff  }
0x5f: {  	v13 =	vld.idx.msk [tilespmem:v4+s16+$0x0], $0xffff  }
0x60: {  	v4 =	vld.idx.msk [tilespmem:v4+s2+$0x0], $0xffff  }
0x61: {  	v2 =	vld.idx.msk [tilespmem:v2+s2+$0x0], $0xffff  }
0x62: {  	v1 =	vld.idx.msk [tilespmem:v1+s16+$0x0], $0xffff  }
0x63: {  	v15 =	vld.idx.msk [tilespmem:v6+s2+$0x0], $0xffff  }
0x64: {  	v16 =	vld.idx.msk [tilespmem:v8+s16+$0x0], $0xffff  }
0x65: {  	v8 =	vld.idx.msk [tilespmem:v8+s2+$0x0], $0xffff  }
0x66: {  	v5 =	vld.idx.msk [tilespmem:v5+s2+$0x0], $0xffff  }
0x67: {  	v6 =	vld.idx.msk [tilespmem:v6+s16+$0x0], $0xffff  }
0x68: {  	v17 =	vld.idx.msk [tilespmem:v7+s16+$0x0], $0xffff  }
0x69: {  	v7 =	vld.idx.msk [tilespmem:v7+s2+$0x0], $0xffff  }
0x6a: {  	v18 =	vld.idx.msk [tilespmem:v14+s16+$0x0], $0xffff  }
0x6b: {  	v14 =	vld.idx.msk [tilespmem:v14+s2+$0x0], $0xffff;
	[tilespmem:s0+$0xFFFFFC10] =	vst v11  }
0x6c: {  	[tilespmem:s1+$0xFFFFFC10] =	vst v3  }
0x6d: {  	[tilespmem:s0+$0xFFFFFC20] =	vst v4  }
0x6e: {  	[tilespmem:s1+$0xFFFFFC20] =	vst v13  }
0x6f: {  	[tilespmem:s0+$0xFFFFFC30] =	vst v15  }
0x70: {  	[tilespmem:s1+$0xFFFFFC30] =	vst v6  }
0x71: {  	[tilespmem:s0+$0xFFFFFC40] =	vst v9  }
0x72: {  	[tilespmem:s1+$0xFFFFFC40] =	vst v1  }
0x73: {  	[tilespmem:s0+$0xFFFFFC50] =	vst v7  }
0x74: {  	[tilespmem:s1+$0xFFFFFC50] =	vst v17  }
0x75: {  	[tilespmem:s0+$0xFFFFFC60] =	vst v5  }
0x76: {  	[tilespmem:s1+$0xFFFFFC60] =	vst v12  }
0x77: {  	[tilespmem:s0+$0xFFFFFC70] =	vst v8  }
0x78: {  	[tilespmem:s1+$0xFFFFFC70] =	vst v16  }
0x79: {  	[tilespmem:s0+$0x0] =	vst v14  }
0x7a: {  	[tilespmem:s1+$0x0] =	vst v18  }
0x7b: {  	[tilespmem:s0+$0x10] =	vst v2  }
0x7c: {  	[tilespmem:s1+$0x10] =	vst v10  }
0x7d: {  	v1 =	vld [tilespmem:s30+$0x50]  }
0x7e: {  	v8 =	vld [tilespmem:s30+$0x60]  }
0x7f: {  	v5 =	vld [tilespmem:s30+$0x70]  }
0x80: {  	v4 =	vld [tilespmem:s30+$0x80]  }
0x81: {  	v6 =	vld [tilespmem:s30+$0x90]  }
0x82: {  	v3 =	vld [tilespmem:s30+$0xA0]  }
0x83: {  	s12 =	sshll.u32 s28, $0x1;
	v7 =	vld [tilespmem:s6+$0x13A80]  }
0x84: {  	s13 =	simm.s32 $0x1B0;
	s31 =	simm.s32 $0x15C00;
	s10 =	simm.s32 $0x16C00;
	v2 =	vld [tilespmem:s30+$0xC0]  }
.LBB2_3:
0x85: {  	v9 =	vld [tilespmem:s30+$0xD0];
	s30 =	sadd.s32 $0x1B0, s30;
	s0 =	sadd.s32 $0x80, s0;
	s1 =	sadd.s32 $0x80, s1  }
0x86: {  	p0 =	sne.s32 s13, $0xBD0;
	s6 =	smov.u32 s13;
	s13 =	sadd.s32 $0x1B0, s13;
	v10 =	vld.idx.msk [tilespmem:v8+s2+$0x0], $0xffff  }
0x87: {  	v8 =	vld.idx.msk [tilespmem:v8+s16+$0x0], $0xffff  }
0x88: {  	v11 =	vld.idx.msk [tilespmem:v5+s2+$0x0], $0xffff  }
0x89: {  	v5 =	vld.idx.msk [tilespmem:v5+s16+$0x0], $0xffff  }
0x8a: {  	v12 =	vld.idx.msk [tilespmem:v6+s16+$0x0], $0xffff  }
0x8b: {  	v6 =	vld.idx.msk [tilespmem:v6+s2+$0x0], $0xffff  }
0x8c: {  	v13 =	vld.idx.msk [tilespmem:v7+s2+$0x0], $0xffff  }
0x8d: {  	v7 =	vld.idx.msk [tilespmem:v7+s16+$0x0], $0xffff  }
0x8e: {  	v14 =	vld.idx.msk [tilespmem:v3+s16+$0x0], $0xffff  }
0x8f: {  	v15 =	vld.idx.msk [tilespmem:v4+s16+$0x0], $0xffff  }
0x90: {  	v4 =	vld.idx.msk [tilespmem:v4+s2+$0x0], $0xffff  }
0x91: {  	v16 =	vld.idx.msk [tilespmem:v2+s2+$0x0], $0xffff  }
0x92: {  	v3 =	vld.idx.msk [tilespmem:v3+s2+$0x0], $0xffff  }
0x93: {  	v17 =	vld.idx.msk [tilespmem:v9+s2+$0x0], $0xffff  }
0x94: {  	v18 =	vld.idx.msk [tilespmem:v1+s2+$0x0], $0xffff  }
0x95: {  	v1 =	vld.idx.msk [tilespmem:v1+s16+$0x0], $0xffff  }
0x96: {  	v9 =	vld.idx.msk [tilespmem:v9+s16+$0x0], $0xffff  }
0x97: {  	v2 =	vld.idx.msk [tilespmem:v2+s16+$0x0], $0xffff;
	_ =	sdelay $0x2  }
0x98: {  	[tilespmem:s31+$0x20] =	vst v18  }
0x99: {  	[tilespmem:s10+$0x20] =	vst v1  }
0x9a: {  	[tilespmem:s31+$0x30] =	vst v10  }
0x9b: {  	[tilespmem:s10+$0x30] =	vst v8  }
0x9c: {  	[tilespmem:s31+$0x40] =	vst v11  }
0x9d: {  	[tilespmem:s10+$0x40] =	vst v5  }
0x9e: {  	[tilespmem:s31+$0x50] =	vst v4  }
0x9f: {  	[tilespmem:s10+$0x50] =	vst v15  }
0xa0: {  	[tilespmem:s31+$0x60] =	vst v6  }
0xa1: {  	[tilespmem:s10+$0x60] =	vst v12  }
0xa2: {  	[tilespmem:s31+$0x70] =	vst v3  }
0xa3: {  	[tilespmem:s10+$0x70] =	vst v14  }
0xa4: {  	[tilespmem:s31+$0x400] =	vst v13  }
0xa5: {  	[tilespmem:s10+$0x400] =	vst v7  }
0xa6: {  	[tilespmem:s31+$0x410] =	vst v16  }
0xa7: {  	[tilespmem:s10+$0x410] =	vst v2  }
0xa8: {  	[tilespmem:s31+$0x420] =	vst v17;
	s31 =	smov.u32 s0  }
0xa9: {  	s6 =	sand.u32 $0xFF0, s6;
	[tilespmem:s10+$0x420] =	vst v9;
	s10 =	smov.u32 s1  }
0xaa: {  	v1 =	vld [tilespmem:s6+$0x13980]  }
0xab: {  	v2 =	vld [tilespmem:s30+$0xFFFFFFA0]  }
0xac: {  	v3 =	vld [tilespmem:s30+$0xFFFFFF90]  }
0xad: {  	v4 =	vld [tilespmem:s30+$0xFFFFFF30]  }
0xae: {  	v5 =	vld [tilespmem:s30+$0xFFFFFF80]  }
0xaf: {  	v6 =	vld [tilespmem:s30+$0xFFFFFF40]  }
0xb0: {  	v7 =	vld [tilespmem:s30+$0xFFFFFF70]  }
0xb1: {  	v8 =	vld [tilespmem:s30+$0xFFFFFF50]  }
0xb2: {  	v9 =	vld [tilespmem:s30+$0xFFFFFF60]  }
0xb3: {  	v10 =	vld.idx.msk [tilespmem:v2+s16+$0x0], $0xffff  }
0xb4: {  	v2 =	vld.idx.msk [tilespmem:v2+s2+$0x0], $0xffff  }
0xb5: {  	v11 =	vld.idx.msk [tilespmem:v3+s16+$0x0], $0xffff  }
0xb6: {  	v3 =	vld.idx.msk [tilespmem:v3+s2+$0x0], $0xffff  }
0xb7: {  	v12 =	vld.idx.msk [tilespmem:v4+s2+$0x0], $0xffff  }
0xb8: {  	v13 =	vld.idx.msk [tilespmem:v5+s2+$0x0], $0xffff  }
0xb9: {  	v5 =	vld.idx.msk [tilespmem:v5+s16+$0x0], $0xffff  }
0xba: {  	v4 =	vld.idx.msk [tilespmem:v4+s16+$0x0], $0xffff  }
0xbb: {  	v14 =	vld.idx.msk [tilespmem:v6+s2+$0x0], $0xffff  }
0xbc: {  	v15 =	vld.idx.msk [tilespmem:v7+s16+$0x0], $0xffff  }
0xbd: {  	v6 =	vld.idx.msk [tilespmem:v6+s16+$0x0], $0xffff  }
0xbe: {  	v7 =	vld.idx.msk [tilespmem:v7+s2+$0x0], $0xffff  }
0xbf: {  	v16 =	vld.idx.msk [tilespmem:v8+s2+$0x0], $0xffff  }
0xc0: {  	v17 =	vld.idx.msk [tilespmem:v1+s16+$0x0], $0xffff  }
0xc1: {  	v8 =	vld.idx.msk [tilespmem:v8+s16+$0x0], $0xffff  }
0xc2: {  	v1 =	vld.idx.msk [tilespmem:v1+s2+$0x0], $0xffff  }
0xc3: {  	v18 =	vld.idx.msk [tilespmem:v9+s16+$0x0], $0xffff  }
0xc4: {  	v9 =	vld.idx.msk [tilespmem:v9+s2+$0x0], $0xffff  }
0xc5: {  	[tilespmem:s0+$0xFFFFF800] =	vst v12  }
0xc6: {  	[tilespmem:s1+$0xFFFFF800] =	vst v4  }
0xc7: {  	[tilespmem:s0+$0xFFFFF810] =	vst v14  }
0xc8: {  	[tilespmem:s1+$0xFFFFF810] =	vst v6  }
0xc9: {  	[tilespmem:s0+$0xFFFFF820] =	vst v16  }
0xca: {  	[tilespmem:s1+$0xFFFFF820] =	vst v8  }
0xcb: {  	[tilespmem:s0+$0xFFFFF830] =	vst v9  }
0xcc: {  	[tilespmem:s1+$0xFFFFF830] =	vst v18  }
0xcd: {  	[tilespmem:s0+$0xFFFFF840] =	vst v7  }
0xce: {  	[tilespmem:s1+$0xFFFFF840] =	vst v15  }
0xcf: {  	[tilespmem:s0+$0xFFFFF850] =	vst v13  }
0xd0: {  	[tilespmem:s1+$0xFFFFF850] =	vst v5  }
0xd1: {  	[tilespmem:s0+$0xFFFFF860] =	vst v3  }
0xd2: {  	[tilespmem:s1+$0xFFFFF860] =	vst v11  }
0xd3: {  	[tilespmem:s0+$0xFFFFF870] =	vst v2  }
0xd4: {  	[tilespmem:s1+$0xFFFFF870] =	vst v10  }
0xd5: {  	[tilespmem:s0+$0xFFFFFC00] =	vst v1  }
0xd6: {  	[tilespmem:s1+$0xFFFFFC00] =	vst v17  }
0xd7: {  	v1 =	vld [tilespmem:s30+$0xFFFFFFF0]  }
0xd8: {  	v2 =	vld [tilespmem:s30+$0x40]  }
0xd9: {  	v3 =	vld [tilespmem:s30+$0xFFFFFFC0]  }
0xda: {  	v4 =	vld [tilespmem:s30+$0xFFFFFFD0]  }
0xdb: {  	v5 =	vld [tilespmem:s30+$0x10]  }
0xdc: {  	v6 =	vld [tilespmem:s30+$0xFFFFFFE0]  }
0xdd: {  	v7 =	vld [tilespmem:s30+$0x0]  }
0xde: {  	v8 =	vld [tilespmem:s30+$0x20]  }
0xdf: {  	v9 =	vld.idx.msk [tilespmem:v1+s2+$0x0], $0xffff  }
0xe0: {  	v10 =	vld.idx.msk [tilespmem:v2+s16+$0x0], $0xffff  }
0xe1: {  	v11 =	vld.idx.msk [tilespmem:v3+s2+$0x0], $0xffff  }
0xe2: {  	v3 =	vld.idx.msk [tilespmem:v3+s16+$0x0], $0xffff  }
0xe3: {  	v12 =	vld.idx.msk [tilespmem:v5+s16+$0x0], $0xffff  }
0xe4: {  	v13 =	vld.idx.msk [tilespmem:v4+s16+$0x0], $0xffff  }
0xe5: {  	v4 =	vld.idx.msk [tilespmem:v4+s2+$0x0], $0xffff  }
0xe6: {  	v2 =	vld.idx.msk [tilespmem:v2+s2+$0x0], $0xffff  }
0xe7: {  	v1 =	vld.idx.msk [tilespmem:v1+s16+$0x0], $0xffff  }
0xe8: {  	v14 =	vld [tilespmem:s6+$0x13A00]  }
0xe9: {  	v15 =	vld.idx.msk [tilespmem:v6+s2+$0x0], $0xffff  }
0xea: {  	v16 =	vld.idx.msk [tilespmem:v8+s16+$0x0], $0xffff  }
0xeb: {  	v8 =	vld.idx.msk [tilespmem:v8+s2+$0x0], $0xffff  }
0xec: {  	v5 =	vld.idx.msk [tilespmem:v5+s2+$0x0], $0xffff  }
0xed: {  	v6 =	vld.idx.msk [tilespmem:v6+s16+$0x0], $0xffff  }
0xee: {  	v17 =	vld.idx.msk [tilespmem:v7+s16+$0x0], $0xffff  }
0xef: {  	v7 =	vld.idx.msk [tilespmem:v7+s2+$0x0], $0xffff  }
0xf0: {  	v18 =	vld.idx.msk [tilespmem:v14+s16+$0x0], $0xffff  }
0xf1: {  	v14 =	vld.idx.msk [tilespmem:v14+s2+$0x0], $0xffff  }
0xf2: {  	[tilespmem:s0+$0xFFFFFC10] =	vst v11  }
0xf3: {  	[tilespmem:s1+$0xFFFFFC10] =	vst v3  }
0xf4: {  	[tilespmem:s0+$0xFFFFFC20] =	vst v4  }
0xf5: {  	[tilespmem:s1+$0xFFFFFC20] =	vst v13  }
0xf6: {  	[tilespmem:s0+$0xFFFFFC30] =	vst v15  }
0xf7: {  	[tilespmem:s1+$0xFFFFFC30] =	vst v6  }
0xf8: {  	[tilespmem:s0+$0xFFFFFC40] =	vst v9  }
0xf9: {  	[tilespmem:s1+$0xFFFFFC40] =	vst v1  }
0xfa: {  	[tilespmem:s0+$0xFFFFFC50] =	vst v7  }
0xfb: {  	[tilespmem:s1+$0xFFFFFC50] =	vst v17  }
0xfc: {  	[tilespmem:s0+$0xFFFFFC60] =	vst v5  }
0xfd: {  	[tilespmem:s1+$0xFFFFFC60] =	vst v12  }
0xfe: {  	[tilespmem:s0+$0xFFFFFC70] =	vst v8  }
0xff: {  	[tilespmem:s1+$0xFFFFFC70] =	vst v16  }
0x100: {  	[tilespmem:s0+$0x0] =	vst v14  }
0x101: {  	[tilespmem:s1+$0x0] =	vst v18  }
0x102: {  	[tilespmem:s0+$0x10] =	vst v2  }
0x103: {  	[tilespmem:s1+$0x10] =	vst v10  }
0x104: {  	v1 =	vld [tilespmem:s30+$0x50]  }
0x105: {  	v8 =	vld [tilespmem:s30+$0x60]  }
0x106: {  	v5 =	vld [tilespmem:s30+$0x70]  }
.Ltmp0:
0x107: {  	v4 =	vld [tilespmem:s30+$0x80];
	(pc) =	sbr.rel @p0 .LBB2_3-.Ltmp0, $4  }
0x108: {  	v6 =	vld [tilespmem:s30+$0x90]  }
0x109: {  	v3 =	vld [tilespmem:s30+$0xA0]  }
0x10a: {  	v7 =	vld [tilespmem:s6+$0x13A80]  }
0x10b: {  	v2 =	vld [tilespmem:s30+$0xC0]  }
0x10c: {  	_ =	sdelay $0x2  }
0x10d: {  	v9 =	vld [tilespmem:s30+$0xD0]  }
0x10e: {  	v10 =	vld.idx.msk [tilespmem:v8+s2+$0x0], $0xffff  }
0x10f: {  	v8 =	vld.idx.msk [tilespmem:v8+s16+$0x0], $0xffff  }
0x110: {  	v11 =	vld.idx.msk [tilespmem:v5+s2+$0x0], $0xffff  }
0x111: {  	v5 =	vld.idx.msk [tilespmem:v5+s16+$0x0], $0xffff  }
0x112: {  	v15 =	vld.idx.msk [tilespmem:v4+s16+$0x0], $0xffff  }
0x113: {  	v4 =	vld.idx.msk [tilespmem:v4+s2+$0x0], $0xffff  }
0x114: {  	v17 =	vld.idx.msk [tilespmem:v1+s2+$0x0], $0xffff  }
0x115: {  	v1 =	vld.idx.msk [tilespmem:v1+s16+$0x0], $0xffff  }
0x116: {  	v12 =	vld.idx.msk [tilespmem:v6+s16+$0x0], $0xffff  }
0x117: {  	v6 =	vld.idx.msk [tilespmem:v6+s2+$0x0], $0xffff  }
0x118: {  	v14 =	vld.idx.msk [tilespmem:v3+s16+$0x0], $0xffff  }
0x119: {  	v3 =	vld.idx.msk [tilespmem:v3+s2+$0x0], $0xffff  }
0x11a: {  	v13 =	vld.idx.msk [tilespmem:v7+s2+$0x0], $0xffff  }
0x11b: {  	v7 =	vld.idx.msk [tilespmem:v7+s16+$0x0], $0xffff  }
0x11c: {  	v16 =	vld.idx.msk [tilespmem:v2+s2+$0x0], $0xffff  }
0x11d: {  	v2 =	vld.idx.msk [tilespmem:v2+s16+$0x0], $0xffff  }
0x11e: {  	v18 =	vld.idx.msk [tilespmem:v9+s2+$0x0], $0xffff  }
0x11f: {  	v9 =	vld.idx.msk [tilespmem:v9+s16+$0x0], $0xffff;
	[tilespmem:s31+$0x20] =	vst v17  }
0x120: {  	[tilespmem:s10+$0x20] =	vst v1  }
0x121: {  	[tilespmem:s31+$0x30] =	vst v10  }
0x122: {  	[tilespmem:s10+$0x30] =	vst v8  }
0x123: {  	[tilespmem:s31+$0x40] =	vst v11  }
0x124: {  	[tilespmem:s10+$0x40] =	vst v5  }
0x125: {  	s0 =	smulhi.u32 $0x8421085, s28;
	[tilespmem:s31+$0x50] =	vst v4  }
0x126: {  	[tilespmem:s10+$0x50] =	vst v15  }
0x127: {  	s6 =	smulhi.u32 $0x84210843, s12;
	s1 =	ssub.s32 s28, s0;
	[tilespmem:s31+$0x60] =	vst v6  }
0x128: {  	s1 =	sshrl.u32 s1, $0x1;
	[tilespmem:s10+$0x60] =	vst v12  }
0x129: {  	s6 =	sshrl.u32 s6, $0x5;
	s0 =	sadd.s32 s0, s1;
	[tilespmem:s31+$0x70] =	vst v3  }
0x12a: {  	s1 =	smul.u32 $0x3E, s6;
	s0 =	sshrl.u32 s0, $0x4;
	[tilespmem:s10+$0x70] =	vst v14  }
0x12b: {  	s0 =	smul.u32 $0xF80000, s0;
	[tilespmem:s31+$0x400] =	vst v13  }
0x12c: {  	s1 =	ssub.s32 s12, s1;
	[tilespmem:s10+$0x400] =	vst v7  }
0x12d: {  	s1 =	sshll.u32 s1, $0xC;
	s30 =	sadd.s32 s5, s0;
	[tilespmem:s31+$0x410] =	vst v16  }
0x12e: {  	s7 =	sadd.s32 s1, s30;
	[tilespmem:s10+$0x410] =	vst v2  }
0x12f: {  	s6 =	sshrl.u32 s7, $0x3;
	[tilespmem:s31+$0x420] =	vst v18;
	s31 =	sadd.s32 s8, s0  }
0x130: {  	s6 =	sadd.s32 s4, s6;
	[tilespmem:s10+$0x420] =	vst v9;
	s0 =	sadd.s32 s1, s31  }
0x131: {  	[hbm4b:s6+s2] =	stream.linear.scatter [tilespmem:s17], [sflag:$0x3], $0x1000, $0x38;
	[tilespmem:$0x19400] =	vst v63  }
0x132: {  	s0 =	sshrl.u32 s0, $0x3  }
0x133: {  	p0 =	seq.s32 s28, $0x7B;
	s0 =	sadd.s32 s4, s0  }
0x134: {  	[hbm4b:s0+s2] =	stream.linear.scatter [tilespmem:s18], [sflag:$0x4], $0x1000, $0x38;
	[tilespmem:$0x19400] =	vst v63  }
0x135: {  	s0 =	smul.u32 @!p0 $0x1B00, s28;
	_ =	sdelay $0x1  }
0x136: {  	p1 =	seq.s32 @!p0 s28, $0x0;
	_ =	swait.ge [sflag:s19], $0xD80;
	s0 =	sshrl.u32 @!p0 s0, $0x3  }
0x137: {  	s1 =	simm.s32 @!p0 $0x0;
	[sflag:s19] =	ssyncset.done $0x0;
	s0 =	sadd.s32 @!p0 s3, s0  }
0x138: {  	s6 =	simm.s32 @!p0 $0x13900;
	[sflag:s19] =	ssyncadd.s32 $0xFFFFF280;
	s0 =	sadd.s32 @!p0 $0x360, s0  }
0x139: {  	[tilespmem:s6], [sflag:$0x1] =	stream.linear.gather @!p0 [hbm4b:s0+s1], $0xD80, $0x38;
	[tilespmem:$0x19400] =	vst v63  }
0x13a: {  	p0 =	por p0, !p1  }
0x13b: {  	_ =	swait.ge @p0 [sflag:s24], $0x1000  }
0x13c: {  	[sflag:s24] =	ssyncset.done @p0 $0x0  }
0x13d: {  	[sflag:s24] =	ssyncadd.s32 @p0 $0xFFFFF000  }
0x13e: {  	_ =	swait.ge @p0 [sflag:s25], $0x1000  }
0x13f: {  	s12 =	simm.s32 $0x0;
	[sflag:s25] =	ssyncset.done @p0 $0x0  }
0x140: {  	s13 =	sand.u32 $0xFF0, s12;
	[sflag:s25] =	ssyncadd.s32 @p0 $0xFFFFF000  }
0x141: {  	s0 =	simm.s32 $0x14750;
	v1 =	vld [tilespmem:s13+$0x14700]  }
0x142: {  	v2 =	vld [tilespmem:s0+$0xFFFFFFA0]  }
0x143: {  	v3 =	vld [tilespmem:s0+$0xFFFFFF90]  }
0x144: {  	v4 =	vld [tilespmem:s0+$0xFFFFFF30]  }
0x145: {  	v5 =	vld [tilespmem:s0+$0xFFFFFF80]  }
0x146: {  	v6 =	vld [tilespmem:s0+$0xFFFFFF40]  }
0x147: {  	v7 =	vld [tilespmem:s0+$0xFFFFFF70]  }
0x148: {  	v8 =	vld [tilespmem:s0+$0xFFFFFF50]  }
0x149: {  	v9 =	vld [tilespmem:s0+$0xFFFFFF60]  }
0x14a: {  	v10 =	vld.idx.msk [tilespmem:v2+s16+$0x0], $0xffff  }
0x14b: {  	v2 =	vld.idx.msk [tilespmem:v2+s2+$0x0], $0xffff  }
0x14c: {  	v11 =	vld.idx.msk [tilespmem:v3+s16+$0x0], $0xffff  }
0x14d: {  	v3 =	vld.idx.msk [tilespmem:v3+s2+$0x0], $0xffff  }
0x14e: {  	v57 =	vld.idx.msk [tilespmem:v4+s2+$0x0], $0xffff  }
0x14f: {  	v58 =	vld.idx.msk [tilespmem:v5+s2+$0x0], $0xffff  }
0x150: {  	v5 =	vld.idx.msk [tilespmem:v5+s16+$0x0], $0xffff  }
0x151: {  	v4 =	vld.idx.msk [tilespmem:v4+s16+$0x0], $0xffff  }
0x152: {  	v59 =	vld.idx.msk [tilespmem:v6+s2+$0x0], $0xffff  }
0x153: {  	v60 =	vld.idx.msk [tilespmem:v7+s16+$0x0], $0xffff  }
0x154: {  	v6 =	vld.idx.msk [tilespmem:v6+s16+$0x0], $0xffff  }
0x155: {  	v7 =	vld.idx.msk [tilespmem:v7+s2+$0x0], $0xffff  }
0x156: {  	v61 =	vld.idx.msk [tilespmem:v8+s2+$0x0], $0xffff  }
0x157: {  	v62 =	vld.idx.msk [tilespmem:v1+s16+$0x0], $0xffff  }
0x158: {  	v8 =	vld.idx.msk [tilespmem:v8+s16+$0x0], $0xffff  }
0x159: {  	v1 =	vld.idx.msk [tilespmem:v1+s2+$0x0], $0xffff  }
0x15a: {  	s1 =	simm.s32 $0x17C00;
	v63 =	vld.idx.msk [tilespmem:v9+s16+$0x0], $0xffff  }
0x15b: {  	s10 =	simm.s32 $0x18C00;
	v9 =	vld.idx.msk [tilespmem:v9+s2+$0x0], $0xffff;
	[tilespmem:s1+$0xFFFFF800] =	vst v57  }
0x15c: {  	[tilespmem:s10+$0xFFFFF800] =	vst v4  }
0x15d: {  	[tilespmem:s1+$0xFFFFF810] =	vst v59  }
0x15e: {  	[tilespmem:s10+$0xFFFFF810] =	vst v6  }
0x15f: {  	[tilespmem:s1+$0xFFFFF820] =	vst v61  }
0x160: {  	[tilespmem:s10+$0xFFFFF820] =	vst v8  }
0x161: {  	[tilespmem:s1+$0xFFFFF830] =	vst v9  }
0x162: {  	[tilespmem:s10+$0xFFFFF830] =	vst v63  }
0x163: {  	[tilespmem:s1+$0xFFFFF840] =	vst v7  }
0x164: {  	[tilespmem:s10+$0xFFFFF840] =	vst v60  }
0x165: {  	[tilespmem:s1+$0xFFFFF850] =	vst v58  }
0x166: {  	[tilespmem:s10+$0xFFFFF850] =	vst v5  }
0x167: {  	[tilespmem:s1+$0xFFFFF860] =	vst v3  }
0x168: {  	[tilespmem:s10+$0xFFFFF860] =	vst v11  }
0x169: {  	[tilespmem:s1+$0xFFFFF870] =	vst v2  }
0x16a: {  	[tilespmem:s10+$0xFFFFF870] =	vst v10  }
0x16b: {  	[tilespmem:s1+$0xFFFFFC00] =	vst v1  }
0x16c: {  	[tilespmem:s10+$0xFFFFFC00] =	vst v62  }
0x16d: {  	v1 =	vld [tilespmem:s0+$0xFFFFFFF0]  }
0x16e: {  	v2 =	vld [tilespmem:s0+$0x40]  }
0x16f: {  	v3 =	vld [tilespmem:s0+$0xFFFFFFC0]  }
0x170: {  	v4 =	vld [tilespmem:s0+$0xFFFFFFD0]  }
0x171: {  	v5 =	vld [tilespmem:s0+$0x10]  }
0x172: {  	v6 =	vld [tilespmem:s0+$0xFFFFFFE0]  }
0x173: {  	v7 =	vld [tilespmem:s0+$0x0]  }
0x174: {  	v8 =	vld [tilespmem:s0+$0x20]  }
0x175: {  	v14 =	vld [tilespmem:s13+$0x14780]  }
0x176: {  	v9 =	vld.idx.msk [tilespmem:v1+s2+$0x0], $0xffff  }
0x177: {  	v10 =	vld.idx.msk [tilespmem:v2+s16+$0x0], $0xffff  }
0x178: {  	v11 =	vld.idx.msk [tilespmem:v3+s2+$0x0], $0xffff  }
0x179: {  	v3 =	vld.idx.msk [tilespmem:v3+s16+$0x0], $0xffff  }
0x17a: {  	v12 =	vld.idx.msk [tilespmem:v5+s16+$0x0], $0xffff  }
0x17b: {  	v13 =	vld.idx.msk [tilespmem:v4+s16+$0x0], $0xffff  }
0x17c: {  	v4 =	vld.idx.msk [tilespmem:v4+s2+$0x0], $0xffff  }
0x17d: {  	v2 =	vld.idx.msk [tilespmem:v2+s2+$0x0], $0xffff  }
0x17e: {  	v1 =	vld.idx.msk [tilespmem:v1+s16+$0x0], $0xffff  }
0x17f: {  	v15 =	vld.idx.msk [tilespmem:v6+s2+$0x0], $0xffff  }
0x180: {  	v16 =	vld.idx.msk [tilespmem:v8+s16+$0x0], $0xffff  }
0x181: {  	v8 =	vld.idx.msk [tilespmem:v8+s2+$0x0], $0xffff  }
0x182: {  	v5 =	vld.idx.msk [tilespmem:v5+s2+$0x0], $0xffff  }
0x183: {  	v6 =	vld.idx.msk [tilespmem:v6+s16+$0x0], $0xffff  }
0x184: {  	v17 =	vld.idx.msk [tilespmem:v7+s16+$0x0], $0xffff  }
0x185: {  	v7 =	vld.idx.msk [tilespmem:v7+s2+$0x0], $0xffff  }
0x186: {  	v18 =	vld.idx.msk [tilespmem:v14+s16+$0x0], $0xffff  }
0x187: {  	v14 =	vld.idx.msk [tilespmem:v14+s2+$0x0], $0xffff;
	[tilespmem:s1+$0xFFFFFC10] =	vst v11  }
0x188: {  	[tilespmem:s10+$0xFFFFFC10] =	vst v3  }
0x189: {  	[tilespmem:s1+$0xFFFFFC20] =	vst v4  }
0x18a: {  	[tilespmem:s10+$0xFFFFFC20] =	vst v13  }
0x18b: {  	[tilespmem:s1+$0xFFFFFC30] =	vst v15  }
0x18c: {  	[tilespmem:s10+$0xFFFFFC30] =	vst v6  }
0x18d: {  	[tilespmem:s1+$0xFFFFFC40] =	vst v9  }
0x18e: {  	[tilespmem:s10+$0xFFFFFC40] =	vst v1  }
0x18f: {  	[tilespmem:s1+$0xFFFFFC50] =	vst v7  }
0x190: {  	[tilespmem:s10+$0xFFFFFC50] =	vst v17  }
0x191: {  	[tilespmem:s1+$0xFFFFFC60] =	vst v5  }
0x192: {  	[tilespmem:s10+$0xFFFFFC60] =	vst v12  }
0x193: {  	[tilespmem:s1+$0xFFFFFC70] =	vst v8  }
0x194: {  	[tilespmem:s10+$0xFFFFFC70] =	vst v16  }
0x195: {  	[tilespmem:s1+$0x0] =	vst v14  }
0x196: {  	[tilespmem:s10+$0x0] =	vst v18  }
0x197: {  	[tilespmem:s1+$0x10] =	vst v2  }
0x198: {  	[tilespmem:s10+$0x10] =	vst v10  }
0x199: {  	v1 =	vld [tilespmem:s0+$0x50]  }
0x19a: {  	v8 =	vld [tilespmem:s0+$0x60]  }
0x19b: {  	v5 =	vld [tilespmem:s0+$0x70]  }
0x19c: {  	v4 =	vld [tilespmem:s0+$0x80]  }
0x19d: {  	v6 =	vld [tilespmem:s0+$0x90]  }
0x19e: {  	v3 =	vld [tilespmem:s0+$0xA0]  }
0x19f: {  	v7 =	vld [tilespmem:s13+$0x14800]  }
0x1a0: {  	s12 =	simm.s32 $0x18C00;
	s6 =	simm.s32 $0x1B0;
	v2 =	vld [tilespmem:s0+$0xC0];
	s13 =	simm.s32 $0x17C00  }
.LBB2_5:
0x1a1: {  	v9 =	vld [tilespmem:s0+$0xD0];
	s0 =	sadd.s32 $0x1B0, s0;
	s1 =	sadd.s32 $0x80, s1;
	s10 =	sadd.s32 $0x80, s10  }
0x1a2: {  	p0 =	sne.s32 s6, $0xBD0;
	s7 =	smov.u32 s6;
	s6 =	sadd.s32 $0x1B0, s6;
	v10 =	vld.idx.msk [tilespmem:v8+s2+$0x0], $0xffff  }
0x1a3: {  	v8 =	vld.idx.msk [tilespmem:v8+s16+$0x0], $0xffff  }
0x1a4: {  	v11 =	vld.idx.msk [tilespmem:v5+s2+$0x0], $0xffff  }
0x1a5: {  	v5 =	vld.idx.msk [tilespmem:v5+s16+$0x0], $0xffff  }
0x1a6: {  	v12 =	vld.idx.msk [tilespmem:v6+s16+$0x0], $0xffff  }
0x1a7: {  	v6 =	vld.idx.msk [tilespmem:v6+s2+$0x0], $0xffff  }
0x1a8: {  	v13 =	vld.idx.msk [tilespmem:v7+s2+$0x0], $0xffff  }
0x1a9: {  	v7 =	vld.idx.msk [tilespmem:v7+s16+$0x0], $0xffff  }
0x1aa: {  	v14 =	vld.idx.msk [tilespmem:v3+s16+$0x0], $0xffff  }
0x1ab: {  	v15 =	vld.idx.msk [tilespmem:v4+s16+$0x0], $0xffff  }
0x1ac: {  	v4 =	vld.idx.msk [tilespmem:v4+s2+$0x0], $0xffff  }
0x1ad: {  	v16 =	vld.idx.msk [tilespmem:v2+s2+$0x0], $0xffff  }
0x1ae: {  	v3 =	vld.idx.msk [tilespmem:v3+s2+$0x0], $0xffff  }
0x1af: {  	v17 =	vld.idx.msk [tilespmem:v9+s2+$0x0], $0xffff  }
0x1b0: {  	v18 =	vld.idx.msk [tilespmem:v1+s2+$0x0], $0xffff  }
0x1b1: {  	v1 =	vld.idx.msk [tilespmem:v1+s16+$0x0], $0xffff  }
0x1b2: {  	v9 =	vld.idx.msk [tilespmem:v9+s16+$0x0], $0xffff  }
0x1b3: {  	v2 =	vld.idx.msk [tilespmem:v2+s16+$0x0], $0xffff;
	_ =	sdelay $0x2  }
0x1b4: {  	[tilespmem:s13+$0x20] =	vst v18  }
0x1b5: {  	[tilespmem:s12+$0x20] =	vst v1  }
0x1b6: {  	[tilespmem:s13+$0x30] =	vst v10  }
0x1b7: {  	[tilespmem:s12+$0x30] =	vst v8  }
0x1b8: {  	[tilespmem:s13+$0x40] =	vst v11  }
0x1b9: {  	[tilespmem:s12+$0x40] =	vst v5  }
0x1ba: {  	[tilespmem:s13+$0x50] =	vst v4  }
0x1bb: {  	[tilespmem:s12+$0x50] =	vst v15  }
0x1bc: {  	[tilespmem:s13+$0x60] =	vst v6  }
0x1bd: {  	[tilespmem:s12+$0x60] =	vst v12  }
0x1be: {  	[tilespmem:s13+$0x70] =	vst v3  }
0x1bf: {  	[tilespmem:s12+$0x70] =	vst v14  }
0x1c0: {  	[tilespmem:s13+$0x400] =	vst v13  }
0x1c1: {  	[tilespmem:s12+$0x400] =	vst v7  }
0x1c2: {  	[tilespmem:s13+$0x410] =	vst v16  }
0x1c3: {  	[tilespmem:s12+$0x410] =	vst v2  }
0x1c4: {  	[tilespmem:s13+$0x420] =	vst v17;
	s13 =	smov.u32 s1  }
0x1c5: {  	s7 =	sand.u32 $0xFF0, s7;
	[tilespmem:s12+$0x420] =	vst v9;
	s12 =	smov.u32 s10  }
0x1c6: {  	v1 =	vld [tilespmem:s7+$0x14700]  }
0x1c7: {  	v2 =	vld [tilespmem:s0+$0xFFFFFFA0]  }
0x1c8: {  	v3 =	vld [tilespmem:s0+$0xFFFFFF90]  }
0x1c9: {  	v4 =	vld [tilespmem:s0+$0xFFFFFF30]  }
0x1ca: {  	v5 =	vld [tilespmem:s0+$0xFFFFFF80]  }
0x1cb: {  	v6 =	vld [tilespmem:s0+$0xFFFFFF40]  }
0x1cc: {  	v7 =	vld [tilespmem:s0+$0xFFFFFF70]  }
0x1cd: {  	v8 =	vld [tilespmem:s0+$0xFFFFFF50]  }
0x1ce: {  	v9 =	vld [tilespmem:s0+$0xFFFFFF60]  }
0x1cf: {  	v10 =	vld.idx.msk [tilespmem:v2+s16+$0x0], $0xffff  }
0x1d0: {  	v2 =	vld.idx.msk [tilespmem:v2+s2+$0x0], $0xffff  }
0x1d1: {  	v11 =	vld.idx.msk [tilespmem:v3+s16+$0x0], $0xffff  }
0x1d2: {  	v3 =	vld.idx.msk [tilespmem:v3+s2+$0x0], $0xffff  }
0x1d3: {  	v12 =	vld.idx.msk [tilespmem:v4+s2+$0x0], $0xffff  }
0x1d4: {  	v13 =	vld.idx.msk [tilespmem:v5+s2+$0x0], $0xffff  }
0x1d5: {  	v5 =	vld.idx.msk [tilespmem:v5+s16+$0x0], $0xffff  }
0x1d6: {  	v4 =	vld.idx.msk [tilespmem:v4+s16+$0x0], $0xffff  }
0x1d7: {  	v14 =	vld.idx.msk [tilespmem:v6+s2+$0x0], $0xffff  }
0x1d8: {  	v15 =	vld.idx.msk [tilespmem:v7+s16+$0x0], $0xffff  }
0x1d9: {  	v6 =	vld.idx.msk [tilespmem:v6+s16+$0x0], $0xffff  }
0x1da: {  	v7 =	vld.idx.msk [tilespmem:v7+s2+$0x0], $0xffff  }
0x1db: {  	v16 =	vld.idx.msk [tilespmem:v8+s2+$0x0], $0xffff  }
0x1dc: {  	v17 =	vld.idx.msk [tilespmem:v1+s16+$0x0], $0xffff  }
0x1dd: {  	v8 =	vld.idx.msk [tilespmem:v8+s16+$0x0], $0xffff  }
0x1de: {  	v1 =	vld.idx.msk [tilespmem:v1+s2+$0x0], $0xffff  }
0x1df: {  	v18 =	vld.idx.msk [tilespmem:v9+s16+$0x0], $0xffff  }
0x1e0: {  	v9 =	vld.idx.msk [tilespmem:v9+s2+$0x0], $0xffff  }
0x1e1: {  	[tilespmem:s1+$0xFFFFF800] =	vst v12  }
0x1e2: {  	[tilespmem:s10+$0xFFFFF800] =	vst v4  }
0x1e3: {  	[tilespmem:s1+$0xFFFFF810] =	vst v14  }
0x1e4: {  	[tilespmem:s10+$0xFFFFF810] =	vst v6  }
0x1e5: {  	[tilespmem:s1+$0xFFFFF820] =	vst v16  }
0x1e6: {  	[tilespmem:s10+$0xFFFFF820] =	vst v8  }
0x1e7: {  	[tilespmem:s1+$0xFFFFF830] =	vst v9  }
0x1e8: {  	[tilespmem:s10+$0xFFFFF830] =	vst v18  }
0x1e9: {  	[tilespmem:s1+$0xFFFFF840] =	vst v7  }
0x1ea: {  	[tilespmem:s10+$0xFFFFF840] =	vst v15  }
0x1eb: {  	[tilespmem:s1+$0xFFFFF850] =	vst v13  }
0x1ec: {  	[tilespmem:s10+$0xFFFFF850] =	vst v5  }
0x1ed: {  	[tilespmem:s1+$0xFFFFF860] =	vst v3  }
0x1ee: {  	[tilespmem:s10+$0xFFFFF860] =	vst v11  }
0x1ef: {  	[tilespmem:s1+$0xFFFFF870] =	vst v2  }
0x1f0: {  	[tilespmem:s10+$0xFFFFF870] =	vst v10  }
0x1f1: {  	[tilespmem:s1+$0xFFFFFC00] =	vst v1  }
0x1f2: {  	[tilespmem:s10+$0xFFFFFC00] =	vst v17  }
0x1f3: {  	v1 =	vld [tilespmem:s0+$0xFFFFFFF0]  }
0x1f4: {  	v2 =	vld [tilespmem:s0+$0x40]  }
0x1f5: {  	v3 =	vld [tilespmem:s0+$0xFFFFFFC0]  }
0x1f6: {  	v4 =	vld [tilespmem:s0+$0xFFFFFFD0]  }
0x1f7: {  	v5 =	vld [tilespmem:s0+$0x10]  }
0x1f8: {  	v6 =	vld [tilespmem:s0+$0xFFFFFFE0]  }
0x1f9: {  	v7 =	vld [tilespmem:s0+$0x0]  }
0x1fa: {  	v8 =	vld [tilespmem:s0+$0x20]  }
0x1fb: {  	v9 =	vld.idx.msk [tilespmem:v1+s2+$0x0], $0xffff  }
0x1fc: {  	v10 =	vld.idx.msk [tilespmem:v2+s16+$0x0], $0xffff  }
0x1fd: {  	v11 =	vld.idx.msk [tilespmem:v3+s2+$0x0], $0xffff  }
0x1fe: {  	v3 =	vld.idx.msk [tilespmem:v3+s16+$0x0], $0xffff  }
0x1ff: {  	v12 =	vld.idx.msk [tilespmem:v5+s16+$0x0], $0xffff  }
0x200: {  	v13 =	vld.idx.msk [tilespmem:v4+s16+$0x0], $0xffff  }
0x201: {  	v4 =	vld.idx.msk [tilespmem:v4+s2+$0x0], $0xffff  }
0x202: {  	v2 =	vld.idx.msk [tilespmem:v2+s2+$0x0], $0xffff  }
0x203: {  	v1 =	vld.idx.msk [tilespmem:v1+s16+$0x0], $0xffff  }
0x204: {  	v14 =	vld [tilespmem:s7+$0x14780]  }
0x205: {  	v15 =	vld.idx.msk [tilespmem:v6+s2+$0x0], $0xffff  }
0x206: {  	v16 =	vld.idx.msk [tilespmem:v8+s16+$0x0], $0xffff  }
0x207: {  	v8 =	vld.idx.msk [tilespmem:v8+s2+$0x0], $0xffff  }
0x208: {  	v5 =	vld.idx.msk [tilespmem:v5+s2+$0x0], $0xffff  }
0x209: {  	v6 =	vld.idx.msk [tilespmem:v6+s16+$0x0], $0xffff  }
0x20a: {  	v17 =	vld.idx.msk [tilespmem:v7+s16+$0x0], $0xffff  }
0x20b: {  	v7 =	vld.idx.msk [tilespmem:v7+s2+$0x0], $0xffff  }
0x20c: {  	v18 =	vld.idx.msk [tilespmem:v14+s16+$0x0], $0xffff  }
0x20d: {  	v14 =	vld.idx.msk [tilespmem:v14+s2+$0x0], $0xffff  }
0x20e: {  	[tilespmem:s1+$0xFFFFFC10] =	vst v11  }
0x20f: {  	[tilespmem:s10+$0xFFFFFC10] =	vst v3  }
0x210: {  	[tilespmem:s1+$0xFFFFFC20] =	vst v4  }
0x211: {  	[tilespmem:s10+$0xFFFFFC20] =	vst v13  }
0x212: {  	[tilespmem:s1+$0xFFFFFC30] =	vst v15  }
0x213: {  	[tilespmem:s10+$0xFFFFFC30] =	vst v6  }
0x214: {  	[tilespmem:s1+$0xFFFFFC40] =	vst v9  }
0x215: {  	[tilespmem:s10+$0xFFFFFC40] =	vst v1  }
0x216: {  	[tilespmem:s1+$0xFFFFFC50] =	vst v7  }
0x217: {  	[tilespmem:s10+$0xFFFFFC50] =	vst v17  }
0x218: {  	[tilespmem:s1+$0xFFFFFC60] =	vst v5  }
0x219: {  	[tilespmem:s10+$0xFFFFFC60] =	vst v12  }
0x21a: {  	[tilespmem:s1+$0xFFFFFC70] =	vst v8  }
0x21b: {  	[tilespmem:s10+$0xFFFFFC70] =	vst v16  }
0x21c: {  	[tilespmem:s1+$0x0] =	vst v14  }
0x21d: {  	[tilespmem:s10+$0x0] =	vst v18  }
0x21e: {  	[tilespmem:s1+$0x10] =	vst v2  }
0x21f: {  	[tilespmem:s10+$0x10] =	vst v10  }
0x220: {  	v1 =	vld [tilespmem:s0+$0x50]  }
0x221: {  	v8 =	vld [tilespmem:s0+$0x60]  }
0x222: {  	v5 =	vld [tilespmem:s0+$0x70]  }
.Ltmp1:
0x223: {  	v4 =	vld [tilespmem:s0+$0x80];
	(pc) =	sbr.rel @p0 .LBB2_5-.Ltmp1, $4  }
0x224: {  	v6 =	vld [tilespmem:s0+$0x90]  }
0x225: {  	v3 =	vld [tilespmem:s0+$0xA0]  }
0x226: {  	v7 =	vld [tilespmem:s7+$0x14800]  }
0x227: {  	v2 =	vld [tilespmem:s0+$0xC0]  }
0x228: {  	_ =	sdelay $0x2  }
0x229: {  	v9 =	vld [tilespmem:s0+$0xD0]  }
0x22a: {  	v10 =	vld.idx.msk [tilespmem:v8+s2+$0x0], $0xffff  }
0x22b: {  	v59 =	vld.idx.msk [tilespmem:v8+s16+$0x0], $0xffff  }
0x22c: {  	v11 =	vld.idx.msk [tilespmem:v5+s2+$0x0], $0xffff  }
0x22d: {  	v60 =	vld.idx.msk [tilespmem:v5+s16+$0x0], $0xffff  }
0x22e: {  	v15 =	vld.idx.msk [tilespmem:v4+s16+$0x0], $0xffff  }
0x22f: {  	v63 =	vld.idx.msk [tilespmem:v4+s2+$0x0], $0xffff  }
0x230: {  	v17 =	vld.idx.msk [tilespmem:v1+s2+$0x0], $0xffff  }
0x231: {  	v1 =	vld.idx.msk [tilespmem:v1+s16+$0x0], $0xffff  }
0x232: {  	v12 =	vld.idx.msk [tilespmem:v6+s16+$0x0], $0xffff  }
0x233: {  	v61 =	vld.idx.msk [tilespmem:v6+s2+$0x0], $0xffff  }
0x234: {  	v14 =	vld.idx.msk [tilespmem:v3+s16+$0x0], $0xffff  }
0x235: {  	v3 =	vld.idx.msk [tilespmem:v3+s2+$0x0], $0xffff  }
0x236: {  	v13 =	vld.idx.msk [tilespmem:v7+s2+$0x0], $0xffff  }
0x237: {  	v62 =	vld.idx.msk [tilespmem:v7+s16+$0x0], $0xffff  }
0x238: {  	v16 =	vld.idx.msk [tilespmem:v2+s2+$0x0], $0xffff  }
0x239: {  	v2 =	vld.idx.msk [tilespmem:v2+s16+$0x0], $0xffff  }
0x23a: {  	v18 =	vld.idx.msk [tilespmem:v9+s2+$0x0], $0xffff  }
0x23b: {  	v9 =	vld.idx.msk [tilespmem:v9+s16+$0x0], $0xffff;
	[tilespmem:s13+$0x20] =	vst v17  }
0x23c: {  	[tilespmem:s12+$0x20] =	vst v1  }
0x23d: {  	[tilespmem:s13+$0x30] =	vst v10  }
0x23e: {  	[tilespmem:s12+$0x30] =	vst v59  }
0x23f: {  	[tilespmem:s13+$0x40] =	vst v11  }
0x240: {  	[tilespmem:s12+$0x40] =	vst v60  }
0x241: {  	[tilespmem:s13+$0x50] =	vst v63  }
0x242: {  	[tilespmem:s12+$0x50] =	vst v15  }
0x243: {  	s10 =	smulhi.u32 $0x84210843, s29;
	[tilespmem:s13+$0x60] =	vst v61  }
0x244: {  	[tilespmem:s12+$0x60] =	vst v12  }
0x245: {  	s0 =	sshrl.u32 s10, $0x5;
	[tilespmem:s13+$0x70] =	vst v3  }
0x246: {  	s0 =	smul.u32 $0x3E, s0;
	[tilespmem:s12+$0x70] =	vst v14  }
0x247: {  	[tilespmem:s13+$0x400] =	vst v13  }
0x248: {  	s0 =	ssub.s32 s29, s0;
	[tilespmem:s12+$0x400] =	vst v62  }
0x249: {  	s28 =	sadd.s32 $0x1, s28;
	s0 =	sshll.u32 s0, $0xC;
	[tilespmem:s13+$0x410] =	vst v16  }
0x24a: {  	p0 =	sne.s32 s28, $0x7C;
	s1 =	sadd.s32 s30, s0;
	[tilespmem:s12+$0x410] =	vst v2  }
.Ltmp2:
0x24b: {  	s0 =	sadd.s32 s31, s0;
	s1 =	sshrl.u32 s1, $0x3;
	[tilespmem:s13+$0x420] =	vst v18;
	(pc) =	sbr.rel @p0 .LBB2_2-.Ltmp2, $4  }
0x24c: {  	s0 =	sshrl.u32 s0, $0x3;
	s1 =	sadd.s32 s4, s1;
	[tilespmem:s12+$0x420] =	vst v9  }
0x24d: {  	[hbm4b:s1+s2] =	stream.linear.scatter [tilespmem:s20], [sflag:$0x5], $0x1000, $0x38;
	[tilespmem:$0x19400] =	vst v63  }
0x24e: {  	s0 =	sadd.s32 s4, s0  }
0x24f: {  	[hbm4b:s0+s2] =	stream.linear.scatter [tilespmem:s21], [sflag:$0x6], $0x1000, $0x38;
	[tilespmem:$0x19400] =	vst v63  }
0x250: {  	_ =	swait.ge [sflag:s22], $0x1000  }
0x251: {  	[sflag:s22] =	ssyncset.done $0x0  }
0x252: {  	[sflag:s22] =	ssyncadd.s32 $0xFFFFF000  }
0x253: {  	_ =	swait.ge [sflag:s23], $0x1000  }
0x254: {  	[sflag:s23] =	ssyncset.done $0x0  }
0x255: {  	s26 =	sadd.s32 $0x1, s26;
	[sflag:s23] =	ssyncadd.s32 $0xFFFFF000  }
0x256: {  	p0 =	sne.s32 s26, s9;
	_ =	swait.ge [sflag:s24], $0x1000  }
.Ltmp3:
0x257: {  	[sflag:s24] =	ssyncset.done $0x0;
	(pc) =	sbr.rel @p0 .LBB2_1-.Ltmp3, $4  }
0x258: {  	[sflag:s24] =	ssyncadd.s32 $0xFFFFF000  }
0x259: {  	_ =	swait.ge [sflag:s25], $0x1000  }
0x25a: {  	[sflag:s25] =	ssyncset.done $0x0  }
0x25b: {  	[sflag:s25] =	ssyncadd.s32 $0xFFFFF000  }
0x25c: {  	_ =	sfence.sel $0x180000  }
0x25d: {  	[bflag:$0x0] =	sbarrier.arrive $0xFFFF  }
0x25e: {  	_ =	strace $0x9000004A  }
0x25f: {  	s0 =	stileid.u32;
	[bflag:$0x2] =	sbarrier.arrive $0xFFFF  }
0x260: {  	p0 =	sne.s32 s0, $0x0;
	s0 =	rddreg [dreg:$0x1]  }
0x261: {  	s0 =	sadd.s32 @!p0 $0x100000, s0  }
0x262: {  	[sflag:s0] =	ssyncadd.tile.s32 @!p0 $0x1;
	_ =	shalt  }
.Lfunc_end2:
_tile_overlayer_lowered:
.L_overlay_start_2:
0x263: {  	(tag) =	ssettag $0x2  }
0x264: {  	s0 =	rddreg [dreg:$0x0];
	s2 =	stileid.u32  }
0x265: {  	s1 =	rddreg [dreg:$0x1];
	p0 =	sne.s32 s2, $0x0  }
0x266: {  	s3 =	rddreg [dreg:$0x2];
	[bflag:$0x3] =	sbarrier.arrive $0xFFFF;
	s2 =	simm.s32 @!p0 $0x1C07  }
0x267: {  	[timem:s3], [sflag:s2] =	dma.local @!p0 [hbm:s0], s1  }
0x268: {  	s0 =	simm.s32 @!p0 $0x7  }
0x269: {  	_ =	swait.ge @!p0 [sflag:s0], s1  }
0x26a: {  	s1 =	ssub.s32 @!p0 $0x0, s1;
	[sflag:s0] =	ssyncset.done @!p0 $0x0  }
0x26b: {  	[sflag:s0] =	ssyncadd.s32 @!p0 s1  }
0x26c: {  	[bflag:$0x3] =	sbarrier.arrive $0xFFFF  }
0x26d: {  	_ =	shalt  }

</sc_bundles>
